<compile_context>
chip_gen: v7x
topology: tpu7x:2x2x1
jax: 0.10.2.dev20260603
libtpu: 0.0.44.dev20260713+nightly
codegen_flags: <defaults>
</compile_context>

<pallas_src>
import functools

import jax
import jax.numpy as jnp
from jax import lax
from jax.experimental import pallas as pl
from jax.experimental.pallas import tpu as pltpu
import jax.experimental.pallas.tpu_sc as plsc

N = 10000
E = 160000
HID = 256
D_OUT = 128
EPS = 1e-7

NPAD = 10240
TRASH = NPAD - 1
B = 128
EP_TILE = NPAD
KCH = EP_TILE // B
E_PAD = 16 * EP_TILE
RB = 400
NB = N // RB

_mesh = plsc.VectorSubcoreMesh(core_axis_name="c", subcore_axis_name="s")



@functools.partial(
    pl.kernel,
    out_type=jax.ShapeDtypeStruct((2, NPAD, 128), jnp.float32),
    mesh=_mesh,
    scratch_types=[
        pltpu.VMEM((KCH, B), jnp.int32),
        pltpu.VMEM((B,), jnp.int32),
        pltpu.VMEM((B,), jnp.int32),
        pltpu.VMEM((B,), jnp.int32),
        pltpu.VMEM((B,), jnp.int32),
        pltpu.VMEM((B, 128), jnp.float32),
        pltpu.VMEM((B, 128), jnp.float32),
        pltpu.VMEM_SHARED((NPAD, 128), jnp.float32),
        pltpu.SemaphoreType.DMA,
        pltpu.SemaphoreType.DMA,
    ],
)
def _sc_agg(m_hbm, packed_hbm, zeros_hbm, out_hbm,
            packed_v, sidx0_v, didx0_v, sidx1_v, didx1_v,
            rows0_v, rows1_v, agg_sh, sem0, sem1):
    cc = lax.axis_index("c")
    s = lax.axis_index("s")
    pltpu.sync_copy(packed_hbm.at[pl.ds(s * KCH, KCH)], packed_v)
    pltpu.sync_copy(zeros_hbm, agg_sh.at[pl.ds(s * (NPAD // 16), NPAD // 16)])
    plsc.subcore_barrier()

    row_off = cc * N

    def unpack(j, sidx, didx):
        for k in range(B // 16):
            p = packed_v[j, pl.ds(k * 16, 16)]
            sidx[pl.ds(k * 16, 16)] = (p & 0xFFFF) + row_off
            didx[pl.ds(k * 16, 16)] = lax.shift_right_logical(p, 16)

    def gather(sidx, buf, sem):
        return pltpu.make_async_copy(m_hbm.at[sidx], buf, sem)

    unpack(0, sidx0_v, didx0_v)
    gather(sidx0_v, rows0_v, sem0).start()

    def pair(i, carry):
        j1 = 2 * i + 1
        unpack(j1, sidx1_v, didx1_v)
        gather(sidx0_v, rows0_v, sem0).wait()
        gather(sidx1_v, rows1_v, sem1).start()
        pltpu.sync_copy(rows0_v, agg_sh.at[didx0_v], add=True)

        @pl.when(i + 1 < KCH // 2)
        def _():
            unpack(j1 + 1, sidx0_v, didx0_v)

        gather(sidx1_v, rows1_v, sem1).wait()

        @pl.when(i + 1 < KCH // 2)
        def _():
            gather(sidx0_v, rows0_v, sem0).start()

        pltpu.sync_copy(rows1_v, agg_sh.at[didx1_v], add=True)
        return carry

    lax.fori_loop(0, KCH // 2, pair, 0)
    plsc.subcore_barrier()
    nr = NPAD // 16
    pltpu.sync_copy(agg_sh.at[pl.ds(s * nr, nr)],
                    out_hbm.at[cc, pl.ds(s * nr, nr)])


@functools.partial(
    pl.kernel,
    out_type=jax.ShapeDtypeStruct((NPAD, 128), jnp.float32),
    mesh=_mesh,
    scratch_types=[
        pltpu.VMEM((KCH, B), jnp.int32),
        pltpu.VMEM((B, 128), jnp.float32),
        pltpu.VMEM_SHARED((NPAD, 128), jnp.float32),
        pltpu.SemaphoreType.DMA,
    ],
)
def _sc_deg(dst2_hbm, ones_hbm, zeros_hbm, out_hbm,
            dst_v, ones_v, deg_sh, sem):
    cc = lax.axis_index("c")
    s = lax.axis_index("s")
    pltpu.sync_copy(dst2_hbm.at[pl.ds(s * KCH, KCH)], dst_v)
    pltpu.sync_copy(ones_hbm, ones_v)
    pltpu.sync_copy(zeros_hbm, deg_sh.at[pl.ds(s * (NPAD // 16), NPAD // 16)])
    plsc.subcore_barrier()

    def chunk(j, carry):
        pltpu.sync_copy(ones_v, deg_sh.at[dst_v.at[j]], add=True)
        return carry

    lax.fori_loop(0, KCH, chunk, 0)
    plsc.subcore_barrier()
    nr = NPAD // 16

    @pl.when(cc == 0)
    def _():
        pltpu.sync_copy(deg_sh.at[pl.ds(s * nr, nr)],
                        out_hbm.at[pl.ds(s * nr, nr)])



def _row_norm(v):
    n = jnp.sqrt(jnp.sum(v * v, axis=-1, keepdims=True))
    return jnp.maximum(n, EPS)


def _exp_map(v, sc):
    n = _row_norm(v)
    return jnp.tanh(sc * n) * v / (sc * n)


def _log_map(y, sc):
    n = _row_norm(y)
    scn = jnp.clip(sc * n, EPS, 1.0 - 1e-5)
    atan = 0.5 * jnp.log((1.0 + scn) / (1.0 - scn))
    return atan * y / (sc * n)


def _tc_enc_body(x_ref, we_ref, be_ref, w_ref, b_ref, c_ref, out_ref):
    sc = jnp.sqrt(c_ref[0, 0])
    t = jnp.dot(x_ref[...], we_ref[...],
                preferred_element_type=jnp.float32) + be_ref[...]
    ht = _log_map(_exp_map(t, sc), sc)
    m = jnp.dot(ht, w_ref[...], preferred_element_type=jnp.float32) + b_ref[...]
    out_ref[0] = m[:, :128]
    out_ref[1] = m[:, 128:]


def _tc_enc(x, w_enc, b_enc, w0, b0, c2d):
    return pl.pallas_call(
        _tc_enc_body,
        grid=(NB,),
        in_specs=[
            pl.BlockSpec((RB, HID), lambda i: (i, 0)),
            pl.BlockSpec((HID, HID), lambda i: (0, 0)),
            pl.BlockSpec((1, HID), lambda i: (0, 0)),
            pl.BlockSpec((HID, HID), lambda i: (0, 0)),
            pl.BlockSpec((1, HID), lambda i: (0, 0)),
            pl.BlockSpec((1, 1), lambda i: (0, 0)),
        ],
        out_specs=pl.BlockSpec((2, RB, 128), lambda i: (0, i, 0)),
        out_shape=jax.ShapeDtypeStruct((2, N, 128), jnp.float32),
    )(x, w_enc, b_enc, w0, b0, c2d)


def _make_tc_mid_body(nh):
    def body(agg_ref, deg_ref, w_ref, b_ref, c_ref, out_ref):
        sc = jnp.sqrt(c_ref[0, 0])
        a = jnp.concatenate([agg_ref[0], agg_ref[1]], axis=1)
        d = jnp.maximum(deg_ref[:, 0:1], 1.0)
        a = a / d
        h = _exp_map(a, sc)
        h = _exp_map(_log_map(h, sc), sc)
        ht = _log_map(h, sc)
        m = jnp.dot(ht, w_ref[...],
                    preferred_element_type=jnp.float32) + b_ref[...]
        for k in range(nh):
            out_ref[k] = m[:, k * 128:(k + 1) * 128]
    return body


def _tc_mid(agg, deg, w, b, c2d, nh):
    return pl.pallas_call(
        _make_tc_mid_body(nh),
        grid=(NB,),
        in_specs=[
            pl.BlockSpec((2, RB, 128), lambda i: (0, i, 0)),
            pl.BlockSpec((RB, 128), lambda i: (i, 0)),
            pl.BlockSpec((HID, nh * 128), lambda i: (0, 0)),
            pl.BlockSpec((1, nh * 128), lambda i: (0, 0)),
            pl.BlockSpec((1, 1), lambda i: (0, 0)),
        ],
        out_specs=pl.BlockSpec((nh, RB, 128), lambda i: (0, i, 0)),
        out_shape=jax.ShapeDtypeStruct((nh, N, 128), jnp.float32),
    )(agg, deg, w, b, c2d)



@jax.jit
def kernel(x, edge_index, c_param, W_enc, b_enc, W0, b0, W1, b1, W2, b2,
           W_head, b_head):
    c2d = (jnp.abs(c_param) + 1e-5).reshape(1, 1).astype(jnp.float32)
    ei = edge_index.astype(jnp.int32)
    src = ei[0]
    dst = ei[1]
    npad = E_PAD - E
    src_pad = jnp.concatenate([src, jnp.zeros((npad,), jnp.int32)])
    dst_pad = jnp.concatenate([dst, jnp.full((npad,), TRASH, jnp.int32)])
    packed = (src_pad | (dst_pad << 16)).reshape(E_PAD // B, B)
    dst2 = dst_pad.reshape(E_PAD // B, B)
    zeros128 = jnp.zeros((NPAD // 16, 128), jnp.float32)
    ones128 = jnp.ones((B, 128), jnp.float32)

    deg = _sc_deg(dst2, ones128, zeros128)

    m = _tc_enc(x, W_enc, b_enc.reshape(1, -1), W0, b0.reshape(1, -1), c2d)
    agg = _sc_agg(m.reshape(2 * N, 128), packed, zeros128)
    m = _tc_mid(agg, deg, W1, b1.reshape(1, -1), c2d, nh=2)
    agg = _sc_agg(m.reshape(2 * N, 128), packed, zeros128)
    m = _tc_mid(agg, deg, W2, b2.reshape(1, -1), c2d, nh=2)
    agg = _sc_agg(m.reshape(2 * N, 128), packed, zeros128)
    out = _tc_mid(agg, deg, W_head, b_head.reshape(1, -1), c2d, nh=1)
    return out[0]

# --- scband reference (transcript-rebuilt; emitter-appended) ---
"""Pipeline reference for scband-hgcnplus-5007931867343 (READ-ONLY COPY).

The authoritative reference and input builder live on the scoring server;
editing this copy changes nothing except your own understanding.
"""

import jax, jax.numpy as jnp
import numpy as np

N = 10000
E = 160000
D_IN = 256
HID = 256
D_OUT = 128
NUM_LAYERS = 3

EPS = 1e-7

def _norm(v):
    return jnp.clip(jnp.linalg.norm(v, axis=-1, keepdims=True), EPS)

def exp_map_zero(v, c):
    sc = jnp.sqrt(c)
    n = _norm(v)
    return jnp.tanh(sc * n) * v / (sc * n)

def log_map_zero(y, c):
    sc = jnp.sqrt(c)
    n = _norm(y)
    scn = jnp.clip(sc * n, EPS, 1.0 - 1e-5)
    return jnp.arctanh(scn) * y / (sc * n)

def setup_inputs(seed: int = 0) -> dict:
    key = jax.random.key(seed)
    ks = jax.random.split(key, 16)
    x = jax.random.normal(ks[0], (N, D_IN), dtype=jnp.float32)
    edge_index = jax.random.randint(ks[1], (2, E), 0, N, dtype=jnp.int64)
    s_in = 1.0 / np.sqrt(D_IN)
    s_h = 1.0 / np.sqrt(HID)
    inp = {
        'x': x,
        'edge_index': edge_index,
        'c_param': jnp.array(-1.0, dtype=jnp.float32),
        'W_enc': jax.random.uniform(ks[2], (D_IN, HID), jnp.float32, -s_in, s_in),
        'b_enc': jnp.zeros((HID,), jnp.float32),
        'W0': jax.random.uniform(ks[3], (HID, HID), jnp.float32, -s_h, s_h),
        'b0': jnp.zeros((HID,), jnp.float32),
        'W1': jax.random.uniform(ks[4], (HID, HID), jnp.float32, -s_h, s_h),
        'b1': jnp.zeros((HID,), jnp.float32),
        'W2': jax.random.uniform(ks[5], (HID, HID), jnp.float32, -s_h, s_h),
        'b2': jnp.zeros((HID,), jnp.float32),
        'W_head': jax.random.uniform(ks[6], (HID, D_OUT), jnp.float32, -s_h, s_h),
        'b_head': jnp.zeros((D_OUT,), jnp.float32),
    }
    return inp

def _hgconv(h, src, dst, c, W, b):
    # log map to tangent space at origin, linear transform
    ht = log_map_zero(h, c)
    m = ht @ W + b
    # mean aggregation over incoming edges (scatter-add + degree normalize)
    msgs = jnp.take(m, src, axis=0)
    agg = jax.ops.segment_sum(msgs, dst, num_segments=N)
    deg = jax.ops.segment_sum(jnp.ones((src.shape[0],), jnp.float32), dst, num_segments=N)
    agg = agg / jnp.clip(deg, 1.0)[:, None]
    return exp_map_zero(agg, c)

def reference(x, edge_index, c_param, W_enc, b_enc, W0, b0, W1, b1, W2, b2, W_head, b_head):
    c = jnp.abs(c_param) + 1e-5  # learnable curvature, init -1.0 -> c = 1.0
    src = edge_index[0]
    dst = edge_index[1]
    # encoder: euclidean linear (dropout inactive in eval) then exp map to manifold
    h = exp_map_zero(x @ W_enc + b_enc, c)
    for (W, b) in ((W0, b0), (W1, b1), (W2, b2)):
        h = _hgconv(h, src, dst, c, W, b)
        # dropout in tangent space (p=0.1) is identity in eval mode
        h = exp_map_zero(log_map_zero(h, c), c)
    return log_map_zero(h, c) @ W_head + b_head

if __name__ == "__main__":
    import jax
    _d = setup_inputs()
    print(jax.jit(kernel)(*tuple(_d.values())))

</pallas_src>

<mosaic_0001>
#map = affine_map<(d0, d1) -> (0, 0)>
#map1 = affine_map<(d0, d1) -> (0, 0, 0)>
module attributes {stable_mosaic.version = 14 : i64} {
  func.func @_sc_agg(%arg0: i32, %arg1: i32, %arg2: memref<20000x128xf32, #tpu.memory_space<hbm>>, %arg3: memref<1280x128xi32, #tpu.memory_space<hbm>>, %arg4: memref<640x128xf32, #tpu.memory_space<hbm>>, %arg5: memref<2x10240x128xf32, #tpu.memory_space<hbm>>, %arg6: memref<80x128xi32, #tpu.memory_space<vmem>>, %arg7: memref<128xi32, #tpu.memory_space<vmem>>, %arg8: memref<128xi32, #tpu.memory_space<vmem>>, %arg9: memref<128xi32, #tpu.memory_space<vmem>>, %arg10: memref<128xi32, #tpu.memory_space<vmem>>, %arg11: memref<128x128xf32, #tpu.memory_space<vmem>>, %arg12: memref<128x128xf32, #tpu.memory_space<vmem>>, %arg13: memref<10240x128xf32, #tpu.memory_space<vmem_shared>>, %arg14: memref<!tpu.dma_semaphore, #tpu.memory_space<semaphore_mem>>, %arg15: memref<!tpu.dma_semaphore, #tpu.memory_space<semaphore_mem>>) attributes {dimension_semantics = [#tpu.dimension_semantics<core_parallel>, #tpu.dimension_semantics<subcore_parallel>], iteration_bounds = array<i64: 2, 16>, scalar_prefetch = 0 : i64, scratch_operands = 10 : i64, tpu.core_type = #tpu.core_type<sc_vector_subcore>, window_params = [{transform_indices = #map}, {transform_indices = #map}, {transform_indices = #map}, {transform_indices = #map1}]} {
    %mul3A = arith.constant 80 : i32
    %mul3A_0 = arith.muli %arg1, %mul3A : i32
    "tpu.region"() ({
      %run_scoped3A = tpu.sem_alloc : memref<!tpu.dma_semaphore, #tpu.memory_space<semaphore_mem>>
      %dma_start3A_180 = arith.constant 0 : i32
      %dma_start3A_181 = tpu.memref_slice %arg3[%mul3A_0, %dma_start3A_180] : memref<1280x128xi32, #tpu.memory_space<hbm>> -> memref<80x128xi32, #tpu.memory_space<hbm>>
      %dma_start3A_182 = arith.constant 0 : i32
      %dma_start3A_183 = tpu.memref_slice %arg3[%mul3A_0, %dma_start3A_182] : memref<1280x128xi32, #tpu.memory_space<hbm>> -> memref<80x128xi32, #tpu.memory_space<hbm>>
      tpu.enqueue_dma source(%dma_start3A_183 : memref<80x128xi32, #tpu.memory_space<hbm>>) target(%arg6 : memref<80x128xi32, #tpu.memory_space<vmem>>) target_semaphore(%run_scoped3A : memref<!tpu.dma_semaphore, #tpu.memory_space<semaphore_mem>>)
      %dma_wait3A = arith.constant 0 : i32
      %dma_wait3A_184 = tpu.memref_slice %arg3[%mul3A_0, %dma_wait3A] : memref<1280x128xi32, #tpu.memory_space<hbm>> -> memref<80x128xi32, #tpu.memory_space<hbm>>
      %dma_wait3A_185 = arith.constant 0 : i32
      %dma_wait3A_186 = tpu.memref_slice %arg3[%mul3A_0, %dma_wait3A_185] : memref<1280x128xi32, #tpu.memory_space<hbm>> -> memref<80x128xi32, #tpu.memory_space<hbm>>
      tpu.wait_dma2 semaphore(%run_scoped3A : memref<!tpu.dma_semaphore, #tpu.memory_space<semaphore_mem>>) src(%dma_wait3A_186 : memref<80x128xi32, #tpu.memory_space<hbm>>) dst(%arg6 : memref<80x128xi32, #tpu.memory_space<vmem>>)
      tpu.yield
    }) : () -> ()
    %mul3A_1 = arith.constant 640 : i32
    %mul3A_2 = arith.muli %arg1, %mul3A_1 : i32
    "tpu.region"() ({
      %run_scoped3A = tpu.sem_alloc : memref<!tpu.dma_semaphore, #tpu.memory_space<semaphore_mem>>
      %dma_start3A_180 = arith.constant 0 : i32
      %dma_start3A_181 = tpu.memref_slice %arg13[%mul3A_2, %dma_start3A_180] : memref<10240x128xf32, #tpu.memory_space<vmem_shared>> -> memref<640x128xf32, #tpu.memory_space<vmem_shared>>
      tpu.enqueue_dma source(%arg4 : memref<640x128xf32, #tpu.memory_space<hbm>>) target(%dma_start3A_181 : memref<640x128xf32, #tpu.memory_space<vmem_shared>>) target_semaphore(%run_scoped3A : memref<!tpu.dma_semaphore, #tpu.memory_space<semaphore_mem>>)
      %dma_wait3A = arith.constant 0 : i32
      %dma_wait3A_182 = tpu.memref_slice %arg13[%mul3A_2, %dma_wait3A] : memref<10240x128xf32, #tpu.memory_space<vmem_shared>> -> memref<640x128xf32, #tpu.memory_space<vmem_shared>>
      tpu.wait_dma2 semaphore(%run_scoped3A : memref<!tpu.dma_semaphore, #tpu.memory_space<semaphore_mem>>) src(%arg4 : memref<640x128xf32, #tpu.memory_space<hbm>>) dst(%dma_wait3A_182 : memref<640x128xf32, #tpu.memory_space<vmem_shared>>)
      tpu.yield
    }) : () -> ()
    %barrier3A = arith.constant 0 : index
    tpu.barrier barrier_id(%barrier3A)
    %mul3A_3 = arith.constant 10000 : i32
    %mul3A_4 = arith.muli %arg0, %mul3A_3 : i32
    %get3A = arith.constant 0 : i32
    %get3A_5 = arith.index_cast %get3A : i32 to index
    %get3A_6 = arith.constant 0 : index
    %get3A_7 = tpu.vector_load %arg6[%get3A_5, %get3A_6] {strides = array<i32>} : memref<80x128xi32, #tpu.memory_space<vmem>>, vector<1x16xi32>,
    %get3A_8 = vector.shape_cast %get3A_7 : vector<1x16xi32> to vector<16xi32>
    %and3A = arith.constant 65535 : i32
    %and3A_9 = vector.broadcast %and3A : i32 to vector<16xi32>
    %and3A_10 = arith.andi %get3A_8, %and3A_9 : vector<16xi32>
    %add3A = vector.broadcast %mul3A_4 : i32 to vector<16xi32>
    %add3A_11 = arith.addi %and3A_10, %add3A : vector<16xi32>
    %swap3A = arith.constant 0 : index
    %swap3A_12 = tpu.vector_load %arg7[%swap3A] {strides = array<i32>} : memref<128xi32, #tpu.memory_space<vmem>>, vector<16xi32>,
    %swap3A_13 = vector.shape_cast %swap3A_12 : vector<16xi32> to vector<16xi32>
    %swap3A_14 = vector.shape_cast %add3A_11 : vector<16xi32> to vector<16xi32>
    tpu.vector_store %arg7[%swap3A], %swap3A_14 {strides = array<i32>} : memref<128xi32, #tpu.memory_space<vmem>>, vector<16xi32>,
    %shift_right_logical3A = arith.constant 16 : i32
    %shift_right_logical3A_15 = vector.broadcast %shift_right_logical3A : i32 to vector<16xi32>
    %shift_right_logical3A_16 = arith.shrui %get3A_8, %shift_right_logical3A_15 : vector<16xi32>
    %swap3A_17 = arith.constant 0 : index
    %swap3A_18 = tpu.vector_load %arg8[%swap3A_17] {strides = array<i32>} : memref<128xi32, #tpu.memory_space<vmem>>, vector<16xi32>,
    %swap3A_19 = vector.shape_cast %swap3A_18 : vector<16xi32> to vector<16xi32>
    %swap3A_20 = vector.shape_cast %shift_right_logical3A_16 : vector<16xi32> to vector<16xi32>
    tpu.vector_store %arg8[%swap3A_17], %swap3A_20 {strides = array<i32>} : memref<128xi32, #tpu.memory_space<vmem>>, vector<16xi32>,
    %get3A_21 = arith.constant 0 : i32
    %get3A_22 = arith.index_cast %get3A_21 : i32 to index
    %get3A_23 = arith.constant 16 : index
    %get3A_24 = tpu.vector_load %arg6[%get3A_22, %get3A_23] {strides = array<i32>} : memref<80x128xi32, #tpu.memory_space<vmem>>, vector<1x16xi32>,
    %get3A_25 = vector.shape_cast %get3A_24 : vector<1x16xi32> to vector<16xi32>
    %and3A_26 = arith.constant 65535 : i32
    %and3A_27 = vector.broadcast %and3A_26 : i32 to vector<16xi32>
    %and3A_28 = arith.andi %get3A_25, %and3A_27 : vector<16xi32>
    %add3A_29 = vector.broadcast %mul3A_4 : i32 to vector<16xi32>
    %add3A_30 = arith.addi %and3A_28, %add3A_29 : vector<16xi32>
    %swap3A_31 = arith.constant 16 : index
    %swap3A_32 = tpu.vector_load %arg7[%swap3A_31] {strides = array<i32>} : memref<128xi32, #tpu.memory_space<vmem>>, vector<16xi32>,
    %swap3A_33 = vector.shape_cast %swap3A_32 : vector<16xi32> to vector<16xi32>
    %swap3A_34 = vector.shape_cast %add3A_30 : vector<16xi32> to vector<16xi32>
    tpu.vector_store %arg7[%swap3A_31], %swap3A_34 {strides = array<i32>} : memref<128xi32, #tpu.memory_space<vmem>>, vector<16xi32>,
    %shift_right_logical3A_35 = arith.constant 16 : i32
    %shift_right_logical3A_36 = vector.broadcast %shift_right_logical3A_35 : i32 to vector<16xi32>
    %shift_right_logical3A_37 = arith.shrui %get3A_25, %shift_right_logical3A_36 : vector<16xi32>
    %swap3A_38 = arith.constant 16 : index
    %swap3A_39 = tpu.vector_load %arg8[%swap3A_38] {strides = array<i32>} : memref<128xi32, #tpu.memory_space<vmem>>, vector<16xi32>,
    %swap3A_40 = vector.shape_cast %swap3A_39 : vector<16xi32> to vector<16xi32>
    %swap3A_41 = vector.shape_cast %shift_right_logical3A_37 : vector<16xi32> to vector<16xi32>
    tpu.vector_store %arg8[%swap3A_38], %swap3A_41 {strides = array<i32>} : memref<128xi32, #tpu.memory_space<vmem>>, vector<16xi32>,
    %get3A_42 = arith.constant 0 : i32
    %get3A_43 = arith.index_cast %get3A_42 : i32 to index
    %get3A_44 = arith.constant 32 : index
    %get3A_45 = tpu.vector_load %arg6[%get3A_43, %get3A_44] {strides = array<i32>} : memref<80x128xi32, #tpu.memory_space<vmem>>, vector<1x16xi32>,
    %get3A_46 = vector.shape_cast %get3A_45 : vector<1x16xi32> to vector<16xi32>
    %and3A_47 = arith.constant 65535 : i32
    %and3A_48 = vector.broadcast %and3A_47 : i32 to vector<16xi32>
    %and3A_49 = arith.andi %get3A_46, %and3A_48 : vector<16xi32>
    %add3A_50 = vector.broadcast %mul3A_4 : i32 to vector<16xi32>
    %add3A_51 = arith.addi %and3A_49, %add3A_50 : vector<16xi32>
    %swap3A_52 = arith.constant 32 : index
    %swap3A_53 = tpu.vector_load %arg7[%swap3A_52] {strides = array<i32>} : memref<128xi32, #tpu.memory_space<vmem>>, vector<16xi32>,
    %swap3A_54 = vector.shape_cast %swap3A_53 : vector<16xi32> to vector<16xi32>
    %swap3A_55 = vector.shape_cast %add3A_51 : vector<16xi32> to vector<16xi32>
    tpu.vector_store %arg7[%swap3A_52], %swap3A_55 {strides = array<i32>} : memref<128xi32, #tpu.memory_space<vmem>>, vector<16xi32>,
    %shift_right_logical3A_56 = arith.constant 16 : i32
    %shift_right_logical3A_57 = vector.broadcast %shift_right_logical3A_56 : i32 to vector<16xi32>
    %shift_right_logical3A_58 = arith.shrui %get3A_46, %shift_right_logical3A_57 : vector<16xi32>
    %swap3A_59 = arith.constant 32 : index
    %swap3A_60 = tpu.vector_load %arg8[%swap3A_59] {strides = array<i32>} : memref<128xi32, #tpu.memory_space<vmem>>, vector<16xi32>,
    %swap3A_61 = vector.shape_cast %swap3A_60 : vector<16xi32> to vector<16xi32>
    %swap3A_62 = vector.shape_cast %shift_right_logical3A_58 : vector<16xi32> to vector<16xi32>
    tpu.vector_store %arg8[%swap3A_59], %swap3A_62 {strides = array<i32>} : memref<128xi32, #tpu.memory_space<vmem>>, vector<16xi32>,
    %get3A_63 = arith.constant 0 : i32
    %get3A_64 = arith.index_cast %get3A_63 : i32 to index
    %get3A_65 = arith.constant 48 : index
    %get3A_66 = tpu.vector_load %arg6[%get3A_64, %get3A_65] {strides = array<i32>} : memref<80x128xi32, #tpu.memory_space<vmem>>, vector<1x16xi32>,
    %get3A_67 = vector.shape_cast %get3A_66 : vector<1x16xi32> to vector<16xi32>
    %and3A_68 = arith.constant 65535 : i32
    %and3A_69 = vector.broadcast %and3A_68 : i32 to vector<16xi32>
    %and3A_70 = arith.andi %get3A_67, %and3A_69 : vector<16xi32>
    %add3A_71 = vector.broadcast %mul3A_4 : i32 to vector<16xi32>
    %add3A_72 = arith.addi %and3A_70, %add3A_71 : vector<16xi32>
    %swap3A_73 = arith.constant 48 : index
    %swap3A_74 = tpu.vector_load %arg7[%swap3A_73] {strides = array<i32>} : memref<128xi32, #tpu.memory_space<vmem>>, vector<16xi32>,
    %swap3A_75 = vector.shape_cast %swap3A_74 : vector<16xi32> to vector<16xi32>
    %swap3A_76 = vector.shape_cast %add3A_72 : vector<16xi32> to vector<16xi32>
    tpu.vector_store %arg7[%swap3A_73], %swap3A_76 {strides = array<i32>} : memref<128xi32, #tpu.memory_space<vmem>>, vector<16xi32>,
    %shift_right_logical3A_77 = arith.constant 16 : i32
    %shift_right_logical3A_78 = vector.broadcast %shift_right_logical3A_77 : i32 to vector<16xi32>
    %shift_right_logical3A_79 = arith.shrui %get3A_67, %shift_right_logical3A_78 : vector<16xi32>
    %swap3A_80 = arith.constant 48 : index
    %swap3A_81 = tpu.vector_load %arg8[%swap3A_80] {strides = array<i32>} : memref<128xi32, #tpu.memory_space<vmem>>, vector<16xi32>,
    %swap3A_82 = vector.shape_cast %swap3A_81 : vector<16xi32> to vector<16xi32>
    %swap3A_83 = vector.shape_cast %shift_right_logical3A_79 : vector<16xi32> to vector<16xi32>
    tpu.vector_store %arg8[%swap3A_80], %swap3A_83 {strides = array<i32>} : memref<128xi32, #tpu.memory_space<vmem>>, vector<16xi32>,
    %get3A_84 = arith.constant 0 : i32
    %get3A_85 = arith.index_cast %get3A_84 : i32 to index
    %get3A_86 = arith.constant 64 : index
    %get3A_87 = tpu.vector_load %arg6[%get3A_85, %get3A_86] {strides = array<i32>} : memref<80x128xi32, #tpu.memory_space<vmem>>, vector<1x16xi32>,
    %get3A_88 = vector.shape_cast %get3A_87 : vector<1x16xi32> to vector<16xi32>
    %and3A_89 = arith.constant 65535 : i32
    %and3A_90 = vector.broadcast %and3A_89 : i32 to vector<16xi32>
    %and3A_91 = arith.andi %get3A_88, %and3A_90 : vector<16xi32>
    %add3A_92 = vector.broadcast %mul3A_4 : i32 to vector<16xi32>
    %add3A_93 = arith.addi %and3A_91, %add3A_92 : vector<16xi32>
    %swap3A_94 = arith.constant 64 : index
    %swap3A_95 = tpu.vector_load %arg7[%swap3A_94] {strides = array<i32>} : memref<128xi32, #tpu.memory_space<vmem>>, vector<16xi32>,
    %swap3A_96 = vector.shape_cast %swap3A_95 : vector<16xi32> to vector<16xi32>
    %swap3A_97 = vector.shape_cast %add3A_93 : vector<16xi32> to vector<16xi32>
    tpu.vector_store %arg7[%swap3A_94], %swap3A_97 {strides = array<i32>} : memref<128xi32, #tpu.memory_space<vmem>>, vector<16xi32>,
    %shift_right_logical3A_98 = arith.constant 16 : i32
    %shift_right_logical3A_99 = vector.broadcast %shift_right_logical3A_98 : i32 to vector<16xi32>
    %shift_right_logical3A_100 = arith.shrui %get3A_88, %shift_right_logical3A_99 : vector<16xi32>
    %swap3A_101 = arith.constant 64 : index
    %swap3A_102 = tpu.vector_load %arg8[%swap3A_101] {strides = array<i32>} : memref<128xi32, #tpu.memory_space<vmem>>, vector<16xi32>,
    %swap3A_103 = vector.shape_cast %swap3A_102 : vector<16xi32> to vector<16xi32>
    %swap3A_104 = vector.shape_cast %shift_right_logical3A_100 : vector<16xi32> to vector<16xi32>
    tpu.vector_store %arg8[%swap3A_101], %swap3A_104 {strides = array<i32>} : memref<128xi32, #tpu.memory_space<vmem>>, vector<16xi32>,
    %get3A_105 = arith.constant 0 : i32
    %get3A_106 = arith.index_cast %get3A_105 : i32 to index
    %get3A_107 = arith.constant 80 : index
    %get3A_108 = tpu.vector_load %arg6[%get3A_106, %get3A_107] {strides = array<i32>} : memref<80x128xi32, #tpu.memory_space<vmem>>, vector<1x16xi32>,
    %get3A_109 = vector.shape_cast %get3A_108 : vector<1x16xi32> to vector<16xi32>
    %and3A_110 = arith.constant 65535 : i32
    %and3A_111 = vector.broadcast %and3A_110 : i32 to vector<16xi32>
    %and3A_112 = arith.andi %get3A_109, %and3A_111 : vector<16xi32>
    %add3A_113 = vector.broadcast %mul3A_4 : i32 to vector<16xi32>
    %add3A_114 = arith.addi %and3A_112, %add3A_113 : vector<16xi32>
    %swap3A_115 = arith.constant 80 : index
    %swap3A_116 = tpu.vector_load %arg7[%swap3A_115] {strides = array<i32>} : memref<128xi32, #tpu.memory_space<vmem>>, vector<16xi32>,
    %swap3A_117 = vector.shape_cast %swap3A_116 : vector<16xi32> to vector<16xi32>
    %swap3A_118 = vector.shape_cast %add3A_114 : vector<16xi32> to vector<16xi32>
    tpu.vector_store %arg7[%swap3A_115], %swap3A_118 {strides = array<i32>} : memref<128xi32, #tpu.memory_space<vmem>>, vector<16xi32>,
    %shift_right_logical3A_119 = arith.constant 16 : i32
    %shift_right_logical3A_120 = vector.broadcast %shift_right_logical3A_119 : i32 to vector<16xi32>
    %shift_right_logical3A_121 = arith.shrui %get3A_109, %shift_right_logical3A_120 : vector<16xi32>
    %swap3A_122 = arith.constant 80 : index
    %swap3A_123 = tpu.vector_load %arg8[%swap3A_122] {strides = array<i32>} : memref<128xi32, #tpu.memory_space<vmem>>, vector<16xi32>,
    %swap3A_124 = vector.shape_cast %swap3A_123 : vector<16xi32> to vector<16xi32>
    %swap3A_125 = vector.shape_cast %shift_right_logical3A_121 : vector<16xi32> to vector<16xi32>
    tpu.vector_store %arg8[%swap3A_122], %swap3A_125 {strides = array<i32>} : memref<128xi32, #tpu.memory_space<vmem>>, vector<16xi32>,
    %get3A_126 = arith.constant 0 : i32
    %get3A_127 = arith.index_cast %get3A_126 : i32 to index
    %get3A_128 = arith.constant 96 : index
    %get3A_129 = tpu.vector_load %arg6[%get3A_127, %get3A_128] {strides = array<i32>} : memref<80x128xi32, #tpu.memory_space<vmem>>, vector<1x16xi32>,
    %get3A_130 = vector.shape_cast %get3A_129 : vector<1x16xi32> to vector<16xi32>
    %and3A_131 = arith.constant 65535 : i32
    %and3A_132 = vector.broadcast %and3A_131 : i32 to vector<16xi32>
    %and3A_133 = arith.andi %get3A_130, %and3A_132 : vector<16xi32>
    %add3A_134 = vector.broadcast %mul3A_4 : i32 to vector<16xi32>
    %add3A_135 = arith.addi %and3A_133, %add3A_134 : vector<16xi32>
    %swap3A_136 = arith.constant 96 : index
    %swap3A_137 = tpu.vector_load %arg7[%swap3A_136] {strides = array<i32>} : memref<128xi32, #tpu.memory_space<vmem>>, vector<16xi32>,
    %swap3A_138 = vector.shape_cast %swap3A_137 : vector<16xi32> to vector<16xi32>
    %swap3A_139 = vector.shape_cast %add3A_135 : vector<16xi32> to vector<16xi32>
    tpu.vector_store %arg7[%swap3A_136], %swap3A_139 {strides = array<i32>} : memref<128xi32, #tpu.memory_space<vmem>>, vector<16xi32>,
    %shift_right_logical3A_140 = arith.constant 16 : i32
    %shift_right_logical3A_141 = vector.broadcast %shift_right_logical3A_140 : i32 to vector<16xi32>
    %shift_right_logical3A_142 = arith.shrui %get3A_130, %shift_right_logical3A_141 : vector<16xi32>
    %swap3A_143 = arith.constant 96 : index
    %swap3A_144 = tpu.vector_load %arg8[%swap3A_143] {strides = array<i32>} : memref<128xi32, #tpu.memory_space<vmem>>, vector<16xi32>,
    %swap3A_145 = vector.shape_cast %swap3A_144 : vector<16xi32> to vector<16xi32>
    %swap3A_146 = vector.shape_cast %shift_right_logical3A_142 : vector<16xi32> to vector<16xi32>
    tpu.vector_store %arg8[%swap3A_143], %swap3A_146 {strides = array<i32>} : memref<128xi32, #tpu.memory_space<vmem>>, vector<16xi32>,
    %get3A_147 = arith.constant 0 : i32
    %get3A_148 = arith.index_cast %get3A_147 : i32 to index
    %get3A_149 = arith.constant 112 : index
    %get3A_150 = tpu.vector_load %arg6[%get3A_148, %get3A_149] {strides = array<i32>} : memref<80x128xi32, #tpu.memory_space<vmem>>, vector<1x16xi32>,
    %get3A_151 = vector.shape_cast %get3A_150 : vector<1x16xi32> to vector<16xi32>
    %and3A_152 = arith.constant 65535 : i32
    %and3A_153 = vector.broadcast %and3A_152 : i32 to vector<16xi32>
    %and3A_154 = arith.andi %get3A_151, %and3A_153 : vector<16xi32>
    %add3A_155 = vector.broadcast %mul3A_4 : i32 to vector<16xi32>
    %add3A_156 = arith.addi %and3A_154, %add3A_155 : vector<16xi32>
    %swap3A_157 = arith.constant 112 : index
    %swap3A_158 = tpu.vector_load %arg7[%swap3A_157] {strides = array<i32>} : memref<128xi32, #tpu.memory_space<vmem>>, vector<16xi32>,
    %swap3A_159 = vector.shape_cast %swap3A_158 : vector<16xi32> to vector<16xi32>
    %swap3A_160 = vector.shape_cast %add3A_156 : vector<16xi32> to vector<16xi32>
    tpu.vector_store %arg7[%swap3A_157], %swap3A_160 {strides = array<i32>} : memref<128xi32, #tpu.memory_space<vmem>>, vector<16xi32>,
    %shift_right_logical3A_161 = arith.constant 16 : i32
    %shift_right_logical3A_162 = vector.broadcast %shift_right_logical3A_161 : i32 to vector<16xi32>
    %shift_right_logical3A_163 = arith.shrui %get3A_151, %shift_right_logical3A_162 : vector<16xi32>
    %swap3A_164 = arith.constant 112 : index
    %swap3A_165 = tpu.vector_load %arg8[%swap3A_164] {strides = array<i32>} : memref<128xi32, #tpu.memory_space<vmem>>, vector<16xi32>,
    %swap3A_166 = vector.shape_cast %swap3A_165 : vector<16xi32> to vector<16xi32>
    %swap3A_167 = vector.shape_cast %shift_right_logical3A_163 : vector<16xi32> to vector<16xi32>
    tpu.vector_store %arg8[%swap3A_164], %swap3A_167 {strides = array<i32>} : memref<128xi32, #tpu.memory_space<vmem>>, vector<16xi32>,
    %dma_start3A = arith.constant 0 : i32
    %dma_start3A_168 = arith.constant 0 : i32
    %dma_start3A_169 = tpu.memref_slice %arg2[%dma_start3A, %dma_start3A_168] : memref<20000x128xf32, #tpu.memory_space<hbm>> -> memref<20000x128xf32, #tpu.memory_space<hbm>>
    tpu.enqueue_indirect_dma source(%dma_start3A_169 : memref<20000x128xf32, #tpu.memory_space<hbm>>) target(%arg11 : memref<128x128xf32, #tpu.memory_space<vmem>>) offsets(%arg7 : memref<128xi32, #tpu.memory_space<vmem>>) semaphore(%arg14 : memref<!tpu.dma_semaphore, #tpu.memory_space<semaphore_mem>>)
    %scan3A = arith.constant 0 : i32
    %scan3A_170 = arith.constant 0 : i32
    %scan3A_171 = arith.constant 40 : i32
    %scan3A_172 = arith.addi %scan3A_170, %scan3A_171 : i32
    %scan3A_173 = arith.constant 1 : i32
    scf.for %scan3A_180 = %scan3A_170 to %scan3A_172 step %scan3A_173  : i32 {
      %mul3A_181 = arith.constant 2 : i32
      %mul3A_182 = arith.muli %mul3A_181, %scan3A_180 : i32
      %add3A_183 = arith.constant 1 : i32
      %add3A_184 = arith.addi %mul3A_182, %add3A_183 : i32
      %get3A_185 = arith.index_cast %add3A_184 : i32 to index
      %get3A_186 = arith.constant 0 : index
      %get3A_187 = tpu.vector_load %arg6[%get3A_185, %get3A_186] {strides = array<i32>} : memref<80x128xi32, #tpu.memory_space<vmem>>, vector<1x16xi32>,
      %get3A_188 = vector.shape_cast %get3A_187 : vector<1x16xi32> to vector<16xi32>
      %and3A_189 = arith.constant 65535 : i32
      %and3A_190 = vector.broadcast %and3A_189 : i32 to vector<16xi32>
      %and3A_191 = arith.andi %get3A_188, %and3A_190 : vector<16xi32>
      %add3A_192 = vector.broadcast %mul3A_4 : i32 to vector<16xi32>
      %add3A_193 = arith.addi %and3A_191, %add3A_192 : vector<16xi32>
      %swap3A_194 = arith.constant 0 : index
      %swap3A_195 = tpu.vector_load %arg9[%swap3A_194] {strides = array<i32>} : memref<128xi32, #tpu.memory_space<vmem>>, vector<16xi32>,
      %swap3A_196 = vector.shape_cast %swap3A_195 : vector<16xi32> to vector<16xi32>
      %swap3A_197 = vector.shape_cast %add3A_193 : vector<16xi32> to vector<16xi32>
      tpu.vector_store %arg9[%swap3A_194], %swap3A_197 {strides = array<i32>} : memref<128xi32, #tpu.memory_space<vmem>>, vector<16xi32>,
      %shift_right_logical3A_198 = arith.constant 16 : i32
      %shift_right_logical3A_199 = vector.broadcast %shift_right_logical3A_198 : i32 to vector<16xi32>
      %shift_right_logical3A_200 = arith.shrui %get3A_188, %shift_right_logical3A_199 : vector<16xi32>
      %swap3A_201 = arith.constant 0 : index
      %swap3A_202 = tpu.vector_load %arg10[%swap3A_201] {strides = array<i32>} : memref<128xi32, #tpu.memory_space<vmem>>, vector<16xi32>,
      %swap3A_203 = vector.shape_cast %swap3A_202 : vector<16xi32> to vector<16xi32>
      %swap3A_204 = vector.shape_cast %shift_right_logical3A_200 : vector<16xi32> to vector<16xi32>
      tpu.vector_store %arg10[%swap3A_201], %swap3A_204 {strides = array<i32>} : memref<128xi32, #tpu.memory_space<vmem>>, vector<16xi32>,
      %get3A_205 = arith.index_cast %add3A_184 : i32 to index
      %get3A_206 = arith.constant 16 : index
      %get3A_207 = tpu.vector_load %arg6[%get3A_205, %get3A_206] {strides = array<i32>} : memref<80x128xi32, #tpu.memory_space<vmem>>, vector<1x16xi32>,
      %get3A_208 = vector.shape_cast %get3A_207 : vector<1x16xi32> to vector<16xi32>
      %and3A_209 = arith.constant 65535 : i32
      %and3A_210 = vector.broadcast %and3A_209 : i32 to vector<16xi32>
      %and3A_211 = arith.andi %get3A_208, %and3A_210 : vector<16xi32>
      %add3A_212 = vector.broadcast %mul3A_4 : i32 to vector<16xi32>
      %add3A_213 = arith.addi %and3A_211, %add3A_212 : vector<16xi32>
      %swap3A_214 = arith.constant 16 : index
      %swap3A_215 = tpu.vector_load %arg9[%swap3A_214] {strides = array<i32>} : memref<128xi32, #tpu.memory_space<vmem>>, vector<16xi32>,
      %swap3A_216 = vector.shape_cast %swap3A_215 : vector<16xi32> to vector<16xi32>
      %swap3A_217 = vector.shape_cast %add3A_213 : vector<16xi32> to vector<16xi32>
      tpu.vector_store %arg9[%swap3A_214], %swap3A_217 {strides = array<i32>} : memref<128xi32, #tpu.memory_space<vmem>>, vector<16xi32>,
      %shift_right_logical3A_218 = arith.constant 16 : i32
      %shift_right_logical3A_219 = vector.broadcast %shift_right_logical3A_218 : i32 to vector<16xi32>
      %shift_right_logical3A_220 = arith.shrui %get3A_208, %shift_right_logical3A_219 : vector<16xi32>
      %swap3A_221 = arith.constant 16 : index
      %swap3A_222 = tpu.vector_load %arg10[%swap3A_221] {strides = array<i32>} : memref<128xi32, #tpu.memory_space<vmem>>, vector<16xi32>,
      %swap3A_223 = vector.shape_cast %swap3A_222 : vector<16xi32> to vector<16xi32>
      %swap3A_224 = vector.shape_cast %shift_right_logical3A_220 : vector<16xi32> to vector<16xi32>
      tpu.vector_store %arg10[%swap3A_221], %swap3A_224 {strides = array<i32>} : memref<128xi32, #tpu.memory_space<vmem>>, vector<16xi32>,
      %get3A_225 = arith.index_cast %add3A_184 : i32 to index
      %get3A_226 = arith.constant 32 : index
      %get3A_227 = tpu.vector_load %arg6[%get3A_225, %get3A_226] {strides = array<i32>} : memref<80x128xi32, #tpu.memory_space<vmem>>, vector<1x16xi32>,
      %get3A_228 = vector.shape_cast %get3A_227 : vector<1x16xi32> to vector<16xi32>
      %and3A_229 = arith.constant 65535 : i32
      %and3A_230 = vector.broadcast %and3A_229 : i32 to vector<16xi32>
      %and3A_231 = arith.andi %get3A_228, %and3A_230 : vector<16xi32>
      %add3A_232 = vector.broadcast %mul3A_4 : i32 to vector<16xi32>
      %add3A_233 = arith.addi %and3A_231, %add3A_232 : vector<16xi32>
      %swap3A_234 = arith.constant 32 : index
      %swap3A_235 = tpu.vector_load %arg9[%swap3A_234] {strides = array<i32>} : memref<128xi32, #tpu.memory_space<vmem>>, vector<16xi32>,
      %swap3A_236 = vector.shape_cast %swap3A_235 : vector<16xi32> to vector<16xi32>
      %swap3A_237 = vector.shape_cast %add3A_233 : vector<16xi32> to vector<16xi32>
      tpu.vector_store %arg9[%swap3A_234], %swap3A_237 {strides = array<i32>} : memref<128xi32, #tpu.memory_space<vmem>>, vector<16xi32>,
      %shift_right_logical3A_238 = arith.constant 16 : i32
      %shift_right_logical3A_239 = vector.broadcast %shift_right_logical3A_238 : i32 to vector<16xi32>
      %shift_right_logical3A_240 = arith.shrui %get3A_228, %shift_right_logical3A_239 : vector<16xi32>
      %swap3A_241 = arith.constant 32 : index
      %swap3A_242 = tpu.vector_load %arg10[%swap3A_241] {strides = array<i32>} : memref<128xi32, #tpu.memory_space<vmem>>, vector<16xi32>,
      %swap3A_243 = vector.shape_cast %swap3A_242 : vector<16xi32> to vector<16xi32>
      %swap3A_244 = vector.shape_cast %shift_right_logical3A_240 : vector<16xi32> to vector<16xi32>
      tpu.vector_store %arg10[%swap3A_241], %swap3A_244 {strides = array<i32>} : memref<128xi32, #tpu.memory_space<vmem>>, vector<16xi32>,
      %get3A_245 = arith.index_cast %add3A_184 : i32 to index
      %get3A_246 = arith.constant 48 : index
      %get3A_247 = tpu.vector_load %arg6[%get3A_245, %get3A_246] {strides = array<i32>} : memref<80x128xi32, #tpu.memory_space<vmem>>, vector<1x16xi32>,
      %get3A_248 = vector.shape_cast %get3A_247 : vector<1x16xi32> to vector<16xi32>
      %and3A_249 = arith.constant 65535 : i32
      %and3A_250 = vector.broadcast %and3A_249 : i32 to vector<16xi32>
      %and3A_251 = arith.andi %get3A_248, %and3A_250 : vector<16xi32>
      %add3A_252 = vector.broadcast %mul3A_4 : i32 to vector<16xi32>
      %add3A_253 = arith.addi %and3A_251, %add3A_252 : vector<16xi32>
      %swap3A_254 = arith.constant 48 : index
      %swap3A_255 = tpu.vector_load %arg9[%swap3A_254] {strides = array<i32>} : memref<128xi32, #tpu.memory_space<vmem>>, vector<16xi32>,
      %swap3A_256 = vector.shape_cast %swap3A_255 : vector<16xi32> to vector<16xi32>
      %swap3A_257 = vector.shape_cast %add3A_253 : vector<16xi32> to vector<16xi32>
      tpu.vector_store %arg9[%swap3A_254], %swap3A_257 {strides = array<i32>} : memref<128xi32, #tpu.memory_space<vmem>>, vector<16xi32>,
      %shift_right_logical3A_258 = arith.constant 16 : i32
      %shift_right_logical3A_259 = vector.broadcast %shift_right_logical3A_258 : i32 to vector<16xi32>
      %shift_right_logical3A_260 = arith.shrui %get3A_248, %shift_right_logical3A_259 : vector<16xi32>
      %swap3A_261 = arith.constant 48 : index
      %swap3A_262 = tpu.vector_load %arg10[%swap3A_261] {strides = array<i32>} : memref<128xi32, #tpu.memory_space<vmem>>, vector<16xi32>,
      %swap3A_263 = vector.shape_cast %swap3A_262 : vector<16xi32> to vector<16xi32>
      %swap3A_264 = vector.shape_cast %shift_right_logical3A_260 : vector<16xi32> to vector<16xi32>
      tpu.vector_store %arg10[%swap3A_261], %swap3A_264 {strides = array<i32>} : memref<128xi32, #tpu.memory_space<vmem>>, vector<16xi32>,
      %get3A_265 = arith.index_cast %add3A_184 : i32 to index
      %get3A_266 = arith.constant 64 : index
      %get3A_267 = tpu.vector_load %arg6[%get3A_265, %get3A_266] {strides = array<i32>} : memref<80x128xi32, #tpu.memory_space<vmem>>, vector<1x16xi32>,
      %get3A_268 = vector.shape_cast %get3A_267 : vector<1x16xi32> to vector<16xi32>
      %and3A_269 = arith.constant 65535 : i32
      %and3A_270 = vector.broadcast %and3A_269 : i32 to vector<16xi32>
      %and3A_271 = arith.andi %get3A_268, %and3A_270 : vector<16xi32>
      %add3A_272 = vector.broadcast %mul3A_4 : i32 to vector<16xi32>
      %add3A_273 = arith.addi %and3A_271, %add3A_272 : vector<16xi32>
      %swap3A_274 = arith.constant 64 : index
      %swap3A_275 = tpu.vector_load %arg9[%swap3A_274] {strides = array<i32>} : memref<128xi32, #tpu.memory_space<vmem>>, vector<16xi32>,
      %swap3A_276 = vector.shape_cast %swap3A_275 : vector<16xi32> to vector<16xi32>
      %swap3A_277 = vector.shape_cast %add3A_273 : vector<16xi32> to vector<16xi32>
      tpu.vector_store %arg9[%swap3A_274], %swap3A_277 {strides = array<i32>} : memref<128xi32, #tpu.memory_space<vmem>>, vector<16xi32>,
      %shift_right_logical3A_278 = arith.constant 16 : i32
      %shift_right_logical3A_279 = vector.broadcast %shift_right_logical3A_278 : i32 to vector<16xi32>
      %shift_right_logical3A_280 = arith.shrui %get3A_268, %shift_right_logical3A_279 : vector<16xi32>
      %swap3A_281 = arith.constant 64 : index
      %swap3A_282 = tpu.vector_load %arg10[%swap3A_281] {strides = array<i32>} : memref<128xi32, #tpu.memory_space<vmem>>, vector<16xi32>,
      %swap3A_283 = vector.shape_cast %swap3A_282 : vector<16xi32> to vector<16xi32>
      %swap3A_284 = vector.shape_cast %shift_right_logical3A_280 : vector<16xi32> to vector<16xi32>
      tpu.vector_store %arg10[%swap3A_281], %swap3A_284 {strides = array<i32>} : memref<128xi32, #tpu.memory_space<vmem>>, vector<16xi32>,
      %get3A_285 = arith.index_cast %add3A_184 : i32 to index
      %get3A_286 = arith.constant 80 : index
      %get3A_287 = tpu.vector_load %arg6[%get3A_285, %get3A_286] {strides = array<i32>} : memref<80x128xi32, #tpu.memory_space<vmem>>, vector<1x16xi32>,
      %get3A_288 = vector.shape_cast %get3A_287 : vector<1x16xi32> to vector<16xi32>
      %and3A_289 = arith.constant 65535 : i32
      %and3A_290 = vector.broadcast %and3A_289 : i32 to vector<16xi32>
      %and3A_291 = arith.andi %get3A_288, %and3A_290 : vector<16xi32>
      %add3A_292 = vector.broadcast %mul3A_4 : i32 to vector<16xi32>
      %add3A_293 = arith.addi %and3A_291, %add3A_292 : vector<16xi32>
      %swap3A_294 = arith.constant 80 : index
      %swap3A_295 = tpu.vector_load %arg9[%swap3A_294] {strides = array<i32>} : memref<128xi32, #tpu.memory_space<vmem>>, vector<16xi32>,
      %swap3A_296 = vector.shape_cast %swap3A_295 : vector<16xi32> to vector<16xi32>
      %swap3A_297 = vector.shape_cast %add3A_293 : vector<16xi32> to vector<16xi32>
      tpu.vector_store %arg9[%swap3A_294], %swap3A_297 {strides = array<i32>} : memref<128xi32, #tpu.memory_space<vmem>>, vector<16xi32>,
      %shift_right_logical3A_298 = arith.constant 16 : i32
      %shift_right_logical3A_299 = vector.broadcast %shift_right_logical3A_298 : i32 to vector<16xi32>
      %shift_right_logical3A_300 = arith.shrui %get3A_288, %shift_right_logical3A_299 : vector<16xi32>
      %swap3A_301 = arith.constant 80 : index
      %swap3A_302 = tpu.vector_load %arg10[%swap3A_301] {strides = array<i32>} : memref<128xi32, #tpu.memory_space<vmem>>, vector<16xi32>,
      %swap3A_303 = vector.shape_cast %swap3A_302 : vector<16xi32> to vector<16xi32>
      %swap3A_304 = vector.shape_cast %shift_right_logical3A_300 : vector<16xi32> to vector<16xi32>
      tpu.vector_store %arg10[%swap3A_301], %swap3A_304 {strides = array<i32>} : memref<128xi32, #tpu.memory_space<vmem>>, vector<16xi32>,
      %get3A_305 = arith.index_cast %add3A_184 : i32 to index
      %get3A_306 = arith.constant 96 : index
      %get3A_307 = tpu.vector_load %arg6[%get3A_305, %get3A_306] {strides = array<i32>} : memref<80x128xi32, #tpu.memory_space<vmem>>, vector<1x16xi32>,
      %get3A_308 = vector.shape_cast %get3A_307 : vector<1x16xi32> to vector<16xi32>
      %and3A_309 = arith.constant 65535 : i32
      %and3A_310 = vector.broadcast %and3A_309 : i32 to vector<16xi32>
      %and3A_311 = arith.andi %get3A_308, %and3A_310 : vector<16xi32>
      %add3A_312 = vector.broadcast %mul3A_4 : i32 to vector<16xi32>
      %add3A_313 = arith.addi %and3A_311, %add3A_312 : vector<16xi32>
      %swap3A_314 = arith.constant 96 : index
      %swap3A_315 = tpu.vector_load %arg9[%swap3A_314] {strides = array<i32>} : memref<128xi32, #tpu.memory_space<vmem>>, vector<16xi32>,
      %swap3A_316 = vector.shape_cast %swap3A_315 : vector<16xi32> to vector<16xi32>
      %swap3A_317 = vector.shape_cast %add3A_313 : vector<16xi32> to vector<16xi32>
      tpu.vector_store %arg9[%swap3A_314], %swap3A_317 {strides = array<i32>} : memref<128xi32, #tpu.memory_space<vmem>>, vector<16xi32>,
      %shift_right_logical3A_318 = arith.constant 16 : i32
      %shift_right_logical3A_319 = vector.broadcast %shift_right_logical3A_318 : i32 to vector<16xi32>
      %shift_right_logical3A_320 = arith.shrui %get3A_308, %shift_right_logical3A_319 : vector<16xi32>
      %swap3A_321 = arith.constant 96 : index
      %swap3A_322 = tpu.vector_load %arg10[%swap3A_321] {strides = array<i32>} : memref<128xi32, #tpu.memory_space<vmem>>, vector<16xi32>,
      %swap3A_323 = vector.shape_cast %swap3A_322 : vector<16xi32> to vector<16xi32>
      %swap3A_324 = vector.shape_cast %shift_right_logical3A_320 : vector<16xi32> to vector<16xi32>
      tpu.vector_store %arg10[%swap3A_321], %swap3A_324 {strides = array<i32>} : memref<128xi32, #tpu.memory_space<vmem>>, vector<16xi32>,
      %get3A_325 = arith.index_cast %add3A_184 : i32 to index
      %get3A_326 = arith.constant 112 : index
      %get3A_327 = tpu.vector_load %arg6[%get3A_325, %get3A_326] {strides = array<i32>} : memref<80x128xi32, #tpu.memory_space<vmem>>, vector<1x16xi32>,
      %get3A_328 = vector.shape_cast %get3A_327 : vector<1x16xi32> to vector<16xi32>
      %and3A_329 = arith.constant 65535 : i32
      %and3A_330 = vector.broadcast %and3A_329 : i32 to vector<16xi32>
      %and3A_331 = arith.andi %get3A_328, %and3A_330 : vector<16xi32>
      %add3A_332 = vector.broadcast %mul3A_4 : i32 to vector<16xi32>
      %add3A_333 = arith.addi %and3A_331, %add3A_332 : vector<16xi32>
      %swap3A_334 = arith.constant 112 : index
      %swap3A_335 = tpu.vector_load %arg9[%swap3A_334] {strides = array<i32>} : memref<128xi32, #tpu.memory_space<vmem>>, vector<16xi32>,
      %swap3A_336 = vector.shape_cast %swap3A_335 : vector<16xi32> to vector<16xi32>
      %swap3A_337 = vector.shape_cast %add3A_333 : vector<16xi32> to vector<16xi32>
      tpu.vector_store %arg9[%swap3A_334], %swap3A_337 {strides = array<i32>} : memref<128xi32, #tpu.memory_space<vmem>>, vector<16xi32>,
      %shift_right_logical3A_338 = arith.constant 16 : i32
      %shift_right_logical3A_339 = vector.broadcast %shift_right_logical3A_338 : i32 to vector<16xi32>
      %shift_right_logical3A_340 = arith.shrui %get3A_328, %shift_right_logical3A_339 : vector<16xi32>
      %swap3A_341 = arith.constant 112 : index
      %swap3A_342 = tpu.vector_load %arg10[%swap3A_341] {strides = array<i32>} : memref<128xi32, #tpu.memory_space<vmem>>, vector<16xi32>,
      %swap3A_343 = vector.shape_cast %swap3A_342 : vector<16xi32> to vector<16xi32>
      %swap3A_344 = vector.shape_cast %shift_right_logical3A_340 : vector<16xi32> to vector<16xi32>
      tpu.vector_store %arg10[%swap3A_341], %swap3A_344 {strides = array<i32>} : memref<128xi32, #tpu.memory_space<vmem>>, vector<16xi32>,
      %dma_wait3A = arith.constant 0 : i32
      %dma_wait3A_345 = arith.constant 0 : i32
      %dma_wait3A_346 = tpu.memref_slice %arg2[%dma_wait3A, %dma_wait3A_345] : memref<20000x128xf32, #tpu.memory_space<hbm>> -> memref<20000x128xf32, #tpu.memory_space<hbm>>
      tpu.wait_indirect_dma semaphore(%arg14 : memref<!tpu.dma_semaphore, #tpu.memory_space<semaphore_mem>>) src(%dma_wait3A_346 : memref<20000x128xf32, #tpu.memory_space<hbm>>) dst(%arg11 : memref<128x128xf32, #tpu.memory_space<vmem>>)
      %dma_start3A_347 = arith.constant 0 : i32
      %dma_start3A_348 = arith.constant 0 : i32
      %dma_start3A_349 = tpu.memref_slice %arg2[%dma_start3A_347, %dma_start3A_348] : memref<20000x128xf32, #tpu.memory_space<hbm>> -> memref<20000x128xf32, #tpu.memory_space<hbm>>
      tpu.enqueue_indirect_dma source(%dma_start3A_349 : memref<20000x128xf32, #tpu.memory_space<hbm>>) target(%arg12 : memref<128x128xf32, #tpu.memory_space<vmem>>) offsets(%arg9 : memref<128xi32, #tpu.memory_space<vmem>>) semaphore(%arg15 : memref<!tpu.dma_semaphore, #tpu.memory_space<semaphore_mem>>)
      "tpu.region"() ({
        %run_scoped3A = tpu.sem_alloc : memref<!tpu.dma_semaphore, #tpu.memory_space<semaphore_mem>>
        %dma_start3A_364 = arith.constant 0 : i32
        %dma_start3A_365 = arith.constant 0 : i32
        %dma_start3A_366 = tpu.memref_slice %arg13[%dma_start3A_364, %dma_start3A_365] : memref<10240x128xf32, #tpu.memory_space<vmem_shared>> -> memref<10240x128xf32, #tpu.memory_space<vmem_shared>>
        tpu.enqueue_indirect_dma source(%arg11 : memref<128x128xf32, #tpu.memory_space<vmem>>) target(%dma_start3A_366 : memref<10240x128xf32, #tpu.memory_space<vmem_shared>>) offsets(%arg8 : memref<128xi32, #tpu.memory_space<vmem>>) semaphore(%run_scoped3A : memref<!tpu.dma_semaphore, #tpu.memory_space<semaphore_mem>>) {add = true}
        %dma_wait3A_367 = arith.constant 0 : i32
        %dma_wait3A_368 = arith.constant 0 : i32
        %dma_wait3A_369 = tpu.memref_slice %arg13[%dma_wait3A_367, %dma_wait3A_368] : memref<10240x128xf32, #tpu.memory_space<vmem_shared>> -> memref<10240x128xf32, #tpu.memory_space<vmem_shared>>
        tpu.wait_indirect_dma semaphore(%run_scoped3A : memref<!tpu.dma_semaphore, #tpu.memory_space<semaphore_mem>>) src(%arg11 : memref<128x128xf32, #tpu.memory_space<vmem>>) dst(%dma_wait3A_369 : memref<10240x128xf32, #tpu.memory_space<vmem_shared>>)
        tpu.yield
      }) : () -> ()
      %add3A_350 = arith.constant 1 : i32
      %add3A_351 = arith.addi %scan3A_180, %add3A_350 : i32
      %lt3A = arith.constant 40 : i32
      %lt3A_352 = arith.cmpi slt, %add3A_351, %lt3A : i32
      %convert_element_type3A = arith.extui %lt3A_352 : i1 to i32
      %cond3A = arith.constant 0 : i32
      %cond3A_353 = arith.cmpi ne, %convert_element_type3A, %cond3A : i32
      scf.if %cond3A_353 {
        %add3A_364 = arith.constant 1 : i32
        %add3A_365 = arith.addi %add3A_184, %add3A_364 : i32
        %get3A_366 = arith.index_cast %add3A_365 : i32 to index
        %get3A_367 = arith.constant 0 : index
        %get3A_368 = tpu.vector_load %arg6[%get3A_366, %get3A_367] {strides = array<i32>} : memref<80x128xi32, #tpu.memory_space<vmem>>, vector<1x16xi32>,
        %get3A_369 = vector.shape_cast %get3A_368 : vector<1x16xi32> to vector<16xi32>
        %and3A_370 = arith.constant 65535 : i32
        %and3A_371 = vector.broadcast %and3A_370 : i32 to vector<16xi32>
        %and3A_372 = arith.andi %get3A_369, %and3A_371 : vector<16xi32>
        %add3A_373 = vector.broadcast %mul3A_4 : i32 to vector<16xi32>
        %add3A_374 = arith.addi %and3A_372, %add3A_373 : vector<16xi32>
        %swap3A_375 = arith.constant 0 : index
        %swap3A_376 = tpu.vector_load %arg7[%swap3A_375] {strides = array<i32>} : memref<128xi32, #tpu.memory_space<vmem>>, vector<16xi32>,
        %swap3A_377 = vector.shape_cast %swap3A_376 : vector<16xi32> to vector<16xi32>
        %swap3A_378 = vector.shape_cast %add3A_374 : vector<16xi32> to vector<16xi32>
        tpu.vector_store %arg7[%swap3A_375], %swap3A_378 {strides = array<i32>} : memref<128xi32, #tpu.memory_space<vmem>>, vector<16xi32>,
        %shift_right_logical3A_379 = arith.constant 16 : i32
        %shift_right_logical3A_380 = vector.broadcast %shift_right_logical3A_379 : i32 to vector<16xi32>
        %shift_right_logical3A_381 = arith.shrui %get3A_369, %shift_right_logical3A_380 : vector<16xi32>
        %swap3A_382 = arith.constant 0 : index
        %swap3A_383 = tpu.vector_load %arg8[%swap3A_382] {strides = array<i32>} : memref<128xi32, #tpu.memory_space<vmem>>, vector<16xi32>,
        %swap3A_384 = vector.shape_cast %swap3A_383 : vector<16xi32> to vector<16xi32>
        %swap3A_385 = vector.shape_cast %shift_right_logical3A_381 : vector<16xi32> to vector<16xi32>
        tpu.vector_store %arg8[%swap3A_382], %swap3A_385 {strides = array<i32>} : memref<128xi32, #tpu.memory_space<vmem>>, vector<16xi32>,
        %get3A_386 = arith.index_cast %add3A_365 : i32 to index
        %get3A_387 = arith.constant 16 : index
        %get3A_388 = tpu.vector_load %arg6[%get3A_386, %get3A_387] {strides = array<i32>} : memref<80x128xi32, #tpu.memory_space<vmem>>, vector<1x16xi32>,
        %get3A_389 = vector.shape_cast %get3A_388 : vector<1x16xi32> to vector<16xi32>
        %and3A_390 = arith.constant 65535 : i32
        %and3A_391 = vector.broadcast %and3A_390 : i32 to vector<16xi32>
        %and3A_392 = arith.andi %get3A_389, %and3A_391 : vector<16xi32>
        %add3A_393 = vector.broadcast %mul3A_4 : i32 to vector<16xi32>
        %add3A_394 = arith.addi %and3A_392, %add3A_393 : vector<16xi32>
        %swap3A_395 = arith.constant 16 : index
        %swap3A_396 = tpu.vector_load %arg7[%swap3A_395] {strides = array<i32>} : memref<128xi32, #tpu.memory_space<vmem>>, vector<16xi32>,
        %swap3A_397 = vector.shape_cast %swap3A_396 : vector<16xi32> to vector<16xi32>
        %swap3A_398 = vector.shape_cast %add3A_394 : vector<16xi32> to vector<16xi32>
        tpu.vector_store %arg7[%swap3A_395], %swap3A_398 {strides = array<i32>} : memref<128xi32, #tpu.memory_space<vmem>>, vector<16xi32>,
        %shift_right_logical3A_399 = arith.constant 16 : i32
        %shift_right_logical3A_400 = vector.broadcast %shift_right_logical3A_399 : i32 to vector<16xi32>
        %shift_right_logical3A_401 = arith.shrui %get3A_389, %shift_right_logical3A_400 : vector<16xi32>
        %swap3A_402 = arith.constant 16 : index
        %swap3A_403 = tpu.vector_load %arg8[%swap3A_402] {strides = array<i32>} : memref<128xi32, #tpu.memory_space<vmem>>, vector<16xi32>,
        %swap3A_404 = vector.shape_cast %swap3A_403 : vector<16xi32> to vector<16xi32>
        %swap3A_405 = vector.shape_cast %shift_right_logical3A_401 : vector<16xi32> to vector<16xi32>
        tpu.vector_store %arg8[%swap3A_402], %swap3A_405 {strides = array<i32>} : memref<128xi32, #tpu.memory_space<vmem>>, vector<16xi32>,
        %get3A_406 = arith.index_cast %add3A_365 : i32 to index
        %get3A_407 = arith.constant 32 : index
        %get3A_408 = tpu.vector_load %arg6[%get3A_406, %get3A_407] {strides = array<i32>} : memref<80x128xi32, #tpu.memory_space<vmem>>, vector<1x16xi32>,
        %get3A_409 = vector.shape_cast %get3A_408 : vector<1x16xi32> to vector<16xi32>
        %and3A_410 = arith.constant 65535 : i32
        %and3A_411 = vector.broadcast %and3A_410 : i32 to vector<16xi32>
        %and3A_412 = arith.andi %get3A_409, %and3A_411 : vector<16xi32>
        %add3A_413 = vector.broadcast %mul3A_4 : i32 to vector<16xi32>
        %add3A_414 = arith.addi %and3A_412, %add3A_413 : vector<16xi32>
        %swap3A_415 = arith.constant 32 : index
        %swap3A_416 = tpu.vector_load %arg7[%swap3A_415] {strides = array<i32>} : memref<128xi32, #tpu.memory_space<vmem>>, vector<16xi32>,
        %swap3A_417 = vector.shape_cast %swap3A_416 : vector<16xi32> to vector<16xi32>
        %swap3A_418 = vector.shape_cast %add3A_414 : vector<16xi32> to vector<16xi32>
        tpu.vector_store %arg7[%swap3A_415], %swap3A_418 {strides = array<i32>} : memref<128xi32, #tpu.memory_space<vmem>>, vector<16xi32>,
        %shift_right_logical3A_419 = arith.constant 16 : i32
        %shift_right_logical3A_420 = vector.broadcast %shift_right_logical3A_419 : i32 to vector<16xi32>
        %shift_right_logical3A_421 = arith.shrui %get3A_409, %shift_right_logical3A_420 : vector<16xi32>
        %swap3A_422 = arith.constant 32 : index
        %swap3A_423 = tpu.vector_load %arg8[%swap3A_422] {strides = array<i32>} : memref<128xi32, #tpu.memory_space<vmem>>, vector<16xi32>,
        %swap3A_424 = vector.shape_cast %swap3A_423 : vector<16xi32> to vector<16xi32>
        %swap3A_425 = vector.shape_cast %shift_right_logical3A_421 : vector<16xi32> to vector<16xi32>
        tpu.vector_store %arg8[%swap3A_422], %swap3A_425 {strides = array<i32>} : memref<128xi32, #tpu.memory_space<vmem>>, vector<16xi32>,
        %get3A_426 = arith.index_cast %add3A_365 : i32 to index
        %get3A_427 = arith.constant 48 : index
        %get3A_428 = tpu.vector_load %arg6[%get3A_426, %get3A_427] {strides = array<i32>} : memref<80x128xi32, #tpu.memory_space<vmem>>, vector<1x16xi32>,
        %get3A_429 = vector.shape_cast %get3A_428 : vector<1x16xi32> to vector<16xi32>
        %and3A_430 = arith.constant 65535 : i32
        %and3A_431 = vector.broadcast %and3A_430 : i32 to vector<16xi32>
        %and3A_432 = arith.andi %get3A_429, %and3A_431 : vector<16xi32>
        %add3A_433 = vector.broadcast %mul3A_4 : i32 to vector<16xi32>
        %add3A_434 = arith.addi %and3A_432, %add3A_433 : vector<16xi32>
        %swap3A_435 = arith.constant 48 : index
        %swap3A_436 = tpu.vector_load %arg7[%swap3A_435] {strides = array<i32>} : memref<128xi32, #tpu.memory_space<vmem>>, vector<16xi32>,
        %swap3A_437 = vector.shape_cast %swap3A_436 : vector<16xi32> to vector<16xi32>
        %swap3A_438 = vector.shape_cast %add3A_434 : vector<16xi32> to vector<16xi32>
        tpu.vector_store %arg7[%swap3A_435], %swap3A_438 {strides = array<i32>} : memref<128xi32, #tpu.memory_space<vmem>>, vector<16xi32>,
        %shift_right_logical3A_439 = arith.constant 16 : i32
        %shift_right_logical3A_440 = vector.broadcast %shift_right_logical3A_439 : i32 to vector<16xi32>
        %shift_right_logical3A_441 = arith.shrui %get3A_429, %shift_right_logical3A_440 : vector<16xi32>
        %swap3A_442 = arith.constant 48 : index
        %swap3A_443 = tpu.vector_load %arg8[%swap3A_442] {strides = array<i32>} : memref<128xi32, #tpu.memory_space<vmem>>, vector<16xi32>,
        %swap3A_444 = vector.shape_cast %swap3A_443 : vector<16xi32> to vector<16xi32>
        %swap3A_445 = vector.shape_cast %shift_right_logical3A_441 : vector<16xi32> to vector<16xi32>
        tpu.vector_store %arg8[%swap3A_442], %swap3A_445 {strides = array<i32>} : memref<128xi32, #tpu.memory_space<vmem>>, vector<16xi32>,
        %get3A_446 = arith.index_cast %add3A_365 : i32 to index
        %get3A_447 = arith.constant 64 : index
        %get3A_448 = tpu.vector_load %arg6[%get3A_446, %get3A_447] {strides = array<i32>} : memref<80x128xi32, #tpu.memory_space<vmem>>, vector<1x16xi32>,
        %get3A_449 = vector.shape_cast %get3A_448 : vector<1x16xi32> to vector<16xi32>
        %and3A_450 = arith.constant 65535 : i32
        %and3A_451 = vector.broadcast %and3A_450 : i32 to vector<16xi32>
        %and3A_452 = arith.andi %get3A_449, %and3A_451 : vector<16xi32>
        %add3A_453 = vector.broadcast %mul3A_4 : i32 to vector<16xi32>
        %add3A_454 = arith.addi %and3A_452, %add3A_453 : vector<16xi32>
        %swap3A_455 = arith.constant 64 : index
        %swap3A_456 = tpu.vector_load %arg7[%swap3A_455] {strides = array<i32>} : memref<128xi32, #tpu.memory_space<vmem>>, vector<16xi32>,
        %swap3A_457 = vector.shape_cast %swap3A_456 : vector<16xi32> to vector<16xi32>
        %swap3A_458 = vector.shape_cast %add3A_454 : vector<16xi32> to vector<16xi32>
        tpu.vector_store %arg7[%swap3A_455], %swap3A_458 {strides = array<i32>} : memref<128xi32, #tpu.memory_space<vmem>>, vector<16xi32>,
        %shift_right_logical3A_459 = arith.constant 16 : i32
        %shift_right_logical3A_460 = vector.broadcast %shift_right_logical3A_459 : i32 to vector<16xi32>
        %shift_right_logical3A_461 = arith.shrui %get3A_449, %shift_right_logical3A_460 : vector<16xi32>
        %swap3A_462 = arith.constant 64 : index
        %swap3A_463 = tpu.vector_load %arg8[%swap3A_462] {strides = array<i32>} : memref<128xi32, #tpu.memory_space<vmem>>, vector<16xi32>,
        %swap3A_464 = vector.shape_cast %swap3A_463 : vector<16xi32> to vector<16xi32>
        %swap3A_465 = vector.shape_cast %shift_right_logical3A_461 : vector<16xi32> to vector<16xi32>
        tpu.vector_store %arg8[%swap3A_462], %swap3A_465 {strides = array<i32>} : memref<128xi32, #tpu.memory_space<vmem>>, vector<16xi32>,
        %get3A_466 = arith.index_cast %add3A_365 : i32 to index
        %get3A_467 = arith.constant 80 : index
        %get3A_468 = tpu.vector_load %arg6[%get3A_466, %get3A_467] {strides = array<i32>} : memref<80x128xi32, #tpu.memory_space<vmem>>, vector<1x16xi32>,
        %get3A_469 = vector.shape_cast %get3A_468 : vector<1x16xi32> to vector<16xi32>
        %and3A_470 = arith.constant 65535 : i32
        %and3A_471 = vector.broadcast %and3A_470 : i32 to vector<16xi32>
        %and3A_472 = arith.andi %get3A_469, %and3A_471 : vector<16xi32>
        %add3A_473 = vector.broadcast %mul3A_4 : i32 to vector<16xi32>
        %add3A_474 = arith.addi %and3A_472, %add3A_473 : vector<16xi32>
        %swap3A_475 = arith.constant 80 : index
        %swap3A_476 = tpu.vector_load %arg7[%swap3A_475] {strides = array<i32>} : memref<128xi32, #tpu.memory_space<vmem>>, vector<16xi32>,
        %swap3A_477 = vector.shape_cast %swap3A_476 : vector<16xi32> to vector<16xi32>
        %swap3A_478 = vector.shape_cast %add3A_474 : vector<16xi32> to vector<16xi32>
        tpu.vector_store %arg7[%swap3A_475], %swap3A_478 {strides = array<i32>} : memref<128xi32, #tpu.memory_space<vmem>>, vector<16xi32>,
        %shift_right_logical3A_479 = arith.constant 16 : i32
        %shift_right_logical3A_480 = vector.broadcast %shift_right_logical3A_479 : i32 to vector<16xi32>
        %shift_right_logical3A_481 = arith.shrui %get3A_469, %shift_right_logical3A_480 : vector<16xi32>
        %swap3A_482 = arith.constant 80 : index
        %swap3A_483 = tpu.vector_load %arg8[%swap3A_482] {strides = array<i32>} : memref<128xi32, #tpu.memory_space<vmem>>, vector<16xi32>,
        %swap3A_484 = vector.shape_cast %swap3A_483 : vector<16xi32> to vector<16xi32>
        %swap3A_485 = vector.shape_cast %shift_right_logical3A_481 : vector<16xi32> to vector<16xi32>
        tpu.vector_store %arg8[%swap3A_482], %swap3A_485 {strides = array<i32>} : memref<128xi32, #tpu.memory_space<vmem>>, vector<16xi32>,
        %get3A_486 = arith.index_cast %add3A_365 : i32 to index
        %get3A_487 = arith.constant 96 : index
        %get3A_488 = tpu.vector_load %arg6[%get3A_486, %get3A_487] {strides = array<i32>} : memref<80x128xi32, #tpu.memory_space<vmem>>, vector<1x16xi32>,
        %get3A_489 = vector.shape_cast %get3A_488 : vector<1x16xi32> to vector<16xi32>
        %and3A_490 = arith.constant 65535 : i32
        %and3A_491 = vector.broadcast %and3A_490 : i32 to vector<16xi32>
        %and3A_492 = arith.andi %get3A_489, %and3A_491 : vector<16xi32>
        %add3A_493 = vector.broadcast %mul3A_4 : i32 to vector<16xi32>
        %add3A_494 = arith.addi %and3A_492, %add3A_493 : vector<16xi32>
        %swap3A_495 = arith.constant 96 : index
        %swap3A_496 = tpu.vector_load %arg7[%swap3A_495] {strides = array<i32>} : memref<128xi32, #tpu.memory_space<vmem>>, vector<16xi32>,
        %swap3A_497 = vector.shape_cast %swap3A_496 : vector<16xi32> to vector<16xi32>
        %swap3A_498 = vector.shape_cast %add3A_494 : vector<16xi32> to vector<16xi32>
        tpu.vector_store %arg7[%swap3A_495], %swap3A_498 {strides = array<i32>} : memref<128xi32, #tpu.memory_space<vmem>>, vector<16xi32>,
        %shift_right_logical3A_499 = arith.constant 16 : i32
        %shift_right_logical3A_500 = vector.broadcast %shift_right_logical3A_499 : i32 to vector<16xi32>
        %shift_right_logical3A_501 = arith.shrui %get3A_489, %shift_right_logical3A_500 : vector<16xi32>
        %swap3A_502 = arith.constant 96 : index
        %swap3A_503 = tpu.vector_load %arg8[%swap3A_502] {strides = array<i32>} : memref<128xi32, #tpu.memory_space<vmem>>, vector<16xi32>,
        %swap3A_504 = vector.shape_cast %swap3A_503 : vector<16xi32> to vector<16xi32>
        %swap3A_505 = vector.shape_cast %shift_right_logical3A_501 : vector<16xi32> to vector<16xi32>
        tpu.vector_store %arg8[%swap3A_502], %swap3A_505 {strides = array<i32>} : memref<128xi32, #tpu.memory_space<vmem>>, vector<16xi32>,
        %get3A_506 = arith.index_cast %add3A_365 : i32 to index
        %get3A_507 = arith.constant 112 : index
        %get3A_508 = tpu.vector_load %arg6[%get3A_506, %get3A_507] {strides = array<i32>} : memref<80x128xi32, #tpu.memory_space<vmem>>, vector<1x16xi32>,
        %get3A_509 = vector.shape_cast %get3A_508 : vector<1x16xi32> to vector<16xi32>
        %and3A_510 = arith.constant 65535 : i32
        %and3A_511 = vector.broadcast %and3A_510 : i32 to vector<16xi32>
        %and3A_512 = arith.andi %get3A_509, %and3A_511 : vector<16xi32>
        %add3A_513 = vector.broadcast %mul3A_4 : i32 to vector<16xi32>
        %add3A_514 = arith.addi %and3A_512, %add3A_513 : vector<16xi32>
        %swap3A_515 = arith.constant 112 : index
        %swap3A_516 = tpu.vector_load %arg7[%swap3A_515] {strides = array<i32>} : memref<128xi32, #tpu.memory_space<vmem>>, vector<16xi32>,
        %swap3A_517 = vector.shape_cast %swap3A_516 : vector<16xi32> to vector<16xi32>
        %swap3A_518 = vector.shape_cast %add3A_514 : vector<16xi32> to vector<16xi32>
        tpu.vector_store %arg7[%swap3A_515], %swap3A_518 {strides = array<i32>} : memref<128xi32, #tpu.memory_space<vmem>>, vector<16xi32>,
        %shift_right_logical3A_519 = arith.constant 16 : i32
        %shift_right_logical3A_520 = vector.broadcast %shift_right_logical3A_519 : i32 to vector<16xi32>
        %shift_right_logical3A_521 = arith.shrui %get3A_509, %shift_right_logical3A_520 : vector<16xi32>
        %swap3A_522 = arith.constant 112 : index
        %swap3A_523 = tpu.vector_load %arg8[%swap3A_522] {strides = array<i32>} : memref<128xi32, #tpu.memory_space<vmem>>, vector<16xi32>,
        %swap3A_524 = vector.shape_cast %swap3A_523 : vector<16xi32> to vector<16xi32>
        %swap3A_525 = vector.shape_cast %shift_right_logical3A_521 : vector<16xi32> to vector<16xi32>
        tpu.vector_store %arg8[%swap3A_522], %swap3A_525 {strides = array<i32>} : memref<128xi32, #tpu.memory_space<vmem>>, vector<16xi32>,
      } else {
      }
      %dma_wait3A_354 = arith.constant 0 : i32
      %dma_wait3A_355 = arith.constant 0 : i32
      %dma_wait3A_356 = tpu.memref_slice %arg2[%dma_wait3A_354, %dma_wait3A_355] : memref<20000x128xf32, #tpu.memory_space<hbm>> -> memref<20000x128xf32, #tpu.memory_space<hbm>>
      tpu.wait_indirect_dma semaphore(%arg15 : memref<!tpu.dma_semaphore, #tpu.memory_space<semaphore_mem>>) src(%dma_wait3A_356 : memref<20000x128xf32, #tpu.memory_space<hbm>>) dst(%arg12 : memref<128x128xf32, #tpu.memory_space<vmem>>)
      %add3A_357 = arith.constant 1 : i32
      %add3A_358 = arith.addi %scan3A_180, %add3A_357 : i32
      %lt3A_359 = arith.constant 40 : i32
      %lt3A_360 = arith.cmpi slt, %add3A_358, %lt3A_359 : i32
      %convert_element_type3A_361 = arith.extui %lt3A_360 : i1 to i32
      %cond3A_362 = arith.constant 0 : i32
      %cond3A_363 = arith.cmpi ne, %convert_element_type3A_361, %cond3A_362 : i32
      scf.if %cond3A_363 {
        %dma_start3A_364 = arith.constant 0 : i32
        %dma_start3A_365 = arith.constant 0 : i32
        %dma_start3A_366 = tpu.memref_slice %arg2[%dma_start3A_364, %dma_start3A_365] : memref<20000x128xf32, #tpu.memory_space<hbm>> -> memref<20000x128xf32, #tpu.memory_space<hbm>>
        tpu.enqueue_indirect_dma source(%dma_start3A_366 : memref<20000x128xf32, #tpu.memory_space<hbm>>) target(%arg11 : memref<128x128xf32, #tpu.memory_space<vmem>>) offsets(%arg7 : memref<128xi32, #tpu.memory_space<vmem>>) semaphore(%arg14 : memref<!tpu.dma_semaphore, #tpu.memory_space<semaphore_mem>>)
      } else {
      }
      "tpu.region"() ({
        %run_scoped3A = tpu.sem_alloc : memref<!tpu.dma_semaphore, #tpu.memory_space<semaphore_mem>>
        %dma_start3A_364 = arith.constant 0 : i32
        %dma_start3A_365 = arith.constant 0 : i32
        %dma_start3A_366 = tpu.memref_slice %arg13[%dma_start3A_364, %dma_start3A_365] : memref<10240x128xf32, #tpu.memory_space<vmem_shared>> -> memref<10240x128xf32, #tpu.memory_space<vmem_shared>>
        tpu.enqueue_indirect_dma source(%arg12 : memref<128x128xf32, #tpu.memory_space<vmem>>) target(%dma_start3A_366 : memref<10240x128xf32, #tpu.memory_space<vmem_shared>>) offsets(%arg10 : memref<128xi32, #tpu.memory_space<vmem>>) semaphore(%run_scoped3A : memref<!tpu.dma_semaphore, #tpu.memory_space<semaphore_mem>>) {add = true}
        %dma_wait3A_367 = arith.constant 0 : i32
        %dma_wait3A_368 = arith.constant 0 : i32
        %dma_wait3A_369 = tpu.memref_slice %arg13[%dma_wait3A_367, %dma_wait3A_368] : memref<10240x128xf32, #tpu.memory_space<vmem_shared>> -> memref<10240x128xf32, #tpu.memory_space<vmem_shared>>
        tpu.wait_indirect_dma semaphore(%run_scoped3A : memref<!tpu.dma_semaphore, #tpu.memory_space<semaphore_mem>>) src(%arg12 : memref<128x128xf32, #tpu.memory_space<vmem>>) dst(%dma_wait3A_369 : memref<10240x128xf32, #tpu.memory_space<vmem_shared>>)
        tpu.yield
      }) : () -> ()
    }
    %scan3A_174 = arith.constant 40 : i32
    %barrier3A_175 = arith.constant 0 : index
    tpu.barrier barrier_id(%barrier3A_175)
    %mul3A_176 = arith.constant 640 : i32
    %mul3A_177 = arith.muli %arg1, %mul3A_176 : i32
    %mul3A_178 = arith.constant 640 : i32
    %mul3A_179 = arith.muli %arg1, %mul3A_178 : i32
    "tpu.region"() ({
      %run_scoped3A = tpu.sem_alloc : memref<!tpu.dma_semaphore, #tpu.memory_space<semaphore_mem>>
      %dma_start3A_180 = arith.constant 0 : i32
      %dma_start3A_181 = tpu.memref_slice %arg5[%arg0, %mul3A_179, %dma_start3A_180] : memref<2x10240x128xf32, #tpu.memory_space<hbm>> -> memref<1x640x128xf32, #tpu.memory_space<hbm>>
      %dma_start3A_182 = tpu.memref_squeeze %dma_start3A_181 : memref<1x640x128xf32, #tpu.memory_space<hbm>> -> memref<640x128xf32, #tpu.memory_space<hbm>>
      %dma_start3A_183 = arith.constant 0 : i32
      %dma_start3A_184 = tpu.memref_slice %arg13[%mul3A_177, %dma_start3A_183] : memref<10240x128xf32, #tpu.memory_space<vmem_shared>> -> memref<640x128xf32, #tpu.memory_space<vmem_shared>>
      tpu.enqueue_dma source(%dma_start3A_184 : memref<640x128xf32, #tpu.memory_space<vmem_shared>>) target(%dma_start3A_182 : memref<640x128xf32, #tpu.memory_space<hbm>>) target_semaphore(%run_scoped3A : memref<!tpu.dma_semaphore, #tpu.memory_space<semaphore_mem>>)
      %dma_wait3A = arith.constant 0 : i32
      %dma_wait3A_185 = tpu.memref_slice %arg5[%arg0, %mul3A_179, %dma_wait3A] : memref<2x10240x128xf32, #tpu.memory_space<hbm>> -> memref<1x640x128xf32, #tpu.memory_space<hbm>>
      %dma_wait3A_186 = tpu.memref_squeeze %dma_wait3A_185 : memref<1x640x128xf32, #tpu.memory_space<hbm>> -> memref<640x128xf32, #tpu.memory_space<hbm>>
      %dma_wait3A_187 = arith.constant 0 : i32
      %dma_wait3A_188 = tpu.memref_slice %arg13[%mul3A_177, %dma_wait3A_187] : memref<10240x128xf32, #tpu.memory_space<vmem_shared>> -> memref<640x128xf32, #tpu.memory_space<vmem_shared>>
      tpu.wait_dma2 semaphore(%run_scoped3A : memref<!tpu.dma_semaphore, #tpu.memory_space<semaphore_mem>>) src(%dma_wait3A_188 : memref<640x128xf32, #tpu.memory_space<vmem_shared>>) dst(%dma_wait3A_186 : memref<640x128xf32, #tpu.memory_space<hbm>>)
      tpu.yield
    }) : () -> ()
    return
  }
}

#map = affine_map<(d0, d1) -> (0, 0)>
module attributes {stable_mosaic.version = 14 : i64} {
  func.func @_sc_deg(%arg0: i32, %arg1: i32, %arg2: memref<1280x128xi32, #tpu.memory_space<hbm>>, %arg3: memref<128x128xf32, #tpu.memory_space<hbm>>, %arg4: memref<640x128xf32, #tpu.memory_space<hbm>>, %arg5: memref<10240x128xf32, #tpu.memory_space<hbm>>, %arg6: memref<80x128xi32, #tpu.memory_space<vmem>>, %arg7: memref<128x128xf32, #tpu.memory_space<vmem>>, %arg8: memref<10240x128xf32, #tpu.memory_space<vmem_shared>>, %arg9: memref<!tpu.dma_semaphore, #tpu.memory_space<semaphore_mem>>) attributes {dimension_semantics = [#tpu.dimension_semantics<core_parallel>, #tpu.dimension_semantics<subcore_parallel>], iteration_bounds = array<i64: 2, 16>, scalar_prefetch = 0 : i64, scratch_operands = 4 : i64, tpu.core_type = #tpu.core_type<sc_vector_subcore>, window_params = [{transform_indices = #map}, {transform_indices = #map}, {transform_indices = #map}, {transform_indices = #map}]} {
    %mul3A = arith.constant 80 : i32
    %mul3A_0 = arith.muli %arg1, %mul3A : i32
    "tpu.region"() ({
      %run_scoped3A = tpu.sem_alloc : memref<!tpu.dma_semaphore, #tpu.memory_space<semaphore_mem>>
      %dma_start3A = arith.constant 0 : i32
      %dma_start3A_11 = tpu.memref_slice %arg2[%mul3A_0, %dma_start3A] : memref<1280x128xi32, #tpu.memory_space<hbm>> -> memref<80x128xi32, #tpu.memory_space<hbm>>
      %dma_start3A_12 = arith.constant 0 : i32
      %dma_start3A_13 = tpu.memref_slice %arg2[%mul3A_0, %dma_start3A_12] : memref<1280x128xi32, #tpu.memory_space<hbm>> -> memref<80x128xi32, #tpu.memory_space<hbm>>
      tpu.enqueue_dma source(%dma_start3A_13 : memref<80x128xi32, #tpu.memory_space<hbm>>) target(%arg6 : memref<80x128xi32, #tpu.memory_space<vmem>>) target_semaphore(%run_scoped3A : memref<!tpu.dma_semaphore, #tpu.memory_space<semaphore_mem>>)
      %dma_wait3A = arith.constant 0 : i32
      %dma_wait3A_14 = tpu.memref_slice %arg2[%mul3A_0, %dma_wait3A] : memref<1280x128xi32, #tpu.memory_space<hbm>> -> memref<80x128xi32, #tpu.memory_space<hbm>>
      %dma_wait3A_15 = arith.constant 0 : i32
      %dma_wait3A_16 = tpu.memref_slice %arg2[%mul3A_0, %dma_wait3A_15] : memref<1280x128xi32, #tpu.memory_space<hbm>> -> memref<80x128xi32, #tpu.memory_space<hbm>>
      tpu.wait_dma2 semaphore(%run_scoped3A : memref<!tpu.dma_semaphore, #tpu.memory_space<semaphore_mem>>) src(%dma_wait3A_16 : memref<80x128xi32, #tpu.memory_space<hbm>>) dst(%arg6 : memref<80x128xi32, #tpu.memory_space<vmem>>)
      tpu.yield
    }) : () -> ()
    "tpu.region"() ({
      %run_scoped3A = tpu.sem_alloc : memref<!tpu.dma_semaphore, #tpu.memory_space<semaphore_mem>>
      tpu.enqueue_dma source(%arg3 : memref<128x128xf32, #tpu.memory_space<hbm>>) target(%arg7 : memref<128x128xf32, #tpu.memory_space<vmem>>) target_semaphore(%run_scoped3A : memref<!tpu.dma_semaphore, #tpu.memory_space<semaphore_mem>>)
      tpu.wait_dma2 semaphore(%run_scoped3A : memref<!tpu.dma_semaphore, #tpu.memory_space<semaphore_mem>>) src(%arg3 : memref<128x128xf32, #tpu.memory_space<hbm>>) dst(%arg7 : memref<128x128xf32, #tpu.memory_space<vmem>>)
      tpu.yield
    }) : () -> ()
    %mul3A_1 = arith.constant 640 : i32
    %mul3A_2 = arith.muli %arg1, %mul3A_1 : i32
    "tpu.region"() ({
      %run_scoped3A = tpu.sem_alloc : memref<!tpu.dma_semaphore, #tpu.memory_space<semaphore_mem>>
      %dma_start3A = arith.constant 0 : i32
      %dma_start3A_11 = tpu.memref_slice %arg8[%mul3A_2, %dma_start3A] : memref<10240x128xf32, #tpu.memory_space<vmem_shared>> -> memref<640x128xf32, #tpu.memory_space<vmem_shared>>
      tpu.enqueue_dma source(%arg4 : memref<640x128xf32, #tpu.memory_space<hbm>>) target(%dma_start3A_11 : memref<640x128xf32, #tpu.memory_space<vmem_shared>>) target_semaphore(%run_scoped3A : memref<!tpu.dma_semaphore, #tpu.memory_space<semaphore_mem>>)
      %dma_wait3A = arith.constant 0 : i32
      %dma_wait3A_12 = tpu.memref_slice %arg8[%mul3A_2, %dma_wait3A] : memref<10240x128xf32, #tpu.memory_space<vmem_shared>> -> memref<640x128xf32, #tpu.memory_space<vmem_shared>>
      tpu.wait_dma2 semaphore(%run_scoped3A : memref<!tpu.dma_semaphore, #tpu.memory_space<semaphore_mem>>) src(%arg4 : memref<640x128xf32, #tpu.memory_space<hbm>>) dst(%dma_wait3A_12 : memref<640x128xf32, #tpu.memory_space<vmem_shared>>)
      tpu.yield
    }) : () -> ()
    %barrier3A = arith.constant 0 : index
    tpu.barrier barrier_id(%barrier3A)
    %scan3A = arith.constant 0 : i32
    %scan3A_3 = arith.constant 0 : i32
    %scan3A_4 = arith.constant 80 : i32
    %scan3A_5 = arith.addi %scan3A_3, %scan3A_4 : i32
    %scan3A_6 = arith.constant 1 : i32
    scf.for %scan3A_11 = %scan3A_3 to %scan3A_5 step %scan3A_6  : i32 {
      "tpu.region"() ({
        %run_scoped3A = tpu.sem_alloc : memref<!tpu.dma_semaphore, #tpu.memory_space<semaphore_mem>>
        %dma_start3A = arith.constant 0 : i32
        %dma_start3A_12 = tpu.memref_slice %arg6[%scan3A_11, %dma_start3A] : memref<80x128xi32, #tpu.memory_space<vmem>> -> memref<1x128xi32, #tpu.memory_space<vmem>>
        %dma_start3A_13 = tpu.memref_squeeze %dma_start3A_12 : memref<1x128xi32, #tpu.memory_space<vmem>> -> memref<128xi32, #tpu.memory_space<vmem>>
        %dma_start3A_14 = arith.constant 0 : i32
        %dma_start3A_15 = arith.constant 0 : i32
        %dma_start3A_16 = tpu.memref_slice %arg8[%dma_start3A_14, %dma_start3A_15] : memref<10240x128xf32, #tpu.memory_space<vmem_shared>> -> memref<10240x128xf32, #tpu.memory_space<vmem_shared>>
        tpu.enqueue_indirect_dma source(%arg7 : memref<128x128xf32, #tpu.memory_space<vmem>>) target(%dma_start3A_16 : memref<10240x128xf32, #tpu.memory_space<vmem_shared>>) offsets(%dma_start3A_13 : memref<128xi32, #tpu.memory_space<vmem>>) semaphore(%run_scoped3A : memref<!tpu.dma_semaphore, #tpu.memory_space<semaphore_mem>>) {add = true}
        %dma_wait3A = arith.constant 0 : i32
        %dma_wait3A_17 = tpu.memref_slice %arg6[%scan3A_11, %dma_wait3A] : memref<80x128xi32, #tpu.memory_space<vmem>> -> memref<1x128xi32, #tpu.memory_space<vmem>>
        %dma_wait3A_18 = tpu.memref_squeeze %dma_wait3A_17 : memref<1x128xi32, #tpu.memory_space<vmem>> -> memref<128xi32, #tpu.memory_space<vmem>>
        %dma_wait3A_19 = arith.constant 0 : i32
        %dma_wait3A_20 = arith.constant 0 : i32
        %dma_wait3A_21 = tpu.memref_slice %arg8[%dma_wait3A_19, %dma_wait3A_20] : memref<10240x128xf32, #tpu.memory_space<vmem_shared>> -> memref<10240x128xf32, #tpu.memory_space<vmem_shared>>
        tpu.wait_indirect_dma semaphore(%run_scoped3A : memref<!tpu.dma_semaphore, #tpu.memory_space<semaphore_mem>>) src(%arg7 : memref<128x128xf32, #tpu.memory_space<vmem>>) dst(%dma_wait3A_21 : memref<10240x128xf32, #tpu.memory_space<vmem_shared>>)
        tpu.yield
      }) : () -> ()
    }
    %scan3A_7 = arith.constant 80 : i32
    %barrier3A_8 = arith.constant 0 : index
    tpu.barrier barrier_id(%barrier3A_8)
    %eq3A = arith.constant 0 : i32
    %eq3A_9 = arith.cmpi eq, %arg0, %eq3A : i32
    %convert_element_type3A = arith.extui %eq3A_9 : i1 to i32
    %cond3A = arith.constant 0 : i32
    %cond3A_10 = arith.cmpi ne, %convert_element_type3A, %cond3A : i32
    scf.if %cond3A_10 {
      %mul3A_11 = arith.constant 640 : i32
      %mul3A_12 = arith.muli %arg1, %mul3A_11 : i32
      %mul3A_13 = arith.constant 640 : i32
      %mul3A_14 = arith.muli %arg1, %mul3A_13 : i32
      "tpu.region"() ({
        %run_scoped3A = tpu.sem_alloc : memref<!tpu.dma_semaphore, #tpu.memory_space<semaphore_mem>>
        %dma_start3A = arith.constant 0 : i32
        %dma_start3A_15 = tpu.memref_slice %arg5[%mul3A_14, %dma_start3A] : memref<10240x128xf32, #tpu.memory_space<hbm>> -> memref<640x128xf32, #tpu.memory_space<hbm>>
        %dma_start3A_16 = arith.constant 0 : i32
        %dma_start3A_17 = tpu.memref_slice %arg8[%mul3A_12, %dma_start3A_16] : memref<10240x128xf32, #tpu.memory_space<vmem_shared>> -> memref<640x128xf32, #tpu.memory_space<vmem_shared>>
        tpu.enqueue_dma source(%dma_start3A_17 : memref<640x128xf32, #tpu.memory_space<vmem_shared>>) target(%dma_start3A_15 : memref<640x128xf32, #tpu.memory_space<hbm>>) target_semaphore(%run_scoped3A : memref<!tpu.dma_semaphore, #tpu.memory_space<semaphore_mem>>)
        %dma_wait3A = arith.constant 0 : i32
        %dma_wait3A_18 = tpu.memref_slice %arg5[%mul3A_14, %dma_wait3A] : memref<10240x128xf32, #tpu.memory_space<hbm>> -> memref<640x128xf32, #tpu.memory_space<hbm>>
        %dma_wait3A_19 = arith.constant 0 : i32
        %dma_wait3A_20 = tpu.memref_slice %arg8[%mul3A_12, %dma_wait3A_19] : memref<10240x128xf32, #tpu.memory_space<vmem_shared>> -> memref<640x128xf32, #tpu.memory_space<vmem_shared>>
        tpu.wait_dma2 semaphore(%run_scoped3A : memref<!tpu.dma_semaphore, #tpu.memory_space<semaphore_mem>>) src(%dma_wait3A_20 : memref<640x128xf32, #tpu.memory_space<vmem_shared>>) dst(%dma_wait3A_18 : memref<640x128xf32, #tpu.memory_space<hbm>>)
        tpu.yield
      }) : () -> ()
    } else {
    }
    return
  }
}

#map = affine_map<(d0, d1) -> (0, 0)>
#map1 = affine_map<(d0, d1) -> (0, 0, 0)>
module attributes {stable_mosaic.version = 14 : i64} {
  func.func @_sc_agg(%arg0: i32, %arg1: i32, %arg2: memref<20000x128xf32, #tpu.memory_space<hbm>>, %arg3: memref<1280x128xi32, #tpu.memory_space<hbm>>, %arg4: memref<640x128xf32, #tpu.memory_space<hbm>>, %arg5: memref<2x10240x128xf32, #tpu.memory_space<hbm>>, %arg6: memref<80x128xi32, #tpu.memory_space<vmem>>, %arg7: memref<128xi32, #tpu.memory_space<vmem>>, %arg8: memref<128xi32, #tpu.memory_space<vmem>>, %arg9: memref<128xi32, #tpu.memory_space<vmem>>, %arg10: memref<128xi32, #tpu.memory_space<vmem>>, %arg11: memref<128x128xf32, #tpu.memory_space<vmem>>, %arg12: memref<128x128xf32, #tpu.memory_space<vmem>>, %arg13: memref<10240x128xf32, #tpu.memory_space<vmem_shared>>, %arg14: memref<!tpu.dma_semaphore, #tpu.memory_space<semaphore_mem>>, %arg15: memref<!tpu.dma_semaphore, #tpu.memory_space<semaphore_mem>>) attributes {dimension_semantics = [#tpu.dimension_semantics<core_parallel>, #tpu.dimension_semantics<subcore_parallel>], iteration_bounds = array<i64: 2, 16>, scalar_prefetch = 0 : i64, scratch_operands = 10 : i64, tpu.core_type = #tpu.core_type<sc_vector_subcore>, window_params = [{transform_indices = #map}, {transform_indices = #map}, {transform_indices = #map}, {transform_indices = #map1}]} {
    %mul3A = arith.constant 80 : i32
    %mul3A_0 = arith.muli %arg1, %mul3A : i32
    "tpu.region"() ({
      %run_scoped3A = tpu.sem_alloc : memref<!tpu.dma_semaphore, #tpu.memory_space<semaphore_mem>>
      %dma_start3A_180 = arith.constant 0 : i32
      %dma_start3A_181 = tpu.memref_slice %arg3[%mul3A_0, %dma_start3A_180] : memref<1280x128xi32, #tpu.memory_space<hbm>> -> memref<80x128xi32, #tpu.memory_space<hbm>>
      %dma_start3A_182 = arith.constant 0 : i32
      %dma_start3A_183 = tpu.memref_slice %arg3[%mul3A_0, %dma_start3A_182] : memref<1280x128xi32, #tpu.memory_space<hbm>> -> memref<80x128xi32, #tpu.memory_space<hbm>>
      tpu.enqueue_dma source(%dma_start3A_183 : memref<80x128xi32, #tpu.memory_space<hbm>>) target(%arg6 : memref<80x128xi32, #tpu.memory_space<vmem>>) target_semaphore(%run_scoped3A : memref<!tpu.dma_semaphore, #tpu.memory_space<semaphore_mem>>)
      %dma_wait3A = arith.constant 0 : i32
      %dma_wait3A_184 = tpu.memref_slice %arg3[%mul3A_0, %dma_wait3A] : memref<1280x128xi32, #tpu.memory_space<hbm>> -> memref<80x128xi32, #tpu.memory_space<hbm>>
      %dma_wait3A_185 = arith.constant 0 : i32
      %dma_wait3A_186 = tpu.memref_slice %arg3[%mul3A_0, %dma_wait3A_185] : memref<1280x128xi32, #tpu.memory_space<hbm>> -> memref<80x128xi32, #tpu.memory_space<hbm>>
      tpu.wait_dma2 semaphore(%run_scoped3A : memref<!tpu.dma_semaphore, #tpu.memory_space<semaphore_mem>>) src(%dma_wait3A_186 : memref<80x128xi32, #tpu.memory_space<hbm>>) dst(%arg6 : memref<80x128xi32, #tpu.memory_space<vmem>>)
      tpu.yield
    }) : () -> ()
    %mul3A_1 = arith.constant 640 : i32
    %mul3A_2 = arith.muli %arg1, %mul3A_1 : i32
    "tpu.region"() ({
      %run_scoped3A = tpu.sem_alloc : memref<!tpu.dma_semaphore, #tpu.memory_space<semaphore_mem>>
      %dma_start3A_180 = arith.constant 0 : i32
      %dma_start3A_181 = tpu.memref_slice %arg13[%mul3A_2, %dma_start3A_180] : memref<10240x128xf32, #tpu.memory_space<vmem_shared>> -> memref<640x128xf32, #tpu.memory_space<vmem_shared>>
      tpu.enqueue_dma source(%arg4 : memref<640x128xf32, #tpu.memory_space<hbm>>) target(%dma_start3A_181 : memref<640x128xf32, #tpu.memory_space<vmem_shared>>) target_semaphore(%run_scoped3A : memref<!tpu.dma_semaphore, #tpu.memory_space<semaphore_mem>>)
      %dma_wait3A = arith.constant 0 : i32
      %dma_wait3A_182 = tpu.memref_slice %arg13[%mul3A_2, %dma_wait3A] : memref<10240x128xf32, #tpu.memory_space<vmem_shared>> -> memref<640x128xf32, #tpu.memory_space<vmem_shared>>
      tpu.wait_dma2 semaphore(%run_scoped3A : memref<!tpu.dma_semaphore, #tpu.memory_space<semaphore_mem>>) src(%arg4 : memref<640x128xf32, #tpu.memory_space<hbm>>) dst(%dma_wait3A_182 : memref<640x128xf32, #tpu.memory_space<vmem_shared>>)
      tpu.yield
    }) : () -> ()
    %barrier3A = arith.constant 0 : index
    tpu.barrier barrier_id(%barrier3A)
    %mul3A_3 = arith.constant 10000 : i32
    %mul3A_4 = arith.muli %arg0, %mul3A_3 : i32
    %get3A = arith.constant 0 : i32
    %get3A_5 = arith.index_cast %get3A : i32 to index
    %get3A_6 = arith.constant 0 : index
    %get3A_7 = tpu.vector_load %arg6[%get3A_5, %get3A_6] {strides = array<i32>} : memref<80x128xi32, #tpu.memory_space<vmem>>, vector<1x16xi32>,
    %get3A_8 = vector.shape_cast %get3A_7 : vector<1x16xi32> to vector<16xi32>
    %and3A = arith.constant 65535 : i32
    %and3A_9 = vector.broadcast %and3A : i32 to vector<16xi32>
    %and3A_10 = arith.andi %get3A_8, %and3A_9 : vector<16xi32>
    %add3A = vector.broadcast %mul3A_4 : i32 to vector<16xi32>
    %add3A_11 = arith.addi %and3A_10, %add3A : vector<16xi32>
    %swap3A = arith.constant 0 : index
    %swap3A_12 = tpu.vector_load %arg7[%swap3A] {strides = array<i32>} : memref<128xi32, #tpu.memory_space<vmem>>, vector<16xi32>,
    %swap3A_13 = vector.shape_cast %swap3A_12 : vector<16xi32> to vector<16xi32>
    %swap3A_14 = vector.shape_cast %add3A_11 : vector<16xi32> to vector<16xi32>
    tpu.vector_store %arg7[%swap3A], %swap3A_14 {strides = array<i32>} : memref<128xi32, #tpu.memory_space<vmem>>, vector<16xi32>,
    %shift_right_logical3A = arith.constant 16 : i32
    %shift_right_logical3A_15 = vector.broadcast %shift_right_logical3A : i32 to vector<16xi32>
    %shift_right_logical3A_16 = arith.shrui %get3A_8, %shift_right_logical3A_15 : vector<16xi32>
    %swap3A_17 = arith.constant 0 : index
    %swap3A_18 = tpu.vector_load %arg8[%swap3A_17] {strides = array<i32>} : memref<128xi32, #tpu.memory_space<vmem>>, vector<16xi32>,
    %swap3A_19 = vector.shape_cast %swap3A_18 : vector<16xi32> to vector<16xi32>
    %swap3A_20 = vector.shape_cast %shift_right_logical3A_16 : vector<16xi32> to vector<16xi32>
    tpu.vector_store %arg8[%swap3A_17], %swap3A_20 {strides = array<i32>} : memref<128xi32, #tpu.memory_space<vmem>>, vector<16xi32>,
    %get3A_21 = arith.constant 0 : i32
    %get3A_22 = arith.index_cast %get3A_21 : i32 to index
    %get3A_23 = arith.constant 16 : index
    %get3A_24 = tpu.vector_load %arg6[%get3A_22, %get3A_23] {strides = array<i32>} : memref<80x128xi32, #tpu.memory_space<vmem>>, vector<1x16xi32>,
    %get3A_25 = vector.shape_cast %get3A_24 : vector<1x16xi32> to vector<16xi32>
    %and3A_26 = arith.constant 65535 : i32
    %and3A_27 = vector.broadcast %and3A_26 : i32 to vector<16xi32>
    %and3A_28 = arith.andi %get3A_25, %and3A_27 : vector<16xi32>
    %add3A_29 = vector.broadcast %mul3A_4 : i32 to vector<16xi32>
    %add3A_30 = arith.addi %and3A_28, %add3A_29 : vector<16xi32>
    %swap3A_31 = arith.constant 16 : index
    %swap3A_32 = tpu.vector_load %arg7[%swap3A_31] {strides = array<i32>} : memref<128xi32, #tpu.memory_space<vmem>>, vector<16xi32>,
    %swap3A_33 = vector.shape_cast %swap3A_32 : vector<16xi32> to vector<16xi32>
    %swap3A_34 = vector.shape_cast %add3A_30 : vector<16xi32> to vector<16xi32>
    tpu.vector_store %arg7[%swap3A_31], %swap3A_34 {strides = array<i32>} : memref<128xi32, #tpu.memory_space<vmem>>, vector<16xi32>,
    %shift_right_logical3A_35 = arith.constant 16 : i32
    %shift_right_logical3A_36 = vector.broadcast %shift_right_logical3A_35 : i32 to vector<16xi32>
    %shift_right_logical3A_37 = arith.shrui %get3A_25, %shift_right_logical3A_36 : vector<16xi32>
    %swap3A_38 = arith.constant 16 : index
    %swap3A_39 = tpu.vector_load %arg8[%swap3A_38] {strides = array<i32>} : memref<128xi32, #tpu.memory_space<vmem>>, vector<16xi32>,
    %swap3A_40 = vector.shape_cast %swap3A_39 : vector<16xi32> to vector<16xi32>
    %swap3A_41 = vector.shape_cast %shift_right_logical3A_37 : vector<16xi32> to vector<16xi32>
    tpu.vector_store %arg8[%swap3A_38], %swap3A_41 {strides = array<i32>} : memref<128xi32, #tpu.memory_space<vmem>>, vector<16xi32>,
    %get3A_42 = arith.constant 0 : i32
    %get3A_43 = arith.index_cast %get3A_42 : i32 to index
    %get3A_44 = arith.constant 32 : index
    %get3A_45 = tpu.vector_load %arg6[%get3A_43, %get3A_44] {strides = array<i32>} : memref<80x128xi32, #tpu.memory_space<vmem>>, vector<1x16xi32>,
    %get3A_46 = vector.shape_cast %get3A_45 : vector<1x16xi32> to vector<16xi32>
    %and3A_47 = arith.constant 65535 : i32
    %and3A_48 = vector.broadcast %and3A_47 : i32 to vector<16xi32>
    %and3A_49 = arith.andi %get3A_46, %and3A_48 : vector<16xi32>
    %add3A_50 = vector.broadcast %mul3A_4 : i32 to vector<16xi32>
    %add3A_51 = arith.addi %and3A_49, %add3A_50 : vector<16xi32>
    %swap3A_52 = arith.constant 32 : index
    %swap3A_53 = tpu.vector_load %arg7[%swap3A_52] {strides = array<i32>} : memref<128xi32, #tpu.memory_space<vmem>>, vector<16xi32>,
    %swap3A_54 = vector.shape_cast %swap3A_53 : vector<16xi32> to vector<16xi32>
    %swap3A_55 = vector.shape_cast %add3A_51 : vector<16xi32> to vector<16xi32>
    tpu.vector_store %arg7[%swap3A_52], %swap3A_55 {strides = array<i32>} : memref<128xi32, #tpu.memory_space<vmem>>, vector<16xi32>,
    %shift_right_logical3A_56 = arith.constant 16 : i32
    %shift_right_logical3A_57 = vector.broadcast %shift_right_logical3A_56 : i32 to vector<16xi32>
    %shift_right_logical3A_58 = arith.shrui %get3A_46, %shift_right_logical3A_57 : vector<16xi32>
    %swap3A_59 = arith.constant 32 : index
    %swap3A_60 = tpu.vector_load %arg8[%swap3A_59] {strides = array<i32>} : memref<128xi32, #tpu.memory_space<vmem>>, vector<16xi32>,
    %swap3A_61 = vector.shape_cast %swap3A_60 : vector<16xi32> to vector<16xi32>
    %swap3A_62 = vector.shape_cast %shift_right_logical3A_58 : vector<16xi32> to vector<16xi32>
    tpu.vector_store %arg8[%swap3A_59], %swap3A_62 {strides = array<i32>} : memref<128xi32, #tpu.memory_space<vmem>>, vector<16xi32>,
    %get3A_63 = arith.constant 0 : i32
    %get3A_64 = arith.index_cast %get3A_63 : i32 to index
    %get3A_65 = arith.constant 48 : index
    %get3A_66 = tpu.vector_load %arg6[%get3A_64, %get3A_65] {strides = array<i32>} : memref<80x128xi32, #tpu.memory_space<vmem>>, vector<1x16xi32>,
    %get3A_67 = vector.shape_cast %get3A_66 : vector<1x16xi32> to vector<16xi32>
    %and3A_68 = arith.constant 65535 : i32
    %and3A_69 = vector.broadcast %and3A_68 : i32 to vector<16xi32>
    %and3A_70 = arith.andi %get3A_67, %and3A_69 : vector<16xi32>
    %add3A_71 = vector.broadcast %mul3A_4 : i32 to vector<16xi32>
    %add3A_72 = arith.addi %and3A_70, %add3A_71 : vector<16xi32>
    %swap3A_73 = arith.constant 48 : index
    %swap3A_74 = tpu.vector_load %arg7[%swap3A_73] {strides = array<i32>} : memref<128xi32, #tpu.memory_space<vmem>>, vector<16xi32>,
    %swap3A_75 = vector.shape_cast %swap3A_74 : vector<16xi32> to vector<16xi32>
    %swap3A_76 = vector.shape_cast %add3A_72 : vector<16xi32> to vector<16xi32>
    tpu.vector_store %arg7[%swap3A_73], %swap3A_76 {strides = array<i32>} : memref<128xi32, #tpu.memory_space<vmem>>, vector<16xi32>,
    %shift_right_logical3A_77 = arith.constant 16 : i32
    %shift_right_logical3A_78 = vector.broadcast %shift_right_logical3A_77 : i32 to vector<16xi32>
    %shift_right_logical3A_79 = arith.shrui %get3A_67, %shift_right_logical3A_78 : vector<16xi32>
    %swap3A_80 = arith.constant 48 : index
    %swap3A_81 = tpu.vector_load %arg8[%swap3A_80] {strides = array<i32>} : memref<128xi32, #tpu.memory_space<vmem>>, vector<16xi32>,
    %swap3A_82 = vector.shape_cast %swap3A_81 : vector<16xi32> to vector<16xi32>
    %swap3A_83 = vector.shape_cast %shift_right_logical3A_79 : vector<16xi32> to vector<16xi32>
    tpu.vector_store %arg8[%swap3A_80], %swap3A_83 {strides = array<i32>} : memref<128xi32, #tpu.memory_space<vmem>>, vector<16xi32>,
    %get3A_84 = arith.constant 0 : i32
    %get3A_85 = arith.index_cast %get3A_84 : i32 to index
    %get3A_86 = arith.constant 64 : index
    %get3A_87 = tpu.vector_load %arg6[%get3A_85, %get3A_86] {strides = array<i32>} : memref<80x128xi32, #tpu.memory_space<vmem>>, vector<1x16xi32>,
    %get3A_88 = vector.shape_cast %get3A_87 : vector<1x16xi32> to vector<16xi32>
    %and3A_89 = arith.constant 65535 : i32
    %and3A_90 = vector.broadcast %and3A_89 : i32 to vector<16xi32>
    %and3A_91 = arith.andi %get3A_88, %and3A_90 : vector<16xi32>
    %add3A_92 = vector.broadcast %mul3A_4 : i32 to vector<16xi32>
    %add3A_93 = arith.addi %and3A_91, %add3A_92 : vector<16xi32>
    %swap3A_94 = arith.constant 64 : index
    %swap3A_95 = tpu.vector_load %arg7[%swap3A_94] {strides = array<i32>} : memref<128xi32, #tpu.memory_space<vmem>>, vector<16xi32>,
    %swap3A_96 = vector.shape_cast %swap3A_95 : vector<16xi32> to vector<16xi32>
    %swap3A_97 = vector.shape_cast %add3A_93 : vector<16xi32> to vector<16xi32>
    tpu.vector_store %arg7[%swap3A_94], %swap3A_97 {strides = array<i32>} : memref<128xi32, #tpu.memory_space<vmem>>, vector<16xi32>,
    %shift_right_logical3A_98 = arith.constant 16 : i32
    %shift_right_logical3A_99 = vector.broadcast %shift_right_logical3A_98 : i32 to vector<16xi32>
    %shift_right_logical3A_100 = arith.shrui %get3A_88, %shift_right_logical3A_99 : vector<16xi32>
    %swap3A_101 = arith.constant 64 : index
    %swap3A_102 = tpu.vector_load %arg8[%swap3A_101] {strides = array<i32>} : memref<128xi32, #tpu.memory_space<vmem>>, vector<16xi32>,
    %swap3A_103 = vector.shape_cast %swap3A_102 : vector<16xi32> to vector<16xi32>
    %swap3A_104 = vector.shape_cast %shift_right_logical3A_100 : vector<16xi32> to vector<16xi32>
    tpu.vector_store %arg8[%swap3A_101], %swap3A_104 {strides = array<i32>} : memref<128xi32, #tpu.memory_space<vmem>>, vector<16xi32>,
    %get3A_105 = arith.constant 0 : i32
    %get3A_106 = arith.index_cast %get3A_105 : i32 to index
    %get3A_107 = arith.constant 80 : index
    %get3A_108 = tpu.vector_load %arg6[%get3A_106, %get3A_107] {strides = array<i32>} : memref<80x128xi32, #tpu.memory_space<vmem>>, vector<1x16xi32>,
    %get3A_109 = vector.shape_cast %get3A_108 : vector<1x16xi32> to vector<16xi32>
    %and3A_110 = arith.constant 65535 : i32
    %and3A_111 = vector.broadcast %and3A_110 : i32 to vector<16xi32>
    %and3A_112 = arith.andi %get3A_109, %and3A_111 : vector<16xi32>
    %add3A_113 = vector.broadcast %mul3A_4 : i32 to vector<16xi32>
    %add3A_114 = arith.addi %and3A_112, %add3A_113 : vector<16xi32>
    %swap3A_115 = arith.constant 80 : index
    %swap3A_116 = tpu.vector_load %arg7[%swap3A_115] {strides = array<i32>} : memref<128xi32, #tpu.memory_space<vmem>>, vector<16xi32>,
    %swap3A_117 = vector.shape_cast %swap3A_116 : vector<16xi32> to vector<16xi32>
    %swap3A_118 = vector.shape_cast %add3A_114 : vector<16xi32> to vector<16xi32>
    tpu.vector_store %arg7[%swap3A_115], %swap3A_118 {strides = array<i32>} : memref<128xi32, #tpu.memory_space<vmem>>, vector<16xi32>,
    %shift_right_logical3A_119 = arith.constant 16 : i32
    %shift_right_logical3A_120 = vector.broadcast %shift_right_logical3A_119 : i32 to vector<16xi32>
    %shift_right_logical3A_121 = arith.shrui %get3A_109, %shift_right_logical3A_120 : vector<16xi32>
    %swap3A_122 = arith.constant 80 : index
    %swap3A_123 = tpu.vector_load %arg8[%swap3A_122] {strides = array<i32>} : memref<128xi32, #tpu.memory_space<vmem>>, vector<16xi32>,
    %swap3A_124 = vector.shape_cast %swap3A_123 : vector<16xi32> to vector<16xi32>
    %swap3A_125 = vector.shape_cast %shift_right_logical3A_121 : vector<16xi32> to vector<16xi32>
    tpu.vector_store %arg8[%swap3A_122], %swap3A_125 {strides = array<i32>} : memref<128xi32, #tpu.memory_space<vmem>>, vector<16xi32>,
    %get3A_126 = arith.constant 0 : i32
    %get3A_127 = arith.index_cast %get3A_126 : i32 to index
    %get3A_128 = arith.constant 96 : index
    %get3A_129 = tpu.vector_load %arg6[%get3A_127, %get3A_128] {strides = array<i32>} : memref<80x128xi32, #tpu.memory_space<vmem>>, vector<1x16xi32>,
    %get3A_130 = vector.shape_cast %get3A_129 : vector<1x16xi32> to vector<16xi32>
    %and3A_131 = arith.constant 65535 : i32
    %and3A_132 = vector.broadcast %and3A_131 : i32 to vector<16xi32>
    %and3A_133 = arith.andi %get3A_130, %and3A_132 : vector<16xi32>
    %add3A_134 = vector.broadcast %mul3A_4 : i32 to vector<16xi32>
    %add3A_135 = arith.addi %and3A_133, %add3A_134 : vector<16xi32>
    %swap3A_136 = arith.constant 96 : index
    %swap3A_137 = tpu.vector_load %arg7[%swap3A_136] {strides = array<i32>} : memref<128xi32, #tpu.memory_space<vmem>>, vector<16xi32>,
    %swap3A_138 = vector.shape_cast %swap3A_137 : vector<16xi32> to vector<16xi32>
    %swap3A_139 = vector.shape_cast %add3A_135 : vector<16xi32> to vector<16xi32>
    tpu.vector_store %arg7[%swap3A_136], %swap3A_139 {strides = array<i32>} : memref<128xi32, #tpu.memory_space<vmem>>, vector<16xi32>,
    %shift_right_logical3A_140 = arith.constant 16 : i32
    %shift_right_logical3A_141 = vector.broadcast %shift_right_logical3A_140 : i32 to vector<16xi32>
    %shift_right_logical3A_142 = arith.shrui %get3A_130, %shift_right_logical3A_141 : vector<16xi32>
    %swap3A_143 = arith.constant 96 : index
    %swap3A_144 = tpu.vector_load %arg8[%swap3A_143] {strides = array<i32>} : memref<128xi32, #tpu.memory_space<vmem>>, vector<16xi32>,
    %swap3A_145 = vector.shape_cast %swap3A_144 : vector<16xi32> to vector<16xi32>
    %swap3A_146 = vector.shape_cast %shift_right_logical3A_142 : vector<16xi32> to vector<16xi32>
    tpu.vector_store %arg8[%swap3A_143], %swap3A_146 {strides = array<i32>} : memref<128xi32, #tpu.memory_space<vmem>>, vector<16xi32>,
    %get3A_147 = arith.constant 0 : i32
    %get3A_148 = arith.index_cast %get3A_147 : i32 to index
    %get3A_149 = arith.constant 112 : index
    %get3A_150 = tpu.vector_load %arg6[%get3A_148, %get3A_149] {strides = array<i32>} : memref<80x128xi32, #tpu.memory_space<vmem>>, vector<1x16xi32>,
    %get3A_151 = vector.shape_cast %get3A_150 : vector<1x16xi32> to vector<16xi32>
    %and3A_152 = arith.constant 65535 : i32
    %and3A_153 = vector.broadcast %and3A_152 : i32 to vector<16xi32>
    %and3A_154 = arith.andi %get3A_151, %and3A_153 : vector<16xi32>
    %add3A_155 = vector.broadcast %mul3A_4 : i32 to vector<16xi32>
    %add3A_156 = arith.addi %and3A_154, %add3A_155 : vector<16xi32>
    %swap3A_157 = arith.constant 112 : index
    %swap3A_158 = tpu.vector_load %arg7[%swap3A_157] {strides = array<i32>} : memref<128xi32, #tpu.memory_space<vmem>>, vector<16xi32>,
    %swap3A_159 = vector.shape_cast %swap3A_158 : vector<16xi32> to vector<16xi32>
    %swap3A_160 = vector.shape_cast %add3A_156 : vector<16xi32> to vector<16xi32>
    tpu.vector_store %arg7[%swap3A_157], %swap3A_160 {strides = array<i32>} : memref<128xi32, #tpu.memory_space<vmem>>, vector<16xi32>,
    %shift_right_logical3A_161 = arith.constant 16 : i32
    %shift_right_logical3A_162 = vector.broadcast %shift_right_logical3A_161 : i32 to vector<16xi32>
    %shift_right_logical3A_163 = arith.shrui %get3A_151, %shift_right_logical3A_162 : vector<16xi32>
    %swap3A_164 = arith.constant 112 : index
    %swap3A_165 = tpu.vector_load %arg8[%swap3A_164] {strides = array<i32>} : memref<128xi32, #tpu.memory_space<vmem>>, vector<16xi32>,
    %swap3A_166 = vector.shape_cast %swap3A_165 : vector<16xi32> to vector<16xi32>
    %swap3A_167 = vector.shape_cast %shift_right_logical3A_163 : vector<16xi32> to vector<16xi32>
    tpu.vector_store %arg8[%swap3A_164], %swap3A_167 {strides = array<i32>} : memref<128xi32, #tpu.memory_space<vmem>>, vector<16xi32>,
    %dma_start3A = arith.constant 0 : i32
    %dma_start3A_168 = arith.constant 0 : i32
    %dma_start3A_169 = tpu.memref_slice %arg2[%dma_start3A, %dma_start3A_168] : memref<20000x128xf32, #tpu.memory_space<hbm>> -> memref<20000x128xf32, #tpu.memory_space<hbm>>
    tpu.enqueue_indirect_dma source(%dma_start3A_169 : memref<20000x128xf32, #tpu.memory_space<hbm>>) target(%arg11 : memref<128x128xf32, #tpu.memory_space<vmem>>) offsets(%arg7 : memref<128xi32, #tpu.memory_space<vmem>>) semaphore(%arg14 : memref<!tpu.dma_semaphore, #tpu.memory_space<semaphore_mem>>)
    %scan3A = arith.constant 0 : i32
    %scan3A_170 = arith.constant 0 : i32
    %scan3A_171 = arith.constant 40 : i32
    %scan3A_172 = arith.addi %scan3A_170, %scan3A_171 : i32
    %scan3A_173 = arith.constant 1 : i32
    scf.for %scan3A_180 = %scan3A_170 to %scan3A_172 step %scan3A_173  : i32 {
      %mul3A_181 = arith.constant 2 : i32
      %mul3A_182 = arith.muli %mul3A_181, %scan3A_180 : i32
      %add3A_183 = arith.constant 1 : i32
      %add3A_184 = arith.addi %mul3A_182, %add3A_183 : i32
      %get3A_185 = arith.index_cast %add3A_184 : i32 to index
      %get3A_186 = arith.constant 0 : index
      %get3A_187 = tpu.vector_load %arg6[%get3A_185, %get3A_186] {strides = array<i32>} : memref<80x128xi32, #tpu.memory_space<vmem>>, vector<1x16xi32>,
      %get3A_188 = vector.shape_cast %get3A_187 : vector<1x16xi32> to vector<16xi32>
      %and3A_189 = arith.constant 65535 : i32
      %and3A_190 = vector.broadcast %and3A_189 : i32 to vector<16xi32>
      %and3A_191 = arith.andi %get3A_188, %and3A_190 : vector<16xi32>
      %add3A_192 = vector.broadcast %mul3A_4 : i32 to vector<16xi32>
      %add3A_193 = arith.addi %and3A_191, %add3A_192 : vector<16xi32>
      %swap3A_194 = arith.constant 0 : index
      %swap3A_195 = tpu.vector_load %arg9[%swap3A_194] {strides = array<i32>} : memref<128xi32, #tpu.memory_space<vmem>>, vector<16xi32>,
      %swap3A_196 = vector.shape_cast %swap3A_195 : vector<16xi32> to vector<16xi32>
      %swap3A_197 = vector.shape_cast %add3A_193 : vector<16xi32> to vector<16xi32>
      tpu.vector_store %arg9[%swap3A_194], %swap3A_197 {strides = array<i32>} : memref<128xi32, #tpu.memory_space<vmem>>, vector<16xi32>,
      %shift_right_logical3A_198 = arith.constant 16 : i32
      %shift_right_logical3A_199 = vector.broadcast %shift_right_logical3A_198 : i32 to vector<16xi32>
      %shift_right_logical3A_200 = arith.shrui %get3A_188, %shift_right_logical3A_199 : vector<16xi32>
      %swap3A_201 = arith.constant 0 : index
      %swap3A_202 = tpu.vector_load %arg10[%swap3A_201] {strides = array<i32>} : memref<128xi32, #tpu.memory_space<vmem>>, vector<16xi32>,
      %swap3A_203 = vector.shape_cast %swap3A_202 : vector<16xi32> to vector<16xi32>
      %swap3A_204 = vector.shape_cast %shift_right_logical3A_200 : vector<16xi32> to vector<16xi32>
      tpu.vector_store %arg10[%swap3A_201], %swap3A_204 {strides = array<i32>} : memref<128xi32, #tpu.memory_space<vmem>>, vector<16xi32>,
      %get3A_205 = arith.index_cast %add3A_184 : i32 to index
      %get3A_206 = arith.constant 16 : index
      %get3A_207 = tpu.vector_load %arg6[%get3A_205, %get3A_206] {strides = array<i32>} : memref<80x128xi32, #tpu.memory_space<vmem>>, vector<1x16xi32>,
      %get3A_208 = vector.shape_cast %get3A_207 : vector<1x16xi32> to vector<16xi32>
      %and3A_209 = arith.constant 65535 : i32
      %and3A_210 = vector.broadcast %and3A_209 : i32 to vector<16xi32>
      %and3A_211 = arith.andi %get3A_208, %and3A_210 : vector<16xi32>
      %add3A_212 = vector.broadcast %mul3A_4 : i32 to vector<16xi32>
      %add3A_213 = arith.addi %and3A_211, %add3A_212 : vector<16xi32>
      %swap3A_214 = arith.constant 16 : index
      %swap3A_215 = tpu.vector_load %arg9[%swap3A_214] {strides = array<i32>} : memref<128xi32, #tpu.memory_space<vmem>>, vector<16xi32>,
      %swap3A_216 = vector.shape_cast %swap3A_215 : vector<16xi32> to vector<16xi32>
      %swap3A_217 = vector.shape_cast %add3A_213 : vector<16xi32> to vector<16xi32>
      tpu.vector_store %arg9[%swap3A_214], %swap3A_217 {strides = array<i32>} : memref<128xi32, #tpu.memory_space<vmem>>, vector<16xi32>,
      %shift_right_logical3A_218 = arith.constant 16 : i32
      %shift_right_logical3A_219 = vector.broadcast %shift_right_logical3A_218 : i32 to vector<16xi32>
      %shift_right_logical3A_220 = arith.shrui %get3A_208, %shift_right_logical3A_219 : vector<16xi32>
      %swap3A_221 = arith.constant 16 : index
      %swap3A_222 = tpu.vector_load %arg10[%swap3A_221] {strides = array<i32>} : memref<128xi32, #tpu.memory_space<vmem>>, vector<16xi32>,
      %swap3A_223 = vector.shape_cast %swap3A_222 : vector<16xi32> to vector<16xi32>
      %swap3A_224 = vector.shape_cast %shift_right_logical3A_220 : vector<16xi32> to vector<16xi32>
      tpu.vector_store %arg10[%swap3A_221], %swap3A_224 {strides = array<i32>} : memref<128xi32, #tpu.memory_space<vmem>>, vector<16xi32>,
      %get3A_225 = arith.index_cast %add3A_184 : i32 to index
      %get3A_226 = arith.constant 32 : index
      %get3A_227 = tpu.vector_load %arg6[%get3A_225, %get3A_226] {strides = array<i32>} : memref<80x128xi32, #tpu.memory_space<vmem>>, vector<1x16xi32>,
      %get3A_228 = vector.shape_cast %get3A_227 : vector<1x16xi32> to vector<16xi32>
      %and3A_229 = arith.constant 65535 : i32
      %and3A_230 = vector.broadcast %and3A_229 : i32 to vector<16xi32>
      %and3A_231 = arith.andi %get3A_228, %and3A_230 : vector<16xi32>
      %add3A_232 = vector.broadcast %mul3A_4 : i32 to vector<16xi32>
      %add3A_233 = arith.addi %and3A_231, %add3A_232 : vector<16xi32>
      %swap3A_234 = arith.constant 32 : index
      %swap3A_235 = tpu.vector_load %arg9[%swap3A_234] {strides = array<i32>} : memref<128xi32, #tpu.memory_space<vmem>>, vector<16xi32>,
      %swap3A_236 = vector.shape_cast %swap3A_235 : vector<16xi32> to vector<16xi32>
      %swap3A_237 = vector.shape_cast %add3A_233 : vector<16xi32> to vector<16xi32>
      tpu.vector_store %arg9[%swap3A_234], %swap3A_237 {strides = array<i32>} : memref<128xi32, #tpu.memory_space<vmem>>, vector<16xi32>,
      %shift_right_logical3A_238 = arith.constant 16 : i32
      %shift_right_logical3A_239 = vector.broadcast %shift_right_logical3A_238 : i32 to vector<16xi32>
      %shift_right_logical3A_240 = arith.shrui %get3A_228, %shift_right_logical3A_239 : vector<16xi32>
      %swap3A_241 = arith.constant 32 : index
      %swap3A_242 = tpu.vector_load %arg10[%swap3A_241] {strides = array<i32>} : memref<128xi32, #tpu.memory_space<vmem>>, vector<16xi32>,
      %swap3A_243 = vector.shape_cast %swap3A_242 : vector<16xi32> to vector<16xi32>
      %swap3A_244 = vector.shape_cast %shift_right_logical3A_240 : vector<16xi32> to vector<16xi32>
      tpu.vector_store %arg10[%swap3A_241], %swap3A_244 {strides = array<i32>} : memref<128xi32, #tpu.memory_space<vmem>>, vector<16xi32>,
      %get3A_245 = arith.index_cast %add3A_184 : i32 to index
      %get3A_246 = arith.constant 48 : index
      %get3A_247 = tpu.vector_load %arg6[%get3A_245, %get3A_246] {strides = array<i32>} : memref<80x128xi32, #tpu.memory_space<vmem>>, vector<1x16xi32>,
      %get3A_248 = vector.shape_cast %get3A_247 : vector<1x16xi32> to vector<16xi32>
      %and3A_249 = arith.constant 65535 : i32
      %and3A_250 = vector.broadcast %and3A_249 : i32 to vector<16xi32>
      %and3A_251 = arith.andi %get3A_248, %and3A_250 : vector<16xi32>
      %add3A_252 = vector.broadcast %mul3A_4 : i32 to vector<16xi32>
      %add3A_253 = arith.addi %and3A_251, %add3A_252 : vector<16xi32>
      %swap3A_254 = arith.constant 48 : index
      %swap3A_255 = tpu.vector_load %arg9[%swap3A_254] {strides = array<i32>} : memref<128xi32, #tpu.memory_space<vmem>>, vector<16xi32>,
      %swap3A_256 = vector.shape_cast %swap3A_255 : vector<16xi32> to vector<16xi32>
      %swap3A_257 = vector.shape_cast %add3A_253 : vector<16xi32> to vector<16xi32>
      tpu.vector_store %arg9[%swap3A_254], %swap3A_257 {strides = array<i32>} : memref<128xi32, #tpu.memory_space<vmem>>, vector<16xi32>,
      %shift_right_logical3A_258 = arith.constant 16 : i32
      %shift_right_logical3A_259 = vector.broadcast %shift_right_logical3A_258 : i32 to vector<16xi32>
      %shift_right_logical3A_260 = arith.shrui %get3A_248, %shift_right_logical3A_259 : vector<16xi32>
      %swap3A_261 = arith.constant 48 : index
      %swap3A_262 = tpu.vector_load %arg10[%swap3A_261] {strides = array<i32>} : memref<128xi32, #tpu.memory_space<vmem>>, vector<16xi32>,
      %swap3A_263 = vector.shape_cast %swap3A_262 : vector<16xi32> to vector<16xi32>
      %swap3A_264 = vector.shape_cast %shift_right_logical3A_260 : vector<16xi32> to vector<16xi32>
      tpu.vector_store %arg10[%swap3A_261], %swap3A_264 {strides = array<i32>} : memref<128xi32, #tpu.memory_space<vmem>>, vector<16xi32>,
      %get3A_265 = arith.index_cast %add3A_184 : i32 to index
      %get3A_266 = arith.constant 64 : index
      %get3A_267 = tpu.vector_load %arg6[%get3A_265, %get3A_266] {strides = array<i32>} : memref<80x128xi32, #tpu.memory_space<vmem>>, vector<1x16xi32>,
      %get3A_268 = vector.shape_cast %get3A_267 : vector<1x16xi32> to vector<16xi32>
      %and3A_269 = arith.constant 65535 : i32
      %and3A_270 = vector.broadcast %and3A_269 : i32 to vector<16xi32>
      %and3A_271 = arith.andi %get3A_268, %and3A_270 : vector<16xi32>
      %add3A_272 = vector.broadcast %mul3A_4 : i32 to vector<16xi32>
      %add3A_273 = arith.addi %and3A_271, %add3A_272 : vector<16xi32>
      %swap3A_274 = arith.constant 64 : index
      %swap3A_275 = tpu.vector_load %arg9[%swap3A_274] {strides = array<i32>} : memref<128xi32, #tpu.memory_space<vmem>>, vector<16xi32>,
      %swap3A_276 = vector.shape_cast %swap3A_275 : vector<16xi32> to vector<16xi32>
      %swap3A_277 = vector.shape_cast %add3A_273 : vector<16xi32> to vector<16xi32>
      tpu.vector_store %arg9[%swap3A_274], %swap3A_277 {strides = array<i32>} : memref<128xi32, #tpu.memory_space<vmem>>, vector<16xi32>,
      %shift_right_logical3A_278 = arith.constant 16 : i32
      %shift_right_logical3A_279 = vector.broadcast %shift_right_logical3A_278 : i32 to vector<16xi32>
      %shift_right_logical3A_280 = arith.shrui %get3A_268, %shift_right_logical3A_279 : vector<16xi32>
      %swap3A_281 = arith.constant 64 : index
      %swap3A_282 = tpu.vector_load %arg10[%swap3A_281] {strides = array<i32>} : memref<128xi32, #tpu.memory_space<vmem>>, vector<16xi32>,
      %swap3A_283 = vector.shape_cast %swap3A_282 : vector<16xi32> to vector<16xi32>
      %swap3A_284 = vector.shape_cast %shift_right_logical3A_280 : vector<16xi32> to vector<16xi32>
      tpu.vector_store %arg10[%swap3A_281], %swap3A_284 {strides = array<i32>} : memref<128xi32, #tpu.memory_space<vmem>>, vector<16xi32>,
      %get3A_285 = arith.index_cast %add3A_184 : i32 to index
      %get3A_286 = arith.constant 80 : index
      %get3A_287 = tpu.vector_load %arg6[%get3A_285, %get3A_286] {strides = array<i32>} : memref<80x128xi32, #tpu.memory_space<vmem>>, vector<1x16xi32>,
      %get3A_288 = vector.shape_cast %get3A_287 : vector<1x16xi32> to vector<16xi32>
      %and3A_289 = arith.constant 65535 : i32
      %and3A_290 = vector.broadcast %and3A_289 : i32 to vector<16xi32>
      %and3A_291 = arith.andi %get3A_288, %and3A_290 : vector<16xi32>
      %add3A_292 = vector.broadcast %mul3A_4 : i32 to vector<16xi32>
      %add3A_293 = arith.addi %and3A_291, %add3A_292 : vector<16xi32>
      %swap3A_294 = arith.constant 80 : index
      %swap3A_295 = tpu.vector_load %arg9[%swap3A_294] {strides = array<i32>} : memref<128xi32, #tpu.memory_space<vmem>>, vector<16xi32>,
      %swap3A_296 = vector.shape_cast %swap3A_295 : vector<16xi32> to vector<16xi32>
      %swap3A_297 = vector.shape_cast %add3A_293 : vector<16xi32> to vector<16xi32>
      tpu.vector_store %arg9[%swap3A_294], %swap3A_297 {strides = array<i32>} : memref<128xi32, #tpu.memory_space<vmem>>, vector<16xi32>,
      %shift_right_logical3A_298 = arith.constant 16 : i32
      %shift_right_logical3A_299 = vector.broadcast %shift_right_logical3A_298 : i32 to vector<16xi32>
      %shift_right_logical3A_300 = arith.shrui %get3A_288, %shift_right_logical3A_299 : vector<16xi32>
      %swap3A_301 = arith.constant 80 : index
      %swap3A_302 = tpu.vector_load %arg10[%swap3A_301] {strides = array<i32>} : memref<128xi32, #tpu.memory_space<vmem>>, vector<16xi32>,
      %swap3A_303 = vector.shape_cast %swap3A_302 : vector<16xi32> to vector<16xi32>
      %swap3A_304 = vector.shape_cast %shift_right_logical3A_300 : vector<16xi32> to vector<16xi32>
      tpu.vector_store %arg10[%swap3A_301], %swap3A_304 {strides = array<i32>} : memref<128xi32, #tpu.memory_space<vmem>>, vector<16xi32>,
      %get3A_305 = arith.index_cast %add3A_184 : i32 to index
      %get3A_306 = arith.constant 96 : index
      %get3A_307 = tpu.vector_load %arg6[%get3A_305, %get3A_306] {strides = array<i32>} : memref<80x128xi32, #tpu.memory_space<vmem>>, vector<1x16xi32>,
      %get3A_308 = vector.shape_cast %get3A_307 : vector<1x16xi32> to vector<16xi32>
      %and3A_309 = arith.constant 65535 : i32
      %and3A_310 = vector.broadcast %and3A_309 : i32 to vector<16xi32>
      %and3A_311 = arith.andi %get3A_308, %and3A_310 : vector<16xi32>
      %add3A_312 = vector.broadcast %mul3A_4 : i32 to vector<16xi32>
      %add3A_313 = arith.addi %and3A_311, %add3A_312 : vector<16xi32>
      %swap3A_314 = arith.constant 96 : index
      %swap3A_315 = tpu.vector_load %arg9[%swap3A_314] {strides = array<i32>} : memref<128xi32, #tpu.memory_space<vmem>>, vector<16xi32>,
      %swap3A_316 = vector.shape_cast %swap3A_315 : vector<16xi32> to vector<16xi32>
      %swap3A_317 = vector.shape_cast %add3A_313 : vector<16xi32> to vector<16xi32>
      tpu.vector_store %arg9[%swap3A_314], %swap3A_317 {strides = array<i32>} : memref<128xi32, #tpu.memory_space<vmem>>, vector<16xi32>,
      %shift_right_logical3A_318 = arith.constant 16 : i32
      %shift_right_logical3A_319 = vector.broadcast %shift_right_logical3A_318 : i32 to vector<16xi32>
      %shift_right_logical3A_320 = arith.shrui %get3A_308, %shift_right_logical3A_319 : vector<16xi32>
      %swap3A_321 = arith.constant 96 : index
      %swap3A_322 = tpu.vector_load %arg10[%swap3A_321] {strides = array<i32>} : memref<128xi32, #tpu.memory_space<vmem>>, vector<16xi32>,
      %swap3A_323 = vector.shape_cast %swap3A_322 : vector<16xi32> to vector<16xi32>
      %swap3A_324 = vector.shape_cast %shift_right_logical3A_320 : vector<16xi32> to vector<16xi32>
      tpu.vector_store %arg10[%swap3A_321], %swap3A_324 {strides = array<i32>} : memref<128xi32, #tpu.memory_space<vmem>>, vector<16xi32>,
      %get3A_325 = arith.index_cast %add3A_184 : i32 to index
      %get3A_326 = arith.constant 112 : index
      %get3A_327 = tpu.vector_load %arg6[%get3A_325, %get3A_326] {strides = array<i32>} : memref<80x128xi32, #tpu.memory_space<vmem>>, vector<1x16xi32>,
      %get3A_328 = vector.shape_cast %get3A_327 : vector<1x16xi32> to vector<16xi32>
      %and3A_329 = arith.constant 65535 : i32
      %and3A_330 = vector.broadcast %and3A_329 : i32 to vector<16xi32>
      %and3A_331 = arith.andi %get3A_328, %and3A_330 : vector<16xi32>
      %add3A_332 = vector.broadcast %mul3A_4 : i32 to vector<16xi32>
      %add3A_333 = arith.addi %and3A_331, %add3A_332 : vector<16xi32>
      %swap3A_334 = arith.constant 112 : index
      %swap3A_335 = tpu.vector_load %arg9[%swap3A_334] {strides = array<i32>} : memref<128xi32, #tpu.memory_space<vmem>>, vector<16xi32>,
      %swap3A_336 = vector.shape_cast %swap3A_335 : vector<16xi32> to vector<16xi32>
      %swap3A_337 = vector.shape_cast %add3A_333 : vector<16xi32> to vector<16xi32>
      tpu.vector_store %arg9[%swap3A_334], %swap3A_337 {strides = array<i32>} : memref<128xi32, #tpu.memory_space<vmem>>, vector<16xi32>,
      %shift_right_logical3A_338 = arith.constant 16 : i32
      %shift_right_logical3A_339 = vector.broadcast %shift_right_logical3A_338 : i32 to vector<16xi32>
      %shift_right_logical3A_340 = arith.shrui %get3A_328, %shift_right_logical3A_339 : vector<16xi32>
      %swap3A_341 = arith.constant 112 : index
      %swap3A_342 = tpu.vector_load %arg10[%swap3A_341] {strides = array<i32>} : memref<128xi32, #tpu.memory_space<vmem>>, vector<16xi32>,
      %swap3A_343 = vector.shape_cast %swap3A_342 : vector<16xi32> to vector<16xi32>
      %swap3A_344 = vector.shape_cast %shift_right_logical3A_340 : vector<16xi32> to vector<16xi32>
      tpu.vector_store %arg10[%swap3A_341], %swap3A_344 {strides = array<i32>} : memref<128xi32, #tpu.memory_space<vmem>>, vector<16xi32>,
      %dma_wait3A = arith.constant 0 : i32
      %dma_wait3A_345 = arith.constant 0 : i32
      %dma_wait3A_346 = tpu.memref_slice %arg2[%dma_wait3A, %dma_wait3A_345] : memref<20000x128xf32, #tpu.memory_space<hbm>> -> memref<20000x128xf32, #tpu.memory_space<hbm>>
      tpu.wait_indirect_dma semaphore(%arg14 : memref<!tpu.dma_semaphore, #tpu.memory_space<semaphore_mem>>) src(%dma_wait3A_346 : memref<20000x128xf32, #tpu.memory_space<hbm>>) dst(%arg11 : memref<128x128xf32, #tpu.memory_space<vmem>>)
      %dma_start3A_347 = arith.constant 0 : i32
      %dma_start3A_348 = arith.constant 0 : i32
      %dma_start3A_349 = tpu.memref_slice %arg2[%dma_start3A_347, %dma_start3A_348] : memref<20000x128xf32, #tpu.memory_space<hbm>> -> memref<20000x128xf32, #tpu.memory_space<hbm>>
      tpu.enqueue_indirect_dma source(%dma_start3A_349 : memref<20000x128xf32, #tpu.memory_space<hbm>>) target(%arg12 : memref<128x128xf32, #tpu.memory_space<vmem>>) offsets(%arg9 : memref<128xi32, #tpu.memory_space<vmem>>) semaphore(%arg15 : memref<!tpu.dma_semaphore, #tpu.memory_space<semaphore_mem>>)
      "tpu.region"() ({
        %run_scoped3A = tpu.sem_alloc : memref<!tpu.dma_semaphore, #tpu.memory_space<semaphore_mem>>
        %dma_start3A_364 = arith.constant 0 : i32
        %dma_start3A_365 = arith.constant 0 : i32
        %dma_start3A_366 = tpu.memref_slice %arg13[%dma_start3A_364, %dma_start3A_365] : memref<10240x128xf32, #tpu.memory_space<vmem_shared>> -> memref<10240x128xf32, #tpu.memory_space<vmem_shared>>
        tpu.enqueue_indirect_dma source(%arg11 : memref<128x128xf32, #tpu.memory_space<vmem>>) target(%dma_start3A_366 : memref<10240x128xf32, #tpu.memory_space<vmem_shared>>) offsets(%arg8 : memref<128xi32, #tpu.memory_space<vmem>>) semaphore(%run_scoped3A : memref<!tpu.dma_semaphore, #tpu.memory_space<semaphore_mem>>) {add = true}
        %dma_wait3A_367 = arith.constant 0 : i32
        %dma_wait3A_368 = arith.constant 0 : i32
        %dma_wait3A_369 = tpu.memref_slice %arg13[%dma_wait3A_367, %dma_wait3A_368] : memref<10240x128xf32, #tpu.memory_space<vmem_shared>> -> memref<10240x128xf32, #tpu.memory_space<vmem_shared>>
        tpu.wait_indirect_dma semaphore(%run_scoped3A : memref<!tpu.dma_semaphore, #tpu.memory_space<semaphore_mem>>) src(%arg11 : memref<128x128xf32, #tpu.memory_space<vmem>>) dst(%dma_wait3A_369 : memref<10240x128xf32, #tpu.memory_space<vmem_shared>>)
        tpu.yield
      }) : () -> ()
      %add3A_350 = arith.constant 1 : i32
      %add3A_351 = arith.addi %scan3A_180, %add3A_350 : i32
      %lt3A = arith.constant 40 : i32
      %lt3A_352 = arith.cmpi slt, %add3A_351, %lt3A : i32
      %convert_element_type3A = arith.extui %lt3A_352 : i1 to i32
      %cond3A = arith.constant 0 : i32
      %cond3A_353 = arith.cmpi ne, %convert_element_type3A, %cond3A : i32
      scf.if %cond3A_353 {
        %add3A_364 = arith.constant 1 : i32
        %add3A_365 = arith.addi %add3A_184, %add3A_364 : i32
        %get3A_366 = arith.index_cast %add3A_365 : i32 to index
        %get3A_367 = arith.constant 0 : index
        %get3A_368 = tpu.vector_load %arg6[%get3A_366, %get3A_367] {strides = array<i32>} : memref<80x128xi32, #tpu.memory_space<vmem>>, vector<1x16xi32>,
        %get3A_369 = vector.shape_cast %get3A_368 : vector<1x16xi32> to vector<16xi32>
        %and3A_370 = arith.constant 65535 : i32
        %and3A_371 = vector.broadcast %and3A_370 : i32 to vector<16xi32>
        %and3A_372 = arith.andi %get3A_369, %and3A_371 : vector<16xi32>
        %add3A_373 = vector.broadcast %mul3A_4 : i32 to vector<16xi32>
        %add3A_374 = arith.addi %and3A_372, %add3A_373 : vector<16xi32>
        %swap3A_375 = arith.constant 0 : index
        %swap3A_376 = tpu.vector_load %arg7[%swap3A_375] {strides = array<i32>} : memref<128xi32, #tpu.memory_space<vmem>>, vector<16xi32>,
        %swap3A_377 = vector.shape_cast %swap3A_376 : vector<16xi32> to vector<16xi32>
        %swap3A_378 = vector.shape_cast %add3A_374 : vector<16xi32> to vector<16xi32>
        tpu.vector_store %arg7[%swap3A_375], %swap3A_378 {strides = array<i32>} : memref<128xi32, #tpu.memory_space<vmem>>, vector<16xi32>,
        %shift_right_logical3A_379 = arith.constant 16 : i32
        %shift_right_logical3A_380 = vector.broadcast %shift_right_logical3A_379 : i32 to vector<16xi32>
        %shift_right_logical3A_381 = arith.shrui %get3A_369, %shift_right_logical3A_380 : vector<16xi32>
        %swap3A_382 = arith.constant 0 : index
        %swap3A_383 = tpu.vector_load %arg8[%swap3A_382] {strides = array<i32>} : memref<128xi32, #tpu.memory_space<vmem>>, vector<16xi32>,
        %swap3A_384 = vector.shape_cast %swap3A_383 : vector<16xi32> to vector<16xi32>
        %swap3A_385 = vector.shape_cast %shift_right_logical3A_381 : vector<16xi32> to vector<16xi32>
        tpu.vector_store %arg8[%swap3A_382], %swap3A_385 {strides = array<i32>} : memref<128xi32, #tpu.memory_space<vmem>>, vector<16xi32>,
        %get3A_386 = arith.index_cast %add3A_365 : i32 to index
        %get3A_387 = arith.constant 16 : index
        %get3A_388 = tpu.vector_load %arg6[%get3A_386, %get3A_387] {strides = array<i32>} : memref<80x128xi32, #tpu.memory_space<vmem>>, vector<1x16xi32>,
        %get3A_389 = vector.shape_cast %get3A_388 : vector<1x16xi32> to vector<16xi32>
        %and3A_390 = arith.constant 65535 : i32
        %and3A_391 = vector.broadcast %and3A_390 : i32 to vector<16xi32>
        %and3A_392 = arith.andi %get3A_389, %and3A_391 : vector<16xi32>
        %add3A_393 = vector.broadcast %mul3A_4 : i32 to vector<16xi32>
        %add3A_394 = arith.addi %and3A_392, %add3A_393 : vector<16xi32>
        %swap3A_395 = arith.constant 16 : index
        %swap3A_396 = tpu.vector_load %arg7[%swap3A_395] {strides = array<i32>} : memref<128xi32, #tpu.memory_space<vmem>>, vector<16xi32>,
        %swap3A_397 = vector.shape_cast %swap3A_396 : vector<16xi32> to vector<16xi32>
        %swap3A_398 = vector.shape_cast %add3A_394 : vector<16xi32> to vector<16xi32>
        tpu.vector_store %arg7[%swap3A_395], %swap3A_398 {strides = array<i32>} : memref<128xi32, #tpu.memory_space<vmem>>, vector<16xi32>,
        %shift_right_logical3A_399 = arith.constant 16 : i32
        %shift_right_logical3A_400 = vector.broadcast %shift_right_logical3A_399 : i32 to vector<16xi32>
        %shift_right_logical3A_401 = arith.shrui %get3A_389, %shift_right_logical3A_400 : vector<16xi32>
        %swap3A_402 = arith.constant 16 : index
        %swap3A_403 = tpu.vector_load %arg8[%swap3A_402] {strides = array<i32>} : memref<128xi32, #tpu.memory_space<vmem>>, vector<16xi32>,
        %swap3A_404 = vector.shape_cast %swap3A_403 : vector<16xi32> to vector<16xi32>
        %swap3A_405 = vector.shape_cast %shift_right_logical3A_401 : vector<16xi32> to vector<16xi32>
        tpu.vector_store %arg8[%swap3A_402], %swap3A_405 {strides = array<i32>} : memref<128xi32, #tpu.memory_space<vmem>>, vector<16xi32>,
        %get3A_406 = arith.index_cast %add3A_365 : i32 to index
        %get3A_407 = arith.constant 32 : index
        %get3A_408 = tpu.vector_load %arg6[%get3A_406, %get3A_407] {strides = array<i32>} : memref<80x128xi32, #tpu.memory_space<vmem>>, vector<1x16xi32>,
        %get3A_409 = vector.shape_cast %get3A_408 : vector<1x16xi32> to vector<16xi32>
        %and3A_410 = arith.constant 65535 : i32
        %and3A_411 = vector.broadcast %and3A_410 : i32 to vector<16xi32>
        %and3A_412 = arith.andi %get3A_409, %and3A_411 : vector<16xi32>
        %add3A_413 = vector.broadcast %mul3A_4 : i32 to vector<16xi32>
        %add3A_414 = arith.addi %and3A_412, %add3A_413 : vector<16xi32>
        %swap3A_415 = arith.constant 32 : index
        %swap3A_416 = tpu.vector_load %arg7[%swap3A_415] {strides = array<i32>} : memref<128xi32, #tpu.memory_space<vmem>>, vector<16xi32>,
        %swap3A_417 = vector.shape_cast %swap3A_416 : vector<16xi32> to vector<16xi32>
        %swap3A_418 = vector.shape_cast %add3A_414 : vector<16xi32> to vector<16xi32>
        tpu.vector_store %arg7[%swap3A_415], %swap3A_418 {strides = array<i32>} : memref<128xi32, #tpu.memory_space<vmem>>, vector<16xi32>,
        %shift_right_logical3A_419 = arith.constant 16 : i32
        %shift_right_logical3A_420 = vector.broadcast %shift_right_logical3A_419 : i32 to vector<16xi32>
        %shift_right_logical3A_421 = arith.shrui %get3A_409, %shift_right_logical3A_420 : vector<16xi32>
        %swap3A_422 = arith.constant 32 : index
        %swap3A_423 = tpu.vector_load %arg8[%swap3A_422] {strides = array<i32>} : memref<128xi32, #tpu.memory_space<vmem>>, vector<16xi32>,
        %swap3A_424 = vector.shape_cast %swap3A_423 : vector<16xi32> to vector<16xi32>
        %swap3A_425 = vector.shape_cast %shift_right_logical3A_421 : vector<16xi32> to vector<16xi32>
        tpu.vector_store %arg8[%swap3A_422], %swap3A_425 {strides = array<i32>} : memref<128xi32, #tpu.memory_space<vmem>>, vector<16xi32>,
        %get3A_426 = arith.index_cast %add3A_365 : i32 to index
        %get3A_427 = arith.constant 48 : index
        %get3A_428 = tpu.vector_load %arg6[%get3A_426, %get3A_427] {strides = array<i32>} : memref<80x128xi32, #tpu.memory_space<vmem>>, vector<1x16xi32>,
        %get3A_429 = vector.shape_cast %get3A_428 : vector<1x16xi32> to vector<16xi32>
        %and3A_430 = arith.constant 65535 : i32
        %and3A_431 = vector.broadcast %and3A_430 : i32 to vector<16xi32>
        %and3A_432 = arith.andi %get3A_429, %and3A_431 : vector<16xi32>
        %add3A_433 = vector.broadcast %mul3A_4 : i32 to vector<16xi32>
        %add3A_434 = arith.addi %and3A_432, %add3A_433 : vector<16xi32>
        %swap3A_435 = arith.constant 48 : index
        %swap3A_436 = tpu.vector_load %arg7[%swap3A_435] {strides = array<i32>} : memref<128xi32, #tpu.memory_space<vmem>>, vector<16xi32>,
        %swap3A_437 = vector.shape_cast %swap3A_436 : vector<16xi32> to vector<16xi32>
        %swap3A_438 = vector.shape_cast %add3A_434 : vector<16xi32> to vector<16xi32>
        tpu.vector_store %arg7[%swap3A_435], %swap3A_438 {strides = array<i32>} : memref<128xi32, #tpu.memory_space<vmem>>, vector<16xi32>,
        %shift_right_logical3A_439 = arith.constant 16 : i32
        %shift_right_logical3A_440 = vector.broadcast %shift_right_logical3A_439 : i32 to vector<16xi32>
        %shift_right_logical3A_441 = arith.shrui %get3A_429, %shift_right_logical3A_440 : vector<16xi32>
        %swap3A_442 = arith.constant 48 : index
        %swap3A_443 = tpu.vector_load %arg8[%swap3A_442] {strides = array<i32>} : memref<128xi32, #tpu.memory_space<vmem>>, vector<16xi32>,
        %swap3A_444 = vector.shape_cast %swap3A_443 : vector<16xi32> to vector<16xi32>
        %swap3A_445 = vector.shape_cast %shift_right_logical3A_441 : vector<16xi32> to vector<16xi32>
        tpu.vector_store %arg8[%swap3A_442], %swap3A_445 {strides = array<i32>} : memref<128xi32, #tpu.memory_space<vmem>>, vector<16xi32>,
        %get3A_446 = arith.index_cast %add3A_365 : i32 to index
        %get3A_447 = arith.constant 64 : index
        %get3A_448 = tpu.vector_load %arg6[%get3A_446, %get3A_447] {strides = array<i32>} : memref<80x128xi32, #tpu.memory_space<vmem>>, vector<1x16xi32>,
        %get3A_449 = vector.shape_cast %get3A_448 : vector<1x16xi32> to vector<16xi32>
        %and3A_450 = arith.constant 65535 : i32
        %and3A_451 = vector.broadcast %and3A_450 : i32 to vector<16xi32>
        %and3A_452 = arith.andi %get3A_449, %and3A_451 : vector<16xi32>
        %add3A_453 = vector.broadcast %mul3A_4 : i32 to vector<16xi32>
        %add3A_454 = arith.addi %and3A_452, %add3A_453 : vector<16xi32>
        %swap3A_455 = arith.constant 64 : index
        %swap3A_456 = tpu.vector_load %arg7[%swap3A_455] {strides = array<i32>} : memref<128xi32, #tpu.memory_space<vmem>>, vector<16xi32>,
        %swap3A_457 = vector.shape_cast %swap3A_456 : vector<16xi32> to vector<16xi32>
        %swap3A_458 = vector.shape_cast %add3A_454 : vector<16xi32> to vector<16xi32>
        tpu.vector_store %arg7[%swap3A_455], %swap3A_458 {strides = array<i32>} : memref<128xi32, #tpu.memory_space<vmem>>, vector<16xi32>,
        %shift_right_logical3A_459 = arith.constant 16 : i32
        %shift_right_logical3A_460 = vector.broadcast %shift_right_logical3A_459 : i32 to vector<16xi32>
        %shift_right_logical3A_461 = arith.shrui %get3A_449, %shift_right_logical3A_460 : vector<16xi32>
        %swap3A_462 = arith.constant 64 : index
        %swap3A_463 = tpu.vector_load %arg8[%swap3A_462] {strides = array<i32>} : memref<128xi32, #tpu.memory_space<vmem>>, vector<16xi32>,
        %swap3A_464 = vector.shape_cast %swap3A_463 : vector<16xi32> to vector<16xi32>
        %swap3A_465 = vector.shape_cast %shift_right_logical3A_461 : vector<16xi32> to vector<16xi32>
        tpu.vector_store %arg8[%swap3A_462], %swap3A_465 {strides = array<i32>} : memref<128xi32, #tpu.memory_space<vmem>>, vector<16xi32>,
        %get3A_466 = arith.index_cast %add3A_365 : i32 to index
        %get3A_467 = arith.constant 80 : index
        %get3A_468 = tpu.vector_load %arg6[%get3A_466, %get3A_467] {strides = array<i32>} : memref<80x128xi32, #tpu.memory_space<vmem>>, vector<1x16xi32>,
        %get3A_469 = vector.shape_cast %get3A_468 : vector<1x16xi32> to vector<16xi32>
        %and3A_470 = arith.constant 65535 : i32
        %and3A_471 = vector.broadcast %and3A_470 : i32 to vector<16xi32>
        %and3A_472 = arith.andi %get3A_469, %and3A_471 : vector<16xi32>
        %add3A_473 = vector.broadcast %mul3A_4 : i32 to vector<16xi32>
        %add3A_474 = arith.addi %and3A_472, %add3A_473 : vector<16xi32>
        %swap3A_475 = arith.constant 80 : index
        %swap3A_476 = tpu.vector_load %arg7[%swap3A_475] {strides = array<i32>} : memref<128xi32, #tpu.memory_space<vmem>>, vector<16xi32>,
        %swap3A_477 = vector.shape_cast %swap3A_476 : vector<16xi32> to vector<16xi32>
        %swap3A_478 = vector.shape_cast %add3A_474 : vector<16xi32> to vector<16xi32>
        tpu.vector_store %arg7[%swap3A_475], %swap3A_478 {strides = array<i32>} : memref<128xi32, #tpu.memory_space<vmem>>, vector<16xi32>,
        %shift_right_logical3A_479 = arith.constant 16 : i32
        %shift_right_logical3A_480 = vector.broadcast %shift_right_logical3A_479 : i32 to vector<16xi32>
        %shift_right_logical3A_481 = arith.shrui %get3A_469, %shift_right_logical3A_480 : vector<16xi32>
        %swap3A_482 = arith.constant 80 : index
        %swap3A_483 = tpu.vector_load %arg8[%swap3A_482] {strides = array<i32>} : memref<128xi32, #tpu.memory_space<vmem>>, vector<16xi32>,
        %swap3A_484 = vector.shape_cast %swap3A_483 : vector<16xi32> to vector<16xi32>
        %swap3A_485 = vector.shape_cast %shift_right_logical3A_481 : vector<16xi32> to vector<16xi32>
        tpu.vector_store %arg8[%swap3A_482], %swap3A_485 {strides = array<i32>} : memref<128xi32, #tpu.memory_space<vmem>>, vector<16xi32>,
        %get3A_486 = arith.index_cast %add3A_365 : i32 to index
        %get3A_487 = arith.constant 96 : index
        %get3A_488 = tpu.vector_load %arg6[%get3A_486, %get3A_487] {strides = array<i32>} : memref<80x128xi32, #tpu.memory_space<vmem>>, vector<1x16xi32>,
        %get3A_489 = vector.shape_cast %get3A_488 : vector<1x16xi32> to vector<16xi32>
        %and3A_490 = arith.constant 65535 : i32
        %and3A_491 = vector.broadcast %and3A_490 : i32 to vector<16xi32>
        %and3A_492 = arith.andi %get3A_489, %and3A_491 : vector<16xi32>
        %add3A_493 = vector.broadcast %mul3A_4 : i32 to vector<16xi32>
        %add3A_494 = arith.addi %and3A_492, %add3A_493 : vector<16xi32>
        %swap3A_495 = arith.constant 96 : index
        %swap3A_496 = tpu.vector_load %arg7[%swap3A_495] {strides = array<i32>} : memref<128xi32, #tpu.memory_space<vmem>>, vector<16xi32>,
        %swap3A_497 = vector.shape_cast %swap3A_496 : vector<16xi32> to vector<16xi32>
        %swap3A_498 = vector.shape_cast %add3A_494 : vector<16xi32> to vector<16xi32>
        tpu.vector_store %arg7[%swap3A_495], %swap3A_498 {strides = array<i32>} : memref<128xi32, #tpu.memory_space<vmem>>, vector<16xi32>,
        %shift_right_logical3A_499 = arith.constant 16 : i32
        %shift_right_logical3A_500 = vector.broadcast %shift_right_logical3A_499 : i32 to vector<16xi32>
        %shift_right_logical3A_501 = arith.shrui %get3A_489, %shift_right_logical3A_500 : vector<16xi32>
        %swap3A_502 = arith.constant 96 : index
        %swap3A_503 = tpu.vector_load %arg8[%swap3A_502] {strides = array<i32>} : memref<128xi32, #tpu.memory_space<vmem>>, vector<16xi32>,
        %swap3A_504 = vector.shape_cast %swap3A_503 : vector<16xi32> to vector<16xi32>
        %swap3A_505 = vector.shape_cast %shift_right_logical3A_501 : vector<16xi32> to vector<16xi32>
        tpu.vector_store %arg8[%swap3A_502], %swap3A_505 {strides = array<i32>} : memref<128xi32, #tpu.memory_space<vmem>>, vector<16xi32>,
        %get3A_506 = arith.index_cast %add3A_365 : i32 to index
        %get3A_507 = arith.constant 112 : index
        %get3A_508 = tpu.vector_load %arg6[%get3A_506, %get3A_507] {strides = array<i32>} : memref<80x128xi32, #tpu.memory_space<vmem>>, vector<1x16xi32>,
        %get3A_509 = vector.shape_cast %get3A_508 : vector<1x16xi32> to vector<16xi32>
        %and3A_510 = arith.constant 65535 : i32
        %and3A_511 = vector.broadcast %and3A_510 : i32 to vector<16xi32>
        %and3A_512 = arith.andi %get3A_509, %and3A_511 : vector<16xi32>
        %add3A_513 = vector.broadcast %mul3A_4 : i32 to vector<16xi32>
        %add3A_514 = arith.addi %and3A_512, %add3A_513 : vector<16xi32>
        %swap3A_515 = arith.constant 112 : index
        %swap3A_516 = tpu.vector_load %arg7[%swap3A_515] {strides = array<i32>} : memref<128xi32, #tpu.memory_space<vmem>>, vector<16xi32>,
        %swap3A_517 = vector.shape_cast %swap3A_516 : vector<16xi32> to vector<16xi32>
        %swap3A_518 = vector.shape_cast %add3A_514 : vector<16xi32> to vector<16xi32>
        tpu.vector_store %arg7[%swap3A_515], %swap3A_518 {strides = array<i32>} : memref<128xi32, #tpu.memory_space<vmem>>, vector<16xi32>,
        %shift_right_logical3A_519 = arith.constant 16 : i32
        %shift_right_logical3A_520 = vector.broadcast %shift_right_logical3A_519 : i32 to vector<16xi32>
        %shift_right_logical3A_521 = arith.shrui %get3A_509, %shift_right_logical3A_520 : vector<16xi32>
        %swap3A_522 = arith.constant 112 : index
        %swap3A_523 = tpu.vector_load %arg8[%swap3A_522] {strides = array<i32>} : memref<128xi32, #tpu.memory_space<vmem>>, vector<16xi32>,
        %swap3A_524 = vector.shape_cast %swap3A_523 : vector<16xi32> to vector<16xi32>
        %swap3A_525 = vector.shape_cast %shift_right_logical3A_521 : vector<16xi32> to vector<16xi32>
        tpu.vector_store %arg8[%swap3A_522], %swap3A_525 {strides = array<i32>} : memref<128xi32, #tpu.memory_space<vmem>>, vector<16xi32>,
      } else {
      }
      %dma_wait3A_354 = arith.constant 0 : i32
      %dma_wait3A_355 = arith.constant 0 : i32
      %dma_wait3A_356 = tpu.memref_slice %arg2[%dma_wait3A_354, %dma_wait3A_355] : memref<20000x128xf32, #tpu.memory_space<hbm>> -> memref<20000x128xf32, #tpu.memory_space<hbm>>
      tpu.wait_indirect_dma semaphore(%arg15 : memref<!tpu.dma_semaphore, #tpu.memory_space<semaphore_mem>>) src(%dma_wait3A_356 : memref<20000x128xf32, #tpu.memory_space<hbm>>) dst(%arg12 : memref<128x128xf32, #tpu.memory_space<vmem>>)
      %add3A_357 = arith.constant 1 : i32
      %add3A_358 = arith.addi %scan3A_180, %add3A_357 : i32
      %lt3A_359 = arith.constant 40 : i32
      %lt3A_360 = arith.cmpi slt, %add3A_358, %lt3A_359 : i32
      %convert_element_type3A_361 = arith.extui %lt3A_360 : i1 to i32
      %cond3A_362 = arith.constant 0 : i32
      %cond3A_363 = arith.cmpi ne, %convert_element_type3A_361, %cond3A_362 : i32
      scf.if %cond3A_363 {
        %dma_start3A_364 = arith.constant 0 : i32
        %dma_start3A_365 = arith.constant 0 : i32
        %dma_start3A_366 = tpu.memref_slice %arg2[%dma_start3A_364, %dma_start3A_365] : memref<20000x128xf32, #tpu.memory_space<hbm>> -> memref<20000x128xf32, #tpu.memory_space<hbm>>
        tpu.enqueue_indirect_dma source(%dma_start3A_366 : memref<20000x128xf32, #tpu.memory_space<hbm>>) target(%arg11 : memref<128x128xf32, #tpu.memory_space<vmem>>) offsets(%arg7 : memref<128xi32, #tpu.memory_space<vmem>>) semaphore(%arg14 : memref<!tpu.dma_semaphore, #tpu.memory_space<semaphore_mem>>)
      } else {
      }
      "tpu.region"() ({
        %run_scoped3A = tpu.sem_alloc : memref<!tpu.dma_semaphore, #tpu.memory_space<semaphore_mem>>
        %dma_start3A_364 = arith.constant 0 : i32
        %dma_start3A_365 = arith.constant 0 : i32
        %dma_start3A_366 = tpu.memref_slice %arg13[%dma_start3A_364, %dma_start3A_365] : memref<10240x128xf32, #tpu.memory_space<vmem_shared>> -> memref<10240x128xf32, #tpu.memory_space<vmem_shared>>
        tpu.enqueue_indirect_dma source(%arg12 : memref<128x128xf32, #tpu.memory_space<vmem>>) target(%dma_start3A_366 : memref<10240x128xf32, #tpu.memory_space<vmem_shared>>) offsets(%arg10 : memref<128xi32, #tpu.memory_space<vmem>>) semaphore(%run_scoped3A : memref<!tpu.dma_semaphore, #tpu.memory_space<semaphore_mem>>) {add = true}
        %dma_wait3A_367 = arith.constant 0 : i32
        %dma_wait3A_368 = arith.constant 0 : i32
        %dma_wait3A_369 = tpu.memref_slice %arg13[%dma_wait3A_367, %dma_wait3A_368] : memref<10240x128xf32, #tpu.memory_space<vmem_shared>> -> memref<10240x128xf32, #tpu.memory_space<vmem_shared>>
        tpu.wait_indirect_dma semaphore(%run_scoped3A : memref<!tpu.dma_semaphore, #tpu.memory_space<semaphore_mem>>) src(%arg12 : memref<128x128xf32, #tpu.memory_space<vmem>>) dst(%dma_wait3A_369 : memref<10240x128xf32, #tpu.memory_space<vmem_shared>>)
        tpu.yield
      }) : () -> ()
    }
    %scan3A_174 = arith.constant 40 : i32
    %barrier3A_175 = arith.constant 0 : index
    tpu.barrier barrier_id(%barrier3A_175)
    %mul3A_176 = arith.constant 640 : i32
    %mul3A_177 = arith.muli %arg1, %mul3A_176 : i32
    %mul3A_178 = arith.constant 640 : i32
    %mul3A_179 = arith.muli %arg1, %mul3A_178 : i32
    "tpu.region"() ({
      %run_scoped3A = tpu.sem_alloc : memref<!tpu.dma_semaphore, #tpu.memory_space<semaphore_mem>>
      %dma_start3A_180 = arith.constant 0 : i32
      %dma_start3A_181 = tpu.memref_slice %arg5[%arg0, %mul3A_179, %dma_start3A_180] : memref<2x10240x128xf32, #tpu.memory_space<hbm>> -> memref<1x640x128xf32, #tpu.memory_space<hbm>>
      %dma_start3A_182 = tpu.memref_squeeze %dma_start3A_181 : memref<1x640x128xf32, #tpu.memory_space<hbm>> -> memref<640x128xf32, #tpu.memory_space<hbm>>
      %dma_start3A_183 = arith.constant 0 : i32
      %dma_start3A_184 = tpu.memref_slice %arg13[%mul3A_177, %dma_start3A_183] : memref<10240x128xf32, #tpu.memory_space<vmem_shared>> -> memref<640x128xf32, #tpu.memory_space<vmem_shared>>
      tpu.enqueue_dma source(%dma_start3A_184 : memref<640x128xf32, #tpu.memory_space<vmem_shared>>) target(%dma_start3A_182 : memref<640x128xf32, #tpu.memory_space<hbm>>) target_semaphore(%run_scoped3A : memref<!tpu.dma_semaphore, #tpu.memory_space<semaphore_mem>>)
      %dma_wait3A = arith.constant 0 : i32
      %dma_wait3A_185 = tpu.memref_slice %arg5[%arg0, %mul3A_179, %dma_wait3A] : memref<2x10240x128xf32, #tpu.memory_space<hbm>> -> memref<1x640x128xf32, #tpu.memory_space<hbm>>
      %dma_wait3A_186 = tpu.memref_squeeze %dma_wait3A_185 : memref<1x640x128xf32, #tpu.memory_space<hbm>> -> memref<640x128xf32, #tpu.memory_space<hbm>>
      %dma_wait3A_187 = arith.constant 0 : i32
      %dma_wait3A_188 = tpu.memref_slice %arg13[%mul3A_177, %dma_wait3A_187] : memref<10240x128xf32, #tpu.memory_space<vmem_shared>> -> memref<640x128xf32, #tpu.memory_space<vmem_shared>>
      tpu.wait_dma2 semaphore(%run_scoped3A : memref<!tpu.dma_semaphore, #tpu.memory_space<semaphore_mem>>) src(%dma_wait3A_188 : memref<640x128xf32, #tpu.memory_space<vmem_shared>>) dst(%dma_wait3A_186 : memref<640x128xf32, #tpu.memory_space<hbm>>)
      tpu.yield
    }) : () -> ()
    return
  }
}

#map = affine_map<(d0, d1) -> (0, 0)>
#map1 = affine_map<(d0, d1) -> (0, 0, 0)>
module attributes {stable_mosaic.version = 14 : i64} {
  func.func @_sc_agg(%arg0: i32, %arg1: i32, %arg2: memref<20000x128xf32, #tpu.memory_space<hbm>>, %arg3: memref<1280x128xi32, #tpu.memory_space<hbm>>, %arg4: memref<640x128xf32, #tpu.memory_space<hbm>>, %arg5: memref<2x10240x128xf32, #tpu.memory_space<hbm>>, %arg6: memref<80x128xi32, #tpu.memory_space<vmem>>, %arg7: memref<128xi32, #tpu.memory_space<vmem>>, %arg8: memref<128xi32, #tpu.memory_space<vmem>>, %arg9: memref<128xi32, #tpu.memory_space<vmem>>, %arg10: memref<128xi32, #tpu.memory_space<vmem>>, %arg11: memref<128x128xf32, #tpu.memory_space<vmem>>, %arg12: memref<128x128xf32, #tpu.memory_space<vmem>>, %arg13: memref<10240x128xf32, #tpu.memory_space<vmem_shared>>, %arg14: memref<!tpu.dma_semaphore, #tpu.memory_space<semaphore_mem>>, %arg15: memref<!tpu.dma_semaphore, #tpu.memory_space<semaphore_mem>>) attributes {dimension_semantics = [#tpu.dimension_semantics<core_parallel>, #tpu.dimension_semantics<subcore_parallel>], iteration_bounds = array<i64: 2, 16>, scalar_prefetch = 0 : i64, scratch_operands = 10 : i64, tpu.core_type = #tpu.core_type<sc_vector_subcore>, window_params = [{transform_indices = #map}, {transform_indices = #map}, {transform_indices = #map}, {transform_indices = #map1}]} {
    %mul3A = arith.constant 80 : i32
    %mul3A_0 = arith.muli %arg1, %mul3A : i32
    "tpu.region"() ({
      %run_scoped3A = tpu.sem_alloc : memref<!tpu.dma_semaphore, #tpu.memory_space<semaphore_mem>>
      %dma_start3A_180 = arith.constant 0 : i32
      %dma_start3A_181 = tpu.memref_slice %arg3[%mul3A_0, %dma_start3A_180] : memref<1280x128xi32, #tpu.memory_space<hbm>> -> memref<80x128xi32, #tpu.memory_space<hbm>>
      %dma_start3A_182 = arith.constant 0 : i32
      %dma_start3A_183 = tpu.memref_slice %arg3[%mul3A_0, %dma_start3A_182] : memref<1280x128xi32, #tpu.memory_space<hbm>> -> memref<80x128xi32, #tpu.memory_space<hbm>>
      tpu.enqueue_dma source(%dma_start3A_183 : memref<80x128xi32, #tpu.memory_space<hbm>>) target(%arg6 : memref<80x128xi32, #tpu.memory_space<vmem>>) target_semaphore(%run_scoped3A : memref<!tpu.dma_semaphore, #tpu.memory_space<semaphore_mem>>)
      %dma_wait3A = arith.constant 0 : i32
      %dma_wait3A_184 = tpu.memref_slice %arg3[%mul3A_0, %dma_wait3A] : memref<1280x128xi32, #tpu.memory_space<hbm>> -> memref<80x128xi32, #tpu.memory_space<hbm>>
      %dma_wait3A_185 = arith.constant 0 : i32
      %dma_wait3A_186 = tpu.memref_slice %arg3[%mul3A_0, %dma_wait3A_185] : memref<1280x128xi32, #tpu.memory_space<hbm>> -> memref<80x128xi32, #tpu.memory_space<hbm>>
      tpu.wait_dma2 semaphore(%run_scoped3A : memref<!tpu.dma_semaphore, #tpu.memory_space<semaphore_mem>>) src(%dma_wait3A_186 : memref<80x128xi32, #tpu.memory_space<hbm>>) dst(%arg6 : memref<80x128xi32, #tpu.memory_space<vmem>>)
      tpu.yield
    }) : () -> ()
    %mul3A_1 = arith.constant 640 : i32
    %mul3A_2 = arith.muli %arg1, %mul3A_1 : i32
    "tpu.region"() ({
      %run_scoped3A = tpu.sem_alloc : memref<!tpu.dma_semaphore, #tpu.memory_space<semaphore_mem>>
      %dma_start3A_180 = arith.constant 0 : i32
      %dma_start3A_181 = tpu.memref_slice %arg13[%mul3A_2, %dma_start3A_180] : memref<10240x128xf32, #tpu.memory_space<vmem_shared>> -> memref<640x128xf32, #tpu.memory_space<vmem_shared>>
      tpu.enqueue_dma source(%arg4 : memref<640x128xf32, #tpu.memory_space<hbm>>) target(%dma_start3A_181 : memref<640x128xf32, #tpu.memory_space<vmem_shared>>) target_semaphore(%run_scoped3A : memref<!tpu.dma_semaphore, #tpu.memory_space<semaphore_mem>>)
      %dma_wait3A = arith.constant 0 : i32
      %dma_wait3A_182 = tpu.memref_slice %arg13[%mul3A_2, %dma_wait3A] : memref<10240x128xf32, #tpu.memory_space<vmem_shared>> -> memref<640x128xf32, #tpu.memory_space<vmem_shared>>
      tpu.wait_dma2 semaphore(%run_scoped3A : memref<!tpu.dma_semaphore, #tpu.memory_space<semaphore_mem>>) src(%arg4 : memref<640x128xf32, #tpu.memory_space<hbm>>) dst(%dma_wait3A_182 : memref<640x128xf32, #tpu.memory_space<vmem_shared>>)
      tpu.yield
    }) : () -> ()
    %barrier3A = arith.constant 0 : index
    tpu.barrier barrier_id(%barrier3A)
    %mul3A_3 = arith.constant 10000 : i32
    %mul3A_4 = arith.muli %arg0, %mul3A_3 : i32
    %get3A = arith.constant 0 : i32
    %get3A_5 = arith.index_cast %get3A : i32 to index
    %get3A_6 = arith.constant 0 : index
    %get3A_7 = tpu.vector_load %arg6[%get3A_5, %get3A_6] {strides = array<i32>} : memref<80x128xi32, #tpu.memory_space<vmem>>, vector<1x16xi32>,
    %get3A_8 = vector.shape_cast %get3A_7 : vector<1x16xi32> to vector<16xi32>
    %and3A = arith.constant 65535 : i32
    %and3A_9 = vector.broadcast %and3A : i32 to vector<16xi32>
    %and3A_10 = arith.andi %get3A_8, %and3A_9 : vector<16xi32>
    %add3A = vector.broadcast %mul3A_4 : i32 to vector<16xi32>
    %add3A_11 = arith.addi %and3A_10, %add3A : vector<16xi32>
    %swap3A = arith.constant 0 : index
    %swap3A_12 = tpu.vector_load %arg7[%swap3A] {strides = array<i32>} : memref<128xi32, #tpu.memory_space<vmem>>, vector<16xi32>,
    %swap3A_13 = vector.shape_cast %swap3A_12 : vector<16xi32> to vector<16xi32>
    %swap3A_14 = vector.shape_cast %add3A_11 : vector<16xi32> to vector<16xi32>
    tpu.vector_store %arg7[%swap3A], %swap3A_14 {strides = array<i32>} : memref<128xi32, #tpu.memory_space<vmem>>, vector<16xi32>,
    %shift_right_logical3A = arith.constant 16 : i32
    %shift_right_logical3A_15 = vector.broadcast %shift_right_logical3A : i32 to vector<16xi32>
    %shift_right_logical3A_16 = arith.shrui %get3A_8, %shift_right_logical3A_15 : vector<16xi32>
    %swap3A_17 = arith.constant 0 : index
    %swap3A_18 = tpu.vector_load %arg8[%swap3A_17] {strides = array<i32>} : memref<128xi32, #tpu.memory_space<vmem>>, vector<16xi32>,
    %swap3A_19 = vector.shape_cast %swap3A_18 : vector<16xi32> to vector<16xi32>
    %swap3A_20 = vector.shape_cast %shift_right_logical3A_16 : vector<16xi32> to vector<16xi32>
    tpu.vector_store %arg8[%swap3A_17], %swap3A_20 {strides = array<i32>} : memref<128xi32, #tpu.memory_space<vmem>>, vector<16xi32>,
    %get3A_21 = arith.constant 0 : i32
    %get3A_22 = arith.index_cast %get3A_21 : i32 to index
    %get3A_23 = arith.constant 16 : index
    %get3A_24 = tpu.vector_load %arg6[%get3A_22, %get3A_23] {strides = array<i32>} : memref<80x128xi32, #tpu.memory_space<vmem>>, vector<1x16xi32>,
    %get3A_25 = vector.shape_cast %get3A_24 : vector<1x16xi32> to vector<16xi32>
    %and3A_26 = arith.constant 65535 : i32
    %and3A_27 = vector.broadcast %and3A_26 : i32 to vector<16xi32>
    %and3A_28 = arith.andi %get3A_25, %and3A_27 : vector<16xi32>
    %add3A_29 = vector.broadcast %mul3A_4 : i32 to vector<16xi32>
    %add3A_30 = arith.addi %and3A_28, %add3A_29 : vector<16xi32>
    %swap3A_31 = arith.constant 16 : index
    %swap3A_32 = tpu.vector_load %arg7[%swap3A_31] {strides = array<i32>} : memref<128xi32, #tpu.memory_space<vmem>>, vector<16xi32>,
    %swap3A_33 = vector.shape_cast %swap3A_32 : vector<16xi32> to vector<16xi32>
    %swap3A_34 = vector.shape_cast %add3A_30 : vector<16xi32> to vector<16xi32>
    tpu.vector_store %arg7[%swap3A_31], %swap3A_34 {strides = array<i32>} : memref<128xi32, #tpu.memory_space<vmem>>, vector<16xi32>,
    %shift_right_logical3A_35 = arith.constant 16 : i32
    %shift_right_logical3A_36 = vector.broadcast %shift_right_logical3A_35 : i32 to vector<16xi32>
    %shift_right_logical3A_37 = arith.shrui %get3A_25, %shift_right_logical3A_36 : vector<16xi32>
    %swap3A_38 = arith.constant 16 : index
    %swap3A_39 = tpu.vector_load %arg8[%swap3A_38] {strides = array<i32>} : memref<128xi32, #tpu.memory_space<vmem>>, vector<16xi32>,
    %swap3A_40 = vector.shape_cast %swap3A_39 : vector<16xi32> to vector<16xi32>
    %swap3A_41 = vector.shape_cast %shift_right_logical3A_37 : vector<16xi32> to vector<16xi32>
    tpu.vector_store %arg8[%swap3A_38], %swap3A_41 {strides = array<i32>} : memref<128xi32, #tpu.memory_space<vmem>>, vector<16xi32>,
    %get3A_42 = arith.constant 0 : i32
    %get3A_43 = arith.index_cast %get3A_42 : i32 to index
    %get3A_44 = arith.constant 32 : index
    %get3A_45 = tpu.vector_load %arg6[%get3A_43, %get3A_44] {strides = array<i32>} : memref<80x128xi32, #tpu.memory_space<vmem>>, vector<1x16xi32>,
    %get3A_46 = vector.shape_cast %get3A_45 : vector<1x16xi32> to vector<16xi32>
    %and3A_47 = arith.constant 65535 : i32
    %and3A_48 = vector.broadcast %and3A_47 : i32 to vector<16xi32>
    %and3A_49 = arith.andi %get3A_46, %and3A_48 : vector<16xi32>
    %add3A_50 = vector.broadcast %mul3A_4 : i32 to vector<16xi32>
    %add3A_51 = arith.addi %and3A_49, %add3A_50 : vector<16xi32>
    %swap3A_52 = arith.constant 32 : index
    %swap3A_53 = tpu.vector_load %arg7[%swap3A_52] {strides = array<i32>} : memref<128xi32, #tpu.memory_space<vmem>>, vector<16xi32>,
    %swap3A_54 = vector.shape_cast %swap3A_53 : vector<16xi32> to vector<16xi32>
    %swap3A_55 = vector.shape_cast %add3A_51 : vector<16xi32> to vector<16xi32>
    tpu.vector_store %arg7[%swap3A_52], %swap3A_55 {strides = array<i32>} : memref<128xi32, #tpu.memory_space<vmem>>, vector<16xi32>,
    %shift_right_logical3A_56 = arith.constant 16 : i32
    %shift_right_logical3A_57 = vector.broadcast %shift_right_logical3A_56 : i32 to vector<16xi32>
    %shift_right_logical3A_58 = arith.shrui %get3A_46, %shift_right_logical3A_57 : vector<16xi32>
    %swap3A_59 = arith.constant 32 : index
    %swap3A_60 = tpu.vector_load %arg8[%swap3A_59] {strides = array<i32>} : memref<128xi32, #tpu.memory_space<vmem>>, vector<16xi32>,
    %swap3A_61 = vector.shape_cast %swap3A_60 : vector<16xi32> to vector<16xi32>
    %swap3A_62 = vector.shape_cast %shift_right_logical3A_58 : vector<16xi32> to vector<16xi32>
    tpu.vector_store %arg8[%swap3A_59], %swap3A_62 {strides = array<i32>} : memref<128xi32, #tpu.memory_space<vmem>>, vector<16xi32>,
    %get3A_63 = arith.constant 0 : i32
    %get3A_64 = arith.index_cast %get3A_63 : i32 to index
    %get3A_65 = arith.constant 48 : index
    %get3A_66 = tpu.vector_load %arg6[%get3A_64, %get3A_65] {strides = array<i32>} : memref<80x128xi32, #tpu.memory_space<vmem>>, vector<1x16xi32>,
    %get3A_67 = vector.shape_cast %get3A_66 : vector<1x16xi32> to vector<16xi32>
    %and3A_68 = arith.constant 65535 : i32
    %and3A_69 = vector.broadcast %and3A_68 : i32 to vector<16xi32>
    %and3A_70 = arith.andi %get3A_67, %and3A_69 : vector<16xi32>
    %add3A_71 = vector.broadcast %mul3A_4 : i32 to vector<16xi32>
    %add3A_72 = arith.addi %and3A_70, %add3A_71 : vector<16xi32>
    %swap3A_73 = arith.constant 48 : index
    %swap3A_74 = tpu.vector_load %arg7[%swap3A_73] {strides = array<i32>} : memref<128xi32, #tpu.memory_space<vmem>>, vector<16xi32>,
    %swap3A_75 = vector.shape_cast %swap3A_74 : vector<16xi32> to vector<16xi32>
    %swap3A_76 = vector.shape_cast %add3A_72 : vector<16xi32> to vector<16xi32>
    tpu.vector_store %arg7[%swap3A_73], %swap3A_76 {strides = array<i32>} : memref<128xi32, #tpu.memory_space<vmem>>, vector<16xi32>,
    %shift_right_logical3A_77 = arith.constant 16 : i32
    %shift_right_logical3A_78 = vector.broadcast %shift_right_logical3A_77 : i32 to vector<16xi32>
    %shift_right_logical3A_79 = arith.shrui %get3A_67, %shift_right_logical3A_78 : vector<16xi32>
    %swap3A_80 = arith.constant 48 : index
    %swap3A_81 = tpu.vector_load %arg8[%swap3A_80] {strides = array<i32>} : memref<128xi32, #tpu.memory_space<vmem>>, vector<16xi32>,
    %swap3A_82 = vector.shape_cast %swap3A_81 : vector<16xi32> to vector<16xi32>
    %swap3A_83 = vector.shape_cast %shift_right_logical3A_79 : vector<16xi32> to vector<16xi32>
    tpu.vector_store %arg8[%swap3A_80], %swap3A_83 {strides = array<i32>} : memref<128xi32, #tpu.memory_space<vmem>>, vector<16xi32>,
    %get3A_84 = arith.constant 0 : i32
    %get3A_85 = arith.index_cast %get3A_84 : i32 to index
    %get3A_86 = arith.constant 64 : index
    %get3A_87 = tpu.vector_load %arg6[%get3A_85, %get3A_86] {strides = array<i32>} : memref<80x128xi32, #tpu.memory_space<vmem>>, vector<1x16xi32>,
    %get3A_88 = vector.shape_cast %get3A_87 : vector<1x16xi32> to vector<16xi32>
    %and3A_89 = arith.constant 65535 : i32
    %and3A_90 = vector.broadcast %and3A_89 : i32 to vector<16xi32>
    %and3A_91 = arith.andi %get3A_88, %and3A_90 : vector<16xi32>
    %add3A_92 = vector.broadcast %mul3A_4 : i32 to vector<16xi32>
    %add3A_93 = arith.addi %and3A_91, %add3A_92 : vector<16xi32>
    %swap3A_94 = arith.constant 64 : index
    %swap3A_95 = tpu.vector_load %arg7[%swap3A_94] {strides = array<i32>} : memref<128xi32, #tpu.memory_space<vmem>>, vector<16xi32>,
    %swap3A_96 = vector.shape_cast %swap3A_95 : vector<16xi32> to vector<16xi32>
    %swap3A_97 = vector.shape_cast %add3A_93 : vector<16xi32> to vector<16xi32>
    tpu.vector_store %arg7[%swap3A_94], %swap3A_97 {strides = array<i32>} : memref<128xi32, #tpu.memory_space<vmem>>, vector<16xi32>,
    %shift_right_logical3A_98 = arith.constant 16 : i32
    %shift_right_logical3A_99 = vector.broadcast %shift_right_logical3A_98 : i32 to vector<16xi32>
    %shift_right_logical3A_100 = arith.shrui %get3A_88, %shift_right_logical3A_99 : vector<16xi32>
    %swap3A_101 = arith.constant 64 : index
    %swap3A_102 = tpu.vector_load %arg8[%swap3A_101] {strides = array<i32>} : memref<128xi32, #tpu.memory_space<vmem>>, vector<16xi32>,
    %swap3A_103 = vector.shape_cast %swap3A_102 : vector<16xi32> to vector<16xi32>
    %swap3A_104 = vector.shape_cast %shift_right_logical3A_100 : vector<16xi32> to vector<16xi32>
    tpu.vector_store %arg8[%swap3A_101], %swap3A_104 {strides = array<i32>} : memref<128xi32, #tpu.memory_space<vmem>>, vector<16xi32>,
    %get3A_105 = arith.constant 0 : i32
    %get3A_106 = arith.index_cast %get3A_105 : i32 to index
    %get3A_107 = arith.constant 80 : index
    %get3A_108 = tpu.vector_load %arg6[%get3A_106, %get3A_107] {strides = array<i32>} : memref<80x128xi32, #tpu.memory_space<vmem>>, vector<1x16xi32>,
    %get3A_109 = vector.shape_cast %get3A_108 : vector<1x16xi32> to vector<16xi32>
    %and3A_110 = arith.constant 65535 : i32
    %and3A_111 = vector.broadcast %and3A_110 : i32 to vector<16xi32>
    %and3A_112 = arith.andi %get3A_109, %and3A_111 : vector<16xi32>
    %add3A_113 = vector.broadcast %mul3A_4 : i32 to vector<16xi32>
    %add3A_114 = arith.addi %and3A_112, %add3A_113 : vector<16xi32>
    %swap3A_115 = arith.constant 80 : index
    %swap3A_116 = tpu.vector_load %arg7[%swap3A_115] {strides = array<i32>} : memref<128xi32, #tpu.memory_space<vmem>>, vector<16xi32>,
    %swap3A_117 = vector.shape_cast %swap3A_116 : vector<16xi32> to vector<16xi32>
    %swap3A_118 = vector.shape_cast %add3A_114 : vector<16xi32> to vector<16xi32>
    tpu.vector_store %arg7[%swap3A_115], %swap3A_118 {strides = array<i32>} : memref<128xi32, #tpu.memory_space<vmem>>, vector<16xi32>,
    %shift_right_logical3A_119 = arith.constant 16 : i32
    %shift_right_logical3A_120 = vector.broadcast %shift_right_logical3A_119 : i32 to vector<16xi32>
    %shift_right_logical3A_121 = arith.shrui %get3A_109, %shift_right_logical3A_120 : vector<16xi32>
    %swap3A_122 = arith.constant 80 : index
    %swap3A_123 = tpu.vector_load %arg8[%swap3A_122] {strides = array<i32>} : memref<128xi32, #tpu.memory_space<vmem>>, vector<16xi32>,
    %swap3A_124 = vector.shape_cast %swap3A_123 : vector<16xi32> to vector<16xi32>
    %swap3A_125 = vector.shape_cast %shift_right_logical3A_121 : vector<16xi32> to vector<16xi32>
    tpu.vector_store %arg8[%swap3A_122], %swap3A_125 {strides = array<i32>} : memref<128xi32, #tpu.memory_space<vmem>>, vector<16xi32>,
    %get3A_126 = arith.constant 0 : i32
    %get3A_127 = arith.index_cast %get3A_126 : i32 to index
    %get3A_128 = arith.constant 96 : index
    %get3A_129 = tpu.vector_load %arg6[%get3A_127, %get3A_128] {strides = array<i32>} : memref<80x128xi32, #tpu.memory_space<vmem>>, vector<1x16xi32>,
    %get3A_130 = vector.shape_cast %get3A_129 : vector<1x16xi32> to vector<16xi32>
    %and3A_131 = arith.constant 65535 : i32
    %and3A_132 = vector.broadcast %and3A_131 : i32 to vector<16xi32>
    %and3A_133 = arith.andi %get3A_130, %and3A_132 : vector<16xi32>
    %add3A_134 = vector.broadcast %mul3A_4 : i32 to vector<16xi32>
    %add3A_135 = arith.addi %and3A_133, %add3A_134 : vector<16xi32>
    %swap3A_136 = arith.constant 96 : index
    %swap3A_137 = tpu.vector_load %arg7[%swap3A_136] {strides = array<i32>} : memref<128xi32, #tpu.memory_space<vmem>>, vector<16xi32>,
    %swap3A_138 = vector.shape_cast %swap3A_137 : vector<16xi32> to vector<16xi32>
    %swap3A_139 = vector.shape_cast %add3A_135 : vector<16xi32> to vector<16xi32>
    tpu.vector_store %arg7[%swap3A_136], %swap3A_139 {strides = array<i32>} : memref<128xi32, #tpu.memory_space<vmem>>, vector<16xi32>,
    %shift_right_logical3A_140 = arith.constant 16 : i32
    %shift_right_logical3A_141 = vector.broadcast %shift_right_logical3A_140 : i32 to vector<16xi32>
    %shift_right_logical3A_142 = arith.shrui %get3A_130, %shift_right_logical3A_141 : vector<16xi32>
    %swap3A_143 = arith.constant 96 : index
    %swap3A_144 = tpu.vector_load %arg8[%swap3A_143] {strides = array<i32>} : memref<128xi32, #tpu.memory_space<vmem>>, vector<16xi32>,
    %swap3A_145 = vector.shape_cast %swap3A_144 : vector<16xi32> to vector<16xi32>
    %swap3A_146 = vector.shape_cast %shift_right_logical3A_142 : vector<16xi32> to vector<16xi32>
    tpu.vector_store %arg8[%swap3A_143], %swap3A_146 {strides = array<i32>} : memref<128xi32, #tpu.memory_space<vmem>>, vector<16xi32>,
    %get3A_147 = arith.constant 0 : i32
    %get3A_148 = arith.index_cast %get3A_147 : i32 to index
    %get3A_149 = arith.constant 112 : index
    %get3A_150 = tpu.vector_load %arg6[%get3A_148, %get3A_149] {strides = array<i32>} : memref<80x128xi32, #tpu.memory_space<vmem>>, vector<1x16xi32>,
    %get3A_151 = vector.shape_cast %get3A_150 : vector<1x16xi32> to vector<16xi32>
    %and3A_152 = arith.constant 65535 : i32
    %and3A_153 = vector.broadcast %and3A_152 : i32 to vector<16xi32>
    %and3A_154 = arith.andi %get3A_151, %and3A_153 : vector<16xi32>
    %add3A_155 = vector.broadcast %mul3A_4 : i32 to vector<16xi32>
    %add3A_156 = arith.addi %and3A_154, %add3A_155 : vector<16xi32>
    %swap3A_157 = arith.constant 112 : index
    %swap3A_158 = tpu.vector_load %arg7[%swap3A_157] {strides = array<i32>} : memref<128xi32, #tpu.memory_space<vmem>>, vector<16xi32>,
    %swap3A_159 = vector.shape_cast %swap3A_158 : vector<16xi32> to vector<16xi32>
    %swap3A_160 = vector.shape_cast %add3A_156 : vector<16xi32> to vector<16xi32>
    tpu.vector_store %arg7[%swap3A_157], %swap3A_160 {strides = array<i32>} : memref<128xi32, #tpu.memory_space<vmem>>, vector<16xi32>,
    %shift_right_logical3A_161 = arith.constant 16 : i32
    %shift_right_logical3A_162 = vector.broadcast %shift_right_logical3A_161 : i32 to vector<16xi32>
    %shift_right_logical3A_163 = arith.shrui %get3A_151, %shift_right_logical3A_162 : vector<16xi32>
    %swap3A_164 = arith.constant 112 : index
    %swap3A_165 = tpu.vector_load %arg8[%swap3A_164] {strides = array<i32>} : memref<128xi32, #tpu.memory_space<vmem>>, vector<16xi32>,
    %swap3A_166 = vector.shape_cast %swap3A_165 : vector<16xi32> to vector<16xi32>
    %swap3A_167 = vector.shape_cast %shift_right_logical3A_163 : vector<16xi32> to vector<16xi32>
    tpu.vector_store %arg8[%swap3A_164], %swap3A_167 {strides = array<i32>} : memref<128xi32, #tpu.memory_space<vmem>>, vector<16xi32>,
    %dma_start3A = arith.constant 0 : i32
    %dma_start3A_168 = arith.constant 0 : i32
    %dma_start3A_169 = tpu.memref_slice %arg2[%dma_start3A, %dma_start3A_168] : memref<20000x128xf32, #tpu.memory_space<hbm>> -> memref<20000x128xf32, #tpu.memory_space<hbm>>
    tpu.enqueue_indirect_dma source(%dma_start3A_169 : memref<20000x128xf32, #tpu.memory_space<hbm>>) target(%arg11 : memref<128x128xf32, #tpu.memory_space<vmem>>) offsets(%arg7 : memref<128xi32, #tpu.memory_space<vmem>>) semaphore(%arg14 : memref<!tpu.dma_semaphore, #tpu.memory_space<semaphore_mem>>)
    %scan3A = arith.constant 0 : i32
    %scan3A_170 = arith.constant 0 : i32
    %scan3A_171 = arith.constant 40 : i32
    %scan3A_172 = arith.addi %scan3A_170, %scan3A_171 : i32
    %scan3A_173 = arith.constant 1 : i32
    scf.for %scan3A_180 = %scan3A_170 to %scan3A_172 step %scan3A_173  : i32 {
      %mul3A_181 = arith.constant 2 : i32
      %mul3A_182 = arith.muli %mul3A_181, %scan3A_180 : i32
      %add3A_183 = arith.constant 1 : i32
      %add3A_184 = arith.addi %mul3A_182, %add3A_183 : i32
      %get3A_185 = arith.index_cast %add3A_184 : i32 to index
      %get3A_186 = arith.constant 0 : index
      %get3A_187 = tpu.vector_load %arg6[%get3A_185, %get3A_186] {strides = array<i32>} : memref<80x128xi32, #tpu.memory_space<vmem>>, vector<1x16xi32>,
      %get3A_188 = vector.shape_cast %get3A_187 : vector<1x16xi32> to vector<16xi32>
      %and3A_189 = arith.constant 65535 : i32
      %and3A_190 = vector.broadcast %and3A_189 : i32 to vector<16xi32>
      %and3A_191 = arith.andi %get3A_188, %and3A_190 : vector<16xi32>
      %add3A_192 = vector.broadcast %mul3A_4 : i32 to vector<16xi32>
      %add3A_193 = arith.addi %and3A_191, %add3A_192 : vector<16xi32>
      %swap3A_194 = arith.constant 0 : index
      %swap3A_195 = tpu.vector_load %arg9[%swap3A_194] {strides = array<i32>} : memref<128xi32, #tpu.memory_space<vmem>>, vector<16xi32>,
      %swap3A_196 = vector.shape_cast %swap3A_195 : vector<16xi32> to vector<16xi32>
      %swap3A_197 = vector.shape_cast %add3A_193 : vector<16xi32> to vector<16xi32>
      tpu.vector_store %arg9[%swap3A_194], %swap3A_197 {strides = array<i32>} : memref<128xi32, #tpu.memory_space<vmem>>, vector<16xi32>,
      %shift_right_logical3A_198 = arith.constant 16 : i32
      %shift_right_logical3A_199 = vector.broadcast %shift_right_logical3A_198 : i32 to vector<16xi32>
      %shift_right_logical3A_200 = arith.shrui %get3A_188, %shift_right_logical3A_199 : vector<16xi32>
      %swap3A_201 = arith.constant 0 : index
      %swap3A_202 = tpu.vector_load %arg10[%swap3A_201] {strides = array<i32>} : memref<128xi32, #tpu.memory_space<vmem>>, vector<16xi32>,
      %swap3A_203 = vector.shape_cast %swap3A_202 : vector<16xi32> to vector<16xi32>
      %swap3A_204 = vector.shape_cast %shift_right_logical3A_200 : vector<16xi32> to vector<16xi32>
      tpu.vector_store %arg10[%swap3A_201], %swap3A_204 {strides = array<i32>} : memref<128xi32, #tpu.memory_space<vmem>>, vector<16xi32>,
      %get3A_205 = arith.index_cast %add3A_184 : i32 to index
      %get3A_206 = arith.constant 16 : index
      %get3A_207 = tpu.vector_load %arg6[%get3A_205, %get3A_206] {strides = array<i32>} : memref<80x128xi32, #tpu.memory_space<vmem>>, vector<1x16xi32>,
      %get3A_208 = vector.shape_cast %get3A_207 : vector<1x16xi32> to vector<16xi32>
      %and3A_209 = arith.constant 65535 : i32
      %and3A_210 = vector.broadcast %and3A_209 : i32 to vector<16xi32>
      %and3A_211 = arith.andi %get3A_208, %and3A_210 : vector<16xi32>
      %add3A_212 = vector.broadcast %mul3A_4 : i32 to vector<16xi32>
      %add3A_213 = arith.addi %and3A_211, %add3A_212 : vector<16xi32>
      %swap3A_214 = arith.constant 16 : index
      %swap3A_215 = tpu.vector_load %arg9[%swap3A_214] {strides = array<i32>} : memref<128xi32, #tpu.memory_space<vmem>>, vector<16xi32>,
      %swap3A_216 = vector.shape_cast %swap3A_215 : vector<16xi32> to vector<16xi32>
      %swap3A_217 = vector.shape_cast %add3A_213 : vector<16xi32> to vector<16xi32>
      tpu.vector_store %arg9[%swap3A_214], %swap3A_217 {strides = array<i32>} : memref<128xi32, #tpu.memory_space<vmem>>, vector<16xi32>,
      %shift_right_logical3A_218 = arith.constant 16 : i32
      %shift_right_logical3A_219 = vector.broadcast %shift_right_logical3A_218 : i32 to vector<16xi32>
      %shift_right_logical3A_220 = arith.shrui %get3A_208, %shift_right_logical3A_219 : vector<16xi32>
      %swap3A_221 = arith.constant 16 : index
      %swap3A_222 = tpu.vector_load %arg10[%swap3A_221] {strides = array<i32>} : memref<128xi32, #tpu.memory_space<vmem>>, vector<16xi32>,
      %swap3A_223 = vector.shape_cast %swap3A_222 : vector<16xi32> to vector<16xi32>
      %swap3A_224 = vector.shape_cast %shift_right_logical3A_220 : vector<16xi32> to vector<16xi32>
      tpu.vector_store %arg10[%swap3A_221], %swap3A_224 {strides = array<i32>} : memref<128xi32, #tpu.memory_space<vmem>>, vector<16xi32>,
      %get3A_225 = arith.index_cast %add3A_184 : i32 to index
      %get3A_226 = arith.constant 32 : index
      %get3A_227 = tpu.vector_load %arg6[%get3A_225, %get3A_226] {strides = array<i32>} : memref<80x128xi32, #tpu.memory_space<vmem>>, vector<1x16xi32>,
      %get3A_228 = vector.shape_cast %get3A_227 : vector<1x16xi32> to vector<16xi32>
      %and3A_229 = arith.constant 65535 : i32
      %and3A_230 = vector.broadcast %and3A_229 : i32 to vector<16xi32>
      %and3A_231 = arith.andi %get3A_228, %and3A_230 : vector<16xi32>
      %add3A_232 = vector.broadcast %mul3A_4 : i32 to vector<16xi32>
      %add3A_233 = arith.addi %and3A_231, %add3A_232 : vector<16xi32>
      %swap3A_234 = arith.constant 32 : index
      %swap3A_235 = tpu.vector_load %arg9[%swap3A_234] {strides = array<i32>} : memref<128xi32, #tpu.memory_space<vmem>>, vector<16xi32>,
      %swap3A_236 = vector.shape_cast %swap3A_235 : vector<16xi32> to vector<16xi32>
      %swap3A_237 = vector.shape_cast %add3A_233 : vector<16xi32> to vector<16xi32>
      tpu.vector_store %arg9[%swap3A_234], %swap3A_237 {strides = array<i32>} : memref<128xi32, #tpu.memory_space<vmem>>, vector<16xi32>,
      %shift_right_logical3A_238 = arith.constant 16 : i32
      %shift_right_logical3A_239 = vector.broadcast %shift_right_logical3A_238 : i32 to vector<16xi32>
      %shift_right_logical3A_240 = arith.shrui %get3A_228, %shift_right_logical3A_239 : vector<16xi32>
      %swap3A_241 = arith.constant 32 : index
      %swap3A_242 = tpu.vector_load %arg10[%swap3A_241] {strides = array<i32>} : memref<128xi32, #tpu.memory_space<vmem>>, vector<16xi32>,
      %swap3A_243 = vector.shape_cast %swap3A_242 : vector<16xi32> to vector<16xi32>
      %swap3A_244 = vector.shape_cast %shift_right_logical3A_240 : vector<16xi32> to vector<16xi32>
      tpu.vector_store %arg10[%swap3A_241], %swap3A_244 {strides = array<i32>} : memref<128xi32, #tpu.memory_space<vmem>>, vector<16xi32>,
      %get3A_245 = arith.index_cast %add3A_184 : i32 to index
      %get3A_246 = arith.constant 48 : index
      %get3A_247 = tpu.vector_load %arg6[%get3A_245, %get3A_246] {strides = array<i32>} : memref<80x128xi32, #tpu.memory_space<vmem>>, vector<1x16xi32>,
      %get3A_248 = vector.shape_cast %get3A_247 : vector<1x16xi32> to vector<16xi32>
      %and3A_249 = arith.constant 65535 : i32
      %and3A_250 = vector.broadcast %and3A_249 : i32 to vector<16xi32>
      %and3A_251 = arith.andi %get3A_248, %and3A_250 : vector<16xi32>
      %add3A_252 = vector.broadcast %mul3A_4 : i32 to vector<16xi32>
      %add3A_253 = arith.addi %and3A_251, %add3A_252 : vector<16xi32>
      %swap3A_254 = arith.constant 48 : index
      %swap3A_255 = tpu.vector_load %arg9[%swap3A_254] {strides = array<i32>} : memref<128xi32, #tpu.memory_space<vmem>>, vector<16xi32>,
      %swap3A_256 = vector.shape_cast %swap3A_255 : vector<16xi32> to vector<16xi32>
      %swap3A_257 = vector.shape_cast %add3A_253 : vector<16xi32> to vector<16xi32>
      tpu.vector_store %arg9[%swap3A_254], %swap3A_257 {strides = array<i32>} : memref<128xi32, #tpu.memory_space<vmem>>, vector<16xi32>,
      %shift_right_logical3A_258 = arith.constant 16 : i32
      %shift_right_logical3A_259 = vector.broadcast %shift_right_logical3A_258 : i32 to vector<16xi32>
      %shift_right_logical3A_260 = arith.shrui %get3A_248, %shift_right_logical3A_259 : vector<16xi32>
      %swap3A_261 = arith.constant 48 : index
      %swap3A_262 = tpu.vector_load %arg10[%swap3A_261] {strides = array<i32>} : memref<128xi32, #tpu.memory_space<vmem>>, vector<16xi32>,
      %swap3A_263 = vector.shape_cast %swap3A_262 : vector<16xi32> to vector<16xi32>
      %swap3A_264 = vector.shape_cast %shift_right_logical3A_260 : vector<16xi32> to vector<16xi32>
      tpu.vector_store %arg10[%swap3A_261], %swap3A_264 {strides = array<i32>} : memref<128xi32, #tpu.memory_space<vmem>>, vector<16xi32>,
      %get3A_265 = arith.index_cast %add3A_184 : i32 to index
      %get3A_266 = arith.constant 64 : index
      %get3A_267 = tpu.vector_load %arg6[%get3A_265, %get3A_266] {strides = array<i32>} : memref<80x128xi32, #tpu.memory_space<vmem>>, vector<1x16xi32>,
      %get3A_268 = vector.shape_cast %get3A_267 : vector<1x16xi32> to vector<16xi32>
      %and3A_269 = arith.constant 65535 : i32
      %and3A_270 = vector.broadcast %and3A_269 : i32 to vector<16xi32>
      %and3A_271 = arith.andi %get3A_268, %and3A_270 : vector<16xi32>
      %add3A_272 = vector.broadcast %mul3A_4 : i32 to vector<16xi32>
      %add3A_273 = arith.addi %and3A_271, %add3A_272 : vector<16xi32>
      %swap3A_274 = arith.constant 64 : index
      %swap3A_275 = tpu.vector_load %arg9[%swap3A_274] {strides = array<i32>} : memref<128xi32, #tpu.memory_space<vmem>>, vector<16xi32>,
      %swap3A_276 = vector.shape_cast %swap3A_275 : vector<16xi32> to vector<16xi32>
      %swap3A_277 = vector.shape_cast %add3A_273 : vector<16xi32> to vector<16xi32>
      tpu.vector_store %arg9[%swap3A_274], %swap3A_277 {strides = array<i32>} : memref<128xi32, #tpu.memory_space<vmem>>, vector<16xi32>,
      %shift_right_logical3A_278 = arith.constant 16 : i32
      %shift_right_logical3A_279 = vector.broadcast %shift_right_logical3A_278 : i32 to vector<16xi32>
      %shift_right_logical3A_280 = arith.shrui %get3A_268, %shift_right_logical3A_279 : vector<16xi32>
      %swap3A_281 = arith.constant 64 : index
      %swap3A_282 = tpu.vector_load %arg10[%swap3A_281] {strides = array<i32>} : memref<128xi32, #tpu.memory_space<vmem>>, vector<16xi32>,
      %swap3A_283 = vector.shape_cast %swap3A_282 : vector<16xi32> to vector<16xi32>
      %swap3A_284 = vector.shape_cast %shift_right_logical3A_280 : vector<16xi32> to vector<16xi32>
      tpu.vector_store %arg10[%swap3A_281], %swap3A_284 {strides = array<i32>} : memref<128xi32, #tpu.memory_space<vmem>>, vector<16xi32>,
      %get3A_285 = arith.index_cast %add3A_184 : i32 to index
      %get3A_286 = arith.constant 80 : index
      %get3A_287 = tpu.vector_load %arg6[%get3A_285, %get3A_286] {strides = array<i32>} : memref<80x128xi32, #tpu.memory_space<vmem>>, vector<1x16xi32>,
      %get3A_288 = vector.shape_cast %get3A_287 : vector<1x16xi32> to vector<16xi32>
      %and3A_289 = arith.constant 65535 : i32
      %and3A_290 = vector.broadcast %and3A_289 : i32 to vector<16xi32>
      %and3A_291 = arith.andi %get3A_288, %and3A_290 : vector<16xi32>
      %add3A_292 = vector.broadcast %mul3A_4 : i32 to vector<16xi32>
      %add3A_293 = arith.addi %and3A_291, %add3A_292 : vector<16xi32>
      %swap3A_294 = arith.constant 80 : index
      %swap3A_295 = tpu.vector_load %arg9[%swap3A_294] {strides = array<i32>} : memref<128xi32, #tpu.memory_space<vmem>>, vector<16xi32>,
      %swap3A_296 = vector.shape_cast %swap3A_295 : vector<16xi32> to vector<16xi32>
      %swap3A_297 = vector.shape_cast %add3A_293 : vector<16xi32> to vector<16xi32>
      tpu.vector_store %arg9[%swap3A_294], %swap3A_297 {strides = array<i32>} : memref<128xi32, #tpu.memory_space<vmem>>, vector<16xi32>,
      %shift_right_logical3A_298 = arith.constant 16 : i32
      %shift_right_logical3A_299 = vector.broadcast %shift_right_logical3A_298 : i32 to vector<16xi32>
      %shift_right_logical3A_300 = arith.shrui %get3A_288, %shift_right_logical3A_299 : vector<16xi32>
      %swap3A_301 = arith.constant 80 : index
      %swap3A_302 = tpu.vector_load %arg10[%swap3A_301] {strides = array<i32>} : memref<128xi32, #tpu.memory_space<vmem>>, vector<16xi32>,
      %swap3A_303 = vector.shape_cast %swap3A_302 : vector<16xi32> to vector<16xi32>
      %swap3A_304 = vector.shape_cast %shift_right_logical3A_300 : vector<16xi32> to vector<16xi32>
      tpu.vector_store %arg10[%swap3A_301], %swap3A_304 {strides = array<i32>} : memref<128xi32, #tpu.memory_space<vmem>>, vector<16xi32>,
      %get3A_305 = arith.index_cast %add3A_184 : i32 to index
      %get3A_306 = arith.constant 96 : index
      %get3A_307 = tpu.vector_load %arg6[%get3A_305, %get3A_306] {strides = array<i32>} : memref<80x128xi32, #tpu.memory_space<vmem>>, vector<1x16xi32>,
      %get3A_308 = vector.shape_cast %get3A_307 : vector<1x16xi32> to vector<16xi32>
      %and3A_309 = arith.constant 65535 : i32
      %and3A_310 = vector.broadcast %and3A_309 : i32 to vector<16xi32>
      %and3A_311 = arith.andi %get3A_308, %and3A_310 : vector<16xi32>
      %add3A_312 = vector.broadcast %mul3A_4 : i32 to vector<16xi32>
      %add3A_313 = arith.addi %and3A_311, %add3A_312 : vector<16xi32>
      %swap3A_314 = arith.constant 96 : index
      %swap3A_315 = tpu.vector_load %arg9[%swap3A_314] {strides = array<i32>} : memref<128xi32, #tpu.memory_space<vmem>>, vector<16xi32>,
      %swap3A_316 = vector.shape_cast %swap3A_315 : vector<16xi32> to vector<16xi32>
      %swap3A_317 = vector.shape_cast %add3A_313 : vector<16xi32> to vector<16xi32>
      tpu.vector_store %arg9[%swap3A_314], %swap3A_317 {strides = array<i32>} : memref<128xi32, #tpu.memory_space<vmem>>, vector<16xi32>,
      %shift_right_logical3A_318 = arith.constant 16 : i32
      %shift_right_logical3A_319 = vector.broadcast %shift_right_logical3A_318 : i32 to vector<16xi32>
      %shift_right_logical3A_320 = arith.shrui %get3A_308, %shift_right_logical3A_319 : vector<16xi32>
      %swap3A_321 = arith.constant 96 : index
      %swap3A_322 = tpu.vector_load %arg10[%swap3A_321] {strides = array<i32>} : memref<128xi32, #tpu.memory_space<vmem>>, vector<16xi32>,
      %swap3A_323 = vector.shape_cast %swap3A_322 : vector<16xi32> to vector<16xi32>
      %swap3A_324 = vector.shape_cast %shift_right_logical3A_320 : vector<16xi32> to vector<16xi32>
      tpu.vector_store %arg10[%swap3A_321], %swap3A_324 {strides = array<i32>} : memref<128xi32, #tpu.memory_space<vmem>>, vector<16xi32>,
      %get3A_325 = arith.index_cast %add3A_184 : i32 to index
      %get3A_326 = arith.constant 112 : index
      %get3A_327 = tpu.vector_load %arg6[%get3A_325, %get3A_326] {strides = array<i32>} : memref<80x128xi32, #tpu.memory_space<vmem>>, vector<1x16xi32>,
      %get3A_328 = vector.shape_cast %get3A_327 : vector<1x16xi32> to vector<16xi32>
      %and3A_329 = arith.constant 65535 : i32
      %and3A_330 = vector.broadcast %and3A_329 : i32 to vector<16xi32>
      %and3A_331 = arith.andi %get3A_328, %and3A_330 : vector<16xi32>
      %add3A_332 = vector.broadcast %mul3A_4 : i32 to vector<16xi32>
      %add3A_333 = arith.addi %and3A_331, %add3A_332 : vector<16xi32>
      %swap3A_334 = arith.constant 112 : index
      %swap3A_335 = tpu.vector_load %arg9[%swap3A_334] {strides = array<i32>} : memref<128xi32, #tpu.memory_space<vmem>>, vector<16xi32>,
      %swap3A_336 = vector.shape_cast %swap3A_335 : vector<16xi32> to vector<16xi32>
      %swap3A_337 = vector.shape_cast %add3A_333 : vector<16xi32> to vector<16xi32>
      tpu.vector_store %arg9[%swap3A_334], %swap3A_337 {strides = array<i32>} : memref<128xi32, #tpu.memory_space<vmem>>, vector<16xi32>,
      %shift_right_logical3A_338 = arith.constant 16 : i32
      %shift_right_logical3A_339 = vector.broadcast %shift_right_logical3A_338 : i32 to vector<16xi32>
      %shift_right_logical3A_340 = arith.shrui %get3A_328, %shift_right_logical3A_339 : vector<16xi32>
      %swap3A_341 = arith.constant 112 : index
      %swap3A_342 = tpu.vector_load %arg10[%swap3A_341] {strides = array<i32>} : memref<128xi32, #tpu.memory_space<vmem>>, vector<16xi32>,
      %swap3A_343 = vector.shape_cast %swap3A_342 : vector<16xi32> to vector<16xi32>
      %swap3A_344 = vector.shape_cast %shift_right_logical3A_340 : vector<16xi32> to vector<16xi32>
      tpu.vector_store %arg10[%swap3A_341], %swap3A_344 {strides = array<i32>} : memref<128xi32, #tpu.memory_space<vmem>>, vector<16xi32>,
      %dma_wait3A = arith.constant 0 : i32
      %dma_wait3A_345 = arith.constant 0 : i32
      %dma_wait3A_346 = tpu.memref_slice %arg2[%dma_wait3A, %dma_wait3A_345] : memref<20000x128xf32, #tpu.memory_space<hbm>> -> memref<20000x128xf32, #tpu.memory_space<hbm>>
      tpu.wait_indirect_dma semaphore(%arg14 : memref<!tpu.dma_semaphore, #tpu.memory_space<semaphore_mem>>) src(%dma_wait3A_346 : memref<20000x128xf32, #tpu.memory_space<hbm>>) dst(%arg11 : memref<128x128xf32, #tpu.memory_space<vmem>>)
      %dma_start3A_347 = arith.constant 0 : i32
      %dma_start3A_348 = arith.constant 0 : i32
      %dma_start3A_349 = tpu.memref_slice %arg2[%dma_start3A_347, %dma_start3A_348] : memref<20000x128xf32, #tpu.memory_space<hbm>> -> memref<20000x128xf32, #tpu.memory_space<hbm>>
      tpu.enqueue_indirect_dma source(%dma_start3A_349 : memref<20000x128xf32, #tpu.memory_space<hbm>>) target(%arg12 : memref<128x128xf32, #tpu.memory_space<vmem>>) offsets(%arg9 : memref<128xi32, #tpu.memory_space<vmem>>) semaphore(%arg15 : memref<!tpu.dma_semaphore, #tpu.memory_space<semaphore_mem>>)
      "tpu.region"() ({
        %run_scoped3A = tpu.sem_alloc : memref<!tpu.dma_semaphore, #tpu.memory_space<semaphore_mem>>
        %dma_start3A_364 = arith.constant 0 : i32
        %dma_start3A_365 = arith.constant 0 : i32
        %dma_start3A_366 = tpu.memref_slice %arg13[%dma_start3A_364, %dma_start3A_365] : memref<10240x128xf32, #tpu.memory_space<vmem_shared>> -> memref<10240x128xf32, #tpu.memory_space<vmem_shared>>
        tpu.enqueue_indirect_dma source(%arg11 : memref<128x128xf32, #tpu.memory_space<vmem>>) target(%dma_start3A_366 : memref<10240x128xf32, #tpu.memory_space<vmem_shared>>) offsets(%arg8 : memref<128xi32, #tpu.memory_space<vmem>>) semaphore(%run_scoped3A : memref<!tpu.dma_semaphore, #tpu.memory_space<semaphore_mem>>) {add = true}
        %dma_wait3A_367 = arith.constant 0 : i32
        %dma_wait3A_368 = arith.constant 0 : i32
        %dma_wait3A_369 = tpu.memref_slice %arg13[%dma_wait3A_367, %dma_wait3A_368] : memref<10240x128xf32, #tpu.memory_space<vmem_shared>> -> memref<10240x128xf32, #tpu.memory_space<vmem_shared>>
        tpu.wait_indirect_dma semaphore(%run_scoped3A : memref<!tpu.dma_semaphore, #tpu.memory_space<semaphore_mem>>) src(%arg11 : memref<128x128xf32, #tpu.memory_space<vmem>>) dst(%dma_wait3A_369 : memref<10240x128xf32, #tpu.memory_space<vmem_shared>>)
        tpu.yield
      }) : () -> ()
      %add3A_350 = arith.constant 1 : i32
      %add3A_351 = arith.addi %scan3A_180, %add3A_350 : i32
      %lt3A = arith.constant 40 : i32
      %lt3A_352 = arith.cmpi slt, %add3A_351, %lt3A : i32
      %convert_element_type3A = arith.extui %lt3A_352 : i1 to i32
      %cond3A = arith.constant 0 : i32
      %cond3A_353 = arith.cmpi ne, %convert_element_type3A, %cond3A : i32
      scf.if %cond3A_353 {
        %add3A_364 = arith.constant 1 : i32
        %add3A_365 = arith.addi %add3A_184, %add3A_364 : i32
        %get3A_366 = arith.index_cast %add3A_365 : i32 to index
        %get3A_367 = arith.constant 0 : index
        %get3A_368 = tpu.vector_load %arg6[%get3A_366, %get3A_367] {strides = array<i32>} : memref<80x128xi32, #tpu.memory_space<vmem>>, vector<1x16xi32>,
        %get3A_369 = vector.shape_cast %get3A_368 : vector<1x16xi32> to vector<16xi32>
        %and3A_370 = arith.constant 65535 : i32
        %and3A_371 = vector.broadcast %and3A_370 : i32 to vector<16xi32>
        %and3A_372 = arith.andi %get3A_369, %and3A_371 : vector<16xi32>
        %add3A_373 = vector.broadcast %mul3A_4 : i32 to vector<16xi32>
        %add3A_374 = arith.addi %and3A_372, %add3A_373 : vector<16xi32>
        %swap3A_375 = arith.constant 0 : index
        %swap3A_376 = tpu.vector_load %arg7[%swap3A_375] {strides = array<i32>} : memref<128xi32, #tpu.memory_space<vmem>>, vector<16xi32>,
        %swap3A_377 = vector.shape_cast %swap3A_376 : vector<16xi32> to vector<16xi32>
        %swap3A_378 = vector.shape_cast %add3A_374 : vector<16xi32> to vector<16xi32>
        tpu.vector_store %arg7[%swap3A_375], %swap3A_378 {strides = array<i32>} : memref<128xi32, #tpu.memory_space<vmem>>, vector<16xi32>,
        %shift_right_logical3A_379 = arith.constant 16 : i32
        %shift_right_logical3A_380 = vector.broadcast %shift_right_logical3A_379 : i32 to vector<16xi32>
        %shift_right_logical3A_381 = arith.shrui %get3A_369, %shift_right_logical3A_380 : vector<16xi32>
        %swap3A_382 = arith.constant 0 : index
        %swap3A_383 = tpu.vector_load %arg8[%swap3A_382] {strides = array<i32>} : memref<128xi32, #tpu.memory_space<vmem>>, vector<16xi32>,
        %swap3A_384 = vector.shape_cast %swap3A_383 : vector<16xi32> to vector<16xi32>
        %swap3A_385 = vector.shape_cast %shift_right_logical3A_381 : vector<16xi32> to vector<16xi32>
        tpu.vector_store %arg8[%swap3A_382], %swap3A_385 {strides = array<i32>} : memref<128xi32, #tpu.memory_space<vmem>>, vector<16xi32>,
        %get3A_386 = arith.index_cast %add3A_365 : i32 to index
        %get3A_387 = arith.constant 16 : index
        %get3A_388 = tpu.vector_load %arg6[%get3A_386, %get3A_387] {strides = array<i32>} : memref<80x128xi32, #tpu.memory_space<vmem>>, vector<1x16xi32>,
        %get3A_389 = vector.shape_cast %get3A_388 : vector<1x16xi32> to vector<16xi32>
        %and3A_390 = arith.constant 65535 : i32
        %and3A_391 = vector.broadcast %and3A_390 : i32 to vector<16xi32>
        %and3A_392 = arith.andi %get3A_389, %and3A_391 : vector<16xi32>
        %add3A_393 = vector.broadcast %mul3A_4 : i32 to vector<16xi32>
        %add3A_394 = arith.addi %and3A_392, %add3A_393 : vector<16xi32>
        %swap3A_395 = arith.constant 16 : index
        %swap3A_396 = tpu.vector_load %arg7[%swap3A_395] {strides = array<i32>} : memref<128xi32, #tpu.memory_space<vmem>>, vector<16xi32>,
        %swap3A_397 = vector.shape_cast %swap3A_396 : vector<16xi32> to vector<16xi32>
        %swap3A_398 = vector.shape_cast %add3A_394 : vector<16xi32> to vector<16xi32>
        tpu.vector_store %arg7[%swap3A_395], %swap3A_398 {strides = array<i32>} : memref<128xi32, #tpu.memory_space<vmem>>, vector<16xi32>,
        %shift_right_logical3A_399 = arith.constant 16 : i32
        %shift_right_logical3A_400 = vector.broadcast %shift_right_logical3A_399 : i32 to vector<16xi32>
        %shift_right_logical3A_401 = arith.shrui %get3A_389, %shift_right_logical3A_400 : vector<16xi32>
        %swap3A_402 = arith.constant 16 : index
        %swap3A_403 = tpu.vector_load %arg8[%swap3A_402] {strides = array<i32>} : memref<128xi32, #tpu.memory_space<vmem>>, vector<16xi32>,
        %swap3A_404 = vector.shape_cast %swap3A_403 : vector<16xi32> to vector<16xi32>
        %swap3A_405 = vector.shape_cast %shift_right_logical3A_401 : vector<16xi32> to vector<16xi32>
        tpu.vector_store %arg8[%swap3A_402], %swap3A_405 {strides = array<i32>} : memref<128xi32, #tpu.memory_space<vmem>>, vector<16xi32>,
        %get3A_406 = arith.index_cast %add3A_365 : i32 to index
        %get3A_407 = arith.constant 32 : index
        %get3A_408 = tpu.vector_load %arg6[%get3A_406, %get3A_407] {strides = array<i32>} : memref<80x128xi32, #tpu.memory_space<vmem>>, vector<1x16xi32>,
        %get3A_409 = vector.shape_cast %get3A_408 : vector<1x16xi32> to vector<16xi32>
        %and3A_410 = arith.constant 65535 : i32
        %and3A_411 = vector.broadcast %and3A_410 : i32 to vector<16xi32>
        %and3A_412 = arith.andi %get3A_409, %and3A_411 : vector<16xi32>
        %add3A_413 = vector.broadcast %mul3A_4 : i32 to vector<16xi32>
        %add3A_414 = arith.addi %and3A_412, %add3A_413 : vector<16xi32>
        %swap3A_415 = arith.constant 32 : index
        %swap3A_416 = tpu.vector_load %arg7[%swap3A_415] {strides = array<i32>} : memref<128xi32, #tpu.memory_space<vmem>>, vector<16xi32>,
        %swap3A_417 = vector.shape_cast %swap3A_416 : vector<16xi32> to vector<16xi32>
        %swap3A_418 = vector.shape_cast %add3A_414 : vector<16xi32> to vector<16xi32>
        tpu.vector_store %arg7[%swap3A_415], %swap3A_418 {strides = array<i32>} : memref<128xi32, #tpu.memory_space<vmem>>, vector<16xi32>,
        %shift_right_logical3A_419 = arith.constant 16 : i32
        %shift_right_logical3A_420 = vector.broadcast %shift_right_logical3A_419 : i32 to vector<16xi32>
        %shift_right_logical3A_421 = arith.shrui %get3A_409, %shift_right_logical3A_420 : vector<16xi32>
        %swap3A_422 = arith.constant 32 : index
        %swap3A_423 = tpu.vector_load %arg8[%swap3A_422] {strides = array<i32>} : memref<128xi32, #tpu.memory_space<vmem>>, vector<16xi32>,
        %swap3A_424 = vector.shape_cast %swap3A_423 : vector<16xi32> to vector<16xi32>
        %swap3A_425 = vector.shape_cast %shift_right_logical3A_421 : vector<16xi32> to vector<16xi32>
        tpu.vector_store %arg8[%swap3A_422], %swap3A_425 {strides = array<i32>} : memref<128xi32, #tpu.memory_space<vmem>>, vector<16xi32>,
        %get3A_426 = arith.index_cast %add3A_365 : i32 to index
        %get3A_427 = arith.constant 48 : index
        %get3A_428 = tpu.vector_load %arg6[%get3A_426, %get3A_427] {strides = array<i32>} : memref<80x128xi32, #tpu.memory_space<vmem>>, vector<1x16xi32>,
        %get3A_429 = vector.shape_cast %get3A_428 : vector<1x16xi32> to vector<16xi32>
        %and3A_430 = arith.constant 65535 : i32
        %and3A_431 = vector.broadcast %and3A_430 : i32 to vector<16xi32>
        %and3A_432 = arith.andi %get3A_429, %and3A_431 : vector<16xi32>
        %add3A_433 = vector.broadcast %mul3A_4 : i32 to vector<16xi32>
        %add3A_434 = arith.addi %and3A_432, %add3A_433 : vector<16xi32>
        %swap3A_435 = arith.constant 48 : index
        %swap3A_436 = tpu.vector_load %arg7[%swap3A_435] {strides = array<i32>} : memref<128xi32, #tpu.memory_space<vmem>>, vector<16xi32>,
        %swap3A_437 = vector.shape_cast %swap3A_436 : vector<16xi32> to vector<16xi32>
        %swap3A_438 = vector.shape_cast %add3A_434 : vector<16xi32> to vector<16xi32>
        tpu.vector_store %arg7[%swap3A_435], %swap3A_438 {strides = array<i32>} : memref<128xi32, #tpu.memory_space<vmem>>, vector<16xi32>,
        %shift_right_logical3A_439 = arith.constant 16 : i32
        %shift_right_logical3A_440 = vector.broadcast %shift_right_logical3A_439 : i32 to vector<16xi32>
        %shift_right_logical3A_441 = arith.shrui %get3A_429, %shift_right_logical3A_440 : vector<16xi32>
        %swap3A_442 = arith.constant 48 : index
        %swap3A_443 = tpu.vector_load %arg8[%swap3A_442] {strides = array<i32>} : memref<128xi32, #tpu.memory_space<vmem>>, vector<16xi32>,
        %swap3A_444 = vector.shape_cast %swap3A_443 : vector<16xi32> to vector<16xi32>
        %swap3A_445 = vector.shape_cast %shift_right_logical3A_441 : vector<16xi32> to vector<16xi32>
        tpu.vector_store %arg8[%swap3A_442], %swap3A_445 {strides = array<i32>} : memref<128xi32, #tpu.memory_space<vmem>>, vector<16xi32>,
        %get3A_446 = arith.index_cast %add3A_365 : i32 to index
        %get3A_447 = arith.constant 64 : index
        %get3A_448 = tpu.vector_load %arg6[%get3A_446, %get3A_447] {strides = array<i32>} : memref<80x128xi32, #tpu.memory_space<vmem>>, vector<1x16xi32>,
        %get3A_449 = vector.shape_cast %get3A_448 : vector<1x16xi32> to vector<16xi32>
        %and3A_450 = arith.constant 65535 : i32
        %and3A_451 = vector.broadcast %and3A_450 : i32 to vector<16xi32>
        %and3A_452 = arith.andi %get3A_449, %and3A_451 : vector<16xi32>
        %add3A_453 = vector.broadcast %mul3A_4 : i32 to vector<16xi32>
        %add3A_454 = arith.addi %and3A_452, %add3A_453 : vector<16xi32>
        %swap3A_455 = arith.constant 64 : index
        %swap3A_456 = tpu.vector_load %arg7[%swap3A_455] {strides = array<i32>} : memref<128xi32, #tpu.memory_space<vmem>>, vector<16xi32>,
        %swap3A_457 = vector.shape_cast %swap3A_456 : vector<16xi32> to vector<16xi32>
        %swap3A_458 = vector.shape_cast %add3A_454 : vector<16xi32> to vector<16xi32>
        tpu.vector_store %arg7[%swap3A_455], %swap3A_458 {strides = array<i32>} : memref<128xi32, #tpu.memory_space<vmem>>, vector<16xi32>,
        %shift_right_logical3A_459 = arith.constant 16 : i32
        %shift_right_logical3A_460 = vector.broadcast %shift_right_logical3A_459 : i32 to vector<16xi32>
        %shift_right_logical3A_461 = arith.shrui %get3A_449, %shift_right_logical3A_460 : vector<16xi32>
        %swap3A_462 = arith.constant 64 : index
        %swap3A_463 = tpu.vector_load %arg8[%swap3A_462] {strides = array<i32>} : memref<128xi32, #tpu.memory_space<vmem>>, vector<16xi32>,
        %swap3A_464 = vector.shape_cast %swap3A_463 : vector<16xi32> to vector<16xi32>
        %swap3A_465 = vector.shape_cast %shift_right_logical3A_461 : vector<16xi32> to vector<16xi32>
        tpu.vector_store %arg8[%swap3A_462], %swap3A_465 {strides = array<i32>} : memref<128xi32, #tpu.memory_space<vmem>>, vector<16xi32>,
        %get3A_466 = arith.index_cast %add3A_365 : i32 to index
        %get3A_467 = arith.constant 80 : index
        %get3A_468 = tpu.vector_load %arg6[%get3A_466, %get3A_467] {strides = array<i32>} : memref<80x128xi32, #tpu.memory_space<vmem>>, vector<1x16xi32>,
        %get3A_469 = vector.shape_cast %get3A_468 : vector<1x16xi32> to vector<16xi32>
        %and3A_470 = arith.constant 65535 : i32
        %and3A_471 = vector.broadcast %and3A_470 : i32 to vector<16xi32>
        %and3A_472 = arith.andi %get3A_469, %and3A_471 : vector<16xi32>
        %add3A_473 = vector.broadcast %mul3A_4 : i32 to vector<16xi32>
        %add3A_474 = arith.addi %and3A_472, %add3A_473 : vector<16xi32>
        %swap3A_475 = arith.constant 80 : index
        %swap3A_476 = tpu.vector_load %arg7[%swap3A_475] {strides = array<i32>} : memref<128xi32, #tpu.memory_space<vmem>>, vector<16xi32>,
        %swap3A_477 = vector.shape_cast %swap3A_476 : vector<16xi32> to vector<16xi32>
        %swap3A_478 = vector.shape_cast %add3A_474 : vector<16xi32> to vector<16xi32>
        tpu.vector_store %arg7[%swap3A_475], %swap3A_478 {strides = array<i32>} : memref<128xi32, #tpu.memory_space<vmem>>, vector<16xi32>,
        %shift_right_logical3A_479 = arith.constant 16 : i32
        %shift_right_logical3A_480 = vector.broadcast %shift_right_logical3A_479 : i32 to vector<16xi32>
        %shift_right_logical3A_481 = arith.shrui %get3A_469, %shift_right_logical3A_480 : vector<16xi32>
        %swap3A_482 = arith.constant 80 : index
        %swap3A_483 = tpu.vector_load %arg8[%swap3A_482] {strides = array<i32>} : memref<128xi32, #tpu.memory_space<vmem>>, vector<16xi32>,
        %swap3A_484 = vector.shape_cast %swap3A_483 : vector<16xi32> to vector<16xi32>
        %swap3A_485 = vector.shape_cast %shift_right_logical3A_481 : vector<16xi32> to vector<16xi32>
        tpu.vector_store %arg8[%swap3A_482], %swap3A_485 {strides = array<i32>} : memref<128xi32, #tpu.memory_space<vmem>>, vector<16xi32>,
        %get3A_486 = arith.index_cast %add3A_365 : i32 to index
        %get3A_487 = arith.constant 96 : index
        %get3A_488 = tpu.vector_load %arg6[%get3A_486, %get3A_487] {strides = array<i32>} : memref<80x128xi32, #tpu.memory_space<vmem>>, vector<1x16xi32>,
        %get3A_489 = vector.shape_cast %get3A_488 : vector<1x16xi32> to vector<16xi32>
        %and3A_490 = arith.constant 65535 : i32
        %and3A_491 = vector.broadcast %and3A_490 : i32 to vector<16xi32>
        %and3A_492 = arith.andi %get3A_489, %and3A_491 : vector<16xi32>
        %add3A_493 = vector.broadcast %mul3A_4 : i32 to vector<16xi32>
        %add3A_494 = arith.addi %and3A_492, %add3A_493 : vector<16xi32>
        %swap3A_495 = arith.constant 96 : index
        %swap3A_496 = tpu.vector_load %arg7[%swap3A_495] {strides = array<i32>} : memref<128xi32, #tpu.memory_space<vmem>>, vector<16xi32>,
        %swap3A_497 = vector.shape_cast %swap3A_496 : vector<16xi32> to vector<16xi32>
        %swap3A_498 = vector.shape_cast %add3A_494 : vector<16xi32> to vector<16xi32>
        tpu.vector_store %arg7[%swap3A_495], %swap3A_498 {strides = array<i32>} : memref<128xi32, #tpu.memory_space<vmem>>, vector<16xi32>,
        %shift_right_logical3A_499 = arith.constant 16 : i32
        %shift_right_logical3A_500 = vector.broadcast %shift_right_logical3A_499 : i32 to vector<16xi32>
        %shift_right_logical3A_501 = arith.shrui %get3A_489, %shift_right_logical3A_500 : vector<16xi32>
        %swap3A_502 = arith.constant 96 : index
        %swap3A_503 = tpu.vector_load %arg8[%swap3A_502] {strides = array<i32>} : memref<128xi32, #tpu.memory_space<vmem>>, vector<16xi32>,
        %swap3A_504 = vector.shape_cast %swap3A_503 : vector<16xi32> to vector<16xi32>
        %swap3A_505 = vector.shape_cast %shift_right_logical3A_501 : vector<16xi32> to vector<16xi32>
        tpu.vector_store %arg8[%swap3A_502], %swap3A_505 {strides = array<i32>} : memref<128xi32, #tpu.memory_space<vmem>>, vector<16xi32>,
        %get3A_506 = arith.index_cast %add3A_365 : i32 to index
        %get3A_507 = arith.constant 112 : index
        %get3A_508 = tpu.vector_load %arg6[%get3A_506, %get3A_507] {strides = array<i32>} : memref<80x128xi32, #tpu.memory_space<vmem>>, vector<1x16xi32>,
        %get3A_509 = vector.shape_cast %get3A_508 : vector<1x16xi32> to vector<16xi32>
        %and3A_510 = arith.constant 65535 : i32
        %and3A_511 = vector.broadcast %and3A_510 : i32 to vector<16xi32>
        %and3A_512 = arith.andi %get3A_509, %and3A_511 : vector<16xi32>
        %add3A_513 = vector.broadcast %mul3A_4 : i32 to vector<16xi32>
        %add3A_514 = arith.addi %and3A_512, %add3A_513 : vector<16xi32>
        %swap3A_515 = arith.constant 112 : index
        %swap3A_516 = tpu.vector_load %arg7[%swap3A_515] {strides = array<i32>} : memref<128xi32, #tpu.memory_space<vmem>>, vector<16xi32>,
        %swap3A_517 = vector.shape_cast %swap3A_516 : vector<16xi32> to vector<16xi32>
        %swap3A_518 = vector.shape_cast %add3A_514 : vector<16xi32> to vector<16xi32>
        tpu.vector_store %arg7[%swap3A_515], %swap3A_518 {strides = array<i32>} : memref<128xi32, #tpu.memory_space<vmem>>, vector<16xi32>,
        %shift_right_logical3A_519 = arith.constant 16 : i32
        %shift_right_logical3A_520 = vector.broadcast %shift_right_logical3A_519 : i32 to vector<16xi32>
        %shift_right_logical3A_521 = arith.shrui %get3A_509, %shift_right_logical3A_520 : vector<16xi32>
        %swap3A_522 = arith.constant 112 : index
        %swap3A_523 = tpu.vector_load %arg8[%swap3A_522] {strides = array<i32>} : memref<128xi32, #tpu.memory_space<vmem>>, vector<16xi32>,
        %swap3A_524 = vector.shape_cast %swap3A_523 : vector<16xi32> to vector<16xi32>
        %swap3A_525 = vector.shape_cast %shift_right_logical3A_521 : vector<16xi32> to vector<16xi32>
        tpu.vector_store %arg8[%swap3A_522], %swap3A_525 {strides = array<i32>} : memref<128xi32, #tpu.memory_space<vmem>>, vector<16xi32>,
      } else {
      }
      %dma_wait3A_354 = arith.constant 0 : i32
      %dma_wait3A_355 = arith.constant 0 : i32
      %dma_wait3A_356 = tpu.memref_slice %arg2[%dma_wait3A_354, %dma_wait3A_355] : memref<20000x128xf32, #tpu.memory_space<hbm>> -> memref<20000x128xf32, #tpu.memory_space<hbm>>
      tpu.wait_indirect_dma semaphore(%arg15 : memref<!tpu.dma_semaphore, #tpu.memory_space<semaphore_mem>>) src(%dma_wait3A_356 : memref<20000x128xf32, #tpu.memory_space<hbm>>) dst(%arg12 : memref<128x128xf32, #tpu.memory_space<vmem>>)
      %add3A_357 = arith.constant 1 : i32
      %add3A_358 = arith.addi %scan3A_180, %add3A_357 : i32
      %lt3A_359 = arith.constant 40 : i32
      %lt3A_360 = arith.cmpi slt, %add3A_358, %lt3A_359 : i32
      %convert_element_type3A_361 = arith.extui %lt3A_360 : i1 to i32
      %cond3A_362 = arith.constant 0 : i32
      %cond3A_363 = arith.cmpi ne, %convert_element_type3A_361, %cond3A_362 : i32
      scf.if %cond3A_363 {
        %dma_start3A_364 = arith.constant 0 : i32
        %dma_start3A_365 = arith.constant 0 : i32
        %dma_start3A_366 = tpu.memref_slice %arg2[%dma_start3A_364, %dma_start3A_365] : memref<20000x128xf32, #tpu.memory_space<hbm>> -> memref<20000x128xf32, #tpu.memory_space<hbm>>
        tpu.enqueue_indirect_dma source(%dma_start3A_366 : memref<20000x128xf32, #tpu.memory_space<hbm>>) target(%arg11 : memref<128x128xf32, #tpu.memory_space<vmem>>) offsets(%arg7 : memref<128xi32, #tpu.memory_space<vmem>>) semaphore(%arg14 : memref<!tpu.dma_semaphore, #tpu.memory_space<semaphore_mem>>)
      } else {
      }
      "tpu.region"() ({
        %run_scoped3A = tpu.sem_alloc : memref<!tpu.dma_semaphore, #tpu.memory_space<semaphore_mem>>
        %dma_start3A_364 = arith.constant 0 : i32
        %dma_start3A_365 = arith.constant 0 : i32
        %dma_start3A_366 = tpu.memref_slice %arg13[%dma_start3A_364, %dma_start3A_365] : memref<10240x128xf32, #tpu.memory_space<vmem_shared>> -> memref<10240x128xf32, #tpu.memory_space<vmem_shared>>
        tpu.enqueue_indirect_dma source(%arg12 : memref<128x128xf32, #tpu.memory_space<vmem>>) target(%dma_start3A_366 : memref<10240x128xf32, #tpu.memory_space<vmem_shared>>) offsets(%arg10 : memref<128xi32, #tpu.memory_space<vmem>>) semaphore(%run_scoped3A : memref<!tpu.dma_semaphore, #tpu.memory_space<semaphore_mem>>) {add = true}
        %dma_wait3A_367 = arith.constant 0 : i32
        %dma_wait3A_368 = arith.constant 0 : i32
        %dma_wait3A_369 = tpu.memref_slice %arg13[%dma_wait3A_367, %dma_wait3A_368] : memref<10240x128xf32, #tpu.memory_space<vmem_shared>> -> memref<10240x128xf32, #tpu.memory_space<vmem_shared>>
        tpu.wait_indirect_dma semaphore(%run_scoped3A : memref<!tpu.dma_semaphore, #tpu.memory_space<semaphore_mem>>) src(%arg12 : memref<128x128xf32, #tpu.memory_space<vmem>>) dst(%dma_wait3A_369 : memref<10240x128xf32, #tpu.memory_space<vmem_shared>>)
        tpu.yield
      }) : () -> ()
    }
    %scan3A_174 = arith.constant 40 : i32
    %barrier3A_175 = arith.constant 0 : index
    tpu.barrier barrier_id(%barrier3A_175)
    %mul3A_176 = arith.constant 640 : i32
    %mul3A_177 = arith.muli %arg1, %mul3A_176 : i32
    %mul3A_178 = arith.constant 640 : i32
    %mul3A_179 = arith.muli %arg1, %mul3A_178 : i32
    "tpu.region"() ({
      %run_scoped3A = tpu.sem_alloc : memref<!tpu.dma_semaphore, #tpu.memory_space<semaphore_mem>>
      %dma_start3A_180 = arith.constant 0 : i32
      %dma_start3A_181 = tpu.memref_slice %arg5[%arg0, %mul3A_179, %dma_start3A_180] : memref<2x10240x128xf32, #tpu.memory_space<hbm>> -> memref<1x640x128xf32, #tpu.memory_space<hbm>>
      %dma_start3A_182 = tpu.memref_squeeze %dma_start3A_181 : memref<1x640x128xf32, #tpu.memory_space<hbm>> -> memref<640x128xf32, #tpu.memory_space<hbm>>
      %dma_start3A_183 = arith.constant 0 : i32
      %dma_start3A_184 = tpu.memref_slice %arg13[%mul3A_177, %dma_start3A_183] : memref<10240x128xf32, #tpu.memory_space<vmem_shared>> -> memref<640x128xf32, #tpu.memory_space<vmem_shared>>
      tpu.enqueue_dma source(%dma_start3A_184 : memref<640x128xf32, #tpu.memory_space<vmem_shared>>) target(%dma_start3A_182 : memref<640x128xf32, #tpu.memory_space<hbm>>) target_semaphore(%run_scoped3A : memref<!tpu.dma_semaphore, #tpu.memory_space<semaphore_mem>>)
      %dma_wait3A = arith.constant 0 : i32
      %dma_wait3A_185 = tpu.memref_slice %arg5[%arg0, %mul3A_179, %dma_wait3A] : memref<2x10240x128xf32, #tpu.memory_space<hbm>> -> memref<1x640x128xf32, #tpu.memory_space<hbm>>
      %dma_wait3A_186 = tpu.memref_squeeze %dma_wait3A_185 : memref<1x640x128xf32, #tpu.memory_space<hbm>> -> memref<640x128xf32, #tpu.memory_space<hbm>>
      %dma_wait3A_187 = arith.constant 0 : i32
      %dma_wait3A_188 = tpu.memref_slice %arg13[%mul3A_177, %dma_wait3A_187] : memref<10240x128xf32, #tpu.memory_space<vmem_shared>> -> memref<640x128xf32, #tpu.memory_space<vmem_shared>>
      tpu.wait_dma2 semaphore(%run_scoped3A : memref<!tpu.dma_semaphore, #tpu.memory_space<semaphore_mem>>) src(%dma_wait3A_188 : memref<640x128xf32, #tpu.memory_space<vmem_shared>>) dst(%dma_wait3A_186 : memref<640x128xf32, #tpu.memory_space<hbm>>)
      tpu.yield
    }) : () -> ()
    return
  }
}

module attributes {stable_mosaic.version = 14 : i64} {
  func.func @body(%arg0: i32, %arg1: memref<2x400x128xf32, #tpu.memory_space<vmem>>, %arg2: memref<400x128xf32, #tpu.memory_space<vmem>>, %arg3: memref<256x256xf32, #tpu.memory_space<vmem>>, %arg4: memref<1x256xf32, #tpu.memory_space<vmem>>, %arg5: memref<1x1xf32, #tpu.memory_space<vmem>>, %arg6: memref<2x400x128xf32, #tpu.memory_space<vmem>>) attributes {dimension_semantics = [#tpu.dimension_semantics<arbitrary>], iteration_bounds = array<i64: 25>, scalar_prefetch = 0 : i64, scratch_operands = 0 : i64, tpu.core_type = #tpu.core_type<tc>, window_params = [{transform_indices = @transform_0, window_bounds = array<i64: 2, 400, 128>}, {transform_indices = @transform_1, window_bounds = array<i64: 400, 128>}, {pipeline_mode = #tpu.pipeline_mode<synchronous>, transform_indices = @transform_2, window_bounds = array<i64: 256, 256>}, {pipeline_mode = #tpu.pipeline_mode<synchronous>, transform_indices = @transform_3, window_bounds = array<i64: 1, 256>}, {pipeline_mode = #tpu.pipeline_mode<synchronous>, transform_indices = @transform_4, window_bounds = array<i64: 1, 1>}, {transform_indices = @transform_5, window_bounds = array<i64: 2, 400, 128>}]} {
    %get3A = arith.constant 0 : index
    %get3A_0 = arith.constant 0 : index
    %get3A_1 = vector.load %arg5[%get3A, %get3A_0] : memref<1x1xf32, #tpu.memory_space<vmem>>, vector<1x1xf32>
    %get3A_2 = vector.extract %get3A_1[0, 0] : f32 from vector<1x1xf32>
    %sqrt3A = math.sqrt %get3A_2 : f32
    %get3A_3 = arith.constant 0 : index
    %get3A_4 = arith.constant 0 : index
    %get3A_5 = arith.constant 0 : index
    %get3A_6 = vector.load %arg1[%get3A_3, %get3A_4, %get3A_5] : memref<2x400x128xf32, #tpu.memory_space<vmem>>, vector<1x400x128xf32>
    %get3A_7 = vector.shape_cast %get3A_6 : vector<1x400x128xf32> to vector<400x128xf32>
    %get3A_8 = arith.constant 1 : index
    %get3A_9 = arith.constant 0 : index
    %get3A_10 = arith.constant 0 : index
    %get3A_11 = vector.load %arg1[%get3A_8, %get3A_9, %get3A_10] : memref<2x400x128xf32, #tpu.memory_space<vmem>>, vector<1x400x128xf32>
    %get3A_12 = vector.shape_cast %get3A_11 : vector<1x400x128xf32> to vector<400x128xf32>
    %concatenate3A = tpu.concatenate %get3A_7, %get3A_12 in 1 : vector<400x128xf32>, vector<400x128xf32> -> vector<400x256xf32>
    %get3A_13 = arith.constant 0 : index
    %get3A_14 = arith.constant 0 : index
    %get3A_15 = vector.load %arg2[%get3A_13, %get3A_14] : memref<400x128xf32, #tpu.memory_space<vmem>>, vector<400x1xf32>
    %max3A = arith.constant 1.000000e+00 : f32
    %max3A_16 = vector.broadcast %max3A : f32 to vector<400x1xf32>
    %max3A_17 = arith.maximumf %get3A_15, %max3A_16 : vector<400x1xf32>
    %div3A = vector.broadcast %max3A_17 : vector<400x1xf32> to vector<400x256xf32>
    %div3A_18 = arith.divf %concatenate3A, %div3A : vector<400x256xf32>
    %mul3A = arith.mulf %div3A_18, %div3A_18 : vector<400x256xf32>
    %reduce_sum3A = arith.constant dense<0.000000e+00> : vector<400xf32>
    %reduce_sum3A_19 = vector.multi_reduction <add>, %mul3A, %reduce_sum3A [1] : vector<400x256xf32> to vector<400xf32>
    %broadcast_in_dim3A = vector.shape_cast %reduce_sum3A_19 : vector<400xf32> to vector<400x1xf32>
    %sqrt3A_20 = math.sqrt %broadcast_in_dim3A : vector<400x1xf32>
    %max3A_21 = arith.constant 1.000000e-07 : f32
    %max3A_22 = vector.broadcast %max3A_21 : f32 to vector<400x1xf32>
    %max3A_23 = arith.maximumf %sqrt3A_20, %max3A_22 : vector<400x1xf32>
    %mul3A_24 = vector.broadcast %sqrt3A : f32 to vector<400x1xf32>
    %mul3A_25 = arith.mulf %mul3A_24, %max3A_23 : vector<400x1xf32>
    %tanh3A = math.tanh %mul3A_25 : vector<400x1xf32>
    %mul3A_26 = vector.broadcast %tanh3A : vector<400x1xf32> to vector<400x256xf32>
    %mul3A_27 = arith.mulf %mul3A_26, %div3A_18 : vector<400x256xf32>
    %mul3A_28 = vector.broadcast %sqrt3A : f32 to vector<400x1xf32>
    %mul3A_29 = arith.mulf %mul3A_28, %max3A_23 : vector<400x1xf32>
    %div3A_30 = vector.broadcast %mul3A_29 : vector<400x1xf32> to vector<400x256xf32>
    %div3A_31 = arith.divf %mul3A_27, %div3A_30 : vector<400x256xf32>
    %mul3A_32 = arith.mulf %div3A_31, %div3A_31 : vector<400x256xf32>
    %reduce_sum3A_33 = arith.constant dense<0.000000e+00> : vector<400xf32>
    %reduce_sum3A_34 = vector.multi_reduction <add>, %mul3A_32, %reduce_sum3A_33 [1] : vector<400x256xf32> to vector<400xf32>
    %broadcast_in_dim3A_35 = vector.shape_cast %reduce_sum3A_34 : vector<400xf32> to vector<400x1xf32>
    %sqrt3A_36 = math.sqrt %broadcast_in_dim3A_35 : vector<400x1xf32>
    %max3A_37 = arith.constant 1.000000e-07 : f32
    %max3A_38 = vector.broadcast %max3A_37 : f32 to vector<400x1xf32>
    %max3A_39 = arith.maximumf %sqrt3A_36, %max3A_38 : vector<400x1xf32>
    %mul3A_40 = vector.broadcast %sqrt3A : f32 to vector<400x1xf32>
    %mul3A_41 = arith.mulf %mul3A_40, %max3A_39 : vector<400x1xf32>
    %jit3A = arith.constant 1.000000e-07 : f32
    %jit3A_42 = arith.constant 0.999989986 : f32
    %max3A_43 = vector.broadcast %jit3A : f32 to vector<400x1xf32>
    %max3A_44 = arith.maximumf %max3A_43, %mul3A_41 : vector<400x1xf32>
    %min3A = vector.broadcast %jit3A_42 : f32 to vector<400x1xf32>
    %min3A_45 = arith.minimumf %min3A, %max3A_44 : vector<400x1xf32>
    %add3A = arith.constant 1.000000e+00 : f32
    %add3A_46 = vector.broadcast %add3A : f32 to vector<400x1xf32>
    %add3A_47 = arith.addf %add3A_46, %min3A_45 : vector<400x1xf32>
    %sub3A = arith.constant 1.000000e+00 : f32
    %sub3A_48 = vector.broadcast %sub3A : f32 to vector<400x1xf32>
    %sub3A_49 = arith.subf %sub3A_48, %min3A_45 : vector<400x1xf32>
    %div3A_50 = arith.divf %add3A_47, %sub3A_49 : vector<400x1xf32>
    %log3A = math.log %div3A_50 : vector<400x1xf32>
    %mul3A_51 = arith.constant 5.000000e-01 : f32
    %mul3A_52 = vector.broadcast %mul3A_51 : f32 to vector<400x1xf32>
    %mul3A_53 = arith.mulf %mul3A_52, %log3A : vector<400x1xf32>
    %mul3A_54 = vector.broadcast %mul3A_53 : vector<400x1xf32> to vector<400x256xf32>
    %mul3A_55 = arith.mulf %mul3A_54, %div3A_31 : vector<400x256xf32>
    %mul3A_56 = vector.broadcast %sqrt3A : f32 to vector<400x1xf32>
    %mul3A_57 = arith.mulf %mul3A_56, %max3A_39 : vector<400x1xf32>
    %div3A_58 = vector.broadcast %mul3A_57 : vector<400x1xf32> to vector<400x256xf32>
    %div3A_59 = arith.divf %mul3A_55, %div3A_58 : vector<400x256xf32>
    %mul3A_60 = arith.mulf %div3A_59, %div3A_59 : vector<400x256xf32>
    %reduce_sum3A_61 = arith.constant dense<0.000000e+00> : vector<400xf32>
    %reduce_sum3A_62 = vector.multi_reduction <add>, %mul3A_60, %reduce_sum3A_61 [1] : vector<400x256xf32> to vector<400xf32>
    %broadcast_in_dim3A_63 = vector.shape_cast %reduce_sum3A_62 : vector<400xf32> to vector<400x1xf32>
    %sqrt3A_64 = math.sqrt %broadcast_in_dim3A_63 : vector<400x1xf32>
    %max3A_65 = arith.constant 1.000000e-07 : f32
    %max3A_66 = vector.broadcast %max3A_65 : f32 to vector<400x1xf32>
    %max3A_67 = arith.maximumf %sqrt3A_64, %max3A_66 : vector<400x1xf32>
    %mul3A_68 = vector.broadcast %sqrt3A : f32 to vector<400x1xf32>
    %mul3A_69 = arith.mulf %mul3A_68, %max3A_67 : vector<400x1xf32>
    %tanh3A_70 = math.tanh %mul3A_69 : vector<400x1xf32>
    %mul3A_71 = vector.broadcast %tanh3A_70 : vector<400x1xf32> to vector<400x256xf32>
    %mul3A_72 = arith.mulf %mul3A_71, %div3A_59 : vector<400x256xf32>
    %mul3A_73 = vector.broadcast %sqrt3A : f32 to vector<400x1xf32>
    %mul3A_74 = arith.mulf %mul3A_73, %max3A_67 : vector<400x1xf32>
    %div3A_75 = vector.broadcast %mul3A_74 : vector<400x1xf32> to vector<400x256xf32>
    %div3A_76 = arith.divf %mul3A_72, %div3A_75 : vector<400x256xf32>
    %mul3A_77 = arith.mulf %div3A_76, %div3A_76 : vector<400x256xf32>
    %reduce_sum3A_78 = arith.constant dense<0.000000e+00> : vector<400xf32>
    %reduce_sum3A_79 = vector.multi_reduction <add>, %mul3A_77, %reduce_sum3A_78 [1] : vector<400x256xf32> to vector<400xf32>
    %broadcast_in_dim3A_80 = vector.shape_cast %reduce_sum3A_79 : vector<400xf32> to vector<400x1xf32>
    %sqrt3A_81 = math.sqrt %broadcast_in_dim3A_80 : vector<400x1xf32>
    %max3A_82 = arith.constant 1.000000e-07 : f32
    %max3A_83 = vector.broadcast %max3A_82 : f32 to vector<400x1xf32>
    %max3A_84 = arith.maximumf %sqrt3A_81, %max3A_83 : vector<400x1xf32>
    %mul3A_85 = vector.broadcast %sqrt3A : f32 to vector<400x1xf32>
    %mul3A_86 = arith.mulf %mul3A_85, %max3A_84 : vector<400x1xf32>
    %jit3A_87 = arith.constant 1.000000e-07 : f32
    %jit3A_88 = arith.constant 0.999989986 : f32
    %max3A_89 = vector.broadcast %jit3A_87 : f32 to vector<400x1xf32>
    %max3A_90 = arith.maximumf %max3A_89, %mul3A_86 : vector<400x1xf32>
    %min3A_91 = vector.broadcast %jit3A_88 : f32 to vector<400x1xf32>
    %min3A_92 = arith.minimumf %min3A_91, %max3A_90 : vector<400x1xf32>
    %add3A_93 = arith.constant 1.000000e+00 : f32
    %add3A_94 = vector.broadcast %add3A_93 : f32 to vector<400x1xf32>
    %add3A_95 = arith.addf %add3A_94, %min3A_92 : vector<400x1xf32>
    %sub3A_96 = arith.constant 1.000000e+00 : f32
    %sub3A_97 = vector.broadcast %sub3A_96 : f32 to vector<400x1xf32>
    %sub3A_98 = arith.subf %sub3A_97, %min3A_92 : vector<400x1xf32>
    %div3A_99 = arith.divf %add3A_95, %sub3A_98 : vector<400x1xf32>
    %log3A_100 = math.log %div3A_99 : vector<400x1xf32>
    %mul3A_101 = arith.constant 5.000000e-01 : f32
    %mul3A_102 = vector.broadcast %mul3A_101 : f32 to vector<400x1xf32>
    %mul3A_103 = arith.mulf %mul3A_102, %log3A_100 : vector<400x1xf32>
    %mul3A_104 = vector.broadcast %mul3A_103 : vector<400x1xf32> to vector<400x256xf32>
    %mul3A_105 = arith.mulf %mul3A_104, %div3A_76 : vector<400x256xf32>
    %mul3A_106 = vector.broadcast %sqrt3A : f32 to vector<400x1xf32>
    %mul3A_107 = arith.mulf %mul3A_106, %max3A_84 : vector<400x1xf32>
    %div3A_108 = vector.broadcast %mul3A_107 : vector<400x1xf32> to vector<400x256xf32>
    %div3A_109 = arith.divf %mul3A_105, %div3A_108 : vector<400x256xf32>
    %get3A_110 = arith.constant 0 : index
    %get3A_111 = arith.constant 0 : index
    %get3A_112 = vector.load %arg3[%get3A_110, %get3A_111] : memref<256x256xf32, #tpu.memory_space<vmem>>, vector<256x256xf32>
    %dot_general3A = arith.constant dense<0.000000e+00> : vector<400x256xf32>
    %dot_general3A_113 = tpu.matmul %div3A_109, %get3A_112, %dot_general3A {dimension_numbers = #tpu.dot_dimension_numbers<[1], [0], [0], [1], [0, 0, 1, 1], [], []>, transpose_lhs_hint = false} : vector<400x256xf32>, vector<256x256xf32>, vector<400x256xf32> -> vector<400x256xf32>
    %get3A_114 = arith.constant 0 : index
    %get3A_115 = arith.constant 0 : index
    %get3A_116 = vector.load %arg4[%get3A_114, %get3A_115] : memref<1x256xf32, #tpu.memory_space<vmem>>, vector<1x256xf32>
    %add3A_117 = vector.broadcast %get3A_116 : vector<1x256xf32> to vector<400x256xf32>
    %add3A_118 = arith.addf %dot_general3A_113, %add3A_117 : vector<400x256xf32>
    %slice3A = vector.extract_strided_slice %add3A_118 {offsets = [0, 0], sizes = [400, 128], strides = [1, 1]} : vector<400x256xf32> to vector<400x128xf32>
    %swap3A = arith.constant 0 : index
    %swap3A_119 = arith.constant 0 : index
    %swap3A_120 = arith.constant 0 : index
    %swap3A_121 = vector.load %arg6[%swap3A, %swap3A_119, %swap3A_120] : memref<2x400x128xf32, #tpu.memory_space<vmem>>, vector<1x400x128xf32>
    %swap3A_122 = vector.shape_cast %swap3A_121 : vector<1x400x128xf32> to vector<400x128xf32>
    %swap3A_123 = vector.shape_cast %slice3A : vector<400x128xf32> to vector<1x400x128xf32>
    tpu.vector_store %arg6[%swap3A, %swap3A_119, %swap3A_120], %swap3A_123 {strides = array<i32>} : memref<2x400x128xf32, #tpu.memory_space<vmem>>, vector<1x400x128xf32>,
    %slice3A_124 = vector.extract_strided_slice %add3A_118 {offsets = [0, 128], sizes = [400, 128], strides = [1, 1]} : vector<400x256xf32> to vector<400x128xf32>
    %swap3A_125 = arith.constant 1 : index
    %swap3A_126 = arith.constant 0 : index
    %swap3A_127 = arith.constant 0 : index
    %swap3A_128 = vector.load %arg6[%swap3A_125, %swap3A_126, %swap3A_127] : memref<2x400x128xf32, #tpu.memory_space<vmem>>, vector<1x400x128xf32>
    %swap3A_129 = vector.shape_cast %swap3A_128 : vector<1x400x128xf32> to vector<400x128xf32>
    %swap3A_130 = vector.shape_cast %slice3A_124 : vector<400x128xf32> to vector<1x400x128xf32>
    tpu.vector_store %arg6[%swap3A_125, %swap3A_126, %swap3A_127], %swap3A_130 {strides = array<i32>} : memref<2x400x128xf32, #tpu.memory_space<vmem>>, vector<1x400x128xf32>,
    return
  }
  func.func @transform_0(%arg0: i32) -> (i32, i32, i32) {
    %c0_i32 = arith.constant 0 : i32
    %c0_i32_0 = arith.constant 0 : i32
    %c0_i32_1 = arith.constant 0 : i32
    return %c0_i32, %arg0, %c0_i32_0 : i32, i32, i32
  }
  func.func @transform_1(%arg0: i32) -> (i32, i32) {
    %c0_i32 = arith.constant 0 : i32
    %c0_i32_0 = arith.constant 0 : i32
    return %arg0, %c0_i32 : i32, i32
  }
  func.func @transform_2(%arg0: i32) -> (i32, i32) {
    %c0_i32 = arith.constant 0 : i32
    %c0_i32_0 = arith.constant 0 : i32
    %c0_i32_1 = arith.constant 0 : i32
    return %c0_i32, %c0_i32_0 : i32, i32
  }
  func.func @transform_3(%arg0: i32) -> (i32, i32) {
    %c0_i32 = arith.constant 0 : i32
    %c0_i32_0 = arith.constant 0 : i32
    %c0_i32_1 = arith.constant 0 : i32
    return %c0_i32, %c0_i32_0 : i32, i32
  }
  func.func @transform_4(%arg0: i32) -> (i32, i32) {
    %c0_i32 = arith.constant 0 : i32
    %c0_i32_0 = arith.constant 0 : i32
    %c0_i32_1 = arith.constant 0 : i32
    return %c0_i32, %c0_i32_0 : i32, i32
  }
  func.func @transform_5(%arg0: i32) -> (i32, i32, i32) {
    %c0_i32 = arith.constant 0 : i32
    %c0_i32_0 = arith.constant 0 : i32
    %c0_i32_1 = arith.constant 0 : i32
    return %c0_i32, %arg0, %c0_i32_0 : i32, i32, i32
  }
}

module attributes {stable_mosaic.version = 14 : i64} {
  func.func @_tc_enc_body(%arg0: i32, %arg1: memref<400x256xf32, #tpu.memory_space<vmem>>, %arg2: memref<256x256xf32, #tpu.memory_space<vmem>>, %arg3: memref<1x256xf32, #tpu.memory_space<vmem>>, %arg4: memref<256x256xf32, #tpu.memory_space<vmem>>, %arg5: memref<1x256xf32, #tpu.memory_space<vmem>>, %arg6: memref<1x1xf32, #tpu.memory_space<vmem>>, %arg7: memref<2x400x128xf32, #tpu.memory_space<vmem>>) attributes {dimension_semantics = [#tpu.dimension_semantics<arbitrary>], iteration_bounds = array<i64: 25>, scalar_prefetch = 0 : i64, scratch_operands = 0 : i64, tpu.core_type = #tpu.core_type<tc>, window_params = [{transform_indices = @transform_0, window_bounds = array<i64: 400, 256>}, {pipeline_mode = #tpu.pipeline_mode<synchronous>, transform_indices = @transform_1, window_bounds = array<i64: 256, 256>}, {pipeline_mode = #tpu.pipeline_mode<synchronous>, transform_indices = @transform_2, window_bounds = array<i64: 1, 256>}, {pipeline_mode = #tpu.pipeline_mode<synchronous>, transform_indices = @transform_3, window_bounds = array<i64: 256, 256>}, {pipeline_mode = #tpu.pipeline_mode<synchronous>, transform_indices = @transform_4, window_bounds = array<i64: 1, 256>}, {pipeline_mode = #tpu.pipeline_mode<synchronous>, transform_indices = @transform_5, window_bounds = array<i64: 1, 1>}, {transform_indices = @transform_6, window_bounds = array<i64: 2, 400, 128>}]} {
    %get3A = arith.constant 0 : index
    %get3A_0 = arith.constant 0 : index
    %get3A_1 = vector.load %arg6[%get3A, %get3A_0] : memref<1x1xf32, #tpu.memory_space<vmem>>, vector<1x1xf32>
    %get3A_2 = vector.extract %get3A_1[0, 0] : f32 from vector<1x1xf32>
    %sqrt3A = math.sqrt %get3A_2 : f32
    %get3A_3 = arith.constant 0 : index
    %get3A_4 = arith.constant 0 : index
    %get3A_5 = vector.load %arg1[%get3A_3, %get3A_4] : memref<400x256xf32, #tpu.memory_space<vmem>>, vector<400x256xf32>
    %get3A_6 = arith.constant 0 : index
    %get3A_7 = arith.constant 0 : index
    %get3A_8 = vector.load %arg2[%get3A_6, %get3A_7] : memref<256x256xf32, #tpu.memory_space<vmem>>, vector<256x256xf32>
    %dot_general3A = arith.constant dense<0.000000e+00> : vector<400x256xf32>
    %dot_general3A_9 = tpu.matmul %get3A_5, %get3A_8, %dot_general3A {dimension_numbers = #tpu.dot_dimension_numbers<[1], [0], [0], [1], [0, 0, 1, 1], [], []>, transpose_lhs_hint = false} : vector<400x256xf32>, vector<256x256xf32>, vector<400x256xf32> -> vector<400x256xf32>
    %get3A_10 = arith.constant 0 : index
    %get3A_11 = arith.constant 0 : index
    %get3A_12 = vector.load %arg3[%get3A_10, %get3A_11] : memref<1x256xf32, #tpu.memory_space<vmem>>, vector<1x256xf32>
    %add3A = vector.broadcast %get3A_12 : vector<1x256xf32> to vector<400x256xf32>
    %add3A_13 = arith.addf %dot_general3A_9, %add3A : vector<400x256xf32>
    %mul3A = arith.mulf %add3A_13, %add3A_13 : vector<400x256xf32>
    %reduce_sum3A = arith.constant dense<0.000000e+00> : vector<400xf32>
    %reduce_sum3A_14 = vector.multi_reduction <add>, %mul3A, %reduce_sum3A [1] : vector<400x256xf32> to vector<400xf32>
    %broadcast_in_dim3A = vector.shape_cast %reduce_sum3A_14 : vector<400xf32> to vector<400x1xf32>
    %sqrt3A_15 = math.sqrt %broadcast_in_dim3A : vector<400x1xf32>
    %max3A = arith.constant 1.000000e-07 : f32
    %max3A_16 = vector.broadcast %max3A : f32 to vector<400x1xf32>
    %max3A_17 = arith.maximumf %sqrt3A_15, %max3A_16 : vector<400x1xf32>
    %mul3A_18 = vector.broadcast %sqrt3A : f32 to vector<400x1xf32>
    %mul3A_19 = arith.mulf %mul3A_18, %max3A_17 : vector<400x1xf32>
    %tanh3A = math.tanh %mul3A_19 : vector<400x1xf32>
    %mul3A_20 = vector.broadcast %tanh3A : vector<400x1xf32> to vector<400x256xf32>
    %mul3A_21 = arith.mulf %mul3A_20, %add3A_13 : vector<400x256xf32>
    %mul3A_22 = vector.broadcast %sqrt3A : f32 to vector<400x1xf32>
    %mul3A_23 = arith.mulf %mul3A_22, %max3A_17 : vector<400x1xf32>
    %div3A = vector.broadcast %mul3A_23 : vector<400x1xf32> to vector<400x256xf32>
    %div3A_24 = arith.divf %mul3A_21, %div3A : vector<400x256xf32>
    %mul3A_25 = arith.mulf %div3A_24, %div3A_24 : vector<400x256xf32>
    %reduce_sum3A_26 = arith.constant dense<0.000000e+00> : vector<400xf32>
    %reduce_sum3A_27 = vector.multi_reduction <add>, %mul3A_25, %reduce_sum3A_26 [1] : vector<400x256xf32> to vector<400xf32>
    %broadcast_in_dim3A_28 = vector.shape_cast %reduce_sum3A_27 : vector<400xf32> to vector<400x1xf32>
    %sqrt3A_29 = math.sqrt %broadcast_in_dim3A_28 : vector<400x1xf32>
    %max3A_30 = arith.constant 1.000000e-07 : f32
    %max3A_31 = vector.broadcast %max3A_30 : f32 to vector<400x1xf32>
    %max3A_32 = arith.maximumf %sqrt3A_29, %max3A_31 : vector<400x1xf32>
    %mul3A_33 = vector.broadcast %sqrt3A : f32 to vector<400x1xf32>
    %mul3A_34 = arith.mulf %mul3A_33, %max3A_32 : vector<400x1xf32>
    %jit3A = arith.constant 1.000000e-07 : f32
    %jit3A_35 = arith.constant 0.999989986 : f32
    %max3A_36 = vector.broadcast %jit3A : f32 to vector<400x1xf32>
    %max3A_37 = arith.maximumf %max3A_36, %mul3A_34 : vector<400x1xf32>
    %min3A = vector.broadcast %jit3A_35 : f32 to vector<400x1xf32>
    %min3A_38 = arith.minimumf %min3A, %max3A_37 : vector<400x1xf32>
    %add3A_39 = arith.constant 1.000000e+00 : f32
    %add3A_40 = vector.broadcast %add3A_39 : f32 to vector<400x1xf32>
    %add3A_41 = arith.addf %add3A_40, %min3A_38 : vector<400x1xf32>
    %sub3A = arith.constant 1.000000e+00 : f32
    %sub3A_42 = vector.broadcast %sub3A : f32 to vector<400x1xf32>
    %sub3A_43 = arith.subf %sub3A_42, %min3A_38 : vector<400x1xf32>
    %div3A_44 = arith.divf %add3A_41, %sub3A_43 : vector<400x1xf32>
    %log3A = math.log %div3A_44 : vector<400x1xf32>
    %mul3A_45 = arith.constant 5.000000e-01 : f32
    %mul3A_46 = vector.broadcast %mul3A_45 : f32 to vector<400x1xf32>
    %mul3A_47 = arith.mulf %mul3A_46, %log3A : vector<400x1xf32>
    %mul3A_48 = vector.broadcast %mul3A_47 : vector<400x1xf32> to vector<400x256xf32>
    %mul3A_49 = arith.mulf %mul3A_48, %div3A_24 : vector<400x256xf32>
    %mul3A_50 = vector.broadcast %sqrt3A : f32 to vector<400x1xf32>
    %mul3A_51 = arith.mulf %mul3A_50, %max3A_32 : vector<400x1xf32>
    %div3A_52 = vector.broadcast %mul3A_51 : vector<400x1xf32> to vector<400x256xf32>
    %div3A_53 = arith.divf %mul3A_49, %div3A_52 : vector<400x256xf32>
    %get3A_54 = arith.constant 0 : index
    %get3A_55 = arith.constant 0 : index
    %get3A_56 = vector.load %arg4[%get3A_54, %get3A_55] : memref<256x256xf32, #tpu.memory_space<vmem>>, vector<256x256xf32>
    %dot_general3A_57 = arith.constant dense<0.000000e+00> : vector<400x256xf32>
    %dot_general3A_58 = tpu.matmul %div3A_53, %get3A_56, %dot_general3A_57 {dimension_numbers = #tpu.dot_dimension_numbers<[1], [0], [0], [1], [0, 0, 1, 1], [], []>, transpose_lhs_hint = false} : vector<400x256xf32>, vector<256x256xf32>, vector<400x256xf32> -> vector<400x256xf32>
    %get3A_59 = arith.constant 0 : index
    %get3A_60 = arith.constant 0 : index
    %get3A_61 = vector.load %arg5[%get3A_59, %get3A_60] : memref<1x256xf32, #tpu.memory_space<vmem>>, vector<1x256xf32>
    %add3A_62 = vector.broadcast %get3A_61 : vector<1x256xf32> to vector<400x256xf32>
    %add3A_63 = arith.addf %dot_general3A_58, %add3A_62 : vector<400x256xf32>
    %slice3A = vector.extract_strided_slice %add3A_63 {offsets = [0, 0], sizes = [400, 128], strides = [1, 1]} : vector<400x256xf32> to vector<400x128xf32>
    %swap3A = arith.constant 0 : index
    %swap3A_64 = arith.constant 0 : index
    %swap3A_65 = arith.constant 0 : index
    %swap3A_66 = vector.load %arg7[%swap3A, %swap3A_64, %swap3A_65] : memref<2x400x128xf32, #tpu.memory_space<vmem>>, vector<1x400x128xf32>
    %swap3A_67 = vector.shape_cast %swap3A_66 : vector<1x400x128xf32> to vector<400x128xf32>
    %swap3A_68 = vector.shape_cast %slice3A : vector<400x128xf32> to vector<1x400x128xf32>
    tpu.vector_store %arg7[%swap3A, %swap3A_64, %swap3A_65], %swap3A_68 {strides = array<i32>} : memref<2x400x128xf32, #tpu.memory_space<vmem>>, vector<1x400x128xf32>,
    %slice3A_69 = vector.extract_strided_slice %add3A_63 {offsets = [0, 128], sizes = [400, 128], strides = [1, 1]} : vector<400x256xf32> to vector<400x128xf32>
    %swap3A_70 = arith.constant 1 : index
    %swap3A_71 = arith.constant 0 : index
    %swap3A_72 = arith.constant 0 : index
    %swap3A_73 = vector.load %arg7[%swap3A_70, %swap3A_71, %swap3A_72] : memref<2x400x128xf32, #tpu.memory_space<vmem>>, vector<1x400x128xf32>
    %swap3A_74 = vector.shape_cast %swap3A_73 : vector<1x400x128xf32> to vector<400x128xf32>
    %swap3A_75 = vector.shape_cast %slice3A_69 : vector<400x128xf32> to vector<1x400x128xf32>
    tpu.vector_store %arg7[%swap3A_70, %swap3A_71, %swap3A_72], %swap3A_75 {strides = array<i32>} : memref<2x400x128xf32, #tpu.memory_space<vmem>>, vector<1x400x128xf32>,
    return
  }
  func.func @transform_0(%arg0: i32) -> (i32, i32) {
    %c0_i32 = arith.constant 0 : i32
    %c0_i32_0 = arith.constant 0 : i32
    return %arg0, %c0_i32 : i32, i32
  }
  func.func @transform_1(%arg0: i32) -> (i32, i32) {
    %c0_i32 = arith.constant 0 : i32
    %c0_i32_0 = arith.constant 0 : i32
    %c0_i32_1 = arith.constant 0 : i32
    return %c0_i32, %c0_i32_0 : i32, i32
  }
  func.func @transform_2(%arg0: i32) -> (i32, i32) {
    %c0_i32 = arith.constant 0 : i32
    %c0_i32_0 = arith.constant 0 : i32
    %c0_i32_1 = arith.constant 0 : i32
    return %c0_i32, %c0_i32_0 : i32, i32
  }
  func.func @transform_3(%arg0: i32) -> (i32, i32) {
    %c0_i32 = arith.constant 0 : i32
    %c0_i32_0 = arith.constant 0 : i32
    %c0_i32_1 = arith.constant 0 : i32
    return %c0_i32, %c0_i32_0 : i32, i32
  }
  func.func @transform_4(%arg0: i32) -> (i32, i32) {
    %c0_i32 = arith.constant 0 : i32
    %c0_i32_0 = arith.constant 0 : i32
    %c0_i32_1 = arith.constant 0 : i32
    return %c0_i32, %c0_i32_0 : i32, i32
  }
  func.func @transform_5(%arg0: i32) -> (i32, i32) {
    %c0_i32 = arith.constant 0 : i32
    %c0_i32_0 = arith.constant 0 : i32
    %c0_i32_1 = arith.constant 0 : i32
    return %c0_i32, %c0_i32_0 : i32, i32
  }
  func.func @transform_6(%arg0: i32) -> (i32, i32, i32) {
    %c0_i32 = arith.constant 0 : i32
    %c0_i32_0 = arith.constant 0 : i32
    %c0_i32_1 = arith.constant 0 : i32
    return %c0_i32, %arg0, %c0_i32_0 : i32, i32, i32
  }
}

module attributes {stable_mosaic.version = 14 : i64} {
  func.func @body(%arg0: i32, %arg1: memref<2x400x128xf32, #tpu.memory_space<vmem>>, %arg2: memref<400x128xf32, #tpu.memory_space<vmem>>, %arg3: memref<256x128xf32, #tpu.memory_space<vmem>>, %arg4: memref<1x128xf32, #tpu.memory_space<vmem>>, %arg5: memref<1x1xf32, #tpu.memory_space<vmem>>, %arg6: memref<1x400x128xf32, #tpu.memory_space<vmem>>) attributes {dimension_semantics = [#tpu.dimension_semantics<arbitrary>], iteration_bounds = array<i64: 25>, scalar_prefetch = 0 : i64, scratch_operands = 0 : i64, tpu.core_type = #tpu.core_type<tc>, window_params = [{transform_indices = @transform_0, window_bounds = array<i64: 2, 400, 128>}, {transform_indices = @transform_1, window_bounds = array<i64: 400, 128>}, {pipeline_mode = #tpu.pipeline_mode<synchronous>, transform_indices = @transform_2, window_bounds = array<i64: 256, 128>}, {pipeline_mode = #tpu.pipeline_mode<synchronous>, transform_indices = @transform_3, window_bounds = array<i64: 1, 128>}, {pipeline_mode = #tpu.pipeline_mode<synchronous>, transform_indices = @transform_4, window_bounds = array<i64: 1, 1>}, {transform_indices = @transform_5, window_bounds = array<i64: 1, 400, 128>}]} {
    %get3A = arith.constant 0 : index
    %get3A_0 = arith.constant 0 : index
    %get3A_1 = vector.load %arg5[%get3A, %get3A_0] : memref<1x1xf32, #tpu.memory_space<vmem>>, vector<1x1xf32>
    %get3A_2 = vector.extract %get3A_1[0, 0] : f32 from vector<1x1xf32>
    %sqrt3A = math.sqrt %get3A_2 : f32
    %get3A_3 = arith.constant 0 : index
    %get3A_4 = arith.constant 0 : index
    %get3A_5 = arith.constant 0 : index
    %get3A_6 = vector.load %arg1[%get3A_3, %get3A_4, %get3A_5] : memref<2x400x128xf32, #tpu.memory_space<vmem>>, vector<1x400x128xf32>
    %get3A_7 = vector.shape_cast %get3A_6 : vector<1x400x128xf32> to vector<400x128xf32>
    %get3A_8 = arith.constant 1 : index
    %get3A_9 = arith.constant 0 : index
    %get3A_10 = arith.constant 0 : index
    %get3A_11 = vector.load %arg1[%get3A_8, %get3A_9, %get3A_10] : memref<2x400x128xf32, #tpu.memory_space<vmem>>, vector<1x400x128xf32>
    %get3A_12 = vector.shape_cast %get3A_11 : vector<1x400x128xf32> to vector<400x128xf32>
    %concatenate3A = tpu.concatenate %get3A_7, %get3A_12 in 1 : vector<400x128xf32>, vector<400x128xf32> -> vector<400x256xf32>
    %get3A_13 = arith.constant 0 : index
    %get3A_14 = arith.constant 0 : index
    %get3A_15 = vector.load %arg2[%get3A_13, %get3A_14] : memref<400x128xf32, #tpu.memory_space<vmem>>, vector<400x1xf32>
    %max3A = arith.constant 1.000000e+00 : f32
    %max3A_16 = vector.broadcast %max3A : f32 to vector<400x1xf32>
    %max3A_17 = arith.maximumf %get3A_15, %max3A_16 : vector<400x1xf32>
    %div3A = vector.broadcast %max3A_17 : vector<400x1xf32> to vector<400x256xf32>
    %div3A_18 = arith.divf %concatenate3A, %div3A : vector<400x256xf32>
    %mul3A = arith.mulf %div3A_18, %div3A_18 : vector<400x256xf32>
    %reduce_sum3A = arith.constant dense<0.000000e+00> : vector<400xf32>
    %reduce_sum3A_19 = vector.multi_reduction <add>, %mul3A, %reduce_sum3A [1] : vector<400x256xf32> to vector<400xf32>
    %broadcast_in_dim3A = vector.shape_cast %reduce_sum3A_19 : vector<400xf32> to vector<400x1xf32>
    %sqrt3A_20 = math.sqrt %broadcast_in_dim3A : vector<400x1xf32>
    %max3A_21 = arith.constant 1.000000e-07 : f32
    %max3A_22 = vector.broadcast %max3A_21 : f32 to vector<400x1xf32>
    %max3A_23 = arith.maximumf %sqrt3A_20, %max3A_22 : vector<400x1xf32>
    %mul3A_24 = vector.broadcast %sqrt3A : f32 to vector<400x1xf32>
    %mul3A_25 = arith.mulf %mul3A_24, %max3A_23 : vector<400x1xf32>
    %tanh3A = math.tanh %mul3A_25 : vector<400x1xf32>
    %mul3A_26 = vector.broadcast %tanh3A : vector<400x1xf32> to vector<400x256xf32>
    %mul3A_27 = arith.mulf %mul3A_26, %div3A_18 : vector<400x256xf32>
    %mul3A_28 = vector.broadcast %sqrt3A : f32 to vector<400x1xf32>
    %mul3A_29 = arith.mulf %mul3A_28, %max3A_23 : vector<400x1xf32>
    %div3A_30 = vector.broadcast %mul3A_29 : vector<400x1xf32> to vector<400x256xf32>
    %div3A_31 = arith.divf %mul3A_27, %div3A_30 : vector<400x256xf32>
    %mul3A_32 = arith.mulf %div3A_31, %div3A_31 : vector<400x256xf32>
    %reduce_sum3A_33 = arith.constant dense<0.000000e+00> : vector<400xf32>
    %reduce_sum3A_34 = vector.multi_reduction <add>, %mul3A_32, %reduce_sum3A_33 [1] : vector<400x256xf32> to vector<400xf32>
    %broadcast_in_dim3A_35 = vector.shape_cast %reduce_sum3A_34 : vector<400xf32> to vector<400x1xf32>
    %sqrt3A_36 = math.sqrt %broadcast_in_dim3A_35 : vector<400x1xf32>
    %max3A_37 = arith.constant 1.000000e-07 : f32
    %max3A_38 = vector.broadcast %max3A_37 : f32 to vector<400x1xf32>
    %max3A_39 = arith.maximumf %sqrt3A_36, %max3A_38 : vector<400x1xf32>
    %mul3A_40 = vector.broadcast %sqrt3A : f32 to vector<400x1xf32>
    %mul3A_41 = arith.mulf %mul3A_40, %max3A_39 : vector<400x1xf32>
    %jit3A = arith.constant 1.000000e-07 : f32
    %jit3A_42 = arith.constant 0.999989986 : f32
    %max3A_43 = vector.broadcast %jit3A : f32 to vector<400x1xf32>
    %max3A_44 = arith.maximumf %max3A_43, %mul3A_41 : vector<400x1xf32>
    %min3A = vector.broadcast %jit3A_42 : f32 to vector<400x1xf32>
    %min3A_45 = arith.minimumf %min3A, %max3A_44 : vector<400x1xf32>
    %add3A = arith.constant 1.000000e+00 : f32
    %add3A_46 = vector.broadcast %add3A : f32 to vector<400x1xf32>
    %add3A_47 = arith.addf %add3A_46, %min3A_45 : vector<400x1xf32>
    %sub3A = arith.constant 1.000000e+00 : f32
    %sub3A_48 = vector.broadcast %sub3A : f32 to vector<400x1xf32>
    %sub3A_49 = arith.subf %sub3A_48, %min3A_45 : vector<400x1xf32>
    %div3A_50 = arith.divf %add3A_47, %sub3A_49 : vector<400x1xf32>
    %log3A = math.log %div3A_50 : vector<400x1xf32>
    %mul3A_51 = arith.constant 5.000000e-01 : f32
    %mul3A_52 = vector.broadcast %mul3A_51 : f32 to vector<400x1xf32>
    %mul3A_53 = arith.mulf %mul3A_52, %log3A : vector<400x1xf32>
    %mul3A_54 = vector.broadcast %mul3A_53 : vector<400x1xf32> to vector<400x256xf32>
    %mul3A_55 = arith.mulf %mul3A_54, %div3A_31 : vector<400x256xf32>
    %mul3A_56 = vector.broadcast %sqrt3A : f32 to vector<400x1xf32>
    %mul3A_57 = arith.mulf %mul3A_56, %max3A_39 : vector<400x1xf32>
    %div3A_58 = vector.broadcast %mul3A_57 : vector<400x1xf32> to vector<400x256xf32>
    %div3A_59 = arith.divf %mul3A_55, %div3A_58 : vector<400x256xf32>
    %mul3A_60 = arith.mulf %div3A_59, %div3A_59 : vector<400x256xf32>
    %reduce_sum3A_61 = arith.constant dense<0.000000e+00> : vector<400xf32>
    %reduce_sum3A_62 = vector.multi_reduction <add>, %mul3A_60, %reduce_sum3A_61 [1] : vector<400x256xf32> to vector<400xf32>
    %broadcast_in_dim3A_63 = vector.shape_cast %reduce_sum3A_62 : vector<400xf32> to vector<400x1xf32>
    %sqrt3A_64 = math.sqrt %broadcast_in_dim3A_63 : vector<400x1xf32>
    %max3A_65 = arith.constant 1.000000e-07 : f32
    %max3A_66 = vector.broadcast %max3A_65 : f32 to vector<400x1xf32>
    %max3A_67 = arith.maximumf %sqrt3A_64, %max3A_66 : vector<400x1xf32>
    %mul3A_68 = vector.broadcast %sqrt3A : f32 to vector<400x1xf32>
    %mul3A_69 = arith.mulf %mul3A_68, %max3A_67 : vector<400x1xf32>
    %tanh3A_70 = math.tanh %mul3A_69 : vector<400x1xf32>
    %mul3A_71 = vector.broadcast %tanh3A_70 : vector<400x1xf32> to vector<400x256xf32>
    %mul3A_72 = arith.mulf %mul3A_71, %div3A_59 : vector<400x256xf32>
    %mul3A_73 = vector.broadcast %sqrt3A : f32 to vector<400x1xf32>
    %mul3A_74 = arith.mulf %mul3A_73, %max3A_67 : vector<400x1xf32>
    %div3A_75 = vector.broadcast %mul3A_74 : vector<400x1xf32> to vector<400x256xf32>
    %div3A_76 = arith.divf %mul3A_72, %div3A_75 : vector<400x256xf32>
    %mul3A_77 = arith.mulf %div3A_76, %div3A_76 : vector<400x256xf32>
    %reduce_sum3A_78 = arith.constant dense<0.000000e+00> : vector<400xf32>
    %reduce_sum3A_79 = vector.multi_reduction <add>, %mul3A_77, %reduce_sum3A_78 [1] : vector<400x256xf32> to vector<400xf32>
    %broadcast_in_dim3A_80 = vector.shape_cast %reduce_sum3A_79 : vector<400xf32> to vector<400x1xf32>
    %sqrt3A_81 = math.sqrt %broadcast_in_dim3A_80 : vector<400x1xf32>
    %max3A_82 = arith.constant 1.000000e-07 : f32
    %max3A_83 = vector.broadcast %max3A_82 : f32 to vector<400x1xf32>
    %max3A_84 = arith.maximumf %sqrt3A_81, %max3A_83 : vector<400x1xf32>
    %mul3A_85 = vector.broadcast %sqrt3A : f32 to vector<400x1xf32>
    %mul3A_86 = arith.mulf %mul3A_85, %max3A_84 : vector<400x1xf32>
    %jit3A_87 = arith.constant 1.000000e-07 : f32
    %jit3A_88 = arith.constant 0.999989986 : f32
    %max3A_89 = vector.broadcast %jit3A_87 : f32 to vector<400x1xf32>
    %max3A_90 = arith.maximumf %max3A_89, %mul3A_86 : vector<400x1xf32>
    %min3A_91 = vector.broadcast %jit3A_88 : f32 to vector<400x1xf32>
    %min3A_92 = arith.minimumf %min3A_91, %max3A_90 : vector<400x1xf32>
    %add3A_93 = arith.constant 1.000000e+00 : f32
    %add3A_94 = vector.broadcast %add3A_93 : f32 to vector<400x1xf32>
    %add3A_95 = arith.addf %add3A_94, %min3A_92 : vector<400x1xf32>
    %sub3A_96 = arith.constant 1.000000e+00 : f32
    %sub3A_97 = vector.broadcast %sub3A_96 : f32 to vector<400x1xf32>
    %sub3A_98 = arith.subf %sub3A_97, %min3A_92 : vector<400x1xf32>
    %div3A_99 = arith.divf %add3A_95, %sub3A_98 : vector<400x1xf32>
    %log3A_100 = math.log %div3A_99 : vector<400x1xf32>
    %mul3A_101 = arith.constant 5.000000e-01 : f32
    %mul3A_102 = vector.broadcast %mul3A_101 : f32 to vector<400x1xf32>
    %mul3A_103 = arith.mulf %mul3A_102, %log3A_100 : vector<400x1xf32>
    %mul3A_104 = vector.broadcast %mul3A_103 : vector<400x1xf32> to vector<400x256xf32>
    %mul3A_105 = arith.mulf %mul3A_104, %div3A_76 : vector<400x256xf32>
    %mul3A_106 = vector.broadcast %sqrt3A : f32 to vector<400x1xf32>
    %mul3A_107 = arith.mulf %mul3A_106, %max3A_84 : vector<400x1xf32>
    %div3A_108 = vector.broadcast %mul3A_107 : vector<400x1xf32> to vector<400x256xf32>
    %div3A_109 = arith.divf %mul3A_105, %div3A_108 : vector<400x256xf32>
    %get3A_110 = arith.constant 0 : index
    %get3A_111 = arith.constant 0 : index
    %get3A_112 = vector.load %arg3[%get3A_110, %get3A_111] : memref<256x128xf32, #tpu.memory_space<vmem>>, vector<256x128xf32>
    %dot_general3A = arith.constant dense<0.000000e+00> : vector<400x128xf32>
    %dot_general3A_113 = tpu.matmul %div3A_109, %get3A_112, %dot_general3A {dimension_numbers = #tpu.dot_dimension_numbers<[1], [0], [0], [1], [0, 0, 1, 1], [], []>, transpose_lhs_hint = false} : vector<400x256xf32>, vector<256x128xf32>, vector<400x128xf32> -> vector<400x128xf32>
    %get3A_114 = arith.constant 0 : index
    %get3A_115 = arith.constant 0 : index
    %get3A_116 = vector.load %arg4[%get3A_114, %get3A_115] : memref<1x128xf32, #tpu.memory_space<vmem>>, vector<1x128xf32>
    %add3A_117 = vector.broadcast %get3A_116 : vector<1x128xf32> to vector<400x128xf32>
    %add3A_118 = arith.addf %dot_general3A_113, %add3A_117 : vector<400x128xf32>
    %swap3A = arith.constant 0 : index
    %swap3A_119 = arith.constant 0 : index
    %swap3A_120 = arith.constant 0 : index
    %swap3A_121 = vector.load %arg6[%swap3A, %swap3A_119, %swap3A_120] : memref<1x400x128xf32, #tpu.memory_space<vmem>>, vector<1x400x128xf32>
    %swap3A_122 = vector.shape_cast %swap3A_121 : vector<1x400x128xf32> to vector<400x128xf32>
    %swap3A_123 = vector.shape_cast %add3A_118 : vector<400x128xf32> to vector<1x400x128xf32>
    tpu.vector_store %arg6[%swap3A, %swap3A_119, %swap3A_120], %swap3A_123 {strides = array<i32>} : memref<1x400x128xf32, #tpu.memory_space<vmem>>, vector<1x400x128xf32>,
    return
  }
  func.func @transform_0(%arg0: i32) -> (i32, i32, i32) {
    %c0_i32 = arith.constant 0 : i32
    %c0_i32_0 = arith.constant 0 : i32
    %c0_i32_1 = arith.constant 0 : i32
    return %c0_i32, %arg0, %c0_i32_0 : i32, i32, i32
  }
  func.func @transform_1(%arg0: i32) -> (i32, i32) {
    %c0_i32 = arith.constant 0 : i32
    %c0_i32_0 = arith.constant 0 : i32
    return %arg0, %c0_i32 : i32, i32
  }
  func.func @transform_2(%arg0: i32) -> (i32, i32) {
    %c0_i32 = arith.constant 0 : i32
    %c0_i32_0 = arith.constant 0 : i32
    %c0_i32_1 = arith.constant 0 : i32
    return %c0_i32, %c0_i32_0 : i32, i32
  }
  func.func @transform_3(%arg0: i32) -> (i32, i32) {
    %c0_i32 = arith.constant 0 : i32
    %c0_i32_0 = arith.constant 0 : i32
    %c0_i32_1 = arith.constant 0 : i32
    return %c0_i32, %c0_i32_0 : i32, i32
  }
  func.func @transform_4(%arg0: i32) -> (i32, i32) {
    %c0_i32 = arith.constant 0 : i32
    %c0_i32_0 = arith.constant 0 : i32
    %c0_i32_1 = arith.constant 0 : i32
    return %c0_i32, %c0_i32_0 : i32, i32
  }
  func.func @transform_5(%arg0: i32) -> (i32, i32, i32) {
    %c0_i32 = arith.constant 0 : i32
    %c0_i32_0 = arith.constant 0 : i32
    %c0_i32_1 = arith.constant 0 : i32
    return %c0_i32, %arg0, %c0_i32_0 : i32, i32, i32
  }
}

</mosaic_0001>

<sc_bundles>
// kernel: kernel.10.cloned.1.call-start
scs
__scs_entry_jumppad:
0x0: {  	(pc) =	sbr.rel $0x88, $3  }
0x1: {  	(tag) =	ssettag $0x0;
	lr =	simm.s32 $0x1  }
0x2: {  	[smem:$0x3F94] =	sst lr;
	_ =	strace $0xD0000000  }
0x3: {  	_ = 	snop  }
0x4: {  	_ = 	snop  }
0x5: {  	_ = 	snop  }
0x6: {  	_ = 	snop  }
0x7: {  	_ = 	snop  }
__scs_overlays_trampoline_lowered:
0x8: {  	[smem:$0x3FA3] =	sst s0  }
0x9: {  	[smem:$0x3FA4] =	sst s1  }
0xa: {  	[smem:$0x3FA5] =	sst s2  }
0xb: {  	[smem:$0x3FA6] =	sst s3  }
0xc: {  	[smem:$0x3FA7] =	sst s4  }
0xd: {  	[smem:$0x3FA8] =	sst s5  }
0xe: {  	[smem:$0x3FA9] =	sst s6  }
0xf: {  	[smem:$0x3FAA] =	sst s7  }
0x10: {  	[smem:$0x3FAB] =	sst s8  }
0x11: {  	[smem:$0x3FAC] =	sst s9;
	s0 =	simm.s32 @!p0 $0x0  }
0x12: {  	s1 =	sld [smem:$0x3F92];
	s0 =	simm.s32 @p0 $0x1  }
0x13: {  	[smem:$0x3FAD] =	sst s0;
	s0 =	simm.s32 @!p1 $0x0  }
0x14: {  	s2 =	sld [smem:$0x3F91];
	s0 =	simm.s32 @p1 $0x1  }
0x15: {  	[smem:$0x3FAE] =	sst s0;
	s0 =	simm.s32 @!p2 $0x0  }
0x16: {  	s3 =	sld [smem:$0x3FDB];
	s0 =	simm.s32 @p2 $0x1  }
0x17: {  	s4 =	simm.s32 $0x1BF5;
	[smem:$0x3FB0] =	sst s0  }
0x18: {  	s0 =	sld [smem:$0x3F93];
	_ =	swait.ge [sflag:s4], $0x0  }
0x19: {  	s7 =	sld [smem:$0x3F94]  }
0x1a: {  	s8 =	sadd.s32 $0xFFFFE003, lr  }
0x1b: {  	s9 =	sadd.s32 $0xFFFFFEF7, lr;
	s5 =	simm.s32 $0xFFFFFFFF;
	p2 =	slt.u32 s8, $0xFFFFF086  }
0x1c: {  	p1 =	slt.u32 s9, $0xF7A;
	s5 =	simm.s32 @!p2 $0x0  }
0x1d: {  	s5 =	simm.s32 @p1 $0x1;
	p0 =	seq.s32 s7, s2  }
0x1e: {  	s7 =	smul.u32 @!p0 $0xF7A, s2;
	p2 =	seq.s32 @!p0 s5, $0x0  }
0x1f: {  	s9 =	smul.u32 $0xF7A, s1;
	s8 =	simm.s32 @!p0 $0x1BF5;
	p2 =	por !p2, p0  }
0x20: {  	[sflag:s8] =	ssyncset.s32 @!p0 $0xFFFFF086;
	s6 =	sadd.s32 @!p0 s3, s7;
	s7 =	simm.s32 @!p0 $0x108  }
0x21: {  	s3 =	sadd.s32 s3, s9;
	s6 =	sadd.s32 @!p0 $0x88, s6;
	s7 =	simm.s32 @p2 $0x1082  }
0x22: {  	[simem:s7], [sflag:s8] =	dma.local @!p0 [hbm:s6], $0xF7A  }
0x23: {  	s9 =	sor.u32 $0xD0000000, s2;
	s6 =	simm.s32 $0x108;
	_ =	swait.ge @!p0 [sflag:s8], $0x0  }
0x24: {  	s3 =	sadd.s32 $0x88, s3;
	s6 =	simm.s32 @!p1 $0x1082;
	[sflag:s4] =	ssyncset.s32 $0xFFFFF086  }
0x25: {  	[simem:s6], [sflag:s4] =	dma.local [hbm:s3], $0xF7A  }
0x26: {  	[smem:$0x3F94] =	sst s1;
	(tag) =	ssettag s2;
	_ =	strace s9  }
0x27: {  	s1 =	sld [smem:$0x3FA4]  }
0x28: {  	s2 =	sld [smem:$0x3FA5]  }
0x29: {  	s4 =	sld [smem:$0x3FA7]  }
0x2a: {  	p0 =	seq.s32 s5, $0x0;
	s5 =	sld [smem:$0x3FA8]  }
0x2b: {  	s6 =	sld [smem:$0x3FA9]  }
0x2c: {  	s7 =	sld [smem:$0x3FAA]  }
0x2d: {  	s3 =	simm.s32 $0x108;
	s8 =	sld [smem:$0x3FAB]  }
0x2e: {  	s3 =	simm.s32 @!p0 $0x1082;
	s9 =	sld [smem:$0x3FAC]  }
0x2f: {  	lr =	sadd.s32 s0, s3;
	s0 =	sld [smem:$0x3FA3]  }
0x30: {  	s3 =	sld [smem:$0x3FA6]  }
0x31: {  	[smem:$0x3FAF] =	sst s10  }
0x32: {  	s10 =	sld [smem:$0x3FAD];
	_ =	sdelay $0x3  }
0x33: {  	p0 =	seq.s32 s10, $0x1;
	s10 =	sld [smem:$0x3FAF];
	_ =	sdelay $0x3  }
0x34: {  	[smem:$0x3FAF] =	sst s10  }
0x35: {  	s10 =	sld [smem:$0x3FAE];
	_ =	sdelay $0x3  }
0x36: {  	p1 =	seq.s32 s10, $0x1;
	s10 =	sld [smem:$0x3FAF];
	_ =	sdelay $0x3  }
0x37: {  	[smem:$0x3FAF] =	sst s10  }
0x38: {  	s10 =	sld [smem:$0x3FB0]  }
0x39: {  	_ = 	snop;
	(pc) =	sbr.ind lr, $3  }
0x3a: {  	_ = 	snop  }
0x3b: {  	_ = 	snop  }
0x3c: {  	p2 =	seq.s32 s10, $0x1;
	s10 =	sld [smem:$0x3FAF]  }
0x3d: {  	_ =	shalt  }
0x3e: {  	_ =	shalt  }
0x3f: {  	_ =	shalt  }
0x40: {  	_ =	shalt  }
0x41: {  	_ =	shalt  }
0x42: {  	_ =	shalt  }
0x43: {  	_ =	shalt  }
0x44: {  	_ =	shalt  }
0x45: {  	_ =	shalt  }
0x46: {  	_ =	shalt  }
0x47: {  	_ =	shalt  }
0x48: {  	_ =	shalt  }
0x49: {  	_ =	shalt  }
0x4a: {  	_ =	shalt  }
0x4b: {  	_ =	shalt  }
0x4c: {  	_ =	shalt  }
0x4d: {  	_ =	shalt  }
0x4e: {  	_ =	shalt  }
0x4f: {  	_ =	shalt  }
0x50: {  	_ =	shalt  }
0x51: {  	_ =	shalt  }
0x52: {  	_ =	shalt  }
0x53: {  	_ =	shalt  }
0x54: {  	_ =	shalt  }
0x55: {  	_ =	shalt  }
0x56: {  	_ =	shalt  }
0x57: {  	_ =	shalt  }
0x58: {  	_ =	shalt  }
0x59: {  	_ =	shalt  }
0x5a: {  	_ =	shalt  }
0x5b: {  	_ =	shalt  }
0x5c: {  	_ =	shalt  }
0x5d: {  	_ =	shalt  }
0x5e: {  	_ =	shalt  }
0x5f: {  	_ =	shalt  }
0x60: {  	_ =	shalt  }
0x61: {  	_ =	shalt  }
0x62: {  	_ =	shalt  }
0x63: {  	_ =	shalt  }
0x64: {  	_ =	shalt  }
0x65: {  	_ =	shalt  }
0x66: {  	_ =	shalt  }
0x67: {  	_ =	shalt  }
0x68: {  	_ =	shalt  }
0x69: {  	_ =	shalt  }
0x6a: {  	_ =	shalt  }
0x6b: {  	_ =	shalt  }
0x6c: {  	_ =	shalt  }
0x6d: {  	_ =	shalt  }
0x6e: {  	_ =	shalt  }
0x6f: {  	_ =	shalt  }
0x70: {  	_ =	shalt  }
0x71: {  	_ =	shalt  }
0x72: {  	_ =	shalt  }
0x73: {  	_ =	shalt  }
0x74: {  	_ =	shalt  }
0x75: {  	_ =	shalt  }
0x76: {  	_ =	shalt  }
0x77: {  	_ =	shalt  }
0x78: {  	_ =	shalt  }
0x79: {  	_ =	shalt  }
0x7a: {  	_ =	shalt  }
0x7b: {  	_ =	shalt  }
0x7c: {  	_ =	shalt  }
0x7d: {  	_ =	shalt  }
0x7e: {  	_ =	shalt  }
0x7f: {  	_ =	shalt  }
0x80: {  	_ =	shalt  }
0x81: {  	_ =	shalt  }
0x82: {  	_ =	shalt  }
0x83: {  	_ =	shalt  }
0x84: {  	_ =	shalt  }
0x85: {  	_ =	shalt  }
0x86: {  	_ =	shalt  }
0x87: {  	_ =	shalt  }
.Lfunc_end0:
.L_simem_size_0:
called_computation_lowered:
.L_overlay_start_0:
0x88: {  	s2 =	sld [smem:$0x3FD9]  }
0x89: {  	s3 =	sld [smem:$0x3FFE];
	_ =	sdelay $0x1  }
0x8a: {  	s1 =	srdreg.scid  }
0x8b: {  	s0 =	sand.u32 $0x1, s1  }
0x8c: {  	s17 =	sshll.u32 s0, $0xA;
	s2 =	sadd.s32 s3, s2  }
0x8d: {  	s2 =	sadd.s32 s2, s17  }
0x8e: {  	[smem:$0x3FBB] =	sst s2  }
0x8f: {  	_ = 	snop  }
0x90: {  	s2 =	sld [smem:$0x3FD0];
	(tm) =	ssettm $0x1  }
0x91: {  	s18 =	sld [smem:$0x3FFB];
	_ =	sdelay $0x3  }
0x92: {  	_ =	strace s18  }
0x93: {  	s3 =	sld [smem:$0x3FFC];
	_ =	sdelay $0x3  }
0x94: {  	_ =	strace s3  }
0x95: {  	s3 =	sld [smem:$0x3FFD];
	_ =	sdelay $0x3  }
0x96: {  	_ =	strace s3  }
0x97: {  	_ =	strace $0x8FFFFFFF  }
0x98: {  	s19 =	sld [smem:$0x3FDB];
	_ =	sdelay $0x1  }
0x99: {  	s4 =	simm.s32 $_scs_section_size  }
0x9a: {  	s5 =	simm.s32 $_size__tile_overlayer_lowered;
	s6 =	simm.s32 $_tile_overlayer_lowered  }
0x9b: {  	s22 =	simm.s32 $0x1BFF;
	s21 =	sshll.u32 s6, $0x1;
	s3 =	sadd.s32 s4, s19  }
0x9c: {  	s7 =	simm.s32 $0x0;
	s20 =	sshll.u32 s5, $0x1;
	s5 =	sadd.s32 s21, s3  }
0x9d: {  	[timem:s7], [sflag:s22] =	dma.local [hbm:s5], s20  }
0x9e: {  	_ =	swait.ge [sflag:s22], s20  }
0x9f: {  	s4 =	ssub.s32 $0x0, s20;
	[sflag:s22] =	ssyncset.done $0x0  }
0xa0: {  	[sflag:s22] =	ssyncadd.s32 s4;
	_ =	sdelay $0x1  }
0xa1: {  	s23 =	simm.s32 $0x1B8B  }
0xa2: {  	_ =	swait.ge [sflag:s23], $0x1  }
0xa3: {  	[sflag:s23] =	ssyncset.done $0x0  }
0xa4: {  	s25 =	simm.s32 $0x1B8E;
	s24 =	sld [smem:$0x3FFE];
	[sflag:s23] =	ssyncadd.s32 $0xFFFFFFFF  }
0xa5: {  	s26 =	simm.s32 $execute0_lowered;
	[smem:$0x3FD2] =	sst s25  }
0xa6: {  	s5 =	sshll.u32 s26, $0x1;
	_ =	strace $0x80000046;
	[dreg:$0x1] =	wrdreg $0xFFFFFFFF  }
0xa7: {  	s28 =	simm.s32 $_size_execute0_lowered;
	s3 =	sadd.s32 s3, s5;
	[dreg:$0x0] =	wrdreg $0x0  }
0xa8: {  	s5 =	sshll.u32 s28, $0x1;
	[dreg:$0x2] =	wrdreg s3  }
0xa9: {  	[dreg:$0x3] =	wrdreg s5  }
0xaa: {  	[dreg:$0x4] =	wrdreg $0xC0  }
0xab: {  	_ =	task [dreg:s7], $0x5FFFF  }
0xac: {  	[dreg:$0x1] =	wrdreg $0xFFFFFFFF  }
0xad: {  	[dreg:$0x0] =	wrdreg $0x60  }
0xae: {  	[dreg:$0x2] =	wrdreg s2  }
0xaf: {  	[dreg:$0x3] =	wrdreg s24  }
0xb0: {  	[dreg:$0x4] =	wrdreg $0x68000  }
0xb1: {  	[dreg:$0x5] =	wrdreg $0x9  }
0xb2: {  	_ =	task.clear_ibuf [dreg:s7], $0x6FFFF;
	_ =	strace $0x90000046  }
0xb3: {  	s29 =	simm.s32 $0x9;
	_ =	strace $0x80000048  }
0xb4: {  	_ =	swait.ge [sflag:s29], $0x1  }
0xb5: {  	[sflag:s29] =	ssyncadd.s32 $0xFFFFFFFF  }
0xb6: {  	_ =	strace $0x90000048  }
0xb7: {  	_ =	sfence  }
0xb8: {  	s30 =	sld [smem:$0x0];
	_ =	sdelay $0x2  }
0xb9: {  	s31 =	sshll.u32 s1, $0xD;
	s1 =	sshrl.u32 s1, $0x2  }
0xba: {  	s3 =	sand.u32 $0x4000, s31;
	s1 =	sadd.s32 s1, s30  }
0xbb: {  	s0 =	sor.u32 s3, s0;
	s1 =	sshll.u32 s1, $0x11  }
0xbc: {  	s0 =	sor.u32 s1, s0  }
0xbd: {  	s0 =	sadd.s32 $0x8F2B, s0  }
0xbe: {  	[sflag:s0] =	ssyncadd.remote.s32 $0x1  }
0xbf: {  	_ =	sfence.sel $0xFFFF  }
0xc0: {  	[dreg:$0x0] =	wrdreg $0xFFFFFFFF;
	(pc) =	sbr.abs _section_cstart, $3  }
0xc1: {  	[dreg:$0x1] =	wrdreg $0xFFFFFFFF  }
0xc2: {  	_ =	task.clear_ibuf [dreg:s7], $0x2FFFF;
	_ =	strace $0x9FFFFFFF  }
0xc3: {  	(tm) =	ssettm $0x7FFFFFFF  }
tec
execute0_lowered:
.L_overlay_start_1:
0x0: {  	(tag) =	ssettag $0x1  }
0x1: {  	s6 =	rddreg [dreg:$0x0]  }
0x2: {  	s7 =	rddreg [dreg:$0x1]  }
0x3: {  	s2 =	rddreg [dreg:$0x2]  }
0x4: {  	s0 =	rddreg [dreg:$0x3];
	s3 =	simm.s32 $0x0;
	s1 =	stileid.u32  }
0x5: {  	s4 =	srdreg.scid;
	s15 =	simm.s32 $0x0;
	s8 =	smul.u32 $0x2800, s1  }
0x6: {  	[smem:$0x7FF] =	sst s3;
	s13 =	sand.u32 $0x1, s4;
	s9 =	smul.u32 $0x500, s1  }
0x7: {  	s4 =	sadd.s32 $0x8400, s7;
	s11 =	smul.u32 $0x50000, s1;
	s5 =	sadd.s32 $0x8C00, s7  }
0x8: {  	s31 =	sshll.u32 s1, $0x6;
	_ =	strace $0x80000047;
	s10 =	ssub.s32 $0x2, s13  }
0x9: {  	p0 =	sne.s32 s13, $0x0;
	s13 =	simm.s32 $0x80;
	s7 =	sadd.s32 s8, s7  }
0xa: {  	s29 =	sshrl.u32 s10, $0x1;
	s6 =	sadd.s32 s6, s9;
	s30 =	sshrl.u32 s11, $0x2  }
0xb: {  	s9 =	simm.s32 $0x1;
	s11 =	sor.u32 $0x1C01, s31;
	s8 =	ssub.s32 s10, s29  }
0xc: {  	s14 =	sadd.s32 s30, s2;
	s7 =	sadd.s32 $0xB400, s7;
	s10 =	simm.s32 $0x2800  }
0xd: {  	s8 =	smax.u32 s8, $0x1;
	s12 =	sshrl.u32 s14, $0x3;
	s14 =	sshrl.u32 @!p0 s14, $0x3  }
.LBB2_1:
0xe: {  	[tilespmem:s3], [sflag:$0x1] =	stream.linear.gather [hbm4b:s6+s3], $0x2800, $0x38;
	[tilespmem:$0x1A800] =	vst v63  }
0xf: {  	_ =	swait.ge [sflag:s9], $0x2800  }
0x10: {  	[sflag:s9] =	ssyncset.done $0x0  }
0x11: {  	[sflag:s9] =	ssyncadd.s32 $0xFFFFD800  }
0x12: {  	[tilespmem:s10], [sflag:$0x1] =	stream.linear.gather [hbm4b:s4+s3], $0x4000, $0x38;
	[tilespmem:$0x1A800] =	vst v63  }
0x13: {  	_ =	swait.ge [sflag:s9], $0x4000  }
0x14: {  	[sflag:s9] =	ssyncset.done $0x0  }
0x15: {  	[sflag:s9] =	ssyncadd.s32 $0xFFFFC000  }
0x16: {  	[spmem:s12], [sflag:s11] =	dma.local [hbm:s5], $0x2800  }
0x17: {  	_ =	swait.ge [sflag:s9], $0x2800  }
0x18: {  	[sflag:s9] =	ssyncset.done $0x0  }
0x19: {  	[sflag:s9] =	ssyncadd.s32 $0xFFFFD800  }
0x1a: {  	s16 =	simm.s32 $0x0;
	[bflag:$0x0] =	sbarrier.arrive $0xFFFF  }
0x1b: {  	[spmem:s2] =	stream.indirect.scatter.add.f32 [tilespmem:s10], [sflag:$0x1], $0x80, s16, s13, $0xb8;
	[tilespmem:$0x1A800] =	vst v63  }
0x1c: {  	_ =	swait.ge [sflag:s9], $0x4000  }
0x1d: {  	s16 =	simm.s32 $0x200;
	[sflag:s9] =	ssyncset.done $0x0  }
.LBB2_2:
0x1e: {  	s17 =	sshra.s32 s16, $0x2;
	[sflag:s9] =	ssyncadd.s32 $0xFFFFC000;
	p1 =	sne.s32 s16, $0x9E00  }
0x1f: {  	[spmem:s2] =	stream.indirect.scatter.add.f32 [tilespmem:s10], [sflag:$0x1], $0x80, s17, s13, $0xb8;
	[tilespmem:$0x1A800] =	vst v63  }
.Ltmp0:
0x20: {  	_ = 	snop;
	(pc) =	sbr.rel @p1 .LBB2_2-.Ltmp0, $4  }
0x21: {  	_ = 	snop  }
0x22: {  	s16 =	sadd.s32 $0x200, s16  }
0x23: {  	_ =	swait.ge [sflag:s9], $0x4000  }
0x24: {  	[sflag:s9] =	ssyncset.done $0x0  }
0x25: {  	s15 =	sadd.s32 $0x1, s15  }
0x26: {  	[sflag:s9] =	ssyncadd.s32 $0xFFFFC000;
	p1 =	sne.s32 s15, s8  }
.Ltmp1:
0x27: {  	s16 =	simm.s32 @!p0 $0x1;
	[bflag:$0x0] =	sbarrier.arrive $0xFFFF;
	(pc) =	sbr.rel @p1 .LBB2_1-.Ltmp1, $4  }
0x28: {  	[hbm:s7], [sflag:s11] =	dma.local @!p0 [spmem:s14], $0x2800  }
0x29: {  	_ =	swait.ge @!p0 [sflag:s16], $0x2800  }
0x2a: {  	[sflag:s16] =	ssyncset.done @!p0 $0x0  }
0x2b: {  	[sflag:s16] =	ssyncadd.s32 @!p0 $0xFFFFD800  }
0x2c: {  	_ =	sfence.sel $0x180000  }
0x2d: {  	[bflag:$0x0] =	sbarrier.arrive $0xFFFF  }
0x2e: {  	p0 =	sne.s32 s1, $0x0;
	_ =	strace $0x90000047  }
0x2f: {  	s0 =	sadd.s32 @!p0 $0x100000, s0;
	[bflag:$0x2] =	sbarrier.arrive $0xFFFF  }
0x30: {  	[sflag:s0] =	ssyncadd.tile.s32 @!p0 $0x1;
	_ =	shalt  }
.Lfunc_end2:
_tile_overlayer_lowered:
.L_overlay_start_2:
0x31: {  	(tag) =	ssettag $0x2  }
0x32: {  	s0 =	rddreg [dreg:$0x0];
	s2 =	stileid.u32  }
0x33: {  	s1 =	rddreg [dreg:$0x1];
	p0 =	sne.s32 s2, $0x0  }
0x34: {  	s3 =	rddreg [dreg:$0x2];
	[bflag:$0x3] =	sbarrier.arrive $0xFFFF;
	s2 =	simm.s32 @!p0 $0x1C01  }
0x35: {  	[timem:s3], [sflag:s2] =	dma.local @!p0 [hbm:s0], s1  }
0x36: {  	s0 =	simm.s32 @!p0 $0x1  }
0x37: {  	_ =	swait.ge @!p0 [sflag:s0], s1  }
0x38: {  	s1 =	ssub.s32 @!p0 $0x0, s1;
	[sflag:s0] =	ssyncset.done @!p0 $0x0  }
0x39: {  	[sflag:s0] =	ssyncadd.s32 @!p0 s1  }
0x3a: {  	[bflag:$0x3] =	sbarrier.arrive $0xFFFF  }
0x3b: {  	_ =	shalt  }

// kernel: kernel.13.cloned.1.call-start
scs
__scs_entry_jumppad:
0x0: {  	(pc) =	sbr.rel $0x88, $3  }
0x1: {  	(tag) =	ssettag $0x0;
	lr =	simm.s32 $0x1  }
0x2: {  	[smem:$0x3F94] =	sst lr;
	_ =	strace $0xD0000000  }
0x3: {  	_ = 	snop  }
0x4: {  	_ = 	snop  }
0x5: {  	_ = 	snop  }
0x6: {  	_ = 	snop  }
0x7: {  	_ = 	snop  }
__scs_overlays_trampoline_lowered:
0x8: {  	[smem:$0x3FA3] =	sst s0  }
0x9: {  	[smem:$0x3FA4] =	sst s1  }
0xa: {  	[smem:$0x3FA5] =	sst s2  }
0xb: {  	[smem:$0x3FA6] =	sst s3  }
0xc: {  	[smem:$0x3FA7] =	sst s4  }
0xd: {  	[smem:$0x3FA8] =	sst s5  }
0xe: {  	[smem:$0x3FA9] =	sst s6  }
0xf: {  	[smem:$0x3FAA] =	sst s7  }
0x10: {  	[smem:$0x3FAB] =	sst s8  }
0x11: {  	[smem:$0x3FAC] =	sst s9;
	s0 =	simm.s32 @!p0 $0x0  }
0x12: {  	s1 =	sld [smem:$0x3F92];
	s0 =	simm.s32 @p0 $0x1  }
0x13: {  	[smem:$0x3FAD] =	sst s0;
	s0 =	simm.s32 @!p1 $0x0  }
0x14: {  	s2 =	sld [smem:$0x3F91];
	s0 =	simm.s32 @p1 $0x1  }
0x15: {  	[smem:$0x3FAE] =	sst s0;
	s0 =	simm.s32 @!p2 $0x0  }
0x16: {  	s3 =	sld [smem:$0x3FDB];
	s0 =	simm.s32 @p2 $0x1  }
0x17: {  	s4 =	simm.s32 $0x1BF5;
	[smem:$0x3FB0] =	sst s0  }
0x18: {  	s0 =	sld [smem:$0x3F93];
	_ =	swait.ge [sflag:s4], $0x0  }
0x19: {  	s7 =	sld [smem:$0x3F94]  }
0x1a: {  	s8 =	sadd.s32 $0xFFFFE003, lr  }
0x1b: {  	s9 =	sadd.s32 $0xFFFFFEF7, lr;
	s5 =	simm.s32 $0xFFFFFFFF;
	p2 =	slt.u32 s8, $0xFFFFF086  }
0x1c: {  	p1 =	slt.u32 s9, $0xF7A;
	s5 =	simm.s32 @!p2 $0x0  }
0x1d: {  	s5 =	simm.s32 @p1 $0x1;
	p0 =	seq.s32 s7, s2  }
0x1e: {  	s7 =	smul.u32 @!p0 $0xF7A, s2;
	p2 =	seq.s32 @!p0 s5, $0x0  }
0x1f: {  	s9 =	smul.u32 $0xF7A, s1;
	s8 =	simm.s32 @!p0 $0x1BF5;
	p2 =	por !p2, p0  }
0x20: {  	[sflag:s8] =	ssyncset.s32 @!p0 $0xFFFFF086;
	s6 =	sadd.s32 @!p0 s3, s7;
	s7 =	simm.s32 @!p0 $0x108  }
0x21: {  	s3 =	sadd.s32 s3, s9;
	s6 =	sadd.s32 @!p0 $0x88, s6;
	s7 =	simm.s32 @p2 $0x1082  }
0x22: {  	[simem:s7], [sflag:s8] =	dma.local @!p0 [hbm:s6], $0xF7A  }
0x23: {  	s9 =	sor.u32 $0xD0000000, s2;
	s6 =	simm.s32 $0x108;
	_ =	swait.ge @!p0 [sflag:s8], $0x0  }
0x24: {  	s3 =	sadd.s32 $0x88, s3;
	s6 =	simm.s32 @!p1 $0x1082;
	[sflag:s4] =	ssyncset.s32 $0xFFFFF086  }
0x25: {  	[simem:s6], [sflag:s4] =	dma.local [hbm:s3], $0xF7A  }
0x26: {  	[smem:$0x3F94] =	sst s1;
	(tag) =	ssettag s2;
	_ =	strace s9  }
0x27: {  	s1 =	sld [smem:$0x3FA4]  }
0x28: {  	s2 =	sld [smem:$0x3FA5]  }
0x29: {  	s4 =	sld [smem:$0x3FA7]  }
0x2a: {  	p0 =	seq.s32 s5, $0x0;
	s5 =	sld [smem:$0x3FA8]  }
0x2b: {  	s6 =	sld [smem:$0x3FA9]  }
0x2c: {  	s7 =	sld [smem:$0x3FAA]  }
0x2d: {  	s3 =	simm.s32 $0x108;
	s8 =	sld [smem:$0x3FAB]  }
0x2e: {  	s3 =	simm.s32 @!p0 $0x1082;
	s9 =	sld [smem:$0x3FAC]  }
0x2f: {  	lr =	sadd.s32 s0, s3;
	s0 =	sld [smem:$0x3FA3]  }
0x30: {  	s3 =	sld [smem:$0x3FA6]  }
0x31: {  	[smem:$0x3FAF] =	sst s10  }
0x32: {  	s10 =	sld [smem:$0x3FAD];
	_ =	sdelay $0x3  }
0x33: {  	p0 =	seq.s32 s10, $0x1;
	s10 =	sld [smem:$0x3FAF];
	_ =	sdelay $0x3  }
0x34: {  	[smem:$0x3FAF] =	sst s10  }
0x35: {  	s10 =	sld [smem:$0x3FAE];
	_ =	sdelay $0x3  }
0x36: {  	p1 =	seq.s32 s10, $0x1;
	s10 =	sld [smem:$0x3FAF];
	_ =	sdelay $0x3  }
0x37: {  	[smem:$0x3FAF] =	sst s10  }
0x38: {  	s10 =	sld [smem:$0x3FB0]  }
0x39: {  	_ = 	snop;
	(pc) =	sbr.ind lr, $3  }
0x3a: {  	_ = 	snop  }
0x3b: {  	_ = 	snop  }
0x3c: {  	p2 =	seq.s32 s10, $0x1;
	s10 =	sld [smem:$0x3FAF]  }
0x3d: {  	_ =	shalt  }
0x3e: {  	_ =	shalt  }
0x3f: {  	_ =	shalt  }
0x40: {  	_ =	shalt  }
0x41: {  	_ =	shalt  }
0x42: {  	_ =	shalt  }
0x43: {  	_ =	shalt  }
0x44: {  	_ =	shalt  }
0x45: {  	_ =	shalt  }
0x46: {  	_ =	shalt  }
0x47: {  	_ =	shalt  }
0x48: {  	_ =	shalt  }
0x49: {  	_ =	shalt  }
0x4a: {  	_ =	shalt  }
0x4b: {  	_ =	shalt  }
0x4c: {  	_ =	shalt  }
0x4d: {  	_ =	shalt  }
0x4e: {  	_ =	shalt  }
0x4f: {  	_ =	shalt  }
0x50: {  	_ =	shalt  }
0x51: {  	_ =	shalt  }
0x52: {  	_ =	shalt  }
0x53: {  	_ =	shalt  }
0x54: {  	_ =	shalt  }
0x55: {  	_ =	shalt  }
0x56: {  	_ =	shalt  }
0x57: {  	_ =	shalt  }
0x58: {  	_ =	shalt  }
0x59: {  	_ =	shalt  }
0x5a: {  	_ =	shalt  }
0x5b: {  	_ =	shalt  }
0x5c: {  	_ =	shalt  }
0x5d: {  	_ =	shalt  }
0x5e: {  	_ =	shalt  }
0x5f: {  	_ =	shalt  }
0x60: {  	_ =	shalt  }
0x61: {  	_ =	shalt  }
0x62: {  	_ =	shalt  }
0x63: {  	_ =	shalt  }
0x64: {  	_ =	shalt  }
0x65: {  	_ =	shalt  }
0x66: {  	_ =	shalt  }
0x67: {  	_ =	shalt  }
0x68: {  	_ =	shalt  }
0x69: {  	_ =	shalt  }
0x6a: {  	_ =	shalt  }
0x6b: {  	_ =	shalt  }
0x6c: {  	_ =	shalt  }
0x6d: {  	_ =	shalt  }
0x6e: {  	_ =	shalt  }
0x6f: {  	_ =	shalt  }
0x70: {  	_ =	shalt  }
0x71: {  	_ =	shalt  }
0x72: {  	_ =	shalt  }
0x73: {  	_ =	shalt  }
0x74: {  	_ =	shalt  }
0x75: {  	_ =	shalt  }
0x76: {  	_ =	shalt  }
0x77: {  	_ =	shalt  }
0x78: {  	_ =	shalt  }
0x79: {  	_ =	shalt  }
0x7a: {  	_ =	shalt  }
0x7b: {  	_ =	shalt  }
0x7c: {  	_ =	shalt  }
0x7d: {  	_ =	shalt  }
0x7e: {  	_ =	shalt  }
0x7f: {  	_ =	shalt  }
0x80: {  	_ =	shalt  }
0x81: {  	_ =	shalt  }
0x82: {  	_ =	shalt  }
0x83: {  	_ =	shalt  }
0x84: {  	_ =	shalt  }
0x85: {  	_ =	shalt  }
0x86: {  	_ =	shalt  }
0x87: {  	_ =	shalt  }
.Lfunc_end0:
.L_simem_size_0:
called_computation.1_lowered:
.L_overlay_start_0:
0x88: {  	s2 =	sld [smem:$0x3FD9]  }
0x89: {  	s3 =	sld [smem:$0x3FFE];
	_ =	sdelay $0x1  }
0x8a: {  	s1 =	srdreg.scid  }
0x8b: {  	s0 =	sand.u32 $0x1, s1  }
0x8c: {  	s17 =	sshll.u32 s0, $0xA;
	s2 =	sadd.s32 s3, s2  }
0x8d: {  	s2 =	sadd.s32 s2, s17  }
0x8e: {  	[smem:$0x3FBB] =	sst s2  }
0x8f: {  	_ = 	snop  }
0x90: {  	(tm) =	ssettm $0x1  }
0x91: {  	s18 =	sld [smem:$0x3FFB];
	_ =	sdelay $0x3  }
0x92: {  	_ =	strace s18  }
0x93: {  	s2 =	sld [smem:$0x3FFC];
	_ =	sdelay $0x3  }
0x94: {  	_ =	strace s2  }
0x95: {  	s2 =	sld [smem:$0x3FFD];
	_ =	sdelay $0x3  }
0x96: {  	_ =	strace s2  }
0x97: {  	_ =	strace $0x8FFFFFFF  }
0x98: {  	s19 =	sld [smem:$0x3FDB];
	_ =	sdelay $0x1  }
0x99: {  	s20 =	simm.s32 $_scs_section_size  }
0x9a: {  	s4 =	simm.s32 $_size__tile_overlayer_lowered;
	s5 =	simm.s32 $_tile_overlayer_lowered  }
0x9b: {  	s6 =	simm.s32 $0x1BFF;
	s21 =	sshll.u32 s5, $0x1;
	s3 =	sadd.s32 s20, s19  }
0x9c: {  	s22 =	simm.s32 $0x0;
	s4 =	sshll.u32 s4, $0x1;
	s5 =	sadd.s32 s21, s3  }
0x9d: {  	[timem:s22], [sflag:s6] =	dma.local [hbm:s5], s4  }
0x9e: {  	_ =	swait.ge [sflag:s6], s4  }
0x9f: {  	s4 =	ssub.s32 $0x0, s4;
	[sflag:s6] =	ssyncset.done $0x0  }
0xa0: {  	[sflag:s6] =	ssyncadd.s32 s4;
	_ =	sdelay $0x1  }
0xa1: {  	s23 =	simm.s32 $0x1B8B  }
0xa2: {  	_ =	swait.ge [sflag:s23], $0x1  }
0xa3: {  	[sflag:s23] =	ssyncset.done $0x0  }
0xa4: {  	[sflag:s23] =	ssyncadd.s32 $0xFFFFFFFF  }
0xa5: {  	s4 =	sld [smem:$0x0]  }
0xa6: {  	s5 =	sand.u32 $0xFFFFFFFE, s1  }
0xa7: {  	p0 =	sne.s32 s1, s5  }
0xa8: {  	s5 =	sshll.u32 @p0 s5, $0xE  }
0xa9: {  	s5 =	sadd.s32 @p0 $0x11B8D, s5;
	s6 =	sshll.u32 @p0 s4, $0x11  }
0xaa: {  	s5 =	sor.u32 @p0 s6, s5  }
0xab: {  	[sflag:s5] =	ssyncadd.remote.s32 @p0 $0x1;
	_ =	sdelay $0x1  }
0xac: {  	s5 =	simm.s32 @p0 $0x1B8D  }
0xad: {  	_ =	swait.eq @p0 [sflag:s5], $0x1  }
0xae: {  	[sflag:s5] =	ssyncadd.s32 @p0 $0xFFFFFFFF  }
0xaf: {  	s6 =	sshll.u32 @!p0 s1, $0xE  }
0xb0: {  	s6 =	sor.u32 @!p0 $0x4000, s6;
	s5 =	simm.s32 @!p0 $0x1B8D  }
0xb1: {  	s4 =	sshll.u32 @!p0 s4, $0x11;
	s6 =	sadd.s32 @!p0 $0x11B8D, s6;
	_ =	swait.eq @!p0 [sflag:s5], $0x1  }
0xb2: {  	s4 =	sor.u32 @!p0 s4, s6;
	[sflag:s5] =	ssyncadd.s32 @!p0 $0xFFFFFFFF  }
0xb3: {  	s25 =	simm.s32 $0x1B8E;
	s24 =	sld [smem:$0x3FFE];
	[sflag:s4] =	ssyncadd.remote.s32 @!p0 $0x1  }
0xb4: {  	s26 =	simm.s32 $execute0_lowered;
	[smem:$0x3FD2] =	sst s25  }
0xb5: {  	s5 =	sshll.u32 s26, $0x1;
	_ =	strace $0x80000049;
	[dreg:$0x1] =	wrdreg $0xFFFFFFFF  }
0xb6: {  	s28 =	simm.s32 $_size_execute0_lowered;
	s3 =	sadd.s32 s3, s5;
	[dreg:$0x0] =	wrdreg $0x0  }
0xb7: {  	s5 =	sshll.u32 s28, $0x1;
	[dreg:$0x2] =	wrdreg s3  }
0xb8: {  	[dreg:$0x3] =	wrdreg s5  }
0xb9: {  	[dreg:$0x4] =	wrdreg $0xC0  }
0xba: {  	_ =	task [dreg:s22], $0x5FFFF  }
0xbb: {  	[dreg:$0x1] =	wrdreg $0xFFFFFFFF  }
0xbc: {  	[dreg:$0x0] =	wrdreg $0x60  }
0xbd: {  	[dreg:$0x2] =	wrdreg s24  }
0xbe: {  	[dreg:$0x3] =	wrdreg $0xAA000  }
0xbf: {  	[dreg:$0x4] =	wrdreg $0xA  }
0xc0: {  	_ =	task.clear_ibuf [dreg:s22], $0x5FFFF;
	_ =	strace $0x90000049  }
0xc1: {  	s29 =	simm.s32 $0xA;
	_ =	strace $0x8000004B  }
0xc2: {  	_ =	swait.ge [sflag:s29], $0x1  }
0xc3: {  	[sflag:s29] =	ssyncadd.s32 $0xFFFFFFFF  }
0xc4: {  	_ =	strace $0x9000004B  }
0xc5: {  	_ =	sfence  }
0xc6: {  	s30 =	sld [smem:$0x0];
	_ =	sdelay $0x2  }
0xc7: {  	s31 =	sshll.u32 s1, $0xD;
	s1 =	sshrl.u32 s1, $0x2  }
0xc8: {  	s4 =	sand.u32 $0x4000, s31;
	s1 =	sadd.s32 s1, s30  }
0xc9: {  	s0 =	sor.u32 s4, s0;
	s1 =	sshll.u32 s1, $0x11  }
0xca: {  	s0 =	sor.u32 s1, s0  }
0xcb: {  	s0 =	sadd.s32 $0x8F2B, s0  }
0xcc: {  	[sflag:s0] =	ssyncadd.remote.s32 $0x1  }
0xcd: {  	_ =	sfence.sel $0xFFFF  }
0xce: {  	[dreg:$0x0] =	wrdreg $0xFFFFFFFF;
	(pc) =	sbr.abs _section_cstart, $3  }
0xcf: {  	[dreg:$0x1] =	wrdreg $0xFFFFFFFF  }
0xd0: {  	_ =	task.clear_ibuf [dreg:s22], $0x2FFFF;
	_ =	strace $0x9FFFFFFF  }
0xd1: {  	(tm) =	ssettm $0x7FFFFFFF  }
tec
execute0_lowered:
.L_overlay_start_1:
0x0: {  	(tag) =	ssettag $0x1  }
0x1: {  	s6 =	rddreg [dreg:$0x0];
	s0 =	stileid.u32  }
0x2: {  	s1 =	srdreg.scid;
	s2 =	rddreg [dreg:$0x1];
	s3 =	simm.s32 $0x0  }
0x3: {  	s13 =	simm.s32 $0x2800;
	s14 =	simm.s32 $0x2A00;
	s15 =	simm.s32 $0x1  }
0x4: {  	s16 =	simm.s32 $0x2900;
	s17 =	simm.s32 $0x6A00;
	s19 =	simm.s32 $0x2980  }
0x5: {  	s5 =	smul.u32 $0x500, s0;
	s7 =	sand.u32 $0x1, s1;
	s1 =	rddreg [dreg:$0x2]  }
0x6: {  	s20 =	simm.s32 $0x0;
	[smem:$0x7FF] =	sst s3;
	s9 =	smul.u32 $0x14000, s0  }
0x7: {  	s4 =	sadd.s32 $0x33600, s6;
	s11 =	smul.u32 $0x50000, s0;
	s31 =	sshll.u32 s0, $0x6  }
0x8: {  	s8 =	smul.u32 $0x140000, s7;
	_ =	strace $0x8000004A;
	s30 =	ssub.s32 $0x2, s7  }
0x9: {  	s18 =	smul.u32 $0x2710, s7;
	s10 =	sadd.s32 s5, s6;
	s5 =	sadd.s32 $0x8C00, s6  }
0xa: {  	s12 =	sshrl.u32 s30, $0x1;
	s11 =	sshrl.u32 s11, $0x2;
	s8 =	sadd.s32 s9, s8  }
0xb: {  	s9 =	ssub.s32 s30, s12;
	s11 =	sadd.s32 s11, s2;
	s12 =	simm.s32 $0x80  }
0xc: {  	v0 =	vmov s18;
	s18 =	simm.s32 $0x2880;
	s8 =	sshrl.u32 s8, $0x3;
	s11 =	sshrl.u32 s11, $0x3  }
0xd: {  	s8 =	sadd.s32 s8, s6;
	s6 =	sadd.s32 $0x3400, s10;
	s10 =	sor.u32 $0x1C03, s31  }
0xe: {  	s7 =	sadd.s32 $0x81800, s8;
	s8 =	smax.u32 s9, $0x1;
	s9 =	simm.s32 $0x3  }
.LBB2_1:
0xf: {  	[tilespmem:s3], [sflag:$0x3] =	stream.linear.gather [hbm4b:s6+s3], $0x2800, $0x38;
	[tilespmem:$0x1EA00] =	vst v63  }
0x10: {  	_ =	swait.ge [sflag:s9], $0x2800  }
0x11: {  	[sflag:s9] =	ssyncset.done $0x0  }
0x12: {  	[sflag:s9] =	ssyncadd.s32 $0xFFFFD800  }
0x13: {  	[spmem:s11], [sflag:s10] =	dma.local [hbm:s5], $0x2800  }
0x14: {  	_ =	swait.ge [sflag:s9], $0x2800  }
0x15: {  	[sflag:s9] =	ssyncset.done $0x0  }
0x16: {  	[sflag:s9] =	ssyncadd.s32 $0xFFFFD800  }
0x17: {  	[bflag:$0x0] =	sbarrier.arrive $0xFFFF  }
0x18: {  	v1 =	vld [tilespmem:$0x0]  }
0x19: {  	v2 =	vld [tilespmem:$0x10];
	_ =	sdelay $0x1  }
0x1a: {  	v3 =	vld [tilespmem:$0x20];
	_ =	sdelay $0x1  }
0x1b: {  	v5 =	vld [tilespmem:$0x30];
	v4 =	vand.u32 $0xFFFF, v1;
	v1 =	vshrl.u32 v1, $0x10  }
0x1c: {  	v59 =	vand.u32 $0xFFFF, v2;
	v4 =	vadd.s32 v0, v4;
	[tilespmem:$0x2880] =	vst v1  }
0x1d: {  	v60 =	vld [tilespmem:$0x40];
	v1 =	vadd.s32 v0, v59;
	[tilespmem:$0x2800] =	vst v4  }
0x1e: {  	[tilespmem:$0x2810] =	vst v1;
	v1 =	vshrl.u32 v2, $0x10;
	v2 =	vand.u32 $0xFFFF, v3  }
0x1f: {  	[tilespmem:$0x2890] =	vst v1;
	v1 =	vadd.s32 v0, v2;
	v2 =	vld [tilespmem:$0x50]  }
0x20: {  	[tilespmem:$0x2820] =	vst v1;
	v1 =	vshrl.u32 v3, $0x10;
	v3 =	vand.u32 $0xFFFF, v5  }
0x21: {  	[tilespmem:$0x28A0] =	vst v1;
	v1 =	vadd.s32 v0, v3;
	v3 =	vld [tilespmem:$0x60]  }
0x22: {  	v61 =	vand.u32 $0xFFFF, v60;
	[tilespmem:$0x2830] =	vst v1;
	v1 =	vshrl.u32 v5, $0x10  }
0x23: {  	v62 =	vld [tilespmem:$0x70];
	[tilespmem:$0x28B0] =	vst v1;
	v1 =	vadd.s32 v0, v61  }
0x24: {  	[tilespmem:$0x2840] =	vst v1;
	v1 =	vshrl.u32 v60, $0x10;
	v63 =	vand.u32 $0xFFFF, v2  }
0x25: {  	[tilespmem:$0x28C0] =	vst v1;
	v1 =	vadd.s32 v0, v63  }
0x26: {  	[tilespmem:$0x2850] =	vst v1;
	v1 =	vshrl.u32 v2, $0x10;
	v2 =	vand.u32 $0xFFFF, v3  }
0x27: {  	[tilespmem:$0x28D0] =	vst v1;
	v1 =	vadd.s32 v0, v2  }
0x28: {  	v2 =	vand.u32 $0xFFFF, v62;
	[tilespmem:$0x2860] =	vst v1;
	v1 =	vshrl.u32 v3, $0x10  }
0x29: {  	[tilespmem:$0x28E0] =	vst v1;
	v1 =	vadd.s32 v0, v2  }
0x2a: {  	[tilespmem:$0x2870] =	vst v1;
	v1 =	vshrl.u32 v62, $0x10  }
0x2b: {  	s21 =	simm.s32 $0x0;
	[tilespmem:$0x28F0] =	vst v1  }
0x2c: {  	[tilespmem:s14], [sflag:$0x1] =	stream.indirect.gather [hbm4b:s4+s12], $0x80, s13, s12, $0xb8;
	[tilespmem:$0x1EA00] =	vst v63  }
0x2d: {  	v1 =	vld [tilespmem:s21+$0x80];
	_ =	sdelay $0x4  }
0x2e: {  	v2 =	vand.u32 $0xFFFF, v1;
	v1 =	vshrl.u32 v1, $0x10  }
0x2f: {  	v2 =	vadd.s32 v0, v2;
	[tilespmem:$0x2980] =	vst v1  }
0x30: {  	[tilespmem:$0x2900] =	vst v2  }
0x31: {  	v1 =	vld [tilespmem:s21+$0x90];
	_ =	sdelay $0x4  }
0x32: {  	v2 =	vand.u32 $0xFFFF, v1;
	v1 =	vshrl.u32 v1, $0x10  }
0x33: {  	v2 =	vadd.s32 v0, v2;
	[tilespmem:$0x2990] =	vst v1  }
0x34: {  	[tilespmem:$0x2910] =	vst v2  }
0x35: {  	v1 =	vld [tilespmem:s21+$0xA0];
	_ =	sdelay $0x4  }
0x36: {  	v2 =	vand.u32 $0xFFFF, v1;
	v1 =	vshrl.u32 v1, $0x10  }
0x37: {  	v2 =	vadd.s32 v0, v2;
	[tilespmem:$0x29A0] =	vst v1  }
0x38: {  	[tilespmem:$0x2920] =	vst v2  }
0x39: {  	v1 =	vld [tilespmem:s21+$0xB0];
	_ =	sdelay $0x4  }
0x3a: {  	v2 =	vand.u32 $0xFFFF, v1;
	v1 =	vshrl.u32 v1, $0x10  }
0x3b: {  	v2 =	vadd.s32 v0, v2;
	[tilespmem:$0x29B0] =	vst v1  }
0x3c: {  	[tilespmem:$0x2930] =	vst v2  }
0x3d: {  	v1 =	vld [tilespmem:s21+$0xC0];
	_ =	sdelay $0x4  }
0x3e: {  	v2 =	vand.u32 $0xFFFF, v1;
	v1 =	vshrl.u32 v1, $0x10  }
0x3f: {  	v2 =	vadd.s32 v0, v2;
	[tilespmem:$0x29C0] =	vst v1  }
0x40: {  	[tilespmem:$0x2940] =	vst v2  }
0x41: {  	v1 =	vld [tilespmem:s21+$0xD0];
	_ =	sdelay $0x4  }
0x42: {  	v2 =	vand.u32 $0xFFFF, v1;
	v1 =	vshrl.u32 v1, $0x10  }
0x43: {  	v2 =	vadd.s32 v0, v2;
	[tilespmem:$0x29D0] =	vst v1  }
0x44: {  	[tilespmem:$0x2950] =	vst v2  }
0x45: {  	v1 =	vld [tilespmem:s21+$0xE0];
	_ =	sdelay $0x4  }
0x46: {  	v2 =	vand.u32 $0xFFFF, v1;
	v1 =	vshrl.u32 v1, $0x10  }
0x47: {  	v2 =	vadd.s32 v0, v2;
	[tilespmem:$0x29E0] =	vst v1  }
0x48: {  	[tilespmem:$0x2960] =	vst v2  }
0x49: {  	v1 =	vld [tilespmem:s21+$0xF0];
	_ =	sdelay $0x4  }
0x4a: {  	v2 =	vand.u32 $0xFFFF, v1;
	v1 =	vshrl.u32 v1, $0x10  }
0x4b: {  	v2 =	vadd.s32 v0, v2;
	[tilespmem:$0x29F0] =	vst v1  }
0x4c: {  	[tilespmem:$0x2970] =	vst v2  }
0x4d: {  	_ =	swait.ge [sflag:s15], $0x4000  }
0x4e: {  	[sflag:s15] =	ssyncset.done $0x0  }
0x4f: {  	[sflag:s15] =	ssyncadd.s32 $0xFFFFC000  }
0x50: {  	[tilespmem:s17], [sflag:$0x2] =	stream.indirect.gather [hbm4b:s4+s12], $0x80, s16, s12, $0xb8;
	[tilespmem:$0x1EA00] =	vst v63  }
0x51: {  	_ = 	snop  }
0x52: {  	[spmem:s2] =	stream.indirect.scatter.add.f32 [tilespmem:s14], [sflag:$0x3], $0x80, s18, s12, $0xb8;
	[tilespmem:$0x1EA00] =	vst v63  }
0x53: {  	_ =	swait.ge [sflag:s9], $0x4000  }
0x54: {  	p0 =	por $0x0, $0x0;
	[sflag:s9] =	ssyncset.done $0x0  }
0x55: {  	s21 =	simm.s32 @p0 $0x2;
	[sflag:s9] =	ssyncadd.s32 $0xFFFFC000  }
0x56: {  	_ =	swait.ge @p0 [sflag:s21], $0x4000  }
0x57: {  	[sflag:s21] =	ssyncset.done @p0 $0x0  }
0x58: {  	[sflag:s21] =	ssyncadd.s32 @p0 $0xFFFFC000;
	s21 =	simm.s32 @!p0 $0x0  }
0x59: {  	v1 =	vld @!p0 [tilespmem:s21+$0x100];
	_ =	sdelay $0x4  }
0x5a: {  	v2 =	vand.u32 @!p0 $0xFFFF, v1;
	v1 =	vshrl.u32 @!p0 v1, $0x10  }
0x5b: {  	v2 =	vadd.s32 @!p0 v0, v2;
	[tilespmem:$0x2880] =	vst @!p0 v1  }
0x5c: {  	[tilespmem:$0x2800] =	vst @!p0 v2  }
0x5d: {  	v1 =	vld @!p0 [tilespmem:s21+$0x110];
	_ =	sdelay $0x4  }
0x5e: {  	v2 =	vand.u32 @!p0 $0xFFFF, v1;
	v1 =	vshrl.u32 @!p0 v1, $0x10  }
0x5f: {  	v2 =	vadd.s32 @!p0 v0, v2;
	[tilespmem:$0x2890] =	vst @!p0 v1  }
0x60: {  	[tilespmem:$0x2810] =	vst @!p0 v2  }
0x61: {  	v1 =	vld @!p0 [tilespmem:s21+$0x120];
	_ =	sdelay $0x4  }
0x62: {  	v2 =	vand.u32 @!p0 $0xFFFF, v1;
	v1 =	vshrl.u32 @!p0 v1, $0x10  }
0x63: {  	v2 =	vadd.s32 @!p0 v0, v2;
	[tilespmem:$0x28A0] =	vst @!p0 v1  }
0x64: {  	[tilespmem:$0x2820] =	vst @!p0 v2  }
0x65: {  	v1 =	vld @!p0 [tilespmem:s21+$0x130];
	_ =	sdelay $0x4  }
0x66: {  	v2 =	vand.u32 @!p0 $0xFFFF, v1;
	v1 =	vshrl.u32 @!p0 v1, $0x10  }
0x67: {  	v2 =	vadd.s32 @!p0 v0, v2;
	[tilespmem:$0x28B0] =	vst @!p0 v1  }
0x68: {  	[tilespmem:$0x2830] =	vst @!p0 v2  }
0x69: {  	v1 =	vld @!p0 [tilespmem:s21+$0x140];
	_ =	sdelay $0x4  }
0x6a: {  	v2 =	vand.u32 @!p0 $0xFFFF, v1;
	v1 =	vshrl.u32 @!p0 v1, $0x10  }
0x6b: {  	v2 =	vadd.s32 @!p0 v0, v2;
	[tilespmem:$0x28C0] =	vst @!p0 v1  }
0x6c: {  	[tilespmem:$0x2840] =	vst @!p0 v2  }
0x6d: {  	v1 =	vld @!p0 [tilespmem:s21+$0x150];
	_ =	sdelay $0x4  }
0x6e: {  	v2 =	vand.u32 @!p0 $0xFFFF, v1;
	v1 =	vshrl.u32 @!p0 v1, $0x10  }
0x6f: {  	v2 =	vadd.s32 @!p0 v0, v2;
	[tilespmem:$0x28D0] =	vst @!p0 v1  }
0x70: {  	[tilespmem:$0x2850] =	vst @!p0 v2  }
0x71: {  	v1 =	vld @!p0 [tilespmem:s21+$0x160];
	_ =	sdelay $0x4  }
0x72: {  	v2 =	vand.u32 @!p0 $0xFFFF, v1;
	v1 =	vshrl.u32 @!p0 v1, $0x10  }
0x73: {  	v2 =	vadd.s32 @!p0 v0, v2;
	[tilespmem:$0x28E0] =	vst @!p0 v1  }
0x74: {  	[tilespmem:$0x2860] =	vst @!p0 v2  }
0x75: {  	v1 =	vld @!p0 [tilespmem:s21+$0x170];
	_ =	sdelay $0x4  }
0x76: {  	v2 =	vand.u32 @!p0 $0xFFFF, v1;
	v1 =	vshrl.u32 @!p0 v1, $0x10  }
0x77: {  	v2 =	vadd.s32 @!p0 v0, v2;
	[tilespmem:$0x28F0] =	vst @!p0 v1  }
0x78: {  	s21 =	simm.s32 @!p0 $0x2;
	[tilespmem:$0x2870] =	vst @!p0 v2  }
0x79: {  	_ =	swait.ge @!p0 [sflag:s21], $0x4000  }
0x7a: {  	s22 =	simm.s32 @!p0 $0x2A00;
	[sflag:s21] =	ssyncset.done @!p0 $0x0  }
0x7b: {  	s23 =	simm.s32 @!p0 $0x2800;
	[sflag:s21] =	ssyncadd.s32 @!p0 $0xFFFFC000;
	s21 =	simm.s32 @!p0 $0x80  }
0x7c: {  	[tilespmem:s22], [sflag:$0x1] =	stream.indirect.gather @!p0 [hbm4b:s4+s21], $0x80, s23, s21, $0xb8;
	[tilespmem:$0x1EA00] =	vst v63  }
0x7d: {  	_ = 	snop  }
0x7e: {  	[spmem:s2] =	stream.indirect.scatter.add.f32 [tilespmem:s17], [sflag:$0x3], $0x80, s19, s12, $0xb8;
	[tilespmem:$0x1EA00] =	vst v63  }
0x7f: {  	_ =	swait.ge [sflag:s9], $0x4000  }
0x80: {  	s21 =	simm.s32 $0x400;
	[sflag:s9] =	ssyncset.done $0x0  }
.LBB2_2:
0x81: {  	[sflag:s9] =	ssyncadd.s32 $0xFFFFC000;
	s22 =	smov.u32 s21;
	s21 =	sadd.s32 $0x400, s21  }
0x82: {  	s23 =	sshra.s32 s22, $0x2;
	p0 =	sne.s32 s21, $0xA000  }
0x83: {  	v1 =	vld [tilespmem:s23+$0x80];
	_ =	sdelay $0x4  }
0x84: {  	v2 =	vand.u32 $0xFFFF, v1;
	v1 =	vshrl.u32 v1, $0x10  }
0x85: {  	v2 =	vadd.s32 v0, v2;
	[tilespmem:$0x2980] =	vst v1  }
0x86: {  	[tilespmem:$0x2900] =	vst v2  }
0x87: {  	v1 =	vld [tilespmem:s23+$0x90];
	_ =	sdelay $0x4  }
0x88: {  	v2 =	vand.u32 $0xFFFF, v1;
	v1 =	vshrl.u32 v1, $0x10  }
0x89: {  	v2 =	vadd.s32 v0, v2;
	[tilespmem:$0x2990] =	vst v1  }
0x8a: {  	[tilespmem:$0x2910] =	vst v2  }
0x8b: {  	v1 =	vld [tilespmem:s23+$0xA0];
	_ =	sdelay $0x4  }
0x8c: {  	v2 =	vand.u32 $0xFFFF, v1;
	v1 =	vshrl.u32 v1, $0x10  }
0x8d: {  	v2 =	vadd.s32 v0, v2;
	[tilespmem:$0x29A0] =	vst v1  }
0x8e: {  	[tilespmem:$0x2920] =	vst v2  }
0x8f: {  	v1 =	vld [tilespmem:s23+$0xB0];
	_ =	sdelay $0x4  }
0x90: {  	v2 =	vand.u32 $0xFFFF, v1;
	v1 =	vshrl.u32 v1, $0x10  }
0x91: {  	v2 =	vadd.s32 v0, v2;
	[tilespmem:$0x29B0] =	vst v1  }
0x92: {  	[tilespmem:$0x2930] =	vst v2  }
0x93: {  	v1 =	vld [tilespmem:s23+$0xC0];
	_ =	sdelay $0x4  }
0x94: {  	v2 =	vand.u32 $0xFFFF, v1;
	v1 =	vshrl.u32 v1, $0x10  }
0x95: {  	v2 =	vadd.s32 v0, v2;
	[tilespmem:$0x29C0] =	vst v1  }
0x96: {  	[tilespmem:$0x2940] =	vst v2  }
0x97: {  	v1 =	vld [tilespmem:s23+$0xD0];
	_ =	sdelay $0x4  }
0x98: {  	v2 =	vand.u32 $0xFFFF, v1;
	v1 =	vshrl.u32 v1, $0x10  }
0x99: {  	v2 =	vadd.s32 v0, v2;
	[tilespmem:$0x29D0] =	vst v1  }
0x9a: {  	[tilespmem:$0x2950] =	vst v2  }
0x9b: {  	v1 =	vld [tilespmem:s23+$0xE0];
	_ =	sdelay $0x4  }
0x9c: {  	v2 =	vand.u32 $0xFFFF, v1;
	v1 =	vshrl.u32 v1, $0x10  }
0x9d: {  	v2 =	vadd.s32 v0, v2;
	[tilespmem:$0x29E0] =	vst v1  }
0x9e: {  	[tilespmem:$0x2960] =	vst v2  }
0x9f: {  	v1 =	vld [tilespmem:s23+$0xF0];
	_ =	sdelay $0x4  }
0xa0: {  	v2 =	vand.u32 $0xFFFF, v1;
	v1 =	vshrl.u32 v1, $0x10  }
0xa1: {  	v2 =	vadd.s32 v0, v2;
	[tilespmem:$0x29F0] =	vst v1  }
0xa2: {  	[tilespmem:$0x2970] =	vst v2  }
0xa3: {  	_ =	swait.ge [sflag:s15], $0x4000  }
0xa4: {  	[sflag:s15] =	ssyncset.done $0x0  }
0xa5: {  	[sflag:s15] =	ssyncadd.s32 $0xFFFFC000  }
0xa6: {  	[tilespmem:s17], [sflag:$0x2] =	stream.indirect.gather [hbm4b:s4+s12], $0x80, s16, s12, $0xb8;
	[tilespmem:$0x1EA00] =	vst v63  }
0xa7: {  	_ = 	snop  }
0xa8: {  	[spmem:s2] =	stream.indirect.scatter.add.f32 [tilespmem:s14], [sflag:$0x3], $0x80, s18, s12, $0xb8;
	[tilespmem:$0x1EA00] =	vst v63  }
0xa9: {  	_ =	swait.ge [sflag:s9], $0x4000  }
0xaa: {  	p1 =	seq.s32 s22, $0x9C00;
	[sflag:s9] =	ssyncset.done $0x0  }
0xab: {  	s23 =	simm.s32 @p1 $0x2;
	[sflag:s9] =	ssyncadd.s32 $0xFFFFC000  }
0xac: {  	_ =	swait.ge @p1 [sflag:s23], $0x4000  }
0xad: {  	[sflag:s23] =	ssyncset.done @p1 $0x0  }
0xae: {  	s22 =	sshra.s32 @!p1 s22, $0x2;
	[sflag:s23] =	ssyncadd.s32 @p1 $0xFFFFC000  }
0xaf: {  	v1 =	vld @!p1 [tilespmem:s22+$0x100];
	_ =	sdelay $0x4  }
0xb0: {  	v2 =	vand.u32 @!p1 $0xFFFF, v1;
	v1 =	vshrl.u32 @!p1 v1, $0x10  }
0xb1: {  	v2 =	vadd.s32 @!p1 v0, v2;
	[tilespmem:$0x2880] =	vst @!p1 v1  }
0xb2: {  	[tilespmem:$0x2800] =	vst @!p1 v2  }
0xb3: {  	v1 =	vld @!p1 [tilespmem:s22+$0x110];
	_ =	sdelay $0x4  }
0xb4: {  	v2 =	vand.u32 @!p1 $0xFFFF, v1;
	v1 =	vshrl.u32 @!p1 v1, $0x10  }
0xb5: {  	v2 =	vadd.s32 @!p1 v0, v2;
	[tilespmem:$0x2890] =	vst @!p1 v1  }
0xb6: {  	[tilespmem:$0x2810] =	vst @!p1 v2  }
0xb7: {  	v1 =	vld @!p1 [tilespmem:s22+$0x120];
	_ =	sdelay $0x4  }
0xb8: {  	v2 =	vand.u32 @!p1 $0xFFFF, v1;
	v1 =	vshrl.u32 @!p1 v1, $0x10  }
0xb9: {  	v2 =	vadd.s32 @!p1 v0, v2;
	[tilespmem:$0x28A0] =	vst @!p1 v1  }
0xba: {  	[tilespmem:$0x2820] =	vst @!p1 v2  }
0xbb: {  	v1 =	vld @!p1 [tilespmem:s22+$0x130];
	_ =	sdelay $0x4  }
0xbc: {  	v2 =	vand.u32 @!p1 $0xFFFF, v1;
	v1 =	vshrl.u32 @!p1 v1, $0x10  }
0xbd: {  	v2 =	vadd.s32 @!p1 v0, v2;
	[tilespmem:$0x28B0] =	vst @!p1 v1  }
0xbe: {  	[tilespmem:$0x2830] =	vst @!p1 v2  }
0xbf: {  	v1 =	vld @!p1 [tilespmem:s22+$0x140];
	_ =	sdelay $0x4  }
0xc0: {  	v2 =	vand.u32 @!p1 $0xFFFF, v1;
	v1 =	vshrl.u32 @!p1 v1, $0x10  }
0xc1: {  	v2 =	vadd.s32 @!p1 v0, v2;
	[tilespmem:$0x28C0] =	vst @!p1 v1  }
0xc2: {  	[tilespmem:$0x2840] =	vst @!p1 v2  }
0xc3: {  	v1 =	vld @!p1 [tilespmem:s22+$0x150];
	_ =	sdelay $0x4  }
0xc4: {  	v2 =	vand.u32 @!p1 $0xFFFF, v1;
	v1 =	vshrl.u32 @!p1 v1, $0x10  }
0xc5: {  	v2 =	vadd.s32 @!p1 v0, v2;
	[tilespmem:$0x28D0] =	vst @!p1 v1  }
0xc6: {  	[tilespmem:$0x2850] =	vst @!p1 v2  }
0xc7: {  	v1 =	vld @!p1 [tilespmem:s22+$0x160];
	_ =	sdelay $0x4  }
0xc8: {  	v2 =	vand.u32 @!p1 $0xFFFF, v1;
	v1 =	vshrl.u32 @!p1 v1, $0x10  }
0xc9: {  	v2 =	vadd.s32 @!p1 v0, v2;
	[tilespmem:$0x28E0] =	vst @!p1 v1  }
0xca: {  	[tilespmem:$0x2860] =	vst @!p1 v2  }
0xcb: {  	v1 =	vld @!p1 [tilespmem:s22+$0x170];
	_ =	sdelay $0x4  }
0xcc: {  	v2 =	vand.u32 @!p1 $0xFFFF, v1;
	v1 =	vshrl.u32 @!p1 v1, $0x10  }
0xcd: {  	v2 =	vadd.s32 @!p1 v0, v2;
	[tilespmem:$0x28F0] =	vst @!p1 v1  }
0xce: {  	s22 =	simm.s32 @!p1 $0x2;
	[tilespmem:$0x2870] =	vst @!p1 v2  }
0xcf: {  	_ =	swait.ge @!p1 [sflag:s22], $0x4000  }
0xd0: {  	s23 =	simm.s32 @!p1 $0x2A00;
	[sflag:s22] =	ssyncset.done @!p1 $0x0  }
0xd1: {  	s24 =	simm.s32 @!p1 $0x2800;
	[sflag:s22] =	ssyncadd.s32 @!p1 $0xFFFFC000;
	s22 =	simm.s32 @!p1 $0x80  }
0xd2: {  	[tilespmem:s23], [sflag:$0x1] =	stream.indirect.gather @!p1 [hbm4b:s4+s22], $0x80, s24, s22, $0xb8;
	[tilespmem:$0x1EA00] =	vst v63  }
.Ltmp0:
0xd3: {  	_ = 	snop;
	(pc) =	sbr.rel @p0 .LBB2_2-.Ltmp0, $4  }
0xd4: {  	_ = 	snop  }
0xd5: {  	[spmem:s2] =	stream.indirect.scatter.add.f32 [tilespmem:s17], [sflag:$0x3], $0x80, s19, s12, $0xb8;
	[tilespmem:$0x1EA00] =	vst v63  }
0xd6: {  	_ =	swait.ge [sflag:s9], $0x4000  }
0xd7: {  	[sflag:s9] =	ssyncset.done $0x0  }
0xd8: {  	s20 =	sadd.s32 $0x1, s20  }
0xd9: {  	[sflag:s9] =	ssyncadd.s32 $0xFFFFC000;
	p0 =	sne.s32 s20, s8  }
.Ltmp1:
0xda: {  	[bflag:$0x0] =	sbarrier.arrive $0xFFFF;
	(pc) =	sbr.rel @p0 .LBB2_1-.Ltmp1, $4  }
0xdb: {  	[hbm:s7], [sflag:s10] =	dma.local [spmem:s11], $0x2800  }
0xdc: {  	_ =	swait.ge [sflag:s9], $0x2800  }
0xdd: {  	[sflag:s9] =	ssyncset.done $0x0  }
0xde: {  	[sflag:s9] =	ssyncadd.s32 $0xFFFFD800  }
0xdf: {  	_ =	sfence.sel $0x180000  }
0xe0: {  	[bflag:$0x0] =	sbarrier.arrive $0xFFFF  }
0xe1: {  	p0 =	sne.s32 s0, $0x0;
	_ =	strace $0x9000004A  }
0xe2: {  	s0 =	sadd.s32 @!p0 $0x100000, s1;
	[bflag:$0x2] =	sbarrier.arrive $0xFFFF  }
0xe3: {  	[sflag:s0] =	ssyncadd.tile.s32 @!p0 $0x1;
	_ =	shalt  }
.Lfunc_end2:
_tile_overlayer_lowered:
.L_overlay_start_2:
0xe4: {  	(tag) =	ssettag $0x2  }
0xe5: {  	s0 =	rddreg [dreg:$0x0];
	s2 =	stileid.u32  }
0xe6: {  	s1 =	rddreg [dreg:$0x1];
	p0 =	sne.s32 s2, $0x0  }
0xe7: {  	s3 =	rddreg [dreg:$0x2];
	[bflag:$0x3] =	sbarrier.arrive $0xFFFF;
	s2 =	simm.s32 @!p0 $0x1C03  }
0xe8: {  	[timem:s3], [sflag:s2] =	dma.local @!p0 [hbm:s0], s1  }
0xe9: {  	s0 =	simm.s32 @!p0 $0x3  }
0xea: {  	_ =	swait.ge @!p0 [sflag:s0], s1  }
0xeb: {  	s1 =	ssub.s32 @!p0 $0x0, s1;
	[sflag:s0] =	ssyncset.done @!p0 $0x0  }
0xec: {  	[sflag:s0] =	ssyncadd.s32 @!p0 s1  }
0xed: {  	[bflag:$0x3] =	sbarrier.arrive $0xFFFF  }
0xee: {  	_ =	shalt  }

// kernel: kernel.16.cloned.1.call-start
scs
__scs_entry_jumppad:
0x0: {  	(pc) =	sbr.rel $0x88, $3  }
0x1: {  	(tag) =	ssettag $0x0;
	lr =	simm.s32 $0x1  }
0x2: {  	[smem:$0x3F94] =	sst lr;
	_ =	strace $0xD0000000  }
0x3: {  	_ = 	snop  }
0x4: {  	_ = 	snop  }
0x5: {  	_ = 	snop  }
0x6: {  	_ = 	snop  }
0x7: {  	_ = 	snop  }
__scs_overlays_trampoline_lowered:
0x8: {  	[smem:$0x3FA3] =	sst s0  }
0x9: {  	[smem:$0x3FA4] =	sst s1  }
0xa: {  	[smem:$0x3FA5] =	sst s2  }
0xb: {  	[smem:$0x3FA6] =	sst s3  }
0xc: {  	[smem:$0x3FA7] =	sst s4  }
0xd: {  	[smem:$0x3FA8] =	sst s5  }
0xe: {  	[smem:$0x3FA9] =	sst s6  }
0xf: {  	[smem:$0x3FAA] =	sst s7  }
0x10: {  	[smem:$0x3FAB] =	sst s8  }
0x11: {  	[smem:$0x3FAC] =	sst s9;
	s0 =	simm.s32 @!p0 $0x0  }
0x12: {  	s1 =	sld [smem:$0x3F92];
	s0 =	simm.s32 @p0 $0x1  }
0x13: {  	[smem:$0x3FAD] =	sst s0;
	s0 =	simm.s32 @!p1 $0x0  }
0x14: {  	s2 =	sld [smem:$0x3F91];
	s0 =	simm.s32 @p1 $0x1  }
0x15: {  	[smem:$0x3FAE] =	sst s0;
	s0 =	simm.s32 @!p2 $0x0  }
0x16: {  	s3 =	sld [smem:$0x3FDB];
	s0 =	simm.s32 @p2 $0x1  }
0x17: {  	s4 =	simm.s32 $0x1BF5;
	[smem:$0x3FB0] =	sst s0  }
0x18: {  	s0 =	sld [smem:$0x3F93];
	_ =	swait.ge [sflag:s4], $0x0  }
0x19: {  	s7 =	sld [smem:$0x3F94]  }
0x1a: {  	s8 =	sadd.s32 $0xFFFFE003, lr  }
0x1b: {  	s9 =	sadd.s32 $0xFFFFFEF7, lr;
	s5 =	simm.s32 $0xFFFFFFFF;
	p2 =	slt.u32 s8, $0xFFFFF086  }
0x1c: {  	p1 =	slt.u32 s9, $0xF7A;
	s5 =	simm.s32 @!p2 $0x0  }
0x1d: {  	s5 =	simm.s32 @p1 $0x1;
	p0 =	seq.s32 s7, s2  }
0x1e: {  	s7 =	smul.u32 @!p0 $0xF7A, s2;
	p2 =	seq.s32 @!p0 s5, $0x0  }
0x1f: {  	s9 =	smul.u32 $0xF7A, s1;
	s8 =	simm.s32 @!p0 $0x1BF5;
	p2 =	por !p2, p0  }
0x20: {  	[sflag:s8] =	ssyncset.s32 @!p0 $0xFFFFF086;
	s6 =	sadd.s32 @!p0 s3, s7;
	s7 =	simm.s32 @!p0 $0x108  }
0x21: {  	s3 =	sadd.s32 s3, s9;
	s6 =	sadd.s32 @!p0 $0x88, s6;
	s7 =	simm.s32 @p2 $0x1082  }
0x22: {  	[simem:s7], [sflag:s8] =	dma.local @!p0 [hbm:s6], $0xF7A  }
0x23: {  	s9 =	sor.u32 $0xD0000000, s2;
	s6 =	simm.s32 $0x108;
	_ =	swait.ge @!p0 [sflag:s8], $0x0  }
0x24: {  	s3 =	sadd.s32 $0x88, s3;
	s6 =	simm.s32 @!p1 $0x1082;
	[sflag:s4] =	ssyncset.s32 $0xFFFFF086  }
0x25: {  	[simem:s6], [sflag:s4] =	dma.local [hbm:s3], $0xF7A  }
0x26: {  	[smem:$0x3F94] =	sst s1;
	(tag) =	ssettag s2;
	_ =	strace s9  }
0x27: {  	s1 =	sld [smem:$0x3FA4]  }
0x28: {  	s2 =	sld [smem:$0x3FA5]  }
0x29: {  	s4 =	sld [smem:$0x3FA7]  }
0x2a: {  	p0 =	seq.s32 s5, $0x0;
	s5 =	sld [smem:$0x3FA8]  }
0x2b: {  	s6 =	sld [smem:$0x3FA9]  }
0x2c: {  	s7 =	sld [smem:$0x3FAA]  }
0x2d: {  	s3 =	simm.s32 $0x108;
	s8 =	sld [smem:$0x3FAB]  }
0x2e: {  	s3 =	simm.s32 @!p0 $0x1082;
	s9 =	sld [smem:$0x3FAC]  }
0x2f: {  	lr =	sadd.s32 s0, s3;
	s0 =	sld [smem:$0x3FA3]  }
0x30: {  	s3 =	sld [smem:$0x3FA6]  }
0x31: {  	[smem:$0x3FAF] =	sst s10  }
0x32: {  	s10 =	sld [smem:$0x3FAD];
	_ =	sdelay $0x3  }
0x33: {  	p0 =	seq.s32 s10, $0x1;
	s10 =	sld [smem:$0x3FAF];
	_ =	sdelay $0x3  }
0x34: {  	[smem:$0x3FAF] =	sst s10  }
0x35: {  	s10 =	sld [smem:$0x3FAE];
	_ =	sdelay $0x3  }
0x36: {  	p1 =	seq.s32 s10, $0x1;
	s10 =	sld [smem:$0x3FAF];
	_ =	sdelay $0x3  }
0x37: {  	[smem:$0x3FAF] =	sst s10  }
0x38: {  	s10 =	sld [smem:$0x3FB0]  }
0x39: {  	_ = 	snop;
	(pc) =	sbr.ind lr, $3  }
0x3a: {  	_ = 	snop  }
0x3b: {  	_ = 	snop  }
0x3c: {  	p2 =	seq.s32 s10, $0x1;
	s10 =	sld [smem:$0x3FAF]  }
0x3d: {  	_ =	shalt  }
0x3e: {  	_ =	shalt  }
0x3f: {  	_ =	shalt  }
0x40: {  	_ =	shalt  }
0x41: {  	_ =	shalt  }
0x42: {  	_ =	shalt  }
0x43: {  	_ =	shalt  }
0x44: {  	_ =	shalt  }
0x45: {  	_ =	shalt  }
0x46: {  	_ =	shalt  }
0x47: {  	_ =	shalt  }
0x48: {  	_ =	shalt  }
0x49: {  	_ =	shalt  }
0x4a: {  	_ =	shalt  }
0x4b: {  	_ =	shalt  }
0x4c: {  	_ =	shalt  }
0x4d: {  	_ =	shalt  }
0x4e: {  	_ =	shalt  }
0x4f: {  	_ =	shalt  }
0x50: {  	_ =	shalt  }
0x51: {  	_ =	shalt  }
0x52: {  	_ =	shalt  }
0x53: {  	_ =	shalt  }
0x54: {  	_ =	shalt  }
0x55: {  	_ =	shalt  }
0x56: {  	_ =	shalt  }
0x57: {  	_ =	shalt  }
0x58: {  	_ =	shalt  }
0x59: {  	_ =	shalt  }
0x5a: {  	_ =	shalt  }
0x5b: {  	_ =	shalt  }
0x5c: {  	_ =	shalt  }
0x5d: {  	_ =	shalt  }
0x5e: {  	_ =	shalt  }
0x5f: {  	_ =	shalt  }
0x60: {  	_ =	shalt  }
0x61: {  	_ =	shalt  }
0x62: {  	_ =	shalt  }
0x63: {  	_ =	shalt  }
0x64: {  	_ =	shalt  }
0x65: {  	_ =	shalt  }
0x66: {  	_ =	shalt  }
0x67: {  	_ =	shalt  }
0x68: {  	_ =	shalt  }
0x69: {  	_ =	shalt  }
0x6a: {  	_ =	shalt  }
0x6b: {  	_ =	shalt  }
0x6c: {  	_ =	shalt  }
0x6d: {  	_ =	shalt  }
0x6e: {  	_ =	shalt  }
0x6f: {  	_ =	shalt  }
0x70: {  	_ =	shalt  }
0x71: {  	_ =	shalt  }
0x72: {  	_ =	shalt  }
0x73: {  	_ =	shalt  }
0x74: {  	_ =	shalt  }
0x75: {  	_ =	shalt  }
0x76: {  	_ =	shalt  }
0x77: {  	_ =	shalt  }
0x78: {  	_ =	shalt  }
0x79: {  	_ =	shalt  }
0x7a: {  	_ =	shalt  }
0x7b: {  	_ =	shalt  }
0x7c: {  	_ =	shalt  }
0x7d: {  	_ =	shalt  }
0x7e: {  	_ =	shalt  }
0x7f: {  	_ =	shalt  }
0x80: {  	_ =	shalt  }
0x81: {  	_ =	shalt  }
0x82: {  	_ =	shalt  }
0x83: {  	_ =	shalt  }
0x84: {  	_ =	shalt  }
0x85: {  	_ =	shalt  }
0x86: {  	_ =	shalt  }
0x87: {  	_ =	shalt  }
.Lfunc_end0:
.L_simem_size_0:
called_computation.2_lowered:
.L_overlay_start_0:
0x88: {  	s2 =	sld [smem:$0x3FD9]  }
0x89: {  	s3 =	sld [smem:$0x3FFE];
	_ =	sdelay $0x1  }
0x8a: {  	s1 =	srdreg.scid  }
0x8b: {  	s0 =	sand.u32 $0x1, s1  }
0x8c: {  	s16 =	sshll.u32 s0, $0xA;
	s2 =	sadd.s32 s3, s2  }
0x8d: {  	s2 =	sadd.s32 s2, s16  }
0x8e: {  	[smem:$0x3FBB] =	sst s2  }
0x8f: {  	_ = 	snop  }
0x90: {  	(tm) =	ssettm $0x1  }
0x91: {  	s17 =	sld [smem:$0x3FFB];
	_ =	sdelay $0x3  }
0x92: {  	_ =	strace s17  }
0x93: {  	s2 =	sld [smem:$0x3FFC];
	_ =	sdelay $0x3  }
0x94: {  	_ =	strace s2  }
0x95: {  	s2 =	sld [smem:$0x3FFD];
	_ =	sdelay $0x3  }
0x96: {  	_ =	strace s2  }
0x97: {  	_ =	strace $0x8FFFFFFF  }
0x98: {  	s18 =	sld [smem:$0x3FDB];
	_ =	sdelay $0x1  }
0x99: {  	s19 =	simm.s32 $_scs_section_size  }
0x9a: {  	s4 =	simm.s32 $_size__tile_overlayer_lowered;
	s5 =	simm.s32 $_tile_overlayer_lowered  }
0x9b: {  	s22 =	simm.s32 $0x1BFF;
	s21 =	sshll.u32 s5, $0x1;
	s2 =	sadd.s32 s19, s18  }
0x9c: {  	s6 =	simm.s32 $0x0;
	s20 =	sshll.u32 s4, $0x1;
	s4 =	sadd.s32 s21, s2  }
0x9d: {  	[timem:s6], [sflag:s22] =	dma.local [hbm:s4], s20  }
0x9e: {  	_ =	swait.ge [sflag:s22], s20  }
0x9f: {  	s3 =	ssub.s32 $0x0, s20;
	[sflag:s22] =	ssyncset.done $0x0  }
0xa0: {  	[sflag:s22] =	ssyncadd.s32 s3;
	_ =	sdelay $0x1  }
0xa1: {  	s23 =	simm.s32 $0x1B8B  }
0xa2: {  	_ =	swait.ge [sflag:s23], $0x1  }
0xa3: {  	[sflag:s23] =	ssyncset.done $0x0  }
0xa4: {  	s25 =	simm.s32 $0x1B8E;
	s24 =	sld [smem:$0x3FFE];
	[sflag:s23] =	ssyncadd.s32 $0xFFFFFFFF  }
0xa5: {  	s26 =	simm.s32 $execute0_lowered;
	[smem:$0x3FD2] =	sst s25  }
0xa6: {  	s4 =	sshll.u32 s26, $0x1;
	_ =	strace $0x8000004C;
	[dreg:$0x1] =	wrdreg $0xFFFFFFFF  }
0xa7: {  	s28 =	simm.s32 $_size_execute0_lowered;
	s2 =	sadd.s32 s2, s4;
	[dreg:$0x0] =	wrdreg $0x0  }
0xa8: {  	s4 =	sshll.u32 s28, $0x1;
	[dreg:$0x2] =	wrdreg s2  }
0xa9: {  	[dreg:$0x3] =	wrdreg s4  }
0xaa: {  	[dreg:$0x4] =	wrdreg $0xC0  }
0xab: {  	_ =	task [dreg:s6], $0x5FFFF  }
0xac: {  	[dreg:$0x1] =	wrdreg $0xFFFFFFFF  }
0xad: {  	[dreg:$0x0] =	wrdreg $0x60  }
0xae: {  	[dreg:$0x2] =	wrdreg s24  }
0xaf: {  	[dreg:$0x3] =	wrdreg $0xAA000  }
0xb0: {  	[dreg:$0x4] =	wrdreg $0x9  }
0xb1: {  	_ =	task.clear_ibuf [dreg:s6], $0x5FFFF;
	_ =	strace $0x9000004C  }
0xb2: {  	s29 =	simm.s32 $0x9;
	_ =	strace $0x8000004E  }
0xb3: {  	_ =	swait.ge [sflag:s29], $0x1  }
0xb4: {  	[sflag:s29] =	ssyncadd.s32 $0xFFFFFFFF  }
0xb5: {  	_ =	strace $0x9000004E  }
0xb6: {  	_ =	sfence  }
0xb7: {  	s30 =	sld [smem:$0x0];
	_ =	sdelay $0x2  }
0xb8: {  	s31 =	sshll.u32 s1, $0xD;
	s1 =	sshrl.u32 s1, $0x2  }
0xb9: {  	s3 =	sand.u32 $0x4000, s31;
	s1 =	sadd.s32 s1, s30  }
0xba: {  	s0 =	sor.u32 s3, s0;
	s1 =	sshll.u32 s1, $0x11  }
0xbb: {  	s0 =	sor.u32 s1, s0  }
0xbc: {  	s0 =	sadd.s32 $0x8F2B, s0  }
0xbd: {  	[sflag:s0] =	ssyncadd.remote.s32 $0x1  }
0xbe: {  	_ =	sfence.sel $0xFFFF  }
0xbf: {  	[dreg:$0x0] =	wrdreg $0xFFFFFFFF;
	(pc) =	sbr.abs _section_cstart, $3  }
0xc0: {  	[dreg:$0x1] =	wrdreg $0xFFFFFFFF  }
0xc1: {  	_ =	task.clear_ibuf [dreg:s6], $0x2FFFF;
	_ =	strace $0x9FFFFFFF  }
0xc2: {  	(tm) =	ssettm $0x7FFFFFFF  }
0xc3: {  	_ =	shalt  }
tec
execute0_lowered:
.L_overlay_start_1:
0x0: {  	(tag) =	ssettag $0x1  }
0x1: {  	s6 =	rddreg [dreg:$0x0];
	s0 =	stileid.u32  }
0x2: {  	s1 =	srdreg.scid;
	s2 =	rddreg [dreg:$0x1];
	s3 =	simm.s32 $0x0  }
0x3: {  	s13 =	simm.s32 $0x2800;
	s14 =	simm.s32 $0x2A00;
	s15 =	simm.s32 $0x1  }
0x4: {  	s16 =	simm.s32 $0x2900;
	s17 =	simm.s32 $0x6A00;
	s19 =	simm.s32 $0x2980  }
0x5: {  	s5 =	smul.u32 $0x500, s0;
	s7 =	sand.u32 $0x1, s1;
	s1 =	rddreg [dreg:$0x2]  }
0x6: {  	s20 =	simm.s32 $0x0;
	[smem:$0x7FF] =	sst s3;
	s9 =	smul.u32 $0x14000, s0  }
0x7: {  	s4 =	sadd.s32 $0x33600, s6;
	s11 =	smul.u32 $0x50000, s0;
	s31 =	sshll.u32 s0, $0x6  }
0x8: {  	s8 =	smul.u32 $0x140000, s7;
	_ =	strace $0x8000004D;
	s30 =	ssub.s32 $0x2, s7  }
0x9: {  	s18 =	smul.u32 $0x2710, s7;
	s10 =	sadd.s32 s5, s6;
	s5 =	sadd.s32 $0x8C00, s6  }
0xa: {  	s12 =	sshrl.u32 s30, $0x1;
	s11 =	sshrl.u32 s11, $0x2;
	s8 =	sadd.s32 s9, s8  }
0xb: {  	s9 =	ssub.s32 s30, s12;
	s11 =	sadd.s32 s11, s2;
	s12 =	simm.s32 $0x80  }
0xc: {  	v0 =	vmov s18;
	s18 =	simm.s32 $0x2880;
	s8 =	sshrl.u32 s8, $0x3;
	s11 =	sshrl.u32 s11, $0x3  }
0xd: {  	s8 =	sadd.s32 s8, s6;
	s6 =	sadd.s32 $0x3400, s10;
	s10 =	sor.u32 $0x1C03, s31  }
0xe: {  	s7 =	sadd.s32 $0x81800, s8;
	s8 =	smax.u32 s9, $0x1;
	s9 =	simm.s32 $0x3  }
.LBB2_1:
0xf: {  	[tilespmem:s3], [sflag:$0x3] =	stream.linear.gather [hbm4b:s6+s3], $0x2800, $0x38;
	[tilespmem:$0x1EA00] =	vst v63  }
0x10: {  	_ =	swait.ge [sflag:s9], $0x2800  }
0x11: {  	[sflag:s9] =	ssyncset.done $0x0  }
0x12: {  	[sflag:s9] =	ssyncadd.s32 $0xFFFFD800  }
0x13: {  	[spmem:s11], [sflag:s10] =	dma.local [hbm:s5], $0x2800  }
0x14: {  	_ =	swait.ge [sflag:s9], $0x2800  }
0x15: {  	[sflag:s9] =	ssyncset.done $0x0  }
0x16: {  	[sflag:s9] =	ssyncadd.s32 $0xFFFFD800  }
0x17: {  	[bflag:$0x0] =	sbarrier.arrive $0xFFFF  }
0x18: {  	v1 =	vld [tilespmem:$0x0]  }
0x19: {  	v2 =	vld [tilespmem:$0x10];
	_ =	sdelay $0x1  }
0x1a: {  	v3 =	vld [tilespmem:$0x20];
	_ =	sdelay $0x1  }
0x1b: {  	v5 =	vld [tilespmem:$0x30];
	v4 =	vand.u32 $0xFFFF, v1;
	v1 =	vshrl.u32 v1, $0x10  }
0x1c: {  	v59 =	vand.u32 $0xFFFF, v2;
	v4 =	vadd.s32 v0, v4;
	[tilespmem:$0x2880] =	vst v1  }
0x1d: {  	v60 =	vld [tilespmem:$0x40];
	v1 =	vadd.s32 v0, v59;
	[tilespmem:$0x2800] =	vst v4  }
0x1e: {  	[tilespmem:$0x2810] =	vst v1;
	v1 =	vshrl.u32 v2, $0x10;
	v2 =	vand.u32 $0xFFFF, v3  }
0x1f: {  	[tilespmem:$0x2890] =	vst v1;
	v1 =	vadd.s32 v0, v2;
	v2 =	vld [tilespmem:$0x50]  }
0x20: {  	[tilespmem:$0x2820] =	vst v1;
	v1 =	vshrl.u32 v3, $0x10;
	v3 =	vand.u32 $0xFFFF, v5  }
0x21: {  	[tilespmem:$0x28A0] =	vst v1;
	v1 =	vadd.s32 v0, v3;
	v3 =	vld [tilespmem:$0x60]  }
0x22: {  	v61 =	vand.u32 $0xFFFF, v60;
	[tilespmem:$0x2830] =	vst v1;
	v1 =	vshrl.u32 v5, $0x10  }
0x23: {  	v62 =	vld [tilespmem:$0x70];
	[tilespmem:$0x28B0] =	vst v1;
	v1 =	vadd.s32 v0, v61  }
0x24: {  	[tilespmem:$0x2840] =	vst v1;
	v1 =	vshrl.u32 v60, $0x10;
	v63 =	vand.u32 $0xFFFF, v2  }
0x25: {  	[tilespmem:$0x28C0] =	vst v1;
	v1 =	vadd.s32 v0, v63  }
0x26: {  	[tilespmem:$0x2850] =	vst v1;
	v1 =	vshrl.u32 v2, $0x10;
	v2 =	vand.u32 $0xFFFF, v3  }
0x27: {  	[tilespmem:$0x28D0] =	vst v1;
	v1 =	vadd.s32 v0, v2  }
0x28: {  	v2 =	vand.u32 $0xFFFF, v62;
	[tilespmem:$0x2860] =	vst v1;
	v1 =	vshrl.u32 v3, $0x10  }
0x29: {  	[tilespmem:$0x28E0] =	vst v1;
	v1 =	vadd.s32 v0, v2  }
0x2a: {  	[tilespmem:$0x2870] =	vst v1;
	v1 =	vshrl.u32 v62, $0x10  }
0x2b: {  	s21 =	simm.s32 $0x0;
	[tilespmem:$0x28F0] =	vst v1  }
0x2c: {  	[tilespmem:s14], [sflag:$0x1] =	stream.indirect.gather [hbm4b:s4+s12], $0x80, s13, s12, $0xb8;
	[tilespmem:$0x1EA00] =	vst v63  }
0x2d: {  	v1 =	vld [tilespmem:s21+$0x80];
	_ =	sdelay $0x4  }
0x2e: {  	v2 =	vand.u32 $0xFFFF, v1;
	v1 =	vshrl.u32 v1, $0x10  }
0x2f: {  	v2 =	vadd.s32 v0, v2;
	[tilespmem:$0x2980] =	vst v1  }
0x30: {  	[tilespmem:$0x2900] =	vst v2  }
0x31: {  	v1 =	vld [tilespmem:s21+$0x90];
	_ =	sdelay $0x4  }
0x32: {  	v2 =	vand.u32 $0xFFFF, v1;
	v1 =	vshrl.u32 v1, $0x10  }
0x33: {  	v2 =	vadd.s32 v0, v2;
	[tilespmem:$0x2990] =	vst v1  }
0x34: {  	[tilespmem:$0x2910] =	vst v2  }
0x35: {  	v1 =	vld [tilespmem:s21+$0xA0];
	_ =	sdelay $0x4  }
0x36: {  	v2 =	vand.u32 $0xFFFF, v1;
	v1 =	vshrl.u32 v1, $0x10  }
0x37: {  	v2 =	vadd.s32 v0, v2;
	[tilespmem:$0x29A0] =	vst v1  }
0x38: {  	[tilespmem:$0x2920] =	vst v2  }
0x39: {  	v1 =	vld [tilespmem:s21+$0xB0];
	_ =	sdelay $0x4  }
0x3a: {  	v2 =	vand.u32 $0xFFFF, v1;
	v1 =	vshrl.u32 v1, $0x10  }
0x3b: {  	v2 =	vadd.s32 v0, v2;
	[tilespmem:$0x29B0] =	vst v1  }
0x3c: {  	[tilespmem:$0x2930] =	vst v2  }
0x3d: {  	v1 =	vld [tilespmem:s21+$0xC0];
	_ =	sdelay $0x4  }
0x3e: {  	v2 =	vand.u32 $0xFFFF, v1;
	v1 =	vshrl.u32 v1, $0x10  }
0x3f: {  	v2 =	vadd.s32 v0, v2;
	[tilespmem:$0x29C0] =	vst v1  }
0x40: {  	[tilespmem:$0x2940] =	vst v2  }
0x41: {  	v1 =	vld [tilespmem:s21+$0xD0];
	_ =	sdelay $0x4  }
0x42: {  	v2 =	vand.u32 $0xFFFF, v1;
	v1 =	vshrl.u32 v1, $0x10  }
0x43: {  	v2 =	vadd.s32 v0, v2;
	[tilespmem:$0x29D0] =	vst v1  }
0x44: {  	[tilespmem:$0x2950] =	vst v2  }
0x45: {  	v1 =	vld [tilespmem:s21+$0xE0];
	_ =	sdelay $0x4  }
0x46: {  	v2 =	vand.u32 $0xFFFF, v1;
	v1 =	vshrl.u32 v1, $0x10  }
0x47: {  	v2 =	vadd.s32 v0, v2;
	[tilespmem:$0x29E0] =	vst v1  }
0x48: {  	[tilespmem:$0x2960] =	vst v2  }
0x49: {  	v1 =	vld [tilespmem:s21+$0xF0];
	_ =	sdelay $0x4  }
0x4a: {  	v2 =	vand.u32 $0xFFFF, v1;
	v1 =	vshrl.u32 v1, $0x10  }
0x4b: {  	v2 =	vadd.s32 v0, v2;
	[tilespmem:$0x29F0] =	vst v1  }
0x4c: {  	[tilespmem:$0x2970] =	vst v2  }
0x4d: {  	_ =	swait.ge [sflag:s15], $0x4000  }
0x4e: {  	[sflag:s15] =	ssyncset.done $0x0  }
0x4f: {  	[sflag:s15] =	ssyncadd.s32 $0xFFFFC000  }
0x50: {  	[tilespmem:s17], [sflag:$0x2] =	stream.indirect.gather [hbm4b:s4+s12], $0x80, s16, s12, $0xb8;
	[tilespmem:$0x1EA00] =	vst v63  }
0x51: {  	_ = 	snop  }
0x52: {  	[spmem:s2] =	stream.indirect.scatter.add.f32 [tilespmem:s14], [sflag:$0x3], $0x80, s18, s12, $0xb8;
	[tilespmem:$0x1EA00] =	vst v63  }
0x53: {  	_ =	swait.ge [sflag:s9], $0x4000  }
0x54: {  	p0 =	por $0x0, $0x0;
	[sflag:s9] =	ssyncset.done $0x0  }
0x55: {  	s21 =	simm.s32 @p0 $0x2;
	[sflag:s9] =	ssyncadd.s32 $0xFFFFC000  }
0x56: {  	_ =	swait.ge @p0 [sflag:s21], $0x4000  }
0x57: {  	[sflag:s21] =	ssyncset.done @p0 $0x0  }
0x58: {  	[sflag:s21] =	ssyncadd.s32 @p0 $0xFFFFC000;
	s21 =	simm.s32 @!p0 $0x0  }
0x59: {  	v1 =	vld @!p0 [tilespmem:s21+$0x100];
	_ =	sdelay $0x4  }
0x5a: {  	v2 =	vand.u32 @!p0 $0xFFFF, v1;
	v1 =	vshrl.u32 @!p0 v1, $0x10  }
0x5b: {  	v2 =	vadd.s32 @!p0 v0, v2;
	[tilespmem:$0x2880] =	vst @!p0 v1  }
0x5c: {  	[tilespmem:$0x2800] =	vst @!p0 v2  }
0x5d: {  	v1 =	vld @!p0 [tilespmem:s21+$0x110];
	_ =	sdelay $0x4  }
0x5e: {  	v2 =	vand.u32 @!p0 $0xFFFF, v1;
	v1 =	vshrl.u32 @!p0 v1, $0x10  }
0x5f: {  	v2 =	vadd.s32 @!p0 v0, v2;
	[tilespmem:$0x2890] =	vst @!p0 v1  }
0x60: {  	[tilespmem:$0x2810] =	vst @!p0 v2  }
0x61: {  	v1 =	vld @!p0 [tilespmem:s21+$0x120];
	_ =	sdelay $0x4  }
0x62: {  	v2 =	vand.u32 @!p0 $0xFFFF, v1;
	v1 =	vshrl.u32 @!p0 v1, $0x10  }
0x63: {  	v2 =	vadd.s32 @!p0 v0, v2;
	[tilespmem:$0x28A0] =	vst @!p0 v1  }
0x64: {  	[tilespmem:$0x2820] =	vst @!p0 v2  }
0x65: {  	v1 =	vld @!p0 [tilespmem:s21+$0x130];
	_ =	sdelay $0x4  }
0x66: {  	v2 =	vand.u32 @!p0 $0xFFFF, v1;
	v1 =	vshrl.u32 @!p0 v1, $0x10  }
0x67: {  	v2 =	vadd.s32 @!p0 v0, v2;
	[tilespmem:$0x28B0] =	vst @!p0 v1  }
0x68: {  	[tilespmem:$0x2830] =	vst @!p0 v2  }
0x69: {  	v1 =	vld @!p0 [tilespmem:s21+$0x140];
	_ =	sdelay $0x4  }
0x6a: {  	v2 =	vand.u32 @!p0 $0xFFFF, v1;
	v1 =	vshrl.u32 @!p0 v1, $0x10  }
0x6b: {  	v2 =	vadd.s32 @!p0 v0, v2;
	[tilespmem:$0x28C0] =	vst @!p0 v1  }
0x6c: {  	[tilespmem:$0x2840] =	vst @!p0 v2  }
0x6d: {  	v1 =	vld @!p0 [tilespmem:s21+$0x150];
	_ =	sdelay $0x4  }
0x6e: {  	v2 =	vand.u32 @!p0 $0xFFFF, v1;
	v1 =	vshrl.u32 @!p0 v1, $0x10  }
0x6f: {  	v2 =	vadd.s32 @!p0 v0, v2;
	[tilespmem:$0x28D0] =	vst @!p0 v1  }
0x70: {  	[tilespmem:$0x2850] =	vst @!p0 v2  }
0x71: {  	v1 =	vld @!p0 [tilespmem:s21+$0x160];
	_ =	sdelay $0x4  }
0x72: {  	v2 =	vand.u32 @!p0 $0xFFFF, v1;
	v1 =	vshrl.u32 @!p0 v1, $0x10  }
0x73: {  	v2 =	vadd.s32 @!p0 v0, v2;
	[tilespmem:$0x28E0] =	vst @!p0 v1  }
0x74: {  	[tilespmem:$0x2860] =	vst @!p0 v2  }
0x75: {  	v1 =	vld @!p0 [tilespmem:s21+$0x170];
	_ =	sdelay $0x4  }
0x76: {  	v2 =	vand.u32 @!p0 $0xFFFF, v1;
	v1 =	vshrl.u32 @!p0 v1, $0x10  }
0x77: {  	v2 =	vadd.s32 @!p0 v0, v2;
	[tilespmem:$0x28F0] =	vst @!p0 v1  }
0x78: {  	s21 =	simm.s32 @!p0 $0x2;
	[tilespmem:$0x2870] =	vst @!p0 v2  }
0x79: {  	_ =	swait.ge @!p0 [sflag:s21], $0x4000  }
0x7a: {  	s22 =	simm.s32 @!p0 $0x2A00;
	[sflag:s21] =	ssyncset.done @!p0 $0x0  }
0x7b: {  	s23 =	simm.s32 @!p0 $0x2800;
	[sflag:s21] =	ssyncadd.s32 @!p0 $0xFFFFC000;
	s21 =	simm.s32 @!p0 $0x80  }
0x7c: {  	[tilespmem:s22], [sflag:$0x1] =	stream.indirect.gather @!p0 [hbm4b:s4+s21], $0x80, s23, s21, $0xb8;
	[tilespmem:$0x1EA00] =	vst v63  }
0x7d: {  	_ = 	snop  }
0x7e: {  	[spmem:s2] =	stream.indirect.scatter.add.f32 [tilespmem:s17], [sflag:$0x3], $0x80, s19, s12, $0xb8;
	[tilespmem:$0x1EA00] =	vst v63  }
0x7f: {  	_ =	swait.ge [sflag:s9], $0x4000  }
0x80: {  	s21 =	simm.s32 $0x400;
	[sflag:s9] =	ssyncset.done $0x0  }
.LBB2_2:
0x81: {  	[sflag:s9] =	ssyncadd.s32 $0xFFFFC000;
	s22 =	smov.u32 s21;
	s21 =	sadd.s32 $0x400, s21  }
0x82: {  	s23 =	sshra.s32 s22, $0x2;
	p0 =	sne.s32 s21, $0xA000  }
0x83: {  	v1 =	vld [tilespmem:s23+$0x80];
	_ =	sdelay $0x4  }
0x84: {  	v2 =	vand.u32 $0xFFFF, v1;
	v1 =	vshrl.u32 v1, $0x10  }
0x85: {  	v2 =	vadd.s32 v0, v2;
	[tilespmem:$0x2980] =	vst v1  }
0x86: {  	[tilespmem:$0x2900] =	vst v2  }
0x87: {  	v1 =	vld [tilespmem:s23+$0x90];
	_ =	sdelay $0x4  }
0x88: {  	v2 =	vand.u32 $0xFFFF, v1;
	v1 =	vshrl.u32 v1, $0x10  }
0x89: {  	v2 =	vadd.s32 v0, v2;
	[tilespmem:$0x2990] =	vst v1  }
0x8a: {  	[tilespmem:$0x2910] =	vst v2  }
0x8b: {  	v1 =	vld [tilespmem:s23+$0xA0];
	_ =	sdelay $0x4  }
0x8c: {  	v2 =	vand.u32 $0xFFFF, v1;
	v1 =	vshrl.u32 v1, $0x10  }
0x8d: {  	v2 =	vadd.s32 v0, v2;
	[tilespmem:$0x29A0] =	vst v1  }
0x8e: {  	[tilespmem:$0x2920] =	vst v2  }
0x8f: {  	v1 =	vld [tilespmem:s23+$0xB0];
	_ =	sdelay $0x4  }
0x90: {  	v2 =	vand.u32 $0xFFFF, v1;
	v1 =	vshrl.u32 v1, $0x10  }
0x91: {  	v2 =	vadd.s32 v0, v2;
	[tilespmem:$0x29B0] =	vst v1  }
0x92: {  	[tilespmem:$0x2930] =	vst v2  }
0x93: {  	v1 =	vld [tilespmem:s23+$0xC0];
	_ =	sdelay $0x4  }
0x94: {  	v2 =	vand.u32 $0xFFFF, v1;
	v1 =	vshrl.u32 v1, $0x10  }
0x95: {  	v2 =	vadd.s32 v0, v2;
	[tilespmem:$0x29C0] =	vst v1  }
0x96: {  	[tilespmem:$0x2940] =	vst v2  }
0x97: {  	v1 =	vld [tilespmem:s23+$0xD0];
	_ =	sdelay $0x4  }
0x98: {  	v2 =	vand.u32 $0xFFFF, v1;
	v1 =	vshrl.u32 v1, $0x10  }
0x99: {  	v2 =	vadd.s32 v0, v2;
	[tilespmem:$0x29D0] =	vst v1  }
0x9a: {  	[tilespmem:$0x2950] =	vst v2  }
0x9b: {  	v1 =	vld [tilespmem:s23+$0xE0];
	_ =	sdelay $0x4  }
0x9c: {  	v2 =	vand.u32 $0xFFFF, v1;
	v1 =	vshrl.u32 v1, $0x10  }
0x9d: {  	v2 =	vadd.s32 v0, v2;
	[tilespmem:$0x29E0] =	vst v1  }
0x9e: {  	[tilespmem:$0x2960] =	vst v2  }
0x9f: {  	v1 =	vld [tilespmem:s23+$0xF0];
	_ =	sdelay $0x4  }
0xa0: {  	v2 =	vand.u32 $0xFFFF, v1;
	v1 =	vshrl.u32 v1, $0x10  }
0xa1: {  	v2 =	vadd.s32 v0, v2;
	[tilespmem:$0x29F0] =	vst v1  }
0xa2: {  	[tilespmem:$0x2970] =	vst v2  }
0xa3: {  	_ =	swait.ge [sflag:s15], $0x4000  }
0xa4: {  	[sflag:s15] =	ssyncset.done $0x0  }
0xa5: {  	[sflag:s15] =	ssyncadd.s32 $0xFFFFC000  }
0xa6: {  	[tilespmem:s17], [sflag:$0x2] =	stream.indirect.gather [hbm4b:s4+s12], $0x80, s16, s12, $0xb8;
	[tilespmem:$0x1EA00] =	vst v63  }
0xa7: {  	_ = 	snop  }
0xa8: {  	[spmem:s2] =	stream.indirect.scatter.add.f32 [tilespmem:s14], [sflag:$0x3], $0x80, s18, s12, $0xb8;
	[tilespmem:$0x1EA00] =	vst v63  }
0xa9: {  	_ =	swait.ge [sflag:s9], $0x4000  }
0xaa: {  	p1 =	seq.s32 s22, $0x9C00;
	[sflag:s9] =	ssyncset.done $0x0  }
0xab: {  	s23 =	simm.s32 @p1 $0x2;
	[sflag:s9] =	ssyncadd.s32 $0xFFFFC000  }
0xac: {  	_ =	swait.ge @p1 [sflag:s23], $0x4000  }
0xad: {  	[sflag:s23] =	ssyncset.done @p1 $0x0  }
0xae: {  	s22 =	sshra.s32 @!p1 s22, $0x2;
	[sflag:s23] =	ssyncadd.s32 @p1 $0xFFFFC000  }
0xaf: {  	v1 =	vld @!p1 [tilespmem:s22+$0x100];
	_ =	sdelay $0x4  }
0xb0: {  	v2 =	vand.u32 @!p1 $0xFFFF, v1;
	v1 =	vshrl.u32 @!p1 v1, $0x10  }
0xb1: {  	v2 =	vadd.s32 @!p1 v0, v2;
	[tilespmem:$0x2880] =	vst @!p1 v1  }
0xb2: {  	[tilespmem:$0x2800] =	vst @!p1 v2  }
0xb3: {  	v1 =	vld @!p1 [tilespmem:s22+$0x110];
	_ =	sdelay $0x4  }
0xb4: {  	v2 =	vand.u32 @!p1 $0xFFFF, v1;
	v1 =	vshrl.u32 @!p1 v1, $0x10  }
0xb5: {  	v2 =	vadd.s32 @!p1 v0, v2;
	[tilespmem:$0x2890] =	vst @!p1 v1  }
0xb6: {  	[tilespmem:$0x2810] =	vst @!p1 v2  }
0xb7: {  	v1 =	vld @!p1 [tilespmem:s22+$0x120];
	_ =	sdelay $0x4  }
0xb8: {  	v2 =	vand.u32 @!p1 $0xFFFF, v1;
	v1 =	vshrl.u32 @!p1 v1, $0x10  }
0xb9: {  	v2 =	vadd.s32 @!p1 v0, v2;
	[tilespmem:$0x28A0] =	vst @!p1 v1  }
0xba: {  	[tilespmem:$0x2820] =	vst @!p1 v2  }
0xbb: {  	v1 =	vld @!p1 [tilespmem:s22+$0x130];
	_ =	sdelay $0x4  }
0xbc: {  	v2 =	vand.u32 @!p1 $0xFFFF, v1;
	v1 =	vshrl.u32 @!p1 v1, $0x10  }
0xbd: {  	v2 =	vadd.s32 @!p1 v0, v2;
	[tilespmem:$0x28B0] =	vst @!p1 v1  }
0xbe: {  	[tilespmem:$0x2830] =	vst @!p1 v2  }
0xbf: {  	v1 =	vld @!p1 [tilespmem:s22+$0x140];
	_ =	sdelay $0x4  }
0xc0: {  	v2 =	vand.u32 @!p1 $0xFFFF, v1;
	v1 =	vshrl.u32 @!p1 v1, $0x10  }
0xc1: {  	v2 =	vadd.s32 @!p1 v0, v2;
	[tilespmem:$0x28C0] =	vst @!p1 v1  }
0xc2: {  	[tilespmem:$0x2840] =	vst @!p1 v2  }
0xc3: {  	v1 =	vld @!p1 [tilespmem:s22+$0x150];
	_ =	sdelay $0x4  }
0xc4: {  	v2 =	vand.u32 @!p1 $0xFFFF, v1;
	v1 =	vshrl.u32 @!p1 v1, $0x10  }
0xc5: {  	v2 =	vadd.s32 @!p1 v0, v2;
	[tilespmem:$0x28D0] =	vst @!p1 v1  }
0xc6: {  	[tilespmem:$0x2850] =	vst @!p1 v2  }
0xc7: {  	v1 =	vld @!p1 [tilespmem:s22+$0x160];
	_ =	sdelay $0x4  }
0xc8: {  	v2 =	vand.u32 @!p1 $0xFFFF, v1;
	v1 =	vshrl.u32 @!p1 v1, $0x10  }
0xc9: {  	v2 =	vadd.s32 @!p1 v0, v2;
	[tilespmem:$0x28E0] =	vst @!p1 v1  }
0xca: {  	[tilespmem:$0x2860] =	vst @!p1 v2  }
0xcb: {  	v1 =	vld @!p1 [tilespmem:s22+$0x170];
	_ =	sdelay $0x4  }
0xcc: {  	v2 =	vand.u32 @!p1 $0xFFFF, v1;
	v1 =	vshrl.u32 @!p1 v1, $0x10  }
0xcd: {  	v2 =	vadd.s32 @!p1 v0, v2;
	[tilespmem:$0x28F0] =	vst @!p1 v1  }
0xce: {  	s22 =	simm.s32 @!p1 $0x2;
	[tilespmem:$0x2870] =	vst @!p1 v2  }
0xcf: {  	_ =	swait.ge @!p1 [sflag:s22], $0x4000  }
0xd0: {  	s23 =	simm.s32 @!p1 $0x2A00;
	[sflag:s22] =	ssyncset.done @!p1 $0x0  }
0xd1: {  	s24 =	simm.s32 @!p1 $0x2800;
	[sflag:s22] =	ssyncadd.s32 @!p1 $0xFFFFC000;
	s22 =	simm.s32 @!p1 $0x80  }
0xd2: {  	[tilespmem:s23], [sflag:$0x1] =	stream.indirect.gather @!p1 [hbm4b:s4+s22], $0x80, s24, s22, $0xb8;
	[tilespmem:$0x1EA00] =	vst v63  }
.Ltmp0:
0xd3: {  	_ = 	snop;
	(pc) =	sbr.rel @p0 .LBB2_2-.Ltmp0, $4  }
0xd4: {  	_ = 	snop  }
0xd5: {  	[spmem:s2] =	stream.indirect.scatter.add.f32 [tilespmem:s17], [sflag:$0x3], $0x80, s19, s12, $0xb8;
	[tilespmem:$0x1EA00] =	vst v63  }
0xd6: {  	_ =	swait.ge [sflag:s9], $0x4000  }
0xd7: {  	[sflag:s9] =	ssyncset.done $0x0  }
0xd8: {  	s20 =	sadd.s32 $0x1, s20  }
0xd9: {  	[sflag:s9] =	ssyncadd.s32 $0xFFFFC000;
	p0 =	sne.s32 s20, s8  }
.Ltmp1:
0xda: {  	[bflag:$0x0] =	sbarrier.arrive $0xFFFF;
	(pc) =	sbr.rel @p0 .LBB2_1-.Ltmp1, $4  }
0xdb: {  	[hbm:s7], [sflag:s10] =	dma.local [spmem:s11], $0x2800  }
0xdc: {  	_ =	swait.ge [sflag:s9], $0x2800  }
0xdd: {  	[sflag:s9] =	ssyncset.done $0x0  }
0xde: {  	[sflag:s9] =	ssyncadd.s32 $0xFFFFD800  }
0xdf: {  	_ =	sfence.sel $0x180000  }
0xe0: {  	[bflag:$0x0] =	sbarrier.arrive $0xFFFF  }
0xe1: {  	p0 =	sne.s32 s0, $0x0;
	_ =	strace $0x9000004D  }
0xe2: {  	s0 =	sadd.s32 @!p0 $0x100000, s1;
	[bflag:$0x2] =	sbarrier.arrive $0xFFFF  }
0xe3: {  	[sflag:s0] =	ssyncadd.tile.s32 @!p0 $0x1;
	_ =	shalt  }
.Lfunc_end2:
_tile_overlayer_lowered:
.L_overlay_start_2:
0xe4: {  	(tag) =	ssettag $0x2  }
0xe5: {  	s0 =	rddreg [dreg:$0x0];
	s2 =	stileid.u32  }
0xe6: {  	s1 =	rddreg [dreg:$0x1];
	p0 =	sne.s32 s2, $0x0  }
0xe7: {  	s3 =	rddreg [dreg:$0x2];
	[bflag:$0x3] =	sbarrier.arrive $0xFFFF;
	s2 =	simm.s32 @!p0 $0x1C03  }
0xe8: {  	[timem:s3], [sflag:s2] =	dma.local @!p0 [hbm:s0], s1  }
0xe9: {  	s0 =	simm.s32 @!p0 $0x3  }
0xea: {  	_ =	swait.ge @!p0 [sflag:s0], s1  }
0xeb: {  	s1 =	ssub.s32 @!p0 $0x0, s1;
	[sflag:s0] =	ssyncset.done @!p0 $0x0  }
0xec: {  	[sflag:s0] =	ssyncadd.s32 @!p0 s1  }
0xed: {  	[bflag:$0x3] =	sbarrier.arrive $0xFFFF  }
0xee: {  	_ =	shalt  }

// kernel: kernel.19.cloned.1.call-start
scs
__scs_entry_jumppad:
0x0: {  	(pc) =	sbr.rel $0x88, $3  }
0x1: {  	(tag) =	ssettag $0x0;
	lr =	simm.s32 $0x1  }
0x2: {  	[smem:$0x3F94] =	sst lr;
	_ =	strace $0xD0000000  }
0x3: {  	_ = 	snop  }
0x4: {  	_ = 	snop  }
0x5: {  	_ = 	snop  }
0x6: {  	_ = 	snop  }
0x7: {  	_ = 	snop  }
__scs_overlays_trampoline_lowered:
0x8: {  	[smem:$0x3FA3] =	sst s0  }
0x9: {  	[smem:$0x3FA4] =	sst s1  }
0xa: {  	[smem:$0x3FA5] =	sst s2  }
0xb: {  	[smem:$0x3FA6] =	sst s3  }
0xc: {  	[smem:$0x3FA7] =	sst s4  }
0xd: {  	[smem:$0x3FA8] =	sst s5  }
0xe: {  	[smem:$0x3FA9] =	sst s6  }
0xf: {  	[smem:$0x3FAA] =	sst s7  }
0x10: {  	[smem:$0x3FAB] =	sst s8  }
0x11: {  	[smem:$0x3FAC] =	sst s9;
	s0 =	simm.s32 @!p0 $0x0  }
0x12: {  	s1 =	sld [smem:$0x3F92];
	s0 =	simm.s32 @p0 $0x1  }
0x13: {  	[smem:$0x3FAD] =	sst s0;
	s0 =	simm.s32 @!p1 $0x0  }
0x14: {  	s2 =	sld [smem:$0x3F91];
	s0 =	simm.s32 @p1 $0x1  }
0x15: {  	[smem:$0x3FAE] =	sst s0;
	s0 =	simm.s32 @!p2 $0x0  }
0x16: {  	s3 =	sld [smem:$0x3FDB];
	s0 =	simm.s32 @p2 $0x1  }
0x17: {  	s4 =	simm.s32 $0x1BF5;
	[smem:$0x3FB0] =	sst s0  }
0x18: {  	s0 =	sld [smem:$0x3F93];
	_ =	swait.ge [sflag:s4], $0x0  }
0x19: {  	s7 =	sld [smem:$0x3F94]  }
0x1a: {  	s8 =	sadd.s32 $0xFFFFE003, lr  }
0x1b: {  	s9 =	sadd.s32 $0xFFFFFEF7, lr;
	s5 =	simm.s32 $0xFFFFFFFF;
	p2 =	slt.u32 s8, $0xFFFFF086  }
0x1c: {  	p1 =	slt.u32 s9, $0xF7A;
	s5 =	simm.s32 @!p2 $0x0  }
0x1d: {  	s5 =	simm.s32 @p1 $0x1;
	p0 =	seq.s32 s7, s2  }
0x1e: {  	s7 =	smul.u32 @!p0 $0xF7A, s2;
	p2 =	seq.s32 @!p0 s5, $0x0  }
0x1f: {  	s9 =	smul.u32 $0xF7A, s1;
	s8 =	simm.s32 @!p0 $0x1BF5;
	p2 =	por !p2, p0  }
0x20: {  	[sflag:s8] =	ssyncset.s32 @!p0 $0xFFFFF086;
	s6 =	sadd.s32 @!p0 s3, s7;
	s7 =	simm.s32 @!p0 $0x108  }
0x21: {  	s3 =	sadd.s32 s3, s9;
	s6 =	sadd.s32 @!p0 $0x88, s6;
	s7 =	simm.s32 @p2 $0x1082  }
0x22: {  	[simem:s7], [sflag:s8] =	dma.local @!p0 [hbm:s6], $0xF7A  }
0x23: {  	s9 =	sor.u32 $0xD0000000, s2;
	s6 =	simm.s32 $0x108;
	_ =	swait.ge @!p0 [sflag:s8], $0x0  }
0x24: {  	s3 =	sadd.s32 $0x88, s3;
	s6 =	simm.s32 @!p1 $0x1082;
	[sflag:s4] =	ssyncset.s32 $0xFFFFF086  }
0x25: {  	[simem:s6], [sflag:s4] =	dma.local [hbm:s3], $0xF7A  }
0x26: {  	[smem:$0x3F94] =	sst s1;
	(tag) =	ssettag s2;
	_ =	strace s9  }
0x27: {  	s1 =	sld [smem:$0x3FA4]  }
0x28: {  	s2 =	sld [smem:$0x3FA5]  }
0x29: {  	s4 =	sld [smem:$0x3FA7]  }
0x2a: {  	p0 =	seq.s32 s5, $0x0;
	s5 =	sld [smem:$0x3FA8]  }
0x2b: {  	s6 =	sld [smem:$0x3FA9]  }
0x2c: {  	s7 =	sld [smem:$0x3FAA]  }
0x2d: {  	s3 =	simm.s32 $0x108;
	s8 =	sld [smem:$0x3FAB]  }
0x2e: {  	s3 =	simm.s32 @!p0 $0x1082;
	s9 =	sld [smem:$0x3FAC]  }
0x2f: {  	lr =	sadd.s32 s0, s3;
	s0 =	sld [smem:$0x3FA3]  }
0x30: {  	s3 =	sld [smem:$0x3FA6]  }
0x31: {  	[smem:$0x3FAF] =	sst s10  }
0x32: {  	s10 =	sld [smem:$0x3FAD];
	_ =	sdelay $0x3  }
0x33: {  	p0 =	seq.s32 s10, $0x1;
	s10 =	sld [smem:$0x3FAF];
	_ =	sdelay $0x3  }
0x34: {  	[smem:$0x3FAF] =	sst s10  }
0x35: {  	s10 =	sld [smem:$0x3FAE];
	_ =	sdelay $0x3  }
0x36: {  	p1 =	seq.s32 s10, $0x1;
	s10 =	sld [smem:$0x3FAF];
	_ =	sdelay $0x3  }
0x37: {  	[smem:$0x3FAF] =	sst s10  }
0x38: {  	s10 =	sld [smem:$0x3FB0]  }
0x39: {  	_ = 	snop;
	(pc) =	sbr.ind lr, $3  }
0x3a: {  	_ = 	snop  }
0x3b: {  	_ = 	snop  }
0x3c: {  	p2 =	seq.s32 s10, $0x1;
	s10 =	sld [smem:$0x3FAF]  }
0x3d: {  	_ =	shalt  }
0x3e: {  	_ =	shalt  }
0x3f: {  	_ =	shalt  }
0x40: {  	_ =	shalt  }
0x41: {  	_ =	shalt  }
0x42: {  	_ =	shalt  }
0x43: {  	_ =	shalt  }
0x44: {  	_ =	shalt  }
0x45: {  	_ =	shalt  }
0x46: {  	_ =	shalt  }
0x47: {  	_ =	shalt  }
0x48: {  	_ =	shalt  }
0x49: {  	_ =	shalt  }
0x4a: {  	_ =	shalt  }
0x4b: {  	_ =	shalt  }
0x4c: {  	_ =	shalt  }
0x4d: {  	_ =	shalt  }
0x4e: {  	_ =	shalt  }
0x4f: {  	_ =	shalt  }
0x50: {  	_ =	shalt  }
0x51: {  	_ =	shalt  }
0x52: {  	_ =	shalt  }
0x53: {  	_ =	shalt  }
0x54: {  	_ =	shalt  }
0x55: {  	_ =	shalt  }
0x56: {  	_ =	shalt  }
0x57: {  	_ =	shalt  }
0x58: {  	_ =	shalt  }
0x59: {  	_ =	shalt  }
0x5a: {  	_ =	shalt  }
0x5b: {  	_ =	shalt  }
0x5c: {  	_ =	shalt  }
0x5d: {  	_ =	shalt  }
0x5e: {  	_ =	shalt  }
0x5f: {  	_ =	shalt  }
0x60: {  	_ =	shalt  }
0x61: {  	_ =	shalt  }
0x62: {  	_ =	shalt  }
0x63: {  	_ =	shalt  }
0x64: {  	_ =	shalt  }
0x65: {  	_ =	shalt  }
0x66: {  	_ =	shalt  }
0x67: {  	_ =	shalt  }
0x68: {  	_ =	shalt  }
0x69: {  	_ =	shalt  }
0x6a: {  	_ =	shalt  }
0x6b: {  	_ =	shalt  }
0x6c: {  	_ =	shalt  }
0x6d: {  	_ =	shalt  }
0x6e: {  	_ =	shalt  }
0x6f: {  	_ =	shalt  }
0x70: {  	_ =	shalt  }
0x71: {  	_ =	shalt  }
0x72: {  	_ =	shalt  }
0x73: {  	_ =	shalt  }
0x74: {  	_ =	shalt  }
0x75: {  	_ =	shalt  }
0x76: {  	_ =	shalt  }
0x77: {  	_ =	shalt  }
0x78: {  	_ =	shalt  }
0x79: {  	_ =	shalt  }
0x7a: {  	_ =	shalt  }
0x7b: {  	_ =	shalt  }
0x7c: {  	_ =	shalt  }
0x7d: {  	_ =	shalt  }
0x7e: {  	_ =	shalt  }
0x7f: {  	_ =	shalt  }
0x80: {  	_ =	shalt  }
0x81: {  	_ =	shalt  }
0x82: {  	_ =	shalt  }
0x83: {  	_ =	shalt  }
0x84: {  	_ =	shalt  }
0x85: {  	_ =	shalt  }
0x86: {  	_ =	shalt  }
0x87: {  	_ =	shalt  }
.Lfunc_end0:
.L_simem_size_0:
called_computation.3_lowered:
.L_overlay_start_0:
0x88: {  	s2 =	sld [smem:$0x3FD9]  }
0x89: {  	s3 =	sld [smem:$0x3FFE];
	_ =	sdelay $0x1  }
0x8a: {  	s1 =	srdreg.scid  }
0x8b: {  	s0 =	sand.u32 $0x1, s1  }
0x8c: {  	s16 =	sshll.u32 s0, $0xA;
	s2 =	sadd.s32 s3, s2  }
0x8d: {  	s2 =	sadd.s32 s2, s16  }
0x8e: {  	[smem:$0x3FBB] =	sst s2  }
0x8f: {  	_ = 	snop  }
0x90: {  	(tm) =	ssettm $0x1  }
0x91: {  	s17 =	sld [smem:$0x3FFB];
	_ =	sdelay $0x3  }
0x92: {  	_ =	strace s17  }
0x93: {  	s2 =	sld [smem:$0x3FFC];
	_ =	sdelay $0x3  }
0x94: {  	_ =	strace s2  }
0x95: {  	s2 =	sld [smem:$0x3FFD];
	_ =	sdelay $0x3  }
0x96: {  	_ =	strace s2  }
0x97: {  	_ =	strace $0x8FFFFFFF  }
0x98: {  	s18 =	sld [smem:$0x3FDB];
	_ =	sdelay $0x1  }
0x99: {  	s19 =	simm.s32 $_scs_section_size  }
0x9a: {  	s4 =	simm.s32 $_size__tile_overlayer_lowered;
	s5 =	simm.s32 $_tile_overlayer_lowered  }
0x9b: {  	s22 =	simm.s32 $0x1BFF;
	s21 =	sshll.u32 s5, $0x1;
	s2 =	sadd.s32 s19, s18  }
0x9c: {  	s6 =	simm.s32 $0x0;
	s20 =	sshll.u32 s4, $0x1;
	s4 =	sadd.s32 s21, s2  }
0x9d: {  	[timem:s6], [sflag:s22] =	dma.local [hbm:s4], s20  }
0x9e: {  	_ =	swait.ge [sflag:s22], s20  }
0x9f: {  	s3 =	ssub.s32 $0x0, s20;
	[sflag:s22] =	ssyncset.done $0x0  }
0xa0: {  	[sflag:s22] =	ssyncadd.s32 s3;
	_ =	sdelay $0x1  }
0xa1: {  	s23 =	simm.s32 $0x1B8B  }
0xa2: {  	_ =	swait.ge [sflag:s23], $0x1  }
0xa3: {  	[sflag:s23] =	ssyncset.done $0x0  }
0xa4: {  	s25 =	simm.s32 $0x1B8E;
	s24 =	sld [smem:$0x3FFE];
	[sflag:s23] =	ssyncadd.s32 $0xFFFFFFFF  }
0xa5: {  	s26 =	simm.s32 $execute0_lowered;
	[smem:$0x3FD2] =	sst s25  }
0xa6: {  	s4 =	sshll.u32 s26, $0x1;
	_ =	strace $0x8000004F;
	[dreg:$0x1] =	wrdreg $0xFFFFFFFF  }
0xa7: {  	s28 =	simm.s32 $_size_execute0_lowered;
	s2 =	sadd.s32 s2, s4;
	[dreg:$0x0] =	wrdreg $0x0  }
0xa8: {  	s4 =	sshll.u32 s28, $0x1;
	[dreg:$0x2] =	wrdreg s2  }
0xa9: {  	[dreg:$0x3] =	wrdreg s4  }
0xaa: {  	[dreg:$0x4] =	wrdreg $0xC0  }
0xab: {  	_ =	task [dreg:s6], $0x5FFFF  }
0xac: {  	[dreg:$0x1] =	wrdreg $0xFFFFFFFF  }
0xad: {  	[dreg:$0x0] =	wrdreg $0x60  }
0xae: {  	[dreg:$0x2] =	wrdreg s24  }
0xaf: {  	[dreg:$0x3] =	wrdreg $0xAA000  }
0xb0: {  	[dreg:$0x4] =	wrdreg $0x9  }
0xb1: {  	_ =	task.clear_ibuf [dreg:s6], $0x5FFFF;
	_ =	strace $0x9000004F  }
0xb2: {  	s29 =	simm.s32 $0x9;
	_ =	strace $0x80000051  }
0xb3: {  	_ =	swait.ge [sflag:s29], $0x1  }
0xb4: {  	[sflag:s29] =	ssyncadd.s32 $0xFFFFFFFF  }
0xb5: {  	_ =	strace $0x90000051  }
0xb6: {  	_ =	sfence  }
0xb7: {  	s30 =	sld [smem:$0x0];
	_ =	sdelay $0x2  }
0xb8: {  	s31 =	sshll.u32 s1, $0xD;
	s1 =	sshrl.u32 s1, $0x2  }
0xb9: {  	s3 =	sand.u32 $0x4000, s31;
	s1 =	sadd.s32 s1, s30  }
0xba: {  	s0 =	sor.u32 s3, s0;
	s1 =	sshll.u32 s1, $0x11  }
0xbb: {  	s0 =	sor.u32 s1, s0  }
0xbc: {  	s0 =	sadd.s32 $0x8F2B, s0  }
0xbd: {  	[sflag:s0] =	ssyncadd.remote.s32 $0x1  }
0xbe: {  	_ =	sfence.sel $0xFFFF  }
0xbf: {  	[dreg:$0x0] =	wrdreg $0xFFFFFFFF;
	(pc) =	sbr.abs _section_cstart, $3  }
0xc0: {  	[dreg:$0x1] =	wrdreg $0xFFFFFFFF  }
0xc1: {  	_ =	task.clear_ibuf [dreg:s6], $0x2FFFF;
	_ =	strace $0x9FFFFFFF  }
0xc2: {  	(tm) =	ssettm $0x7FFFFFFF  }
0xc3: {  	_ =	shalt  }
tec
execute0_lowered:
.L_overlay_start_1:
0x0: {  	(tag) =	ssettag $0x1  }
0x1: {  	s6 =	rddreg [dreg:$0x0];
	s0 =	stileid.u32  }
0x2: {  	s1 =	srdreg.scid;
	s2 =	rddreg [dreg:$0x1];
	s3 =	simm.s32 $0x0  }
0x3: {  	s13 =	simm.s32 $0x2800;
	s14 =	simm.s32 $0x2A00;
	s15 =	simm.s32 $0x1  }
0x4: {  	s16 =	simm.s32 $0x2900;
	s17 =	simm.s32 $0x6A00;
	s19 =	simm.s32 $0x2980  }
0x5: {  	s5 =	smul.u32 $0x500, s0;
	s7 =	sand.u32 $0x1, s1;
	s1 =	rddreg [dreg:$0x2]  }
0x6: {  	s20 =	simm.s32 $0x0;
	[smem:$0x7FF] =	sst s3;
	s9 =	smul.u32 $0x14000, s0  }
0x7: {  	s4 =	sadd.s32 $0x33600, s6;
	s11 =	smul.u32 $0x50000, s0;
	s31 =	sshll.u32 s0, $0x6  }
0x8: {  	s8 =	smul.u32 $0x140000, s7;
	_ =	strace $0x80000050;
	s30 =	ssub.s32 $0x2, s7  }
0x9: {  	s18 =	smul.u32 $0x2710, s7;
	s10 =	sadd.s32 s5, s6;
	s5 =	sadd.s32 $0x8C00, s6  }
0xa: {  	s12 =	sshrl.u32 s30, $0x1;
	s11 =	sshrl.u32 s11, $0x2;
	s8 =	sadd.s32 s9, s8  }
0xb: {  	s9 =	ssub.s32 s30, s12;
	s11 =	sadd.s32 s11, s2;
	s12 =	simm.s32 $0x80  }
0xc: {  	v0 =	vmov s18;
	s18 =	simm.s32 $0x2880;
	s8 =	sshrl.u32 s8, $0x3;
	s11 =	sshrl.u32 s11, $0x3  }
0xd: {  	s8 =	sadd.s32 s8, s6;
	s6 =	sadd.s32 $0x3400, s10;
	s10 =	sor.u32 $0x1C03, s31  }
0xe: {  	s7 =	sadd.s32 $0x81800, s8;
	s8 =	smax.u32 s9, $0x1;
	s9 =	simm.s32 $0x3  }
.LBB2_1:
0xf: {  	[tilespmem:s3], [sflag:$0x3] =	stream.linear.gather [hbm4b:s6+s3], $0x2800, $0x38;
	[tilespmem:$0x1EA00] =	vst v63  }
0x10: {  	_ =	swait.ge [sflag:s9], $0x2800  }
0x11: {  	[sflag:s9] =	ssyncset.done $0x0  }
0x12: {  	[sflag:s9] =	ssyncadd.s32 $0xFFFFD800  }
0x13: {  	[spmem:s11], [sflag:s10] =	dma.local [hbm:s5], $0x2800  }
0x14: {  	_ =	swait.ge [sflag:s9], $0x2800  }
0x15: {  	[sflag:s9] =	ssyncset.done $0x0  }
0x16: {  	[sflag:s9] =	ssyncadd.s32 $0xFFFFD800  }
0x17: {  	[bflag:$0x0] =	sbarrier.arrive $0xFFFF  }
0x18: {  	v1 =	vld [tilespmem:$0x0]  }
0x19: {  	v2 =	vld [tilespmem:$0x10];
	_ =	sdelay $0x1  }
0x1a: {  	v3 =	vld [tilespmem:$0x20];
	_ =	sdelay $0x1  }
0x1b: {  	v5 =	vld [tilespmem:$0x30];
	v4 =	vand.u32 $0xFFFF, v1;
	v1 =	vshrl.u32 v1, $0x10  }
0x1c: {  	v59 =	vand.u32 $0xFFFF, v2;
	v4 =	vadd.s32 v0, v4;
	[tilespmem:$0x2880] =	vst v1  }
0x1d: {  	v60 =	vld [tilespmem:$0x40];
	v1 =	vadd.s32 v0, v59;
	[tilespmem:$0x2800] =	vst v4  }
0x1e: {  	[tilespmem:$0x2810] =	vst v1;
	v1 =	vshrl.u32 v2, $0x10;
	v2 =	vand.u32 $0xFFFF, v3  }
0x1f: {  	[tilespmem:$0x2890] =	vst v1;
	v1 =	vadd.s32 v0, v2;
	v2 =	vld [tilespmem:$0x50]  }
0x20: {  	[tilespmem:$0x2820] =	vst v1;
	v1 =	vshrl.u32 v3, $0x10;
	v3 =	vand.u32 $0xFFFF, v5  }
0x21: {  	[tilespmem:$0x28A0] =	vst v1;
	v1 =	vadd.s32 v0, v3;
	v3 =	vld [tilespmem:$0x60]  }
0x22: {  	v61 =	vand.u32 $0xFFFF, v60;
	[tilespmem:$0x2830] =	vst v1;
	v1 =	vshrl.u32 v5, $0x10  }
0x23: {  	v62 =	vld [tilespmem:$0x70];
	[tilespmem:$0x28B0] =	vst v1;
	v1 =	vadd.s32 v0, v61  }
0x24: {  	[tilespmem:$0x2840] =	vst v1;
	v1 =	vshrl.u32 v60, $0x10;
	v63 =	vand.u32 $0xFFFF, v2  }
0x25: {  	[tilespmem:$0x28C0] =	vst v1;
	v1 =	vadd.s32 v0, v63  }
0x26: {  	[tilespmem:$0x2850] =	vst v1;
	v1 =	vshrl.u32 v2, $0x10;
	v2 =	vand.u32 $0xFFFF, v3  }
0x27: {  	[tilespmem:$0x28D0] =	vst v1;
	v1 =	vadd.s32 v0, v2  }
0x28: {  	v2 =	vand.u32 $0xFFFF, v62;
	[tilespmem:$0x2860] =	vst v1;
	v1 =	vshrl.u32 v3, $0x10  }
0x29: {  	[tilespmem:$0x28E0] =	vst v1;
	v1 =	vadd.s32 v0, v2  }
0x2a: {  	[tilespmem:$0x2870] =	vst v1;
	v1 =	vshrl.u32 v62, $0x10  }
0x2b: {  	s21 =	simm.s32 $0x0;
	[tilespmem:$0x28F0] =	vst v1  }
0x2c: {  	[tilespmem:s14], [sflag:$0x1] =	stream.indirect.gather [hbm4b:s4+s12], $0x80, s13, s12, $0xb8;
	[tilespmem:$0x1EA00] =	vst v63  }
0x2d: {  	v1 =	vld [tilespmem:s21+$0x80];
	_ =	sdelay $0x4  }
0x2e: {  	v2 =	vand.u32 $0xFFFF, v1;
	v1 =	vshrl.u32 v1, $0x10  }
0x2f: {  	v2 =	vadd.s32 v0, v2;
	[tilespmem:$0x2980] =	vst v1  }
0x30: {  	[tilespmem:$0x2900] =	vst v2  }
0x31: {  	v1 =	vld [tilespmem:s21+$0x90];
	_ =	sdelay $0x4  }
0x32: {  	v2 =	vand.u32 $0xFFFF, v1;
	v1 =	vshrl.u32 v1, $0x10  }
0x33: {  	v2 =	vadd.s32 v0, v2;
	[tilespmem:$0x2990] =	vst v1  }
0x34: {  	[tilespmem:$0x2910] =	vst v2  }
0x35: {  	v1 =	vld [tilespmem:s21+$0xA0];
	_ =	sdelay $0x4  }
0x36: {  	v2 =	vand.u32 $0xFFFF, v1;
	v1 =	vshrl.u32 v1, $0x10  }
0x37: {  	v2 =	vadd.s32 v0, v2;
	[tilespmem:$0x29A0] =	vst v1  }
0x38: {  	[tilespmem:$0x2920] =	vst v2  }
0x39: {  	v1 =	vld [tilespmem:s21+$0xB0];
	_ =	sdelay $0x4  }
0x3a: {  	v2 =	vand.u32 $0xFFFF, v1;
	v1 =	vshrl.u32 v1, $0x10  }
0x3b: {  	v2 =	vadd.s32 v0, v2;
	[tilespmem:$0x29B0] =	vst v1  }
0x3c: {  	[tilespmem:$0x2930] =	vst v2  }
0x3d: {  	v1 =	vld [tilespmem:s21+$0xC0];
	_ =	sdelay $0x4  }
0x3e: {  	v2 =	vand.u32 $0xFFFF, v1;
	v1 =	vshrl.u32 v1, $0x10  }
0x3f: {  	v2 =	vadd.s32 v0, v2;
	[tilespmem:$0x29C0] =	vst v1  }
0x40: {  	[tilespmem:$0x2940] =	vst v2  }
0x41: {  	v1 =	vld [tilespmem:s21+$0xD0];
	_ =	sdelay $0x4  }
0x42: {  	v2 =	vand.u32 $0xFFFF, v1;
	v1 =	vshrl.u32 v1, $0x10  }
0x43: {  	v2 =	vadd.s32 v0, v2;
	[tilespmem:$0x29D0] =	vst v1  }
0x44: {  	[tilespmem:$0x2950] =	vst v2  }
0x45: {  	v1 =	vld [tilespmem:s21+$0xE0];
	_ =	sdelay $0x4  }
0x46: {  	v2 =	vand.u32 $0xFFFF, v1;
	v1 =	vshrl.u32 v1, $0x10  }
0x47: {  	v2 =	vadd.s32 v0, v2;
	[tilespmem:$0x29E0] =	vst v1  }
0x48: {  	[tilespmem:$0x2960] =	vst v2  }
0x49: {  	v1 =	vld [tilespmem:s21+$0xF0];
	_ =	sdelay $0x4  }
0x4a: {  	v2 =	vand.u32 $0xFFFF, v1;
	v1 =	vshrl.u32 v1, $0x10  }
0x4b: {  	v2 =	vadd.s32 v0, v2;
	[tilespmem:$0x29F0] =	vst v1  }
0x4c: {  	[tilespmem:$0x2970] =	vst v2  }
0x4d: {  	_ =	swait.ge [sflag:s15], $0x4000  }
0x4e: {  	[sflag:s15] =	ssyncset.done $0x0  }
0x4f: {  	[sflag:s15] =	ssyncadd.s32 $0xFFFFC000  }
0x50: {  	[tilespmem:s17], [sflag:$0x2] =	stream.indirect.gather [hbm4b:s4+s12], $0x80, s16, s12, $0xb8;
	[tilespmem:$0x1EA00] =	vst v63  }
0x51: {  	_ = 	snop  }
0x52: {  	[spmem:s2] =	stream.indirect.scatter.add.f32 [tilespmem:s14], [sflag:$0x3], $0x80, s18, s12, $0xb8;
	[tilespmem:$0x1EA00] =	vst v63  }
0x53: {  	_ =	swait.ge [sflag:s9], $0x4000  }
0x54: {  	p0 =	por $0x0, $0x0;
	[sflag:s9] =	ssyncset.done $0x0  }
0x55: {  	s21 =	simm.s32 @p0 $0x2;
	[sflag:s9] =	ssyncadd.s32 $0xFFFFC000  }
0x56: {  	_ =	swait.ge @p0 [sflag:s21], $0x4000  }
0x57: {  	[sflag:s21] =	ssyncset.done @p0 $0x0  }
0x58: {  	[sflag:s21] =	ssyncadd.s32 @p0 $0xFFFFC000;
	s21 =	simm.s32 @!p0 $0x0  }
0x59: {  	v1 =	vld @!p0 [tilespmem:s21+$0x100];
	_ =	sdelay $0x4  }
0x5a: {  	v2 =	vand.u32 @!p0 $0xFFFF, v1;
	v1 =	vshrl.u32 @!p0 v1, $0x10  }
0x5b: {  	v2 =	vadd.s32 @!p0 v0, v2;
	[tilespmem:$0x2880] =	vst @!p0 v1  }
0x5c: {  	[tilespmem:$0x2800] =	vst @!p0 v2  }
0x5d: {  	v1 =	vld @!p0 [tilespmem:s21+$0x110];
	_ =	sdelay $0x4  }
0x5e: {  	v2 =	vand.u32 @!p0 $0xFFFF, v1;
	v1 =	vshrl.u32 @!p0 v1, $0x10  }
0x5f: {  	v2 =	vadd.s32 @!p0 v0, v2;
	[tilespmem:$0x2890] =	vst @!p0 v1  }
0x60: {  	[tilespmem:$0x2810] =	vst @!p0 v2  }
0x61: {  	v1 =	vld @!p0 [tilespmem:s21+$0x120];
	_ =	sdelay $0x4  }
0x62: {  	v2 =	vand.u32 @!p0 $0xFFFF, v1;
	v1 =	vshrl.u32 @!p0 v1, $0x10  }
0x63: {  	v2 =	vadd.s32 @!p0 v0, v2;
	[tilespmem:$0x28A0] =	vst @!p0 v1  }
0x64: {  	[tilespmem:$0x2820] =	vst @!p0 v2  }
0x65: {  	v1 =	vld @!p0 [tilespmem:s21+$0x130];
	_ =	sdelay $0x4  }
0x66: {  	v2 =	vand.u32 @!p0 $0xFFFF, v1;
	v1 =	vshrl.u32 @!p0 v1, $0x10  }
0x67: {  	v2 =	vadd.s32 @!p0 v0, v2;
	[tilespmem:$0x28B0] =	vst @!p0 v1  }
0x68: {  	[tilespmem:$0x2830] =	vst @!p0 v2  }
0x69: {  	v1 =	vld @!p0 [tilespmem:s21+$0x140];
	_ =	sdelay $0x4  }
0x6a: {  	v2 =	vand.u32 @!p0 $0xFFFF, v1;
	v1 =	vshrl.u32 @!p0 v1, $0x10  }
0x6b: {  	v2 =	vadd.s32 @!p0 v0, v2;
	[tilespmem:$0x28C0] =	vst @!p0 v1  }
0x6c: {  	[tilespmem:$0x2840] =	vst @!p0 v2  }
0x6d: {  	v1 =	vld @!p0 [tilespmem:s21+$0x150];
	_ =	sdelay $0x4  }
0x6e: {  	v2 =	vand.u32 @!p0 $0xFFFF, v1;
	v1 =	vshrl.u32 @!p0 v1, $0x10  }
0x6f: {  	v2 =	vadd.s32 @!p0 v0, v2;
	[tilespmem:$0x28D0] =	vst @!p0 v1  }
0x70: {  	[tilespmem:$0x2850] =	vst @!p0 v2  }
0x71: {  	v1 =	vld @!p0 [tilespmem:s21+$0x160];
	_ =	sdelay $0x4  }
0x72: {  	v2 =	vand.u32 @!p0 $0xFFFF, v1;
	v1 =	vshrl.u32 @!p0 v1, $0x10  }
0x73: {  	v2 =	vadd.s32 @!p0 v0, v2;
	[tilespmem:$0x28E0] =	vst @!p0 v1  }
0x74: {  	[tilespmem:$0x2860] =	vst @!p0 v2  }
0x75: {  	v1 =	vld @!p0 [tilespmem:s21+$0x170];
	_ =	sdelay $0x4  }
0x76: {  	v2 =	vand.u32 @!p0 $0xFFFF, v1;
	v1 =	vshrl.u32 @!p0 v1, $0x10  }
0x77: {  	v2 =	vadd.s32 @!p0 v0, v2;
	[tilespmem:$0x28F0] =	vst @!p0 v1  }
0x78: {  	s21 =	simm.s32 @!p0 $0x2;
	[tilespmem:$0x2870] =	vst @!p0 v2  }
0x79: {  	_ =	swait.ge @!p0 [sflag:s21], $0x4000  }
0x7a: {  	s22 =	simm.s32 @!p0 $0x2A00;
	[sflag:s21] =	ssyncset.done @!p0 $0x0  }
0x7b: {  	s23 =	simm.s32 @!p0 $0x2800;
	[sflag:s21] =	ssyncadd.s32 @!p0 $0xFFFFC000;
	s21 =	simm.s32 @!p0 $0x80  }
0x7c: {  	[tilespmem:s22], [sflag:$0x1] =	stream.indirect.gather @!p0 [hbm4b:s4+s21], $0x80, s23, s21, $0xb8;
	[tilespmem:$0x1EA00] =	vst v63  }
0x7d: {  	_ = 	snop  }
0x7e: {  	[spmem:s2] =	stream.indirect.scatter.add.f32 [tilespmem:s17], [sflag:$0x3], $0x80, s19, s12, $0xb8;
	[tilespmem:$0x1EA00] =	vst v63  }
0x7f: {  	_ =	swait.ge [sflag:s9], $0x4000  }
0x80: {  	s21 =	simm.s32 $0x400;
	[sflag:s9] =	ssyncset.done $0x0  }
.LBB2_2:
0x81: {  	[sflag:s9] =	ssyncadd.s32 $0xFFFFC000;
	s22 =	smov.u32 s21;
	s21 =	sadd.s32 $0x400, s21  }
0x82: {  	s23 =	sshra.s32 s22, $0x2;
	p0 =	sne.s32 s21, $0xA000  }
0x83: {  	v1 =	vld [tilespmem:s23+$0x80];
	_ =	sdelay $0x4  }
0x84: {  	v2 =	vand.u32 $0xFFFF, v1;
	v1 =	vshrl.u32 v1, $0x10  }
0x85: {  	v2 =	vadd.s32 v0, v2;
	[tilespmem:$0x2980] =	vst v1  }
0x86: {  	[tilespmem:$0x2900] =	vst v2  }
0x87: {  	v1 =	vld [tilespmem:s23+$0x90];
	_ =	sdelay $0x4  }
0x88: {  	v2 =	vand.u32 $0xFFFF, v1;
	v1 =	vshrl.u32 v1, $0x10  }
0x89: {  	v2 =	vadd.s32 v0, v2;
	[tilespmem:$0x2990] =	vst v1  }
0x8a: {  	[tilespmem:$0x2910] =	vst v2  }
0x8b: {  	v1 =	vld [tilespmem:s23+$0xA0];
	_ =	sdelay $0x4  }
0x8c: {  	v2 =	vand.u32 $0xFFFF, v1;
	v1 =	vshrl.u32 v1, $0x10  }
0x8d: {  	v2 =	vadd.s32 v0, v2;
	[tilespmem:$0x29A0] =	vst v1  }
0x8e: {  	[tilespmem:$0x2920] =	vst v2  }
0x8f: {  	v1 =	vld [tilespmem:s23+$0xB0];
	_ =	sdelay $0x4  }
0x90: {  	v2 =	vand.u32 $0xFFFF, v1;
	v1 =	vshrl.u32 v1, $0x10  }
0x91: {  	v2 =	vadd.s32 v0, v2;
	[tilespmem:$0x29B0] =	vst v1  }
0x92: {  	[tilespmem:$0x2930] =	vst v2  }
0x93: {  	v1 =	vld [tilespmem:s23+$0xC0];
	_ =	sdelay $0x4  }
0x94: {  	v2 =	vand.u32 $0xFFFF, v1;
	v1 =	vshrl.u32 v1, $0x10  }
0x95: {  	v2 =	vadd.s32 v0, v2;
	[tilespmem:$0x29C0] =	vst v1  }
0x96: {  	[tilespmem:$0x2940] =	vst v2  }
0x97: {  	v1 =	vld [tilespmem:s23+$0xD0];
	_ =	sdelay $0x4  }
0x98: {  	v2 =	vand.u32 $0xFFFF, v1;
	v1 =	vshrl.u32 v1, $0x10  }
0x99: {  	v2 =	vadd.s32 v0, v2;
	[tilespmem:$0x29D0] =	vst v1  }
0x9a: {  	[tilespmem:$0x2950] =	vst v2  }
0x9b: {  	v1 =	vld [tilespmem:s23+$0xE0];
	_ =	sdelay $0x4  }
0x9c: {  	v2 =	vand.u32 $0xFFFF, v1;
	v1 =	vshrl.u32 v1, $0x10  }
0x9d: {  	v2 =	vadd.s32 v0, v2;
	[tilespmem:$0x29E0] =	vst v1  }
0x9e: {  	[tilespmem:$0x2960] =	vst v2  }
0x9f: {  	v1 =	vld [tilespmem:s23+$0xF0];
	_ =	sdelay $0x4  }
0xa0: {  	v2 =	vand.u32 $0xFFFF, v1;
	v1 =	vshrl.u32 v1, $0x10  }
0xa1: {  	v2 =	vadd.s32 v0, v2;
	[tilespmem:$0x29F0] =	vst v1  }
0xa2: {  	[tilespmem:$0x2970] =	vst v2  }
0xa3: {  	_ =	swait.ge [sflag:s15], $0x4000  }
0xa4: {  	[sflag:s15] =	ssyncset.done $0x0  }
0xa5: {  	[sflag:s15] =	ssyncadd.s32 $0xFFFFC000  }
0xa6: {  	[tilespmem:s17], [sflag:$0x2] =	stream.indirect.gather [hbm4b:s4+s12], $0x80, s16, s12, $0xb8;
	[tilespmem:$0x1EA00] =	vst v63  }
0xa7: {  	_ = 	snop  }
0xa8: {  	[spmem:s2] =	stream.indirect.scatter.add.f32 [tilespmem:s14], [sflag:$0x3], $0x80, s18, s12, $0xb8;
	[tilespmem:$0x1EA00] =	vst v63  }
0xa9: {  	_ =	swait.ge [sflag:s9], $0x4000  }
0xaa: {  	p1 =	seq.s32 s22, $0x9C00;
	[sflag:s9] =	ssyncset.done $0x0  }
0xab: {  	s23 =	simm.s32 @p1 $0x2;
	[sflag:s9] =	ssyncadd.s32 $0xFFFFC000  }
0xac: {  	_ =	swait.ge @p1 [sflag:s23], $0x4000  }
0xad: {  	[sflag:s23] =	ssyncset.done @p1 $0x0  }
0xae: {  	s22 =	sshra.s32 @!p1 s22, $0x2;
	[sflag:s23] =	ssyncadd.s32 @p1 $0xFFFFC000  }
0xaf: {  	v1 =	vld @!p1 [tilespmem:s22+$0x100];
	_ =	sdelay $0x4  }
0xb0: {  	v2 =	vand.u32 @!p1 $0xFFFF, v1;
	v1 =	vshrl.u32 @!p1 v1, $0x10  }
0xb1: {  	v2 =	vadd.s32 @!p1 v0, v2;
	[tilespmem:$0x2880] =	vst @!p1 v1  }
0xb2: {  	[tilespmem:$0x2800] =	vst @!p1 v2  }
0xb3: {  	v1 =	vld @!p1 [tilespmem:s22+$0x110];
	_ =	sdelay $0x4  }
0xb4: {  	v2 =	vand.u32 @!p1 $0xFFFF, v1;
	v1 =	vshrl.u32 @!p1 v1, $0x10  }
0xb5: {  	v2 =	vadd.s32 @!p1 v0, v2;
	[tilespmem:$0x2890] =	vst @!p1 v1  }
0xb6: {  	[tilespmem:$0x2810] =	vst @!p1 v2  }
0xb7: {  	v1 =	vld @!p1 [tilespmem:s22+$0x120];
	_ =	sdelay $0x4  }
0xb8: {  	v2 =	vand.u32 @!p1 $0xFFFF, v1;
	v1 =	vshrl.u32 @!p1 v1, $0x10  }
0xb9: {  	v2 =	vadd.s32 @!p1 v0, v2;
	[tilespmem:$0x28A0] =	vst @!p1 v1  }
0xba: {  	[tilespmem:$0x2820] =	vst @!p1 v2  }
0xbb: {  	v1 =	vld @!p1 [tilespmem:s22+$0x130];
	_ =	sdelay $0x4  }
0xbc: {  	v2 =	vand.u32 @!p1 $0xFFFF, v1;
	v1 =	vshrl.u32 @!p1 v1, $0x10  }
0xbd: {  	v2 =	vadd.s32 @!p1 v0, v2;
	[tilespmem:$0x28B0] =	vst @!p1 v1  }
0xbe: {  	[tilespmem:$0x2830] =	vst @!p1 v2  }
0xbf: {  	v1 =	vld @!p1 [tilespmem:s22+$0x140];
	_ =	sdelay $0x4  }
0xc0: {  	v2 =	vand.u32 @!p1 $0xFFFF, v1;
	v1 =	vshrl.u32 @!p1 v1, $0x10  }
0xc1: {  	v2 =	vadd.s32 @!p1 v0, v2;
	[tilespmem:$0x28C0] =	vst @!p1 v1  }
0xc2: {  	[tilespmem:$0x2840] =	vst @!p1 v2  }
0xc3: {  	v1 =	vld @!p1 [tilespmem:s22+$0x150];
	_ =	sdelay $0x4  }
0xc4: {  	v2 =	vand.u32 @!p1 $0xFFFF, v1;
	v1 =	vshrl.u32 @!p1 v1, $0x10  }
0xc5: {  	v2 =	vadd.s32 @!p1 v0, v2;
	[tilespmem:$0x28D0] =	vst @!p1 v1  }
0xc6: {  	[tilespmem:$0x2850] =	vst @!p1 v2  }
0xc7: {  	v1 =	vld @!p1 [tilespmem:s22+$0x160];
	_ =	sdelay $0x4  }
0xc8: {  	v2 =	vand.u32 @!p1 $0xFFFF, v1;
	v1 =	vshrl.u32 @!p1 v1, $0x10  }
0xc9: {  	v2 =	vadd.s32 @!p1 v0, v2;
	[tilespmem:$0x28E0] =	vst @!p1 v1  }
0xca: {  	[tilespmem:$0x2860] =	vst @!p1 v2  }
0xcb: {  	v1 =	vld @!p1 [tilespmem:s22+$0x170];
	_ =	sdelay $0x4  }
0xcc: {  	v2 =	vand.u32 @!p1 $0xFFFF, v1;
	v1 =	vshrl.u32 @!p1 v1, $0x10  }
0xcd: {  	v2 =	vadd.s32 @!p1 v0, v2;
	[tilespmem:$0x28F0] =	vst @!p1 v1  }
0xce: {  	s22 =	simm.s32 @!p1 $0x2;
	[tilespmem:$0x2870] =	vst @!p1 v2  }
0xcf: {  	_ =	swait.ge @!p1 [sflag:s22], $0x4000  }
0xd0: {  	s23 =	simm.s32 @!p1 $0x2A00;
	[sflag:s22] =	ssyncset.done @!p1 $0x0  }
0xd1: {  	s24 =	simm.s32 @!p1 $0x2800;
	[sflag:s22] =	ssyncadd.s32 @!p1 $0xFFFFC000;
	s22 =	simm.s32 @!p1 $0x80  }
0xd2: {  	[tilespmem:s23], [sflag:$0x1] =	stream.indirect.gather @!p1 [hbm4b:s4+s22], $0x80, s24, s22, $0xb8;
	[tilespmem:$0x1EA00] =	vst v63  }
.Ltmp0:
0xd3: {  	_ = 	snop;
	(pc) =	sbr.rel @p0 .LBB2_2-.Ltmp0, $4  }
0xd4: {  	_ = 	snop  }
0xd5: {  	[spmem:s2] =	stream.indirect.scatter.add.f32 [tilespmem:s17], [sflag:$0x3], $0x80, s19, s12, $0xb8;
	[tilespmem:$0x1EA00] =	vst v63  }
0xd6: {  	_ =	swait.ge [sflag:s9], $0x4000  }
0xd7: {  	[sflag:s9] =	ssyncset.done $0x0  }
0xd8: {  	s20 =	sadd.s32 $0x1, s20  }
0xd9: {  	[sflag:s9] =	ssyncadd.s32 $0xFFFFC000;
	p0 =	sne.s32 s20, s8  }
.Ltmp1:
0xda: {  	[bflag:$0x0] =	sbarrier.arrive $0xFFFF;
	(pc) =	sbr.rel @p0 .LBB2_1-.Ltmp1, $4  }
0xdb: {  	[hbm:s7], [sflag:s10] =	dma.local [spmem:s11], $0x2800  }
0xdc: {  	_ =	swait.ge [sflag:s9], $0x2800  }
0xdd: {  	[sflag:s9] =	ssyncset.done $0x0  }
0xde: {  	[sflag:s9] =	ssyncadd.s32 $0xFFFFD800  }
0xdf: {  	_ =	sfence.sel $0x180000  }
0xe0: {  	[bflag:$0x0] =	sbarrier.arrive $0xFFFF  }
0xe1: {  	p0 =	sne.s32 s0, $0x0;
	_ =	strace $0x90000050  }
0xe2: {  	s0 =	sadd.s32 @!p0 $0x100000, s1;
	[bflag:$0x2] =	sbarrier.arrive $0xFFFF  }
0xe3: {  	[sflag:s0] =	ssyncadd.tile.s32 @!p0 $0x1;
	_ =	shalt  }
.Lfunc_end2:
_tile_overlayer_lowered:
.L_overlay_start_2:
0xe4: {  	(tag) =	ssettag $0x2  }
0xe5: {  	s0 =	rddreg [dreg:$0x0];
	s2 =	stileid.u32  }
0xe6: {  	s1 =	rddreg [dreg:$0x1];
	p0 =	sne.s32 s2, $0x0  }
0xe7: {  	s3 =	rddreg [dreg:$0x2];
	[bflag:$0x3] =	sbarrier.arrive $0xFFFF;
	s2 =	simm.s32 @!p0 $0x1C03  }
0xe8: {  	[timem:s3], [sflag:s2] =	dma.local @!p0 [hbm:s0], s1  }
0xe9: {  	s0 =	simm.s32 @!p0 $0x3  }
0xea: {  	_ =	swait.ge @!p0 [sflag:s0], s1  }
0xeb: {  	s1 =	ssub.s32 @!p0 $0x0, s1;
	[sflag:s0] =	ssyncset.done @!p0 $0x0  }
0xec: {  	[sflag:s0] =	ssyncadd.s32 @!p0 s1  }
0xed: {  	[bflag:$0x3] =	sbarrier.arrive $0xFFFF  }
0xee: {  	_ =	shalt  }

</sc_bundles>
